<compile_context>
chip_gen: v7x
topology: tpu7x:2x2x1
jax: 0.10.2.dev20260603
libtpu: 0.0.44.dev20260713+nightly
codegen_flags: <defaults>
</compile_context>

<pallas_src>
import functools

import jax
import jax.numpy as jnp
from jax import lax
from jax.experimental import pallas as pl
from jax.experimental.pallas import tpu as pltpu
from jax.experimental.pallas import tpu_sc as plsc

NUM_ENT = 100000
BSZ = 4
L = 16
NP = 100352
SL16 = NP // 16
SL32 = NP // 32
NW = 32
C = 4000

_MESH = plsc.VectorSubcoreMesh(core_axis_name="c", subcore_axis_name="s")


def _step_body(first, e_hbm, sub_hbm, obj_hbm, dp_hbm, parts_out, enorm_out,
               *sc):
    sc = list(sc)
    tabs = sc[0:4]
    accs = sc[4:8]
    b0, b1 = sc[8:10]
    subs = sc[10:12]
    objs = sc[12:14]
    ps = [sc[14:18], sc[18:22]]
    vals = sc[22:26]
    sem_in, sem_g, sem_s = sc[26:29]
    cid = lax.axis_index("c")
    sid = lax.axis_index("s")
    ent0 = sid * SL16
    sl = pl.ds(ent0, SL16)

    for b in range(BSZ):
        if first:
            pltpu.sync_copy(e_hbm.at[pl.ds(b * NP + ent0, SL16)], b0)
        else:
            pltpu.sync_copy(e_hbm.at[pl.ds(b * NP + ent0, SL16)], b0)
            pltpu.sync_copy(e_hbm.at[pl.ds((BSZ + b) * NP + ent0, SL16)], b1)

            def nbody(i, _):
                ix = pl.ds(i * L, L)
                v = b0[ix] + b1[ix]
                b0[ix] = v / jnp.maximum(v, 1.0)
                return 0

            lax.fori_loop(0, SL16 // L, nbody, 0)
            pltpu.sync_copy(
                b0, enorm_out.at[pl.ds((cid * BSZ + b) * NP + ent0, SL16)])
        pltpu.sync_copy(b0, tabs[b].at[sl])

    def zbody(i, _):
        b1[pl.ds(i * L, L)] = jnp.zeros((L,), jnp.float32)
        return 0

    lax.fori_loop(0, SL16 // L, zbody, 0)
    for b in range(BSZ):
        pltpu.sync_copy(b1, accs[b].at[sl])

    plsc.subcore_barrier()

    w = cid * 16 + sid
    per_w = sub_hbm.shape[0] // NW
    base = w * per_w
    nch = per_w // C
    E = sub_hbm.shape[0]

    if first:
        hbm_tabs = [e_hbm.at[pl.ds(b * NP, NP)] for b in range(BSZ)]
    else:
        hbm_tabs = [enorm_out.at[pl.ds((cid * BSZ + b) * NP, NP)]
                    for b in range(BSZ)]

    def linear_copies(g, slot):
        off = base + g * C
        yield sub_hbm.at[pl.ds(off, C)], subs[slot]
        yield obj_hbm.at[pl.ds(off, C)], objs[slot]
        for b in range(BSZ):
            yield dp_hbm.at[pl.ds(b * E + off, C)], ps[slot][b]

    def issue_linear(g, slot):
        for src, dst in linear_copies(g, slot):
            pltpu.async_copy(src, dst, sem_in)

    def wait_linear(g, slot):
        for src, dst in linear_copies(g, slot):
            pltpu.make_async_copy(src, dst, sem_in).wait()

    issue_linear(0, 0)

    def one_chunk(g, slot, use_hbm, last):
        wait_linear(g, slot)
        if not last:
            @pl.when(g + 1 < nch)
            def _():
                issue_linear(g + 1, 1 - slot)

        srcs = hbm_tabs if use_hbm else tabs
        gds = [pltpu.async_copy(srcs[b].at[subs[slot]], vals[b], sem_g)
               for b in range(BSZ)]
        sds = []
        for b in range(BSZ):
            gds[b].wait()
            vb = vals[b]
            pb = ps[slot][b]

            @plsc.parallel_loop(0, C // L, 1, unroll=4)
            def _(i):
                ix = pl.ds(i * L, L)
                vb[ix] = vb[ix] * pb[ix]

            sds.append(pltpu.async_copy(vb, accs[b].at[objs[slot]],
                                        sem_s, add=True))
        for d in sds:
            d.wait()

    def pair_of_chunks(gg):
        one_chunk(gg, 0, True, False)
        one_chunk(gg + 1, 1, False, False)

    pl.loop(0, nch - 1, step=2)(pair_of_chunks)
    one_chunk(nch - 1, 0, False, True)

    plsc.subcore_barrier()

    for b in range(BSZ):
        pltpu.sync_copy(accs[b].at[sl],
                        parts_out.at[pl.ds((cid * BSZ + b) * NP + ent0, SL16)])


def _make_step(first):
    parts_t = jax.ShapeDtypeStruct((2 * BSZ * NP,), jnp.float32)
    out_type = parts_t if first else (parts_t,
                                      jax.ShapeDtypeStruct((2 * BSZ * NP,),
                                                           jnp.float32))
    scratch = (
        [pltpu.VMEM_SHARED((NP,), jnp.float32) for _ in range(2 * BSZ)]
        + [pltpu.VMEM((SL16,), jnp.float32), pltpu.VMEM((SL16,), jnp.float32)]
        + [pltpu.VMEM((C,), jnp.int32) for _ in range(4)]
        + [pltpu.VMEM((C,), jnp.float32) for _ in range(8)]
        + [pltpu.VMEM((C,), jnp.float32) for _ in range(4)]
        + [pltpu.SemaphoreType.DMA for _ in range(3)]
    )
    body = functools.partial(_step_body, first)
    if first:
        def body_first(e_hbm, sub_hbm, obj_hbm, dp_hbm, parts_out, *rest):
            return body(e_hbm, sub_hbm, obj_hbm, dp_hbm, parts_out, None, *rest)
        fn = body_first
    else:
        fn = body
    return pl.kernel(fn, out_type=out_type, mesh=_MESH,
                     scratch_types=tuple(scratch))


def _combine_body(parts_hbm, e1_hbm, es_hbm, ql_hbm, sc_hbm,
                  out_hbm, q0, q1, q2, q3, q4, s0, s1, s2):
    cid = lax.axis_index("c")
    sid = lax.axis_index("s")
    w = cid * 16 + sid
    ent0 = w * SL32
    for b in range(BSZ):
        pltpu.sync_copy(parts_hbm.at[pl.ds(b * NP + ent0, SL32)], q0)
        pltpu.sync_copy(parts_hbm.at[pl.ds((BSZ + b) * NP + ent0, SL32)], q1)
        pltpu.sync_copy(e1_hbm.at[pl.ds(b * NP + ent0, SL32)], q2)
        pltpu.sync_copy(es_hbm.at[pl.ds(b * NP + ent0, SL32)], q3)
        pltpu.sync_copy(ql_hbm.at[pl.ds(b * NP + ent0, SL32)], q4)
        pltpu.sync_copy(sc_hbm.at[pl.ds(b * L, L)], s0)
        pltpu.sync_copy(sc_hbm.at[pl.ds((BSZ + b) * L, L)], s1)
        pltpu.sync_copy(sc_hbm.at[pl.ds((2 * BSZ + b) * L, L)], s2)
        a0 = s0[...]
        a1 = s1[...]
        fl = s2[...]

        def cbody(i, _):
            ix = pl.ds(i * L, L)
            v = q0[ix] + q1[ix]
            e2 = v / jnp.maximum(v, 1.0)
            last = a0 * q2[ix] + a1 * e2
            last = (1.0 - fl * q3[ix]) * last
            sig = 1.0 / (1.0 + jnp.exp(-q4[ix]))
            q0[ix] = last * sig
            return 0

        lax.fori_loop(0, SL32 // L, cbody, 0)
        pltpu.sync_copy(q0, out_hbm.at[pl.ds(b * NP + ent0, SL32)])


_combine = pl.kernel(
    _combine_body,
    out_type=jax.ShapeDtypeStruct((BSZ * NP,), jnp.float32),
    mesh=_MESH,
    scratch_types=tuple(
        [pltpu.VMEM((SL32,), jnp.float32) for _ in range(5)]
        + [pltpu.VMEM((L,), jnp.float32) for _ in range(3)]
    ),
)

_step_first = _make_step(True)
_step_next = _make_step(False)


def kernel(e_s, pair, d_prob, hop_attn_logits, q_mask_logits):
    sub = pair[:, 0]
    obj = pair[:, 1]
    pad = NP - NUM_ENT
    es_p = jnp.pad(e_s, ((0, 0), (0, pad))).reshape(-1)
    ql_p = jnp.pad(q_mask_logits, ((0, 0), (0, pad))).reshape(-1)
    attn = jax.nn.softmax(hop_attn_logits, axis=1)
    a0 = jnp.broadcast_to(attn[:, 0:1], (BSZ, L))
    a1 = jnp.broadcast_to(attn[:, 1:2], (BSZ, L))
    fl = jnp.broadcast_to(
        (jnp.argmax(hop_attn_logits, axis=1) == 1).astype(jnp.float32)[:, None],
        (BSZ, L))
    scal = jnp.concatenate([a0.reshape(-1), a1.reshape(-1), fl.reshape(-1)])
    parts0 = _step_first(es_p, sub, obj, d_prob[0].reshape(-1))
    parts1, enormsc = _step_next(parts0, sub, obj, d_prob[1].reshape(-1))
    out = _combine(parts1, enormsc, es_p, ql_p, scal)
    return out.reshape(BSZ, NP)[:, :NUM_ENT]

# --- scband reference (transcript-rebuilt; emitter-appended) ---
"""Pipeline reference for scband-transfer-net-22488448761952 (READ-ONLY COPY).

The authoritative reference and input builder live on the scoring server;
editing this copy changes nothing except your own understanding.
"""

import jax, jax.numpy as jnp
import numpy as np

NUM_ENT = 100000
NUM_EDGES = 3200000
BSZ = 4
NUM_STEPS = 2


def setup_inputs(seed: int = 0) -> dict:
    key = jax.random.key(seed)
    k1 = jax.random.fold_in(key, 1)
    k2 = jax.random.fold_in(key, 2)
    k3 = jax.random.fold_in(key, 3)
    k4 = jax.random.fold_in(key, 4)
    k5 = jax.random.fold_in(key, 5)
    e_s = jax.random.uniform(k1, (BSZ, NUM_ENT), dtype=jnp.float32)
    pair = jax.random.randint(k2, (NUM_EDGES, 2), 0, NUM_ENT, dtype=jnp.int32)
    d_prob = jax.random.uniform(k3, (NUM_STEPS, BSZ, NUM_EDGES), dtype=jnp.float32)
    hop_attn_logits = jax.random.normal(k4, (BSZ, NUM_STEPS), dtype=jnp.float32)
    q_mask_logits = jax.random.normal(k5, (BSZ, NUM_ENT), dtype=jnp.float32)
    return {
        'e_s': e_s,
        'pair': pair,
        'd_prob': d_prob,
        'hop_attn_logits': hop_attn_logits,
        'q_mask_logits': q_mask_logits,
    }


def _follow(e, sub, obj, p, num_ent):
    # e [num_ent]: entity scores; sub/obj [E]: edge endpoints; p [E]: transfer probs
    obj_p = e[sub] * p                      # gather over src entities
    out = jax.ops.segment_sum(obj_p, obj, num_segments=num_ent)  # scatter-add to dst
    return out


def reference(e_s, pair, d_prob, hop_attn_logits, q_mask_logits):
    num_steps, bsz, E = d_prob.shape
    num_ent = e_s.shape[1]
    sub = pair[:, 0]
    obj = pair[:, 1]
    last_e = e_s
    ent_probs = []
    for t in range(num_steps):
        # batched 'follow': message passing over KB triples
        new_e = jax.vmap(lambda e, p: _follow(e, sub, obj, p, num_ent))(last_e, d_prob[t])
        # renormalize scores that exceed 1 (detached denominator, as in torch .detach())
        m = (new_e > 1.0).astype(new_e.dtype)
        z = jax.lax.stop_gradient(m * new_e + (1.0 - m))
        last_e = new_e / z
        ent_probs.append(last_e)
    hop_res = jnp.stack(ent_probs, axis=1)             # [bsz, num_steps, num_ent]
    hop_attn = jax.nn.softmax(hop_attn_logits, axis=1)  # [bsz, num_steps]
    last_e = jnp.sum(hop_res * hop_attn[:, :, None], axis=1)
    m = (jnp.argmax(hop_attn, axis=1) == 1).astype(jnp.float32)[:, None] * e_s
    last_e = (1.0 - m) * last_e
    q_mask = jax.nn.sigmoid(q_mask_logits)
    last_e = last_e * q_mask
    return last_e

if __name__ == "__main__":
    import jax
    _d = setup_inputs()
    print(jax.jit(kernel)(*tuple(_d.values())))

</pallas_src>

<mosaic_0001>
#map = affine_map<(d0, d1) -> (0)>
module attributes {stable_mosaic.version = 14 : i64} {
  func.func @_step_body(%arg0: i32, %arg1: i32, %arg2: memref<802816xf32, #tpu.memory_space<hbm>>, %arg3: memref<3200000xi32, #tpu.memory_space<hbm>>, %arg4: memref<3200000xi32, #tpu.memory_space<hbm>>, %arg5: memref<12800000xf32, #tpu.memory_space<hbm>>, %arg6: memref<802816xf32, #tpu.memory_space<hbm>>, %arg7: memref<802816xf32, #tpu.memory_space<hbm>>, %arg8: memref<100352xf32, #tpu.memory_space<vmem_shared>>, %arg9: memref<100352xf32, #tpu.memory_space<vmem_shared>>, %arg10: memref<100352xf32, #tpu.memory_space<vmem_shared>>, %arg11: memref<100352xf32, #tpu.memory_space<vmem_shared>>, %arg12: memref<100352xf32, #tpu.memory_space<vmem_shared>>, %arg13: memref<100352xf32, #tpu.memory_space<vmem_shared>>, %arg14: memref<100352xf32, #tpu.memory_space<vmem_shared>>, %arg15: memref<100352xf32, #tpu.memory_space<vmem_shared>>, %arg16: memref<6272xf32, #tpu.memory_space<vmem>>, %arg17: memref<6272xf32, #tpu.memory_space<vmem>>, %arg18: memref<4000xi32, #tpu.memory_space<vmem>>, %arg19: memref<4000xi32, #tpu.memory_space<vmem>>, %arg20: memref<4000xi32, #tpu.memory_space<vmem>>, %arg21: memref<4000xi32, #tpu.memory_space<vmem>>, %arg22: memref<4000xf32, #tpu.memory_space<vmem>>, %arg23: memref<4000xf32, #tpu.memory_space<vmem>>, %arg24: memref<4000xf32, #tpu.memory_space<vmem>>, %arg25: memref<4000xf32, #tpu.memory_space<vmem>>, %arg26: memref<4000xf32, #tpu.memory_space<vmem>>, %arg27: memref<4000xf32, #tpu.memory_space<vmem>>, %arg28: memref<4000xf32, #tpu.memory_space<vmem>>, %arg29: memref<4000xf32, #tpu.memory_space<vmem>>, %arg30: memref<4000xf32, #tpu.memory_space<vmem>>, %arg31: memref<4000xf32, #tpu.memory_space<vmem>>, %arg32: memref<4000xf32, #tpu.memory_space<vmem>>, %arg33: memref<4000xf32, #tpu.memory_space<vmem>>, %arg34: memref<!tpu.dma_semaphore, #tpu.memory_space<semaphore_mem>>, %arg35: memref<!tpu.dma_semaphore, #tpu.memory_space<semaphore_mem>>, %arg36: memref<!tpu.dma_semaphore, #tpu.memory_space<semaphore_mem>>) attributes {dimension_semantics = [#tpu.dimension_semantics<core_parallel>, #tpu.dimension_semantics<subcore_parallel>], iteration_bounds = array<i64: 2, 16>, scalar_prefetch = 0 : i64, scratch_operands = 29 : i64, tpu.core_type = #tpu.core_type<sc_vector_subcore>, window_params = [{transform_indices = #map}, {transform_indices = #map}, {transform_indices = #map}, {transform_indices = #map}, {transform_indices = #map}, {transform_indices = #map}]} {
    %mul3A = arith.constant 6272 : i32
    %mul3A_0 = arith.muli %arg1, %mul3A : i32
    %add3A = arith.constant 0 : i32
    %add3A_1 = arith.addi %add3A, %mul3A_0 : i32
    "tpu.region"() ({
      %run_scoped3A = tpu.sem_alloc : memref<!tpu.dma_semaphore, #tpu.memory_space<semaphore_mem>>
      %dma_start3A_226 = tpu.memref_slice %arg2[%add3A_1] : memref<802816xf32, #tpu.memory_space<hbm>> -> memref<6272xf32, #tpu.memory_space<hbm>>
      %dma_start3A_227 = tpu.memref_slice %arg2[%add3A_1] : memref<802816xf32, #tpu.memory_space<hbm>> -> memref<6272xf32, #tpu.memory_space<hbm>>
      tpu.enqueue_dma source(%dma_start3A_227 : memref<6272xf32, #tpu.memory_space<hbm>>) target(%arg16 : memref<6272xf32, #tpu.memory_space<vmem>>) target_semaphore(%run_scoped3A : memref<!tpu.dma_semaphore, #tpu.memory_space<semaphore_mem>>)
      %dma_wait3A_228 = tpu.memref_slice %arg2[%add3A_1] : memref<802816xf32, #tpu.memory_space<hbm>> -> memref<6272xf32, #tpu.memory_space<hbm>>
      %dma_wait3A_229 = tpu.memref_slice %arg2[%add3A_1] : memref<802816xf32, #tpu.memory_space<hbm>> -> memref<6272xf32, #tpu.memory_space<hbm>>
      tpu.wait_dma2 semaphore(%run_scoped3A : memref<!tpu.dma_semaphore, #tpu.memory_space<semaphore_mem>>) src(%dma_wait3A_229 : memref<6272xf32, #tpu.memory_space<hbm>>) dst(%arg16 : memref<6272xf32, #tpu.memory_space<vmem>>)
      tpu.yield
    }) : () -> ()
    %add3A_2 = arith.constant 401408 : i32
    %add3A_3 = arith.addi %add3A_2, %mul3A_0 : i32
    "tpu.region"() ({
      %run_scoped3A = tpu.sem_alloc : memref<!tpu.dma_semaphore, #tpu.memory_space<semaphore_mem>>
      %dma_start3A_226 = tpu.memref_slice %arg2[%add3A_3] : memref<802816xf32, #tpu.memory_space<hbm>> -> memref<6272xf32, #tpu.memory_space<hbm>>
      %dma_start3A_227 = tpu.memref_slice %arg2[%add3A_3] : memref<802816xf32, #tpu.memory_space<hbm>> -> memref<6272xf32, #tpu.memory_space<hbm>>
      tpu.enqueue_dma source(%dma_start3A_227 : memref<6272xf32, #tpu.memory_space<hbm>>) target(%arg17 : memref<6272xf32, #tpu.memory_space<vmem>>) target_semaphore(%run_scoped3A : memref<!tpu.dma_semaphore, #tpu.memory_space<semaphore_mem>>)
      %dma_wait3A_228 = tpu.memref_slice %arg2[%add3A_3] : memref<802816xf32, #tpu.memory_space<hbm>> -> memref<6272xf32, #tpu.memory_space<hbm>>
      %dma_wait3A_229 = tpu.memref_slice %arg2[%add3A_3] : memref<802816xf32, #tpu.memory_space<hbm>> -> memref<6272xf32, #tpu.memory_space<hbm>>
      tpu.wait_dma2 semaphore(%run_scoped3A : memref<!tpu.dma_semaphore, #tpu.memory_space<semaphore_mem>>) src(%dma_wait3A_229 : memref<6272xf32, #tpu.memory_space<hbm>>) dst(%arg17 : memref<6272xf32, #tpu.memory_space<vmem>>)
      tpu.yield
    }) : () -> ()
    %scan3A = arith.constant 0 : i32
    %scan3A_4 = arith.constant 0 : i32
    %scan3A_5 = arith.constant 392 : i32
    %scan3A_6 = arith.addi %scan3A_4, %scan3A_5 : i32
    %scan3A_7 = arith.constant 1 : i32
    %scan3A_8 = scf.for %scan3A_226 = %scan3A_4 to %scan3A_6 step %scan3A_7 iter_args(%scan3A_227 = %scan3A) -> (i32)  : i32 {
      %mul3A_228 = arith.constant 16 : i32
      %mul3A_229 = arith.muli %scan3A_226, %mul3A_228 : i32
      %get3A = arith.index_cast %mul3A_229 : i32 to index
      %get3A_230 = tpu.vector_load %arg16[%get3A] {strides = array<i32>} : memref<6272xf32, #tpu.memory_space<vmem>>, vector<16xf32>,
      %get3A_231 = vector.shape_cast %get3A_230 : vector<16xf32> to vector<16xf32>
      %get3A_232 = arith.index_cast %mul3A_229 : i32 to index
      %get3A_233 = tpu.vector_load %arg17[%get3A_232] {strides = array<i32>} : memref<6272xf32, #tpu.memory_space<vmem>>, vector<16xf32>,
      %get3A_234 = vector.shape_cast %get3A_233 : vector<16xf32> to vector<16xf32>
      %add3A_235 = arith.addf %get3A_231, %get3A_234 : vector<16xf32>
      %max3A = arith.constant 1.000000e+00 : f32
      %max3A_236 = vector.broadcast %max3A : f32 to vector<16xf32>
      %max3A_237 = arith.maximumf %add3A_235, %max3A_236 : vector<16xf32>
      %div3A = arith.divf %add3A_235, %max3A_237 : vector<16xf32>
      %swap3A = arith.index_cast %mul3A_229 : i32 to index
      %swap3A_238 = tpu.vector_load %arg16[%swap3A] {strides = array<i32>} : memref<6272xf32, #tpu.memory_space<vmem>>, vector<16xf32>,
      %swap3A_239 = vector.shape_cast %swap3A_238 : vector<16xf32> to vector<16xf32>
      %swap3A_240 = vector.shape_cast %div3A : vector<16xf32> to vector<16xf32>
      tpu.vector_store %arg16[%swap3A], %swap3A_240 {strides = array<i32>} : memref<6272xf32, #tpu.memory_space<vmem>>, vector<16xf32>,
      %scan3A_241 = arith.constant 0 : i32
      scf.yield %scan3A_241 : i32
    }
    %scan3A_9 = arith.constant 392 : i32
    %mul3A_10 = arith.constant 4 : i32
    %mul3A_11 = arith.muli %arg0, %mul3A_10 : i32
    %add3A_12 = arith.constant 0 : i32
    %add3A_13 = arith.addi %mul3A_11, %add3A_12 : i32
    %mul3A_14 = arith.constant 100352 : i32
    %mul3A_15 = arith.muli %add3A_13, %mul3A_14 : i32
    %add3A_16 = arith.addi %mul3A_15, %mul3A_0 : i32
    "tpu.region"() ({
      %run_scoped3A = tpu.sem_alloc : memref<!tpu.dma_semaphore, #tpu.memory_space<semaphore_mem>>
      %dma_start3A_226 = tpu.memref_slice %arg7[%add3A_16] : memref<802816xf32, #tpu.memory_space<hbm>> -> memref<6272xf32, #tpu.memory_space<hbm>>
      %dma_start3A_227 = tpu.memref_slice %arg7[%add3A_16] : memref<802816xf32, #tpu.memory_space<hbm>> -> memref<6272xf32, #tpu.memory_space<hbm>>
      tpu.enqueue_dma source(%arg16 : memref<6272xf32, #tpu.memory_space<vmem>>) target(%dma_start3A_227 : memref<6272xf32, #tpu.memory_space<hbm>>) target_semaphore(%run_scoped3A : memref<!tpu.dma_semaphore, #tpu.memory_space<semaphore_mem>>)
      %dma_wait3A_228 = tpu.memref_slice %arg7[%add3A_16] : memref<802816xf32, #tpu.memory_space<hbm>> -> memref<6272xf32, #tpu.memory_space<hbm>>
      %dma_wait3A_229 = tpu.memref_slice %arg7[%add3A_16] : memref<802816xf32, #tpu.memory_space<hbm>> -> memref<6272xf32, #tpu.memory_space<hbm>>
      tpu.wait_dma2 semaphore(%run_scoped3A : memref<!tpu.dma_semaphore, #tpu.memory_space<semaphore_mem>>) src(%arg16 : memref<6272xf32, #tpu.memory_space<vmem>>) dst(%dma_wait3A_229 : memref<6272xf32, #tpu.memory_space<hbm>>)
      tpu.yield
    }) : () -> ()
    "tpu.region"() ({
      %run_scoped3A = tpu.sem_alloc : memref<!tpu.dma_semaphore, #tpu.memory_space<semaphore_mem>>
      %dma_start3A_226 = tpu.memref_slice %arg8[%mul3A_0] : memref<100352xf32, #tpu.memory_space<vmem_shared>> -> memref<6272xf32, #tpu.memory_space<vmem_shared>>
      %dma_start3A_227 = tpu.memref_slice %arg8[%mul3A_0] : memref<100352xf32, #tpu.memory_space<vmem_shared>> -> memref<6272xf32, #tpu.memory_space<vmem_shared>>
      tpu.enqueue_dma source(%arg16 : memref<6272xf32, #tpu.memory_space<vmem>>) target(%dma_start3A_227 : memref<6272xf32, #tpu.memory_space<vmem_shared>>) target_semaphore(%run_scoped3A : memref<!tpu.dma_semaphore, #tpu.memory_space<semaphore_mem>>)
      %dma_wait3A_228 = tpu.memref_slice %arg8[%mul3A_0] : memref<100352xf32, #tpu.memory_space<vmem_shared>> -> memref<6272xf32, #tpu.memory_space<vmem_shared>>
      %dma_wait3A_229 = tpu.memref_slice %arg8[%mul3A_0] : memref<100352xf32, #tpu.memory_space<vmem_shared>> -> memref<6272xf32, #tpu.memory_space<vmem_shared>>
      tpu.wait_dma2 semaphore(%run_scoped3A : memref<!tpu.dma_semaphore, #tpu.memory_space<semaphore_mem>>) src(%arg16 : memref<6272xf32, #tpu.memory_space<vmem>>) dst(%dma_wait3A_229 : memref<6272xf32, #tpu.memory_space<vmem_shared>>)
      tpu.yield
    }) : () -> ()
    %add3A_17 = arith.constant 100352 : i32
    %add3A_18 = arith.addi %add3A_17, %mul3A_0 : i32
    "tpu.region"() ({
      %run_scoped3A = tpu.sem_alloc : memref<!tpu.dma_semaphore, #tpu.memory_space<semaphore_mem>>
      %dma_start3A_226 = tpu.memref_slice %arg2[%add3A_18] : memref<802816xf32, #tpu.memory_space<hbm>> -> memref<6272xf32, #tpu.memory_space<hbm>>
      %dma_start3A_227 = tpu.memref_slice %arg2[%add3A_18] : memref<802816xf32, #tpu.memory_space<hbm>> -> memref<6272xf32, #tpu.memory_space<hbm>>
      tpu.enqueue_dma source(%dma_start3A_227 : memref<6272xf32, #tpu.memory_space<hbm>>) target(%arg16 : memref<6272xf32, #tpu.memory_space<vmem>>) target_semaphore(%run_scoped3A : memref<!tpu.dma_semaphore, #tpu.memory_space<semaphore_mem>>)
      %dma_wait3A_228 = tpu.memref_slice %arg2[%add3A_18] : memref<802816xf32, #tpu.memory_space<hbm>> -> memref<6272xf32, #tpu.memory_space<hbm>>
      %dma_wait3A_229 = tpu.memref_slice %arg2[%add3A_18] : memref<802816xf32, #tpu.memory_space<hbm>> -> memref<6272xf32, #tpu.memory_space<hbm>>
      tpu.wait_dma2 semaphore(%run_scoped3A : memref<!tpu.dma_semaphore, #tpu.memory_space<semaphore_mem>>) src(%dma_wait3A_229 : memref<6272xf32, #tpu.memory_space<hbm>>) dst(%arg16 : memref<6272xf32, #tpu.memory_space<vmem>>)
      tpu.yield
    }) : () -> ()
    %add3A_19 = arith.constant 501760 : i32
    %add3A_20 = arith.addi %add3A_19, %mul3A_0 : i32
    "tpu.region"() ({
      %run_scoped3A = tpu.sem_alloc : memref<!tpu.dma_semaphore, #tpu.memory_space<semaphore_mem>>
      %dma_start3A_226 = tpu.memref_slice %arg2[%add3A_20] : memref<802816xf32, #tpu.memory_space<hbm>> -> memref<6272xf32, #tpu.memory_space<hbm>>
      %dma_start3A_227 = tpu.memref_slice %arg2[%add3A_20] : memref<802816xf32, #tpu.memory_space<hbm>> -> memref<6272xf32, #tpu.memory_space<hbm>>
      tpu.enqueue_dma source(%dma_start3A_227 : memref<6272xf32, #tpu.memory_space<hbm>>) target(%arg17 : memref<6272xf32, #tpu.memory_space<vmem>>) target_semaphore(%run_scoped3A : memref<!tpu.dma_semaphore, #tpu.memory_space<semaphore_mem>>)
      %dma_wait3A_228 = tpu.memref_slice %arg2[%add3A_20] : memref<802816xf32, #tpu.memory_space<hbm>> -> memref<6272xf32, #tpu.memory_space<hbm>>
      %dma_wait3A_229 = tpu.memref_slice %arg2[%add3A_20] : memref<802816xf32, #tpu.memory_space<hbm>> -> memref<6272xf32, #tpu.memory_space<hbm>>
      tpu.wait_dma2 semaphore(%run_scoped3A : memref<!tpu.dma_semaphore, #tpu.memory_space<semaphore_mem>>) src(%dma_wait3A_229 : memref<6272xf32, #tpu.memory_space<hbm>>) dst(%arg17 : memref<6272xf32, #tpu.memory_space<vmem>>)
      tpu.yield
    }) : () -> ()
    %scan3A_21 = arith.constant 0 : i32
    %scan3A_22 = arith.constant 0 : i32
    %scan3A_23 = arith.constant 392 : i32
    %scan3A_24 = arith.addi %scan3A_22, %scan3A_23 : i32
    %scan3A_25 = arith.constant 1 : i32
    %scan3A_26 = scf.for %scan3A_226 = %scan3A_22 to %scan3A_24 step %scan3A_25 iter_args(%scan3A_227 = %scan3A_21) -> (i32)  : i32 {
      %mul3A_228 = arith.constant 16 : i32
      %mul3A_229 = arith.muli %scan3A_226, %mul3A_228 : i32
      %get3A = arith.index_cast %mul3A_229 : i32 to index
      %get3A_230 = tpu.vector_load %arg16[%get3A] {strides = array<i32>} : memref<6272xf32, #tpu.memory_space<vmem>>, vector<16xf32>,
      %get3A_231 = vector.shape_cast %get3A_230 : vector<16xf32> to vector<16xf32>
      %get3A_232 = arith.index_cast %mul3A_229 : i32 to index
      %get3A_233 = tpu.vector_load %arg17[%get3A_232] {strides = array<i32>} : memref<6272xf32, #tpu.memory_space<vmem>>, vector<16xf32>,
      %get3A_234 = vector.shape_cast %get3A_233 : vector<16xf32> to vector<16xf32>
      %add3A_235 = arith.addf %get3A_231, %get3A_234 : vector<16xf32>
      %max3A = arith.constant 1.000000e+00 : f32
      %max3A_236 = vector.broadcast %max3A : f32 to vector<16xf32>
      %max3A_237 = arith.maximumf %add3A_235, %max3A_236 : vector<16xf32>
      %div3A = arith.divf %add3A_235, %max3A_237 : vector<16xf32>
      %swap3A = arith.index_cast %mul3A_229 : i32 to index
      %swap3A_238 = tpu.vector_load %arg16[%swap3A] {strides = array<i32>} : memref<6272xf32, #tpu.memory_space<vmem>>, vector<16xf32>,
      %swap3A_239 = vector.shape_cast %swap3A_238 : vector<16xf32> to vector<16xf32>
      %swap3A_240 = vector.shape_cast %div3A : vector<16xf32> to vector<16xf32>
      tpu.vector_store %arg16[%swap3A], %swap3A_240 {strides = array<i32>} : memref<6272xf32, #tpu.memory_space<vmem>>, vector<16xf32>,
      %scan3A_241 = arith.constant 0 : i32
      scf.yield %scan3A_241 : i32
    }
    %scan3A_27 = arith.constant 392 : i32
    %mul3A_28 = arith.constant 4 : i32
    %mul3A_29 = arith.muli %arg0, %mul3A_28 : i32
    %add3A_30 = arith.constant 1 : i32
    %add3A_31 = arith.addi %mul3A_29, %add3A_30 : i32
    %mul3A_32 = arith.constant 100352 : i32
    %mul3A_33 = arith.muli %add3A_31, %mul3A_32 : i32
    %add3A_34 = arith.addi %mul3A_33, %mul3A_0 : i32
    "tpu.region"() ({
      %run_scoped3A = tpu.sem_alloc : memref<!tpu.dma_semaphore, #tpu.memory_space<semaphore_mem>>
      %dma_start3A_226 = tpu.memref_slice %arg7[%add3A_34] : memref<802816xf32, #tpu.memory_space<hbm>> -> memref<6272xf32, #tpu.memory_space<hbm>>
      %dma_start3A_227 = tpu.memref_slice %arg7[%add3A_34] : memref<802816xf32, #tpu.memory_space<hbm>> -> memref<6272xf32, #tpu.memory_space<hbm>>
      tpu.enqueue_dma source(%arg16 : memref<6272xf32, #tpu.memory_space<vmem>>) target(%dma_start3A_227 : memref<6272xf32, #tpu.memory_space<hbm>>) target_semaphore(%run_scoped3A : memref<!tpu.dma_semaphore, #tpu.memory_space<semaphore_mem>>)
      %dma_wait3A_228 = tpu.memref_slice %arg7[%add3A_34] : memref<802816xf32, #tpu.memory_space<hbm>> -> memref<6272xf32, #tpu.memory_space<hbm>>
      %dma_wait3A_229 = tpu.memref_slice %arg7[%add3A_34] : memref<802816xf32, #tpu.memory_space<hbm>> -> memref<6272xf32, #tpu.memory_space<hbm>>
      tpu.wait_dma2 semaphore(%run_scoped3A : memref<!tpu.dma_semaphore, #tpu.memory_space<semaphore_mem>>) src(%arg16 : memref<6272xf32, #tpu.memory_space<vmem>>) dst(%dma_wait3A_229 : memref<6272xf32, #tpu.memory_space<hbm>>)
      tpu.yield
    }) : () -> ()
    "tpu.region"() ({
      %run_scoped3A = tpu.sem_alloc : memref<!tpu.dma_semaphore, #tpu.memory_space<semaphore_mem>>
      %dma_start3A_226 = tpu.memref_slice %arg9[%mul3A_0] : memref<100352xf32, #tpu.memory_space<vmem_shared>> -> memref<6272xf32, #tpu.memory_space<vmem_shared>>
      %dma_start3A_227 = tpu.memref_slice %arg9[%mul3A_0] : memref<100352xf32, #tpu.memory_space<vmem_shared>> -> memref<6272xf32, #tpu.memory_space<vmem_shared>>
      tpu.enqueue_dma source(%arg16 : memref<6272xf32, #tpu.memory_space<vmem>>) target(%dma_start3A_227 : memref<6272xf32, #tpu.memory_space<vmem_shared>>) target_semaphore(%run_scoped3A : memref<!tpu.dma_semaphore, #tpu.memory_space<semaphore_mem>>)
      %dma_wait3A_228 = tpu.memref_slice %arg9[%mul3A_0] : memref<100352xf32, #tpu.memory_space<vmem_shared>> -> memref<6272xf32, #tpu.memory_space<vmem_shared>>
      %dma_wait3A_229 = tpu.memref_slice %arg9[%mul3A_0] : memref<100352xf32, #tpu.memory_space<vmem_shared>> -> memref<6272xf32, #tpu.memory_space<vmem_shared>>
      tpu.wait_dma2 semaphore(%run_scoped3A : memref<!tpu.dma_semaphore, #tpu.memory_space<semaphore_mem>>) src(%arg16 : memref<6272xf32, #tpu.memory_space<vmem>>) dst(%dma_wait3A_229 : memref<6272xf32, #tpu.memory_space<vmem_shared>>)
      tpu.yield
    }) : () -> ()
    %add3A_35 = arith.constant 200704 : i32
    %add3A_36 = arith.addi %add3A_35, %mul3A_0 : i32
    "tpu.region"() ({
      %run_scoped3A = tpu.sem_alloc : memref<!tpu.dma_semaphore, #tpu.memory_space<semaphore_mem>>
      %dma_start3A_226 = tpu.memref_slice %arg2[%add3A_36] : memref<802816xf32, #tpu.memory_space<hbm>> -> memref<6272xf32, #tpu.memory_space<hbm>>
      %dma_start3A_227 = tpu.memref_slice %arg2[%add3A_36] : memref<802816xf32, #tpu.memory_space<hbm>> -> memref<6272xf32, #tpu.memory_space<hbm>>
      tpu.enqueue_dma source(%dma_start3A_227 : memref<6272xf32, #tpu.memory_space<hbm>>) target(%arg16 : memref<6272xf32, #tpu.memory_space<vmem>>) target_semaphore(%run_scoped3A : memref<!tpu.dma_semaphore, #tpu.memory_space<semaphore_mem>>)
      %dma_wait3A_228 = tpu.memref_slice %arg2[%add3A_36] : memref<802816xf32, #tpu.memory_space<hbm>> -> memref<6272xf32, #tpu.memory_space<hbm>>
      %dma_wait3A_229 = tpu.memref_slice %arg2[%add3A_36] : memref<802816xf32, #tpu.memory_space<hbm>> -> memref<6272xf32, #tpu.memory_space<hbm>>
      tpu.wait_dma2 semaphore(%run_scoped3A : memref<!tpu.dma_semaphore, #tpu.memory_space<semaphore_mem>>) src(%dma_wait3A_229 : memref<6272xf32, #tpu.memory_space<hbm>>) dst(%arg16 : memref<6272xf32, #tpu.memory_space<vmem>>)
      tpu.yield
    }) : () -> ()
    %add3A_37 = arith.constant 602112 : i32
    %add3A_38 = arith.addi %add3A_37, %mul3A_0 : i32
    "tpu.region"() ({
      %run_scoped3A = tpu.sem_alloc : memref<!tpu.dma_semaphore, #tpu.memory_space<semaphore_mem>>
      %dma_start3A_226 = tpu.memref_slice %arg2[%add3A_38] : memref<802816xf32, #tpu.memory_space<hbm>> -> memref<6272xf32, #tpu.memory_space<hbm>>
      %dma_start3A_227 = tpu.memref_slice %arg2[%add3A_38] : memref<802816xf32, #tpu.memory_space<hbm>> -> memref<6272xf32, #tpu.memory_space<hbm>>
      tpu.enqueue_dma source(%dma_start3A_227 : memref<6272xf32, #tpu.memory_space<hbm>>) target(%arg17 : memref<6272xf32, #tpu.memory_space<vmem>>) target_semaphore(%run_scoped3A : memref<!tpu.dma_semaphore, #tpu.memory_space<semaphore_mem>>)
      %dma_wait3A_228 = tpu.memref_slice %arg2[%add3A_38] : memref<802816xf32, #tpu.memory_space<hbm>> -> memref<6272xf32, #tpu.memory_space<hbm>>
      %dma_wait3A_229 = tpu.memref_slice %arg2[%add3A_38] : memref<802816xf32, #tpu.memory_space<hbm>> -> memref<6272xf32, #tpu.memory_space<hbm>>
      tpu.wait_dma2 semaphore(%run_scoped3A : memref<!tpu.dma_semaphore, #tpu.memory_space<semaphore_mem>>) src(%dma_wait3A_229 : memref<6272xf32, #tpu.memory_space<hbm>>) dst(%arg17 : memref<6272xf32, #tpu.memory_space<vmem>>)
      tpu.yield
    }) : () -> ()
    %scan3A_39 = arith.constant 0 : i32
    %scan3A_40 = arith.constant 0 : i32
    %scan3A_41 = arith.constant 392 : i32
    %scan3A_42 = arith.addi %scan3A_40, %scan3A_41 : i32
    %scan3A_43 = arith.constant 1 : i32
    %scan3A_44 = scf.for %scan3A_226 = %scan3A_40 to %scan3A_42 step %scan3A_43 iter_args(%scan3A_227 = %scan3A_39) -> (i32)  : i32 {
      %mul3A_228 = arith.constant 16 : i32
      %mul3A_229 = arith.muli %scan3A_226, %mul3A_228 : i32
      %get3A = arith.index_cast %mul3A_229 : i32 to index
      %get3A_230 = tpu.vector_load %arg16[%get3A] {strides = array<i32>} : memref<6272xf32, #tpu.memory_space<vmem>>, vector<16xf32>,
      %get3A_231 = vector.shape_cast %get3A_230 : vector<16xf32> to vector<16xf32>
      %get3A_232 = arith.index_cast %mul3A_229 : i32 to index
      %get3A_233 = tpu.vector_load %arg17[%get3A_232] {strides = array<i32>} : memref<6272xf32, #tpu.memory_space<vmem>>, vector<16xf32>,
      %get3A_234 = vector.shape_cast %get3A_233 : vector<16xf32> to vector<16xf32>
      %add3A_235 = arith.addf %get3A_231, %get3A_234 : vector<16xf32>
      %max3A = arith.constant 1.000000e+00 : f32
      %max3A_236 = vector.broadcast %max3A : f32 to vector<16xf32>
      %max3A_237 = arith.maximumf %add3A_235, %max3A_236 : vector<16xf32>
      %div3A = arith.divf %add3A_235, %max3A_237 : vector<16xf32>
      %swap3A = arith.index_cast %mul3A_229 : i32 to index
      %swap3A_238 = tpu.vector_load %arg16[%swap3A] {strides = array<i32>} : memref<6272xf32, #tpu.memory_space<vmem>>, vector<16xf32>,
      %swap3A_239 = vector.shape_cast %swap3A_238 : vector<16xf32> to vector<16xf32>
      %swap3A_240 = vector.shape_cast %div3A : vector<16xf32> to vector<16xf32>
      tpu.vector_store %arg16[%swap3A], %swap3A_240 {strides = array<i32>} : memref<6272xf32, #tpu.memory_space<vmem>>, vector<16xf32>,
      %scan3A_241 = arith.constant 0 : i32
      scf.yield %scan3A_241 : i32
    }
    %scan3A_45 = arith.constant 392 : i32
    %mul3A_46 = arith.constant 4 : i32
    %mul3A_47 = arith.muli %arg0, %mul3A_46 : i32
    %add3A_48 = arith.constant 2 : i32
    %add3A_49 = arith.addi %mul3A_47, %add3A_48 : i32
    %mul3A_50 = arith.constant 100352 : i32
    %mul3A_51 = arith.muli %add3A_49, %mul3A_50 : i32
    %add3A_52 = arith.addi %mul3A_51, %mul3A_0 : i32
    "tpu.region"() ({
      %run_scoped3A = tpu.sem_alloc : memref<!tpu.dma_semaphore, #tpu.memory_space<semaphore_mem>>
      %dma_start3A_226 = tpu.memref_slice %arg7[%add3A_52] : memref<802816xf32, #tpu.memory_space<hbm>> -> memref<6272xf32, #tpu.memory_space<hbm>>
      %dma_start3A_227 = tpu.memref_slice %arg7[%add3A_52] : memref<802816xf32, #tpu.memory_space<hbm>> -> memref<6272xf32, #tpu.memory_space<hbm>>
      tpu.enqueue_dma source(%arg16 : memref<6272xf32, #tpu.memory_space<vmem>>) target(%dma_start3A_227 : memref<6272xf32, #tpu.memory_space<hbm>>) target_semaphore(%run_scoped3A : memref<!tpu.dma_semaphore, #tpu.memory_space<semaphore_mem>>)
      %dma_wait3A_228 = tpu.memref_slice %arg7[%add3A_52] : memref<802816xf32, #tpu.memory_space<hbm>> -> memref<6272xf32, #tpu.memory_space<hbm>>
      %dma_wait3A_229 = tpu.memref_slice %arg7[%add3A_52] : memref<802816xf32, #tpu.memory_space<hbm>> -> memref<6272xf32, #tpu.memory_space<hbm>>
      tpu.wait_dma2 semaphore(%run_scoped3A : memref<!tpu.dma_semaphore, #tpu.memory_space<semaphore_mem>>) src(%arg16 : memref<6272xf32, #tpu.memory_space<vmem>>) dst(%dma_wait3A_229 : memref<6272xf32, #tpu.memory_space<hbm>>)
      tpu.yield
    }) : () -> ()
    "tpu.region"() ({
      %run_scoped3A = tpu.sem_alloc : memref<!tpu.dma_semaphore, #tpu.memory_space<semaphore_mem>>
      %dma_start3A_226 = tpu.memref_slice %arg10[%mul3A_0] : memref<100352xf32, #tpu.memory_space<vmem_shared>> -> memref<6272xf32, #tpu.memory_space<vmem_shared>>
      %dma_start3A_227 = tpu.memref_slice %arg10[%mul3A_0] : memref<100352xf32, #tpu.memory_space<vmem_shared>> -> memref<6272xf32, #tpu.memory_space<vmem_shared>>
      tpu.enqueue_dma source(%arg16 : memref<6272xf32, #tpu.memory_space<vmem>>) target(%dma_start3A_227 : memref<6272xf32, #tpu.memory_space<vmem_shared>>) target_semaphore(%run_scoped3A : memref<!tpu.dma_semaphore, #tpu.memory_space<semaphore_mem>>)
      %dma_wait3A_228 = tpu.memref_slice %arg10[%mul3A_0] : memref<100352xf32, #tpu.memory_space<vmem_shared>> -> memref<6272xf32, #tpu.memory_space<vmem_shared>>
      %dma_wait3A_229 = tpu.memref_slice %arg10[%mul3A_0] : memref<100352xf32, #tpu.memory_space<vmem_shared>> -> memref<6272xf32, #tpu.memory_space<vmem_shared>>
      tpu.wait_dma2 semaphore(%run_scoped3A : memref<!tpu.dma_semaphore, #tpu.memory_space<semaphore_mem>>) src(%arg16 : memref<6272xf32, #tpu.memory_space<vmem>>) dst(%dma_wait3A_229 : memref<6272xf32, #tpu.memory_space<vmem_shared>>)
      tpu.yield
    }) : () -> ()
    %add3A_53 = arith.constant 301056 : i32
    %add3A_54 = arith.addi %add3A_53, %mul3A_0 : i32
    "tpu.region"() ({
      %run_scoped3A = tpu.sem_alloc : memref<!tpu.dma_semaphore, #tpu.memory_space<semaphore_mem>>
      %dma_start3A_226 = tpu.memref_slice %arg2[%add3A_54] : memref<802816xf32, #tpu.memory_space<hbm>> -> memref<6272xf32, #tpu.memory_space<hbm>>
      %dma_start3A_227 = tpu.memref_slice %arg2[%add3A_54] : memref<802816xf32, #tpu.memory_space<hbm>> -> memref<6272xf32, #tpu.memory_space<hbm>>
      tpu.enqueue_dma source(%dma_start3A_227 : memref<6272xf32, #tpu.memory_space<hbm>>) target(%arg16 : memref<6272xf32, #tpu.memory_space<vmem>>) target_semaphore(%run_scoped3A : memref<!tpu.dma_semaphore, #tpu.memory_space<semaphore_mem>>)
      %dma_wait3A_228 = tpu.memref_slice %arg2[%add3A_54] : memref<802816xf32, #tpu.memory_space<hbm>> -> memref<6272xf32, #tpu.memory_space<hbm>>
      %dma_wait3A_229 = tpu.memref_slice %arg2[%add3A_54] : memref<802816xf32, #tpu.memory_space<hbm>> -> memref<6272xf32, #tpu.memory_space<hbm>>
      tpu.wait_dma2 semaphore(%run_scoped3A : memref<!tpu.dma_semaphore, #tpu.memory_space<semaphore_mem>>) src(%dma_wait3A_229 : memref<6272xf32, #tpu.memory_space<hbm>>) dst(%arg16 : memref<6272xf32, #tpu.memory_space<vmem>>)
      tpu.yield
    }) : () -> ()
    %add3A_55 = arith.constant 702464 : i32
    %add3A_56 = arith.addi %add3A_55, %mul3A_0 : i32
    "tpu.region"() ({
      %run_scoped3A = tpu.sem_alloc : memref<!tpu.dma_semaphore, #tpu.memory_space<semaphore_mem>>
      %dma_start3A_226 = tpu.memref_slice %arg2[%add3A_56] : memref<802816xf32, #tpu.memory_space<hbm>> -> memref<6272xf32, #tpu.memory_space<hbm>>
      %dma_start3A_227 = tpu.memref_slice %arg2[%add3A_56] : memref<802816xf32, #tpu.memory_space<hbm>> -> memref<6272xf32, #tpu.memory_space<hbm>>
      tpu.enqueue_dma source(%dma_start3A_227 : memref<6272xf32, #tpu.memory_space<hbm>>) target(%arg17 : memref<6272xf32, #tpu.memory_space<vmem>>) target_semaphore(%run_scoped3A : memref<!tpu.dma_semaphore, #tpu.memory_space<semaphore_mem>>)
      %dma_wait3A_228 = tpu.memref_slice %arg2[%add3A_56] : memref<802816xf32, #tpu.memory_space<hbm>> -> memref<6272xf32, #tpu.memory_space<hbm>>
      %dma_wait3A_229 = tpu.memref_slice %arg2[%add3A_56] : memref<802816xf32, #tpu.memory_space<hbm>> -> memref<6272xf32, #tpu.memory_space<hbm>>
      tpu.wait_dma2 semaphore(%run_scoped3A : memref<!tpu.dma_semaphore, #tpu.memory_space<semaphore_mem>>) src(%dma_wait3A_229 : memref<6272xf32, #tpu.memory_space<hbm>>) dst(%arg17 : memref<6272xf32, #tpu.memory_space<vmem>>)
      tpu.yield
    }) : () -> ()
    %scan3A_57 = arith.constant 0 : i32
    %scan3A_58 = arith.constant 0 : i32
    %scan3A_59 = arith.constant 392 : i32
    %scan3A_60 = arith.addi %scan3A_58, %scan3A_59 : i32
    %scan3A_61 = arith.constant 1 : i32
    %scan3A_62 = scf.for %scan3A_226 = %scan3A_58 to %scan3A_60 step %scan3A_61 iter_args(%scan3A_227 = %scan3A_57) -> (i32)  : i32 {
      %mul3A_228 = arith.constant 16 : i32
      %mul3A_229 = arith.muli %scan3A_226, %mul3A_228 : i32
      %get3A = arith.index_cast %mul3A_229 : i32 to index
      %get3A_230 = tpu.vector_load %arg16[%get3A] {strides = array<i32>} : memref<6272xf32, #tpu.memory_space<vmem>>, vector<16xf32>,
      %get3A_231 = vector.shape_cast %get3A_230 : vector<16xf32> to vector<16xf32>
      %get3A_232 = arith.index_cast %mul3A_229 : i32 to index
      %get3A_233 = tpu.vector_load %arg17[%get3A_232] {strides = array<i32>} : memref<6272xf32, #tpu.memory_space<vmem>>, vector<16xf32>,
      %get3A_234 = vector.shape_cast %get3A_233 : vector<16xf32> to vector<16xf32>
      %add3A_235 = arith.addf %get3A_231, %get3A_234 : vector<16xf32>
      %max3A = arith.constant 1.000000e+00 : f32
      %max3A_236 = vector.broadcast %max3A : f32 to vector<16xf32>
      %max3A_237 = arith.maximumf %add3A_235, %max3A_236 : vector<16xf32>
      %div3A = arith.divf %add3A_235, %max3A_237 : vector<16xf32>
      %swap3A = arith.index_cast %mul3A_229 : i32 to index
      %swap3A_238 = tpu.vector_load %arg16[%swap3A] {strides = array<i32>} : memref<6272xf32, #tpu.memory_space<vmem>>, vector<16xf32>,
      %swap3A_239 = vector.shape_cast %swap3A_238 : vector<16xf32> to vector<16xf32>
      %swap3A_240 = vector.shape_cast %div3A : vector<16xf32> to vector<16xf32>
      tpu.vector_store %arg16[%swap3A], %swap3A_240 {strides = array<i32>} : memref<6272xf32, #tpu.memory_space<vmem>>, vector<16xf32>,
      %scan3A_241 = arith.constant 0 : i32
      scf.yield %scan3A_241 : i32
    }
    %scan3A_63 = arith.constant 392 : i32
    %mul3A_64 = arith.constant 4 : i32
    %mul3A_65 = arith.muli %arg0, %mul3A_64 : i32
    %add3A_66 = arith.constant 3 : i32
    %add3A_67 = arith.addi %mul3A_65, %add3A_66 : i32
    %mul3A_68 = arith.constant 100352 : i32
    %mul3A_69 = arith.muli %add3A_67, %mul3A_68 : i32
    %add3A_70 = arith.addi %mul3A_69, %mul3A_0 : i32
    "tpu.region"() ({
      %run_scoped3A = tpu.sem_alloc : memref<!tpu.dma_semaphore, #tpu.memory_space<semaphore_mem>>
      %dma_start3A_226 = tpu.memref_slice %arg7[%add3A_70] : memref<802816xf32, #tpu.memory_space<hbm>> -> memref<6272xf32, #tpu.memory_space<hbm>>
      %dma_start3A_227 = tpu.memref_slice %arg7[%add3A_70] : memref<802816xf32, #tpu.memory_space<hbm>> -> memref<6272xf32, #tpu.memory_space<hbm>>
      tpu.enqueue_dma source(%arg16 : memref<6272xf32, #tpu.memory_space<vmem>>) target(%dma_start3A_227 : memref<6272xf32, #tpu.memory_space<hbm>>) target_semaphore(%run_scoped3A : memref<!tpu.dma_semaphore, #tpu.memory_space<semaphore_mem>>)
      %dma_wait3A_228 = tpu.memref_slice %arg7[%add3A_70] : memref<802816xf32, #tpu.memory_space<hbm>> -> memref<6272xf32, #tpu.memory_space<hbm>>
      %dma_wait3A_229 = tpu.memref_slice %arg7[%add3A_70] : memref<802816xf32, #tpu.memory_space<hbm>> -> memref<6272xf32, #tpu.memory_space<hbm>>
      tpu.wait_dma2 semaphore(%run_scoped3A : memref<!tpu.dma_semaphore, #tpu.memory_space<semaphore_mem>>) src(%arg16 : memref<6272xf32, #tpu.memory_space<vmem>>) dst(%dma_wait3A_229 : memref<6272xf32, #tpu.memory_space<hbm>>)
      tpu.yield
    }) : () -> ()
    "tpu.region"() ({
      %run_scoped3A = tpu.sem_alloc : memref<!tpu.dma_semaphore, #tpu.memory_space<semaphore_mem>>
      %dma_start3A_226 = tpu.memref_slice %arg11[%mul3A_0] : memref<100352xf32, #tpu.memory_space<vmem_shared>> -> memref<6272xf32, #tpu.memory_space<vmem_shared>>
      %dma_start3A_227 = tpu.memref_slice %arg11[%mul3A_0] : memref<100352xf32, #tpu.memory_space<vmem_shared>> -> memref<6272xf32, #tpu.memory_space<vmem_shared>>
      tpu.enqueue_dma source(%arg16 : memref<6272xf32, #tpu.memory_space<vmem>>) target(%dma_start3A_227 : memref<6272xf32, #tpu.memory_space<vmem_shared>>) target_semaphore(%run_scoped3A : memref<!tpu.dma_semaphore, #tpu.memory_space<semaphore_mem>>)
      %dma_wait3A_228 = tpu.memref_slice %arg11[%mul3A_0] : memref<100352xf32, #tpu.memory_space<vmem_shared>> -> memref<6272xf32, #tpu.memory_space<vmem_shared>>
      %dma_wait3A_229 = tpu.memref_slice %arg11[%mul3A_0] : memref<100352xf32, #tpu.memory_space<vmem_shared>> -> memref<6272xf32, #tpu.memory_space<vmem_shared>>
      tpu.wait_dma2 semaphore(%run_scoped3A : memref<!tpu.dma_semaphore, #tpu.memory_space<semaphore_mem>>) src(%arg16 : memref<6272xf32, #tpu.memory_space<vmem>>) dst(%dma_wait3A_229 : memref<6272xf32, #tpu.memory_space<vmem_shared>>)
      tpu.yield
    }) : () -> ()
    %scan3A_71 = arith.constant 0 : i32
    %scan3A_72 = arith.constant 0 : i32
    %scan3A_73 = arith.constant 392 : i32
    %scan3A_74 = arith.addi %scan3A_72, %scan3A_73 : i32
    %scan3A_75 = arith.constant 1 : i32
    %scan3A_76 = scf.for %scan3A_226 = %scan3A_72 to %scan3A_74 step %scan3A_75 iter_args(%scan3A_227 = %scan3A_71) -> (i32)  : i32 {
      %broadcast_in_dim3A = arith.constant 0.000000e+00 : f32
      %broadcast_in_dim3A_228 = vector.broadcast %broadcast_in_dim3A : f32 to vector<16xf32>
      %mul3A_229 = arith.constant 16 : i32
      %mul3A_230 = arith.muli %scan3A_226, %mul3A_229 : i32
      %swap3A = arith.index_cast %mul3A_230 : i32 to index
      %swap3A_231 = tpu.vector_load %arg17[%swap3A] {strides = array<i32>} : memref<6272xf32, #tpu.memory_space<vmem>>, vector<16xf32>,
      %swap3A_232 = vector.shape_cast %swap3A_231 : vector<16xf32> to vector<16xf32>
      %swap3A_233 = vector.shape_cast %broadcast_in_dim3A_228 : vector<16xf32> to vector<16xf32>
      tpu.vector_store %arg17[%swap3A], %swap3A_233 {strides = array<i32>} : memref<6272xf32, #tpu.memory_space<vmem>>, vector<16xf32>,
      %scan3A_234 = arith.constant 0 : i32
      scf.yield %scan3A_234 : i32
    }
    %scan3A_77 = arith.constant 392 : i32
    "tpu.region"() ({
      %run_scoped3A = tpu.sem_alloc : memref<!tpu.dma_semaphore, #tpu.memory_space<semaphore_mem>>
      %dma_start3A_226 = tpu.memref_slice %arg12[%mul3A_0] : memref<100352xf32, #tpu.memory_space<vmem_shared>> -> memref<6272xf32, #tpu.memory_space<vmem_shared>>
      %dma_start3A_227 = tpu.memref_slice %arg12[%mul3A_0] : memref<100352xf32, #tpu.memory_space<vmem_shared>> -> memref<6272xf32, #tpu.memory_space<vmem_shared>>
      tpu.enqueue_dma source(%arg17 : memref<6272xf32, #tpu.memory_space<vmem>>) target(%dma_start3A_227 : memref<6272xf32, #tpu.memory_space<vmem_shared>>) target_semaphore(%run_scoped3A : memref<!tpu.dma_semaphore, #tpu.memory_space<semaphore_mem>>)
      %dma_wait3A_228 = tpu.memref_slice %arg12[%mul3A_0] : memref<100352xf32, #tpu.memory_space<vmem_shared>> -> memref<6272xf32, #tpu.memory_space<vmem_shared>>
      %dma_wait3A_229 = tpu.memref_slice %arg12[%mul3A_0] : memref<100352xf32, #tpu.memory_space<vmem_shared>> -> memref<6272xf32, #tpu.memory_space<vmem_shared>>
      tpu.wait_dma2 semaphore(%run_scoped3A : memref<!tpu.dma_semaphore, #tpu.memory_space<semaphore_mem>>) src(%arg17 : memref<6272xf32, #tpu.memory_space<vmem>>) dst(%dma_wait3A_229 : memref<6272xf32, #tpu.memory_space<vmem_shared>>)
      tpu.yield
    }) : () -> ()
    "tpu.region"() ({
      %run_scoped3A = tpu.sem_alloc : memref<!tpu.dma_semaphore, #tpu.memory_space<semaphore_mem>>
      %dma_start3A_226 = tpu.memref_slice %arg13[%mul3A_0] : memref<100352xf32, #tpu.memory_space<vmem_shared>> -> memref<6272xf32, #tpu.memory_space<vmem_shared>>
      %dma_start3A_227 = tpu.memref_slice %arg13[%mul3A_0] : memref<100352xf32, #tpu.memory_space<vmem_shared>> -> memref<6272xf32, #tpu.memory_space<vmem_shared>>
      tpu.enqueue_dma source(%arg17 : memref<6272xf32, #tpu.memory_space<vmem>>) target(%dma_start3A_227 : memref<6272xf32, #tpu.memory_space<vmem_shared>>) target_semaphore(%run_scoped3A : memref<!tpu.dma_semaphore, #tpu.memory_space<semaphore_mem>>)
      %dma_wait3A_228 = tpu.memref_slice %arg13[%mul3A_0] : memref<100352xf32, #tpu.memory_space<vmem_shared>> -> memref<6272xf32, #tpu.memory_space<vmem_shared>>
      %dma_wait3A_229 = tpu.memref_slice %arg13[%mul3A_0] : memref<100352xf32, #tpu.memory_space<vmem_shared>> -> memref<6272xf32, #tpu.memory_space<vmem_shared>>
      tpu.wait_dma2 semaphore(%run_scoped3A : memref<!tpu.dma_semaphore, #tpu.memory_space<semaphore_mem>>) src(%arg17 : memref<6272xf32, #tpu.memory_space<vmem>>) dst(%dma_wait3A_229 : memref<6272xf32, #tpu.memory_space<vmem_shared>>)
      tpu.yield
    }) : () -> ()
    "tpu.region"() ({
      %run_scoped3A = tpu.sem_alloc : memref<!tpu.dma_semaphore, #tpu.memory_space<semaphore_mem>>
      %dma_start3A_226 = tpu.memref_slice %arg14[%mul3A_0] : memref<100352xf32, #tpu.memory_space<vmem_shared>> -> memref<6272xf32, #tpu.memory_space<vmem_shared>>
      %dma_start3A_227 = tpu.memref_slice %arg14[%mul3A_0] : memref<100352xf32, #tpu.memory_space<vmem_shared>> -> memref<6272xf32, #tpu.memory_space<vmem_shared>>
      tpu.enqueue_dma source(%arg17 : memref<6272xf32, #tpu.memory_space<vmem>>) target(%dma_start3A_227 : memref<6272xf32, #tpu.memory_space<vmem_shared>>) target_semaphore(%run_scoped3A : memref<!tpu.dma_semaphore, #tpu.memory_space<semaphore_mem>>)
      %dma_wait3A_228 = tpu.memref_slice %arg14[%mul3A_0] : memref<100352xf32, #tpu.memory_space<vmem_shared>> -> memref<6272xf32, #tpu.memory_space<vmem_shared>>
      %dma_wait3A_229 = tpu.memref_slice %arg14[%mul3A_0] : memref<100352xf32, #tpu.memory_space<vmem_shared>> -> memref<6272xf32, #tpu.memory_space<vmem_shared>>
      tpu.wait_dma2 semaphore(%run_scoped3A : memref<!tpu.dma_semaphore, #tpu.memory_space<semaphore_mem>>) src(%arg17 : memref<6272xf32, #tpu.memory_space<vmem>>) dst(%dma_wait3A_229 : memref<6272xf32, #tpu.memory_space<vmem_shared>>)
      tpu.yield
    }) : () -> ()
    "tpu.region"() ({
      %run_scoped3A = tpu.sem_alloc : memref<!tpu.dma_semaphore, #tpu.memory_space<semaphore_mem>>
      %dma_start3A_226 = tpu.memref_slice %arg15[%mul3A_0] : memref<100352xf32, #tpu.memory_space<vmem_shared>> -> memref<6272xf32, #tpu.memory_space<vmem_shared>>
      %dma_start3A_227 = tpu.memref_slice %arg15[%mul3A_0] : memref<100352xf32, #tpu.memory_space<vmem_shared>> -> memref<6272xf32, #tpu.memory_space<vmem_shared>>
      tpu.enqueue_dma source(%arg17 : memref<6272xf32, #tpu.memory_space<vmem>>) target(%dma_start3A_227 : memref<6272xf32, #tpu.memory_space<vmem_shared>>) target_semaphore(%run_scoped3A : memref<!tpu.dma_semaphore, #tpu.memory_space<semaphore_mem>>)
      %dma_wait3A_228 = tpu.memref_slice %arg15[%mul3A_0] : memref<100352xf32, #tpu.memory_space<vmem_shared>> -> memref<6272xf32, #tpu.memory_space<vmem_shared>>
      %dma_wait3A_229 = tpu.memref_slice %arg15[%mul3A_0] : memref<100352xf32, #tpu.memory_space<vmem_shared>> -> memref<6272xf32, #tpu.memory_space<vmem_shared>>
      tpu.wait_dma2 semaphore(%run_scoped3A : memref<!tpu.dma_semaphore, #tpu.memory_space<semaphore_mem>>) src(%arg17 : memref<6272xf32, #tpu.memory_space<vmem>>) dst(%dma_wait3A_229 : memref<6272xf32, #tpu.memory_space<vmem_shared>>)
      tpu.yield
    }) : () -> ()
    %barrier3A = arith.constant 0 : index
    tpu.barrier barrier_id(%barrier3A)
    %mul3A_78 = arith.constant 16 : i32
    %mul3A_79 = arith.muli %arg0, %mul3A_78 : i32
    %add3A_80 = arith.addi %mul3A_79, %arg1 : i32
    %mul3A_81 = arith.constant 100000 : i32
    %mul3A_82 = arith.muli %add3A_80, %mul3A_81 : i32
    %mul3A_83 = arith.constant 4 : i32
    %mul3A_84 = arith.muli %arg0, %mul3A_83 : i32
    %add3A_85 = arith.constant 0 : i32
    %add3A_86 = arith.addi %mul3A_84, %add3A_85 : i32
    %mul3A_87 = arith.constant 100352 : i32
    %mul3A_88 = arith.muli %add3A_86, %mul3A_87 : i32
    %mul3A_89 = arith.constant 4 : i32
    %mul3A_90 = arith.muli %arg0, %mul3A_89 : i32
    %add3A_91 = arith.constant 1 : i32
    %add3A_92 = arith.addi %mul3A_90, %add3A_91 : i32
    %mul3A_93 = arith.constant 100352 : i32
    %mul3A_94 = arith.muli %add3A_92, %mul3A_93 : i32
    %mul3A_95 = arith.constant 4 : i32
    %mul3A_96 = arith.muli %arg0, %mul3A_95 : i32
    %add3A_97 = arith.constant 2 : i32
    %add3A_98 = arith.addi %mul3A_96, %add3A_97 : i32
    %mul3A_99 = arith.constant 100352 : i32
    %mul3A_100 = arith.muli %add3A_98, %mul3A_99 : i32
    %mul3A_101 = arith.constant 4 : i32
    %mul3A_102 = arith.muli %arg0, %mul3A_101 : i32
    %add3A_103 = arith.constant 3 : i32
    %add3A_104 = arith.addi %mul3A_102, %add3A_103 : i32
    %mul3A_105 = arith.constant 100352 : i32
    %mul3A_106 = arith.muli %add3A_104, %mul3A_105 : i32
    %add3A_107 = arith.constant 0 : i32
    %add3A_108 = arith.addi %mul3A_82, %add3A_107 : i32
    %dma_start3A = tpu.memref_slice %arg3[%add3A_108] : memref<3200000xi32, #tpu.memory_space<hbm>> -> memref<4000xi32, #tpu.memory_space<hbm>>
    %dma_start3A_109 = tpu.memref_slice %arg3[%add3A_108] : memref<3200000xi32, #tpu.memory_space<hbm>> -> memref<4000xi32, #tpu.memory_space<hbm>>
    tpu.enqueue_dma source(%dma_start3A_109 : memref<4000xi32, #tpu.memory_space<hbm>>) target(%arg18 : memref<4000xi32, #tpu.memory_space<vmem>>) target_semaphore(%arg34 : memref<!tpu.dma_semaphore, #tpu.memory_space<semaphore_mem>>)
    %dma_start3A_110 = tpu.memref_slice %arg4[%add3A_108] : memref<3200000xi32, #tpu.memory_space<hbm>> -> memref<4000xi32, #tpu.memory_space<hbm>>
    %dma_start3A_111 = tpu.memref_slice %arg4[%add3A_108] : memref<3200000xi32, #tpu.memory_space<hbm>> -> memref<4000xi32, #tpu.memory_space<hbm>>
    tpu.enqueue_dma source(%dma_start3A_111 : memref<4000xi32, #tpu.memory_space<hbm>>) target(%arg20 : memref<4000xi32, #tpu.memory_space<vmem>>) target_semaphore(%arg34 : memref<!tpu.dma_semaphore, #tpu.memory_space<semaphore_mem>>)
    %add3A_112 = arith.constant 0 : i32
    %add3A_113 = arith.addi %add3A_112, %add3A_108 : i32
    %dma_start3A_114 = tpu.memref_slice %arg5[%add3A_113] : memref<12800000xf32, #tpu.memory_space<hbm>> -> memref<4000xf32, #tpu.memory_space<hbm>>
    %dma_start3A_115 = tpu.memref_slice %arg5[%add3A_113] : memref<12800000xf32, #tpu.memory_space<hbm>> -> memref<4000xf32, #tpu.memory_space<hbm>>
    tpu.enqueue_dma source(%dma_start3A_115 : memref<4000xf32, #tpu.memory_space<hbm>>) target(%arg22 : memref<4000xf32, #tpu.memory_space<vmem>>) target_semaphore(%arg34 : memref<!tpu.dma_semaphore, #tpu.memory_space<semaphore_mem>>)
    %add3A_116 = arith.constant 3200000 : i32
    %add3A_117 = arith.addi %add3A_116, %add3A_108 : i32
    %dma_start3A_118 = tpu.memref_slice %arg5[%add3A_117] : memref<12800000xf32, #tpu.memory_space<hbm>> -> memref<4000xf32, #tpu.memory_space<hbm>>
    %dma_start3A_119 = tpu.memref_slice %arg5[%add3A_117] : memref<12800000xf32, #tpu.memory_space<hbm>> -> memref<4000xf32, #tpu.memory_space<hbm>>
    tpu.enqueue_dma source(%dma_start3A_119 : memref<4000xf32, #tpu.memory_space<hbm>>) target(%arg23 : memref<4000xf32, #tpu.memory_space<vmem>>) target_semaphore(%arg34 : memref<!tpu.dma_semaphore, #tpu.memory_space<semaphore_mem>>)
    %add3A_120 = arith.constant 6400000 : i32
    %add3A_121 = arith.addi %add3A_120, %add3A_108 : i32
    %dma_start3A_122 = tpu.memref_slice %arg5[%add3A_121] : memref<12800000xf32, #tpu.memory_space<hbm>> -> memref<4000xf32, #tpu.memory_space<hbm>>
    %dma_start3A_123 = tpu.memref_slice %arg5[%add3A_121] : memref<12800000xf32, #tpu.memory_space<hbm>> -> memref<4000xf32, #tpu.memory_space<hbm>>
    tpu.enqueue_dma source(%dma_start3A_123 : memref<4000xf32, #tpu.memory_space<hbm>>) target(%arg24 : memref<4000xf32, #tpu.memory_space<vmem>>) target_semaphore(%arg34 : memref<!tpu.dma_semaphore, #tpu.memory_space<semaphore_mem>>)
    %add3A_124 = arith.constant 9600000 : i32
    %add3A_125 = arith.addi %add3A_124, %add3A_108 : i32
    %dma_start3A_126 = tpu.memref_slice %arg5[%add3A_125] : memref<12800000xf32, #tpu.memory_space<hbm>> -> memref<4000xf32, #tpu.memory_space<hbm>>
    %dma_start3A_127 = tpu.memref_slice %arg5[%add3A_125] : memref<12800000xf32, #tpu.memory_space<hbm>> -> memref<4000xf32, #tpu.memory_space<hbm>>
    tpu.enqueue_dma source(%dma_start3A_127 : memref<4000xf32, #tpu.memory_space<hbm>>) target(%arg25 : memref<4000xf32, #tpu.memory_space<vmem>>) target_semaphore(%arg34 : memref<!tpu.dma_semaphore, #tpu.memory_space<semaphore_mem>>)
    %scan3A_128 = arith.constant 0 : i32
    %scan3A_129 = arith.constant 12 : i32
    %scan3A_130 = arith.addi %scan3A_128, %scan3A_129 : i32
    %scan3A_131 = arith.constant 1 : i32
    scf.for %scan3A_226 = %scan3A_128 to %scan3A_130 step %scan3A_131  : i32 {
      %mul3A_227 = arith.constant 2 : i32
      %mul3A_228 = arith.muli %scan3A_226, %mul3A_227 : i32
      %add3A_229 = arith.constant 0 : i32
      %add3A_230 = arith.addi %add3A_229, %mul3A_228 : i32
      %mul3A_231 = arith.constant 4000 : i32
      %mul3A_232 = arith.muli %add3A_230, %mul3A_231 : i32
      %add3A_233 = arith.addi %mul3A_82, %mul3A_232 : i32
      %dma_wait3A_234 = tpu.memref_slice %arg3[%add3A_233] : memref<3200000xi32, #tpu.memory_space<hbm>> -> memref<4000xi32, #tpu.memory_space<hbm>>
      %dma_wait3A_235 = tpu.memref_slice %arg3[%add3A_233] : memref<3200000xi32, #tpu.memory_space<hbm>> -> memref<4000xi32, #tpu.memory_space<hbm>>
      tpu.wait_dma2 semaphore(%arg34 : memref<!tpu.dma_semaphore, #tpu.memory_space<semaphore_mem>>) src(%dma_wait3A_235 : memref<4000xi32, #tpu.memory_space<hbm>>) dst(%arg18 : memref<4000xi32, #tpu.memory_space<vmem>>)
      %dma_wait3A_236 = tpu.memref_slice %arg4[%add3A_233] : memref<3200000xi32, #tpu.memory_space<hbm>> -> memref<4000xi32, #tpu.memory_space<hbm>>
      %dma_wait3A_237 = tpu.memref_slice %arg4[%add3A_233] : memref<3200000xi32, #tpu.memory_space<hbm>> -> memref<4000xi32, #tpu.memory_space<hbm>>
      tpu.wait_dma2 semaphore(%arg34 : memref<!tpu.dma_semaphore, #tpu.memory_space<semaphore_mem>>) src(%dma_wait3A_237 : memref<4000xi32, #tpu.memory_space<hbm>>) dst(%arg20 : memref<4000xi32, #tpu.memory_space<vmem>>)
      %add3A_238 = arith.constant 0 : i32
      %add3A_239 = arith.addi %add3A_238, %add3A_233 : i32
      %dma_wait3A_240 = tpu.memref_slice %arg5[%add3A_239] : memref<12800000xf32, #tpu.memory_space<hbm>> -> memref<4000xf32, #tpu.memory_space<hbm>>
      %dma_wait3A_241 = tpu.memref_slice %arg5[%add3A_239] : memref<12800000xf32, #tpu.memory_space<hbm>> -> memref<4000xf32, #tpu.memory_space<hbm>>
      tpu.wait_dma2 semaphore(%arg34 : memref<!tpu.dma_semaphore, #tpu.memory_space<semaphore_mem>>) src(%dma_wait3A_241 : memref<4000xf32, #tpu.memory_space<hbm>>) dst(%arg22 : memref<4000xf32, #tpu.memory_space<vmem>>)
      %add3A_242 = arith.constant 3200000 : i32
      %add3A_243 = arith.addi %add3A_242, %add3A_233 : i32
      %dma_wait3A_244 = tpu.memref_slice %arg5[%add3A_243] : memref<12800000xf32, #tpu.memory_space<hbm>> -> memref<4000xf32, #tpu.memory_space<hbm>>
      %dma_wait3A_245 = tpu.memref_slice %arg5[%add3A_243] : memref<12800000xf32, #tpu.memory_space<hbm>> -> memref<4000xf32, #tpu.memory_space<hbm>>
      tpu.wait_dma2 semaphore(%arg34 : memref<!tpu.dma_semaphore, #tpu.memory_space<semaphore_mem>>) src(%dma_wait3A_245 : memref<4000xf32, #tpu.memory_space<hbm>>) dst(%arg23 : memref<4000xf32, #tpu.memory_space<vmem>>)
      %add3A_246 = arith.constant 6400000 : i32
      %add3A_247 = arith.addi %add3A_246, %add3A_233 : i32
      %dma_wait3A_248 = tpu.memref_slice %arg5[%add3A_247] : memref<12800000xf32, #tpu.memory_space<hbm>> -> memref<4000xf32, #tpu.memory_space<hbm>>
      %dma_wait3A_249 = tpu.memref_slice %arg5[%add3A_247] : memref<12800000xf32, #tpu.memory_space<hbm>> -> memref<4000xf32, #tpu.memory_space<hbm>>
      tpu.wait_dma2 semaphore(%arg34 : memref<!tpu.dma_semaphore, #tpu.memory_space<semaphore_mem>>) src(%dma_wait3A_249 : memref<4000xf32, #tpu.memory_space<hbm>>) dst(%arg24 : memref<4000xf32, #tpu.memory_space<vmem>>)
      %add3A_250 = arith.constant 9600000 : i32
      %add3A_251 = arith.addi %add3A_250, %add3A_233 : i32
      %dma_wait3A_252 = tpu.memref_slice %arg5[%add3A_251] : memref<12800000xf32, #tpu.memory_space<hbm>> -> memref<4000xf32, #tpu.memory_space<hbm>>
      %dma_wait3A_253 = tpu.memref_slice %arg5[%add3A_251] : memref<12800000xf32, #tpu.memory_space<hbm>> -> memref<4000xf32, #tpu.memory_space<hbm>>
      tpu.wait_dma2 semaphore(%arg34 : memref<!tpu.dma_semaphore, #tpu.memory_space<semaphore_mem>>) src(%dma_wait3A_253 : memref<4000xf32, #tpu.memory_space<hbm>>) dst(%arg25 : memref<4000xf32, #tpu.memory_space<vmem>>)
      %add3A_254 = arith.constant 1 : i32
      %add3A_255 = arith.addi %add3A_230, %add3A_254 : i32
      %lt3A = arith.constant 25 : i32
      %lt3A_256 = arith.cmpi slt, %add3A_255, %lt3A : i32
      %convert_element_type3A = arith.extui %lt3A_256 : i1 to i32
      %cond3A = arith.constant 0 : i32
      %cond3A_257 = arith.cmpi ne, %convert_element_type3A, %cond3A : i32
      scf.if %cond3A_257 {
        %add3A_386 = arith.constant 1 : i32
        %add3A_387 = arith.addi %add3A_230, %add3A_386 : i32
        %mul3A_388 = arith.constant 4000 : i32
        %mul3A_389 = arith.muli %add3A_387, %mul3A_388 : i32
        %add3A_390 = arith.addi %mul3A_82, %mul3A_389 : i32
        %dma_start3A_391 = tpu.memref_slice %arg3[%add3A_390] : memref<3200000xi32, #tpu.memory_space<hbm>> -> memref<4000xi32, #tpu.memory_space<hbm>>
        %dma_start3A_392 = tpu.memref_slice %arg3[%add3A_390] : memref<3200000xi32, #tpu.memory_space<hbm>> -> memref<4000xi32, #tpu.memory_space<hbm>>
        tpu.enqueue_dma source(%dma_start3A_392 : memref<4000xi32, #tpu.memory_space<hbm>>) target(%arg19 : memref<4000xi32, #tpu.memory_space<vmem>>) target_semaphore(%arg34 : memref<!tpu.dma_semaphore, #tpu.memory_space<semaphore_mem>>)
        %dma_start3A_393 = tpu.memref_slice %arg4[%add3A_390] : memref<3200000xi32, #tpu.memory_space<hbm>> -> memref<4000xi32, #tpu.memory_space<hbm>>
        %dma_start3A_394 = tpu.memref_slice %arg4[%add3A_390] : memref<3200000xi32, #tpu.memory_space<hbm>> -> memref<4000xi32, #tpu.memory_space<hbm>>
        tpu.enqueue_dma source(%dma_start3A_394 : memref<4000xi32, #tpu.memory_space<hbm>>) target(%arg21 : memref<4000xi32, #tpu.memory_space<vmem>>) target_semaphore(%arg34 : memref<!tpu.dma_semaphore, #tpu.memory_space<semaphore_mem>>)
        %add3A_395 = arith.constant 0 : i32
        %add3A_396 = arith.addi %add3A_395, %add3A_390 : i32
        %dma_start3A_397 = tpu.memref_slice %arg5[%add3A_396] : memref<12800000xf32, #tpu.memory_space<hbm>> -> memref<4000xf32, #tpu.memory_space<hbm>>
        %dma_start3A_398 = tpu.memref_slice %arg5[%add3A_396] : memref<12800000xf32, #tpu.memory_space<hbm>> -> memref<4000xf32, #tpu.memory_space<hbm>>
        tpu.enqueue_dma source(%dma_start3A_398 : memref<4000xf32, #tpu.memory_space<hbm>>) target(%arg26 : memref<4000xf32, #tpu.memory_space<vmem>>) target_semaphore(%arg34 : memref<!tpu.dma_semaphore, #tpu.memory_space<semaphore_mem>>)
        %add3A_399 = arith.constant 3200000 : i32
        %add3A_400 = arith.addi %add3A_399, %add3A_390 : i32
        %dma_start3A_401 = tpu.memref_slice %arg5[%add3A_400] : memref<12800000xf32, #tpu.memory_space<hbm>> -> memref<4000xf32, #tpu.memory_space<hbm>>
        %dma_start3A_402 = tpu.memref_slice %arg5[%add3A_400] : memref<12800000xf32, #tpu.memory_space<hbm>> -> memref<4000xf32, #tpu.memory_space<hbm>>
        tpu.enqueue_dma source(%dma_start3A_402 : memref<4000xf32, #tpu.memory_space<hbm>>) target(%arg27 : memref<4000xf32, #tpu.memory_space<vmem>>) target_semaphore(%arg34 : memref<!tpu.dma_semaphore, #tpu.memory_space<semaphore_mem>>)
        %add3A_403 = arith.constant 6400000 : i32
        %add3A_404 = arith.addi %add3A_403, %add3A_390 : i32
        %dma_start3A_405 = tpu.memref_slice %arg5[%add3A_404] : memref<12800000xf32, #tpu.memory_space<hbm>> -> memref<4000xf32, #tpu.memory_space<hbm>>
        %dma_start3A_406 = tpu.memref_slice %arg5[%add3A_404] : memref<12800000xf32, #tpu.memory_space<hbm>> -> memref<4000xf32, #tpu.memory_space<hbm>>
        tpu.enqueue_dma source(%dma_start3A_406 : memref<4000xf32, #tpu.memory_space<hbm>>) target(%arg28 : memref<4000xf32, #tpu.memory_space<vmem>>) target_semaphore(%arg34 : memref<!tpu.dma_semaphore, #tpu.memory_space<semaphore_mem>>)
        %add3A_407 = arith.constant 9600000 : i32
        %add3A_408 = arith.addi %add3A_407, %add3A_390 : i32
        %dma_start3A_409 = tpu.memref_slice %arg5[%add3A_408] : memref<12800000xf32, #tpu.memory_space<hbm>> -> memref<4000xf32, #tpu.memory_space<hbm>>
        %dma_start3A_410 = tpu.memref_slice %arg5[%add3A_408] : memref<12800000xf32, #tpu.memory_space<hbm>> -> memref<4000xf32, #tpu.memory_space<hbm>>
        tpu.enqueue_dma source(%dma_start3A_410 : memref<4000xf32, #tpu.memory_space<hbm>>) target(%arg29 : memref<4000xf32, #tpu.memory_space<vmem>>) target_semaphore(%arg34 : memref<!tpu.dma_semaphore, #tpu.memory_space<semaphore_mem>>)
      } else {
      }
      %dma_start3A_258 = tpu.memref_slice %arg7[%mul3A_88] : memref<802816xf32, #tpu.memory_space<hbm>> -> memref<100352xf32, #tpu.memory_space<hbm>>
      %dma_start3A_259 = arith.constant 0 : i32
      %dma_start3A_260 = tpu.memref_slice %dma_start3A_258[%dma_start3A_259] : memref<100352xf32, #tpu.memory_space<hbm>> -> memref<100352xf32, #tpu.memory_space<hbm>>
      tpu.enqueue_indirect_dma source(%dma_start3A_260 : memref<100352xf32, #tpu.memory_space<hbm>>) target(%arg30 : memref<4000xf32, #tpu.memory_space<vmem>>) offsets(%arg18 : memref<4000xi32, #tpu.memory_space<vmem>>) semaphore(%arg35 : memref<!tpu.dma_semaphore, #tpu.memory_space<semaphore_mem>>)
      %dma_start3A_261 = tpu.memref_slice %arg7[%mul3A_94] : memref<802816xf32, #tpu.memory_space<hbm>> -> memref<100352xf32, #tpu.memory_space<hbm>>
      %dma_start3A_262 = arith.constant 0 : i32
      %dma_start3A_263 = tpu.memref_slice %dma_start3A_261[%dma_start3A_262] : memref<100352xf32, #tpu.memory_space<hbm>> -> memref<100352xf32, #tpu.memory_space<hbm>>
      tpu.enqueue_indirect_dma source(%dma_start3A_263 : memref<100352xf32, #tpu.memory_space<hbm>>) target(%arg31 : memref<4000xf32, #tpu.memory_space<vmem>>) offsets(%arg18 : memref<4000xi32, #tpu.memory_space<vmem>>) semaphore(%arg35 : memref<!tpu.dma_semaphore, #tpu.memory_space<semaphore_mem>>)
      %dma_start3A_264 = tpu.memref_slice %arg7[%mul3A_100] : memref<802816xf32, #tpu.memory_space<hbm>> -> memref<100352xf32, #tpu.memory_space<hbm>>
      %dma_start3A_265 = arith.constant 0 : i32
      %dma_start3A_266 = tpu.memref_slice %dma_start3A_264[%dma_start3A_265] : memref<100352xf32, #tpu.memory_space<hbm>> -> memref<100352xf32, #tpu.memory_space<hbm>>
      tpu.enqueue_indirect_dma source(%dma_start3A_266 : memref<100352xf32, #tpu.memory_space<hbm>>) target(%arg32 : memref<4000xf32, #tpu.memory_space<vmem>>) offsets(%arg18 : memref<4000xi32, #tpu.memory_space<vmem>>) semaphore(%arg35 : memref<!tpu.dma_semaphore, #tpu.memory_space<semaphore_mem>>)
      %dma_start3A_267 = tpu.memref_slice %arg7[%mul3A_106] : memref<802816xf32, #tpu.memory_space<hbm>> -> memref<100352xf32, #tpu.memory_space<hbm>>
      %dma_start3A_268 = arith.constant 0 : i32
      %dma_start3A_269 = tpu.memref_slice %dma_start3A_267[%dma_start3A_268] : memref<100352xf32, #tpu.memory_space<hbm>> -> memref<100352xf32, #tpu.memory_space<hbm>>
      tpu.enqueue_indirect_dma source(%dma_start3A_269 : memref<100352xf32, #tpu.memory_space<hbm>>) target(%arg33 : memref<4000xf32, #tpu.memory_space<vmem>>) offsets(%arg18 : memref<4000xi32, #tpu.memory_space<vmem>>) semaphore(%arg35 : memref<!tpu.dma_semaphore, #tpu.memory_space<semaphore_mem>>)
      %dma_wait3A_270 = tpu.memref_slice %arg7[%mul3A_88] : memref<802816xf32, #tpu.memory_space<hbm>> -> memref<100352xf32, #tpu.memory_space<hbm>>
      %dma_wait3A_271 = arith.constant 0 : i32
      %dma_wait3A_272 = tpu.memref_slice %dma_wait3A_270[%dma_wait3A_271] : memref<100352xf32, #tpu.memory_space<hbm>> -> memref<100352xf32, #tpu.memory_space<hbm>>
      tpu.wait_indirect_dma semaphore(%arg35 : memref<!tpu.dma_semaphore, #tpu.memory_space<semaphore_mem>>) src(%dma_wait3A_272 : memref<100352xf32, #tpu.memory_space<hbm>>) dst(%arg30 : memref<4000xf32, #tpu.memory_space<vmem>>)
      %parallel_loop3A_273 = arith.constant 0 : i32
      %parallel_loop3A_274 = arith.constant 250 : i32
      %parallel_loop3A_275 = arith.constant 1 : i32
      scf.for %parallel_loop3A_386 = %parallel_loop3A_273 to %parallel_loop3A_274 step %parallel_loop3A_275  : i32 {
        %parallel_loop3A_387 = arith.constant 16 : i32
        %parallel_loop3A_388 = arith.muli %parallel_loop3A_386, %parallel_loop3A_387 : i32
        %parallel_loop3A_389 = arith.index_cast %parallel_loop3A_388 : i32 to index
        %parallel_loop3A_390 = tpu.vector_load %arg30[%parallel_loop3A_389] {strides = array<i32>} : memref<4000xf32, #tpu.memory_space<vmem>>, vector<16xf32>,
        %parallel_loop3A_391 = vector.shape_cast %parallel_loop3A_390 : vector<16xf32> to vector<16xf32>
        %parallel_loop3A_392 = arith.index_cast %parallel_loop3A_388 : i32 to index
        %parallel_loop3A_393 = tpu.vector_load %arg22[%parallel_loop3A_392] {strides = array<i32>} : memref<4000xf32, #tpu.memory_space<vmem>>, vector<16xf32>,
        %parallel_loop3A_394 = vector.shape_cast %parallel_loop3A_393 : vector<16xf32> to vector<16xf32>
        %parallel_loop3A_395 = arith.mulf %parallel_loop3A_391, %parallel_loop3A_394 : vector<16xf32>
        %parallel_loop3A_396 = arith.index_cast %parallel_loop3A_388 : i32 to index
        %parallel_loop3A_397 = tpu.vector_load %arg30[%parallel_loop3A_396] {strides = array<i32>} : memref<4000xf32, #tpu.memory_space<vmem>>, vector<16xf32>,
        %parallel_loop3A_398 = vector.shape_cast %parallel_loop3A_397 : vector<16xf32> to vector<16xf32>
        %parallel_loop3A_399 = vector.shape_cast %parallel_loop3A_395 : vector<16xf32> to vector<16xf32>
        tpu.vector_store %arg30[%parallel_loop3A_396], %parallel_loop3A_399 {strides = array<i32>} : memref<4000xf32, #tpu.memory_space<vmem>>, vector<16xf32>,
      } {sc.loop_unroll_factor = 4 : i64, sc.parallel_access}
      %dma_start3A_276 = arith.constant 0 : i32
      %dma_start3A_277 = tpu.memref_slice %arg12[%dma_start3A_276] : memref<100352xf32, #tpu.memory_space<vmem_shared>> -> memref<100352xf32, #tpu.memory_space<vmem_shared>>
      tpu.enqueue_indirect_dma source(%arg30 : memref<4000xf32, #tpu.memory_space<vmem>>) target(%dma_start3A_277 : memref<100352xf32, #tpu.memory_space<vmem_shared>>) offsets(%arg20 : memref<4000xi32, #tpu.memory_space<vmem>>) semaphore(%arg36 : memref<!tpu.dma_semaphore, #tpu.memory_space<semaphore_mem>>) {add = true}
      %dma_wait3A_278 = tpu.memref_slice %arg7[%mul3A_94] : memref<802816xf32, #tpu.memory_space<hbm>> -> memref<100352xf32, #tpu.memory_space<hbm>>
      %dma_wait3A_279 = arith.constant 0 : i32
      %dma_wait3A_280 = tpu.memref_slice %dma_wait3A_278[%dma_wait3A_279] : memref<100352xf32, #tpu.memory_space<hbm>> -> memref<100352xf32, #tpu.memory_space<hbm>>
      tpu.wait_indirect_dma semaphore(%arg35 : memref<!tpu.dma_semaphore, #tpu.memory_space<semaphore_mem>>) src(%dma_wait3A_280 : memref<100352xf32, #tpu.memory_space<hbm>>) dst(%arg31 : memref<4000xf32, #tpu.memory_space<vmem>>)
      %parallel_loop3A_281 = arith.constant 0 : i32
      %parallel_loop3A_282 = arith.constant 250 : i32
      %parallel_loop3A_283 = arith.constant 1 : i32
      scf.for %parallel_loop3A_386 = %parallel_loop3A_281 to %parallel_loop3A_282 step %parallel_loop3A_283  : i32 {
        %parallel_loop3A_387 = arith.constant 16 : i32
        %parallel_loop3A_388 = arith.muli %parallel_loop3A_386, %parallel_loop3A_387 : i32
        %parallel_loop3A_389 = arith.index_cast %parallel_loop3A_388 : i32 to index
        %parallel_loop3A_390 = tpu.vector_load %arg31[%parallel_loop3A_389] {strides = array<i32>} : memref<4000xf32, #tpu.memory_space<vmem>>, vector<16xf32>,
        %parallel_loop3A_391 = vector.shape_cast %parallel_loop3A_390 : vector<16xf32> to vector<16xf32>
        %parallel_loop3A_392 = arith.index_cast %parallel_loop3A_388 : i32 to index
        %parallel_loop3A_393 = tpu.vector_load %arg23[%parallel_loop3A_392] {strides = array<i32>} : memref<4000xf32, #tpu.memory_space<vmem>>, vector<16xf32>,
        %parallel_loop3A_394 = vector.shape_cast %parallel_loop3A_393 : vector<16xf32> to vector<16xf32>
        %parallel_loop3A_395 = arith.mulf %parallel_loop3A_391, %parallel_loop3A_394 : vector<16xf32>
        %parallel_loop3A_396 = arith.index_cast %parallel_loop3A_388 : i32 to index
        %parallel_loop3A_397 = tpu.vector_load %arg31[%parallel_loop3A_396] {strides = array<i32>} : memref<4000xf32, #tpu.memory_space<vmem>>, vector<16xf32>,
        %parallel_loop3A_398 = vector.shape_cast %parallel_loop3A_397 : vector<16xf32> to vector<16xf32>
        %parallel_loop3A_399 = vector.shape_cast %parallel_loop3A_395 : vector<16xf32> to vector<16xf32>
        tpu.vector_store %arg31[%parallel_loop3A_396], %parallel_loop3A_399 {strides = array<i32>} : memref<4000xf32, #tpu.memory_space<vmem>>, vector<16xf32>,
      } {sc.loop_unroll_factor = 4 : i64, sc.parallel_access}
      %dma_start3A_284 = arith.constant 0 : i32
      %dma_start3A_285 = tpu.memref_slice %arg13[%dma_start3A_284] : memref<100352xf32, #tpu.memory_space<vmem_shared>> -> memref<100352xf32, #tpu.memory_space<vmem_shared>>
      tpu.enqueue_indirect_dma source(%arg31 : memref<4000xf32, #tpu.memory_space<vmem>>) target(%dma_start3A_285 : memref<100352xf32, #tpu.memory_space<vmem_shared>>) offsets(%arg20 : memref<4000xi32, #tpu.memory_space<vmem>>) semaphore(%arg36 : memref<!tpu.dma_semaphore, #tpu.memory_space<semaphore_mem>>) {add = true}
      %dma_wait3A_286 = tpu.memref_slice %arg7[%mul3A_100] : memref<802816xf32, #tpu.memory_space<hbm>> -> memref<100352xf32, #tpu.memory_space<hbm>>
      %dma_wait3A_287 = arith.constant 0 : i32
      %dma_wait3A_288 = tpu.memref_slice %dma_wait3A_286[%dma_wait3A_287] : memref<100352xf32, #tpu.memory_space<hbm>> -> memref<100352xf32, #tpu.memory_space<hbm>>
      tpu.wait_indirect_dma semaphore(%arg35 : memref<!tpu.dma_semaphore, #tpu.memory_space<semaphore_mem>>) src(%dma_wait3A_288 : memref<100352xf32, #tpu.memory_space<hbm>>) dst(%arg32 : memref<4000xf32, #tpu.memory_space<vmem>>)
      %parallel_loop3A_289 = arith.constant 0 : i32
      %parallel_loop3A_290 = arith.constant 250 : i32
      %parallel_loop3A_291 = arith.constant 1 : i32
      scf.for %parallel_loop3A_386 = %parallel_loop3A_289 to %parallel_loop3A_290 step %parallel_loop3A_291  : i32 {
        %parallel_loop3A_387 = arith.constant 16 : i32
        %parallel_loop3A_388 = arith.muli %parallel_loop3A_386, %parallel_loop3A_387 : i32
        %parallel_loop3A_389 = arith.index_cast %parallel_loop3A_388 : i32 to index
        %parallel_loop3A_390 = tpu.vector_load %arg32[%parallel_loop3A_389] {strides = array<i32>} : memref<4000xf32, #tpu.memory_space<vmem>>, vector<16xf32>,
        %parallel_loop3A_391 = vector.shape_cast %parallel_loop3A_390 : vector<16xf32> to vector<16xf32>
        %parallel_loop3A_392 = arith.index_cast %parallel_loop3A_388 : i32 to index
        %parallel_loop3A_393 = tpu.vector_load %arg24[%parallel_loop3A_392] {strides = array<i32>} : memref<4000xf32, #tpu.memory_space<vmem>>, vector<16xf32>,
        %parallel_loop3A_394 = vector.shape_cast %parallel_loop3A_393 : vector<16xf32> to vector<16xf32>
        %parallel_loop3A_395 = arith.mulf %parallel_loop3A_391, %parallel_loop3A_394 : vector<16xf32>
        %parallel_loop3A_396 = arith.index_cast %parallel_loop3A_388 : i32 to index
        %parallel_loop3A_397 = tpu.vector_load %arg32[%parallel_loop3A_396] {strides = array<i32>} : memref<4000xf32, #tpu.memory_space<vmem>>, vector<16xf32>,
        %parallel_loop3A_398 = vector.shape_cast %parallel_loop3A_397 : vector<16xf32> to vector<16xf32>
        %parallel_loop3A_399 = vector.shape_cast %parallel_loop3A_395 : vector<16xf32> to vector<16xf32>
        tpu.vector_store %arg32[%parallel_loop3A_396], %parallel_loop3A_399 {strides = array<i32>} : memref<4000xf32, #tpu.memory_space<vmem>>, vector<16xf32>,
      } {sc.loop_unroll_factor = 4 : i64, sc.parallel_access}
      %dma_start3A_292 = arith.constant 0 : i32
      %dma_start3A_293 = tpu.memref_slice %arg14[%dma_start3A_292] : memref<100352xf32, #tpu.memory_space<vmem_shared>> -> memref<100352xf32, #tpu.memory_space<vmem_shared>>
      tpu.enqueue_indirect_dma source(%arg32 : memref<4000xf32, #tpu.memory_space<vmem>>) target(%dma_start3A_293 : memref<100352xf32, #tpu.memory_space<vmem_shared>>) offsets(%arg20 : memref<4000xi32, #tpu.memory_space<vmem>>) semaphore(%arg36 : memref<!tpu.dma_semaphore, #tpu.memory_space<semaphore_mem>>) {add = true}
      %dma_wait3A_294 = tpu.memref_slice %arg7[%mul3A_106] : memref<802816xf32, #tpu.memory_space<hbm>> -> memref<100352xf32, #tpu.memory_space<hbm>>
      %dma_wait3A_295 = arith.constant 0 : i32
      %dma_wait3A_296 = tpu.memref_slice %dma_wait3A_294[%dma_wait3A_295] : memref<100352xf32, #tpu.memory_space<hbm>> -> memref<100352xf32, #tpu.memory_space<hbm>>
      tpu.wait_indirect_dma semaphore(%arg35 : memref<!tpu.dma_semaphore, #tpu.memory_space<semaphore_mem>>) src(%dma_wait3A_296 : memref<100352xf32, #tpu.memory_space<hbm>>) dst(%arg33 : memref<4000xf32, #tpu.memory_space<vmem>>)
      %parallel_loop3A_297 = arith.constant 0 : i32
      %parallel_loop3A_298 = arith.constant 250 : i32
      %parallel_loop3A_299 = arith.constant 1 : i32
      scf.for %parallel_loop3A_386 = %parallel_loop3A_297 to %parallel_loop3A_298 step %parallel_loop3A_299  : i32 {
        %parallel_loop3A_387 = arith.constant 16 : i32
        %parallel_loop3A_388 = arith.muli %parallel_loop3A_386, %parallel_loop3A_387 : i32
        %parallel_loop3A_389 = arith.index_cast %parallel_loop3A_388 : i32 to index
        %parallel_loop3A_390 = tpu.vector_load %arg33[%parallel_loop3A_389] {strides = array<i32>} : memref<4000xf32, #tpu.memory_space<vmem>>, vector<16xf32>,
        %parallel_loop3A_391 = vector.shape_cast %parallel_loop3A_390 : vector<16xf32> to vector<16xf32>
        %parallel_loop3A_392 = arith.index_cast %parallel_loop3A_388 : i32 to index
        %parallel_loop3A_393 = tpu.vector_load %arg25[%parallel_loop3A_392] {strides = array<i32>} : memref<4000xf32, #tpu.memory_space<vmem>>, vector<16xf32>,
        %parallel_loop3A_394 = vector.shape_cast %parallel_loop3A_393 : vector<16xf32> to vector<16xf32>
        %parallel_loop3A_395 = arith.mulf %parallel_loop3A_391, %parallel_loop3A_394 : vector<16xf32>
        %parallel_loop3A_396 = arith.index_cast %parallel_loop3A_388 : i32 to index
        %parallel_loop3A_397 = tpu.vector_load %arg33[%parallel_loop3A_396] {strides = array<i32>} : memref<4000xf32, #tpu.memory_space<vmem>>, vector<16xf32>,
        %parallel_loop3A_398 = vector.shape_cast %parallel_loop3A_397 : vector<16xf32> to vector<16xf32>
        %parallel_loop3A_399 = vector.shape_cast %parallel_loop3A_395 : vector<16xf32> to vector<16xf32>
        tpu.vector_store %arg33[%parallel_loop3A_396], %parallel_loop3A_399 {strides = array<i32>} : memref<4000xf32, #tpu.memory_space<vmem>>, vector<16xf32>,
      } {sc.loop_unroll_factor = 4 : i64, sc.parallel_access}
      %dma_start3A_300 = arith.constant 0 : i32
      %dma_start3A_301 = tpu.memref_slice %arg15[%dma_start3A_300] : memref<100352xf32, #tpu.memory_space<vmem_shared>> -> memref<100352xf32, #tpu.memory_space<vmem_shared>>
      tpu.enqueue_indirect_dma source(%arg33 : memref<4000xf32, #tpu.memory_space<vmem>>) target(%dma_start3A_301 : memref<100352xf32, #tpu.memory_space<vmem_shared>>) offsets(%arg20 : memref<4000xi32, #tpu.memory_space<vmem>>) semaphore(%arg36 : memref<!tpu.dma_semaphore, #tpu.memory_space<semaphore_mem>>) {add = true}
      %dma_wait3A_302 = arith.constant 0 : i32
      %dma_wait3A_303 = tpu.memref_slice %arg12[%dma_wait3A_302] : memref<100352xf32, #tpu.memory_space<vmem_shared>> -> memref<100352xf32, #tpu.memory_space<vmem_shared>>
      tpu.wait_indirect_dma semaphore(%arg36 : memref<!tpu.dma_semaphore, #tpu.memory_space<semaphore_mem>>) src(%arg30 : memref<4000xf32, #tpu.memory_space<vmem>>) dst(%dma_wait3A_303 : memref<100352xf32, #tpu.memory_space<vmem_shared>>)
      %dma_wait3A_304 = arith.constant 0 : i32
      %dma_wait3A_305 = tpu.memref_slice %arg13[%dma_wait3A_304] : memref<100352xf32, #tpu.memory_space<vmem_shared>> -> memref<100352xf32, #tpu.memory_space<vmem_shared>>
      tpu.wait_indirect_dma semaphore(%arg36 : memref<!tpu.dma_semaphore, #tpu.memory_space<semaphore_mem>>) src(%arg31 : memref<4000xf32, #tpu.memory_space<vmem>>) dst(%dma_wait3A_305 : memref<100352xf32, #tpu.memory_space<vmem_shared>>)
      %dma_wait3A_306 = arith.constant 0 : i32
      %dma_wait3A_307 = tpu.memref_slice %arg14[%dma_wait3A_306] : memref<100352xf32, #tpu.memory_space<vmem_shared>> -> memref<100352xf32, #tpu.memory_space<vmem_shared>>
      tpu.wait_indirect_dma semaphore(%arg36 : memref<!tpu.dma_semaphore, #tpu.memory_space<semaphore_mem>>) src(%arg32 : memref<4000xf32, #tpu.memory_space<vmem>>) dst(%dma_wait3A_307 : memref<100352xf32, #tpu.memory_space<vmem_shared>>)
      %dma_wait3A_308 = arith.constant 0 : i32
      %dma_wait3A_309 = tpu.memref_slice %arg15[%dma_wait3A_308] : memref<100352xf32, #tpu.memory_space<vmem_shared>> -> memref<100352xf32, #tpu.memory_space<vmem_shared>>
      tpu.wait_indirect_dma semaphore(%arg36 : memref<!tpu.dma_semaphore, #tpu.memory_space<semaphore_mem>>) src(%arg33 : memref<4000xf32, #tpu.memory_space<vmem>>) dst(%dma_wait3A_309 : memref<100352xf32, #tpu.memory_space<vmem_shared>>)
      %add3A_310 = arith.constant 1 : i32
      %add3A_311 = arith.addi %add3A_230, %add3A_310 : i32
      %mul3A_312 = arith.constant 4000 : i32
      %mul3A_313 = arith.muli %add3A_311, %mul3A_312 : i32
      %add3A_314 = arith.addi %mul3A_82, %mul3A_313 : i32
      %dma_wait3A_315 = tpu.memref_slice %arg3[%add3A_314] : memref<3200000xi32, #tpu.memory_space<hbm>> -> memref<4000xi32, #tpu.memory_space<hbm>>
      %dma_wait3A_316 = tpu.memref_slice %arg3[%add3A_314] : memref<3200000xi32, #tpu.memory_space<hbm>> -> memref<4000xi32, #tpu.memory_space<hbm>>
      tpu.wait_dma2 semaphore(%arg34 : memref<!tpu.dma_semaphore, #tpu.memory_space<semaphore_mem>>) src(%dma_wait3A_316 : memref<4000xi32, #tpu.memory_space<hbm>>) dst(%arg19 : memref<4000xi32, #tpu.memory_space<vmem>>)
      %dma_wait3A_317 = tpu.memref_slice %arg4[%add3A_314] : memref<3200000xi32, #tpu.memory_space<hbm>> -> memref<4000xi32, #tpu.memory_space<hbm>>
      %dma_wait3A_318 = tpu.memref_slice %arg4[%add3A_314] : memref<3200000xi32, #tpu.memory_space<hbm>> -> memref<4000xi32, #tpu.memory_space<hbm>>
      tpu.wait_dma2 semaphore(%arg34 : memref<!tpu.dma_semaphore, #tpu.memory_space<semaphore_mem>>) src(%dma_wait3A_318 : memref<4000xi32, #tpu.memory_space<hbm>>) dst(%arg21 : memref<4000xi32, #tpu.memory_space<vmem>>)
      %add3A_319 = arith.constant 0 : i32
      %add3A_320 = arith.addi %add3A_319, %add3A_314 : i32
      %dma_wait3A_321 = tpu.memref_slice %arg5[%add3A_320] : memref<12800000xf32, #tpu.memory_space<hbm>> -> memref<4000xf32, #tpu.memory_space<hbm>>
      %dma_wait3A_322 = tpu.memref_slice %arg5[%add3A_320] : memref<12800000xf32, #tpu.memory_space<hbm>> -> memref<4000xf32, #tpu.memory_space<hbm>>
      tpu.wait_dma2 semaphore(%arg34 : memref<!tpu.dma_semaphore, #tpu.memory_space<semaphore_mem>>) src(%dma_wait3A_322 : memref<4000xf32, #tpu.memory_space<hbm>>) dst(%arg26 : memref<4000xf32, #tpu.memory_space<vmem>>)
      %add3A_323 = arith.constant 3200000 : i32
      %add3A_324 = arith.addi %add3A_323, %add3A_314 : i32
      %dma_wait3A_325 = tpu.memref_slice %arg5[%add3A_324] : memref<12800000xf32, #tpu.memory_space<hbm>> -> memref<4000xf32, #tpu.memory_space<hbm>>
      %dma_wait3A_326 = tpu.memref_slice %arg5[%add3A_324] : memref<12800000xf32, #tpu.memory_space<hbm>> -> memref<4000xf32, #tpu.memory_space<hbm>>
      tpu.wait_dma2 semaphore(%arg34 : memref<!tpu.dma_semaphore, #tpu.memory_space<semaphore_mem>>) src(%dma_wait3A_326 : memref<4000xf32, #tpu.memory_space<hbm>>) dst(%arg27 : memref<4000xf32, #tpu.memory_space<vmem>>)
      %add3A_327 = arith.constant 6400000 : i32
      %add3A_328 = arith.addi %add3A_327, %add3A_314 : i32
      %dma_wait3A_329 = tpu.memref_slice %arg5[%add3A_328] : memref<12800000xf32, #tpu.memory_space<hbm>> -> memref<4000xf32, #tpu.memory_space<hbm>>
      %dma_wait3A_330 = tpu.memref_slice %arg5[%add3A_328] : memref<12800000xf32, #tpu.memory_space<hbm>> -> memref<4000xf32, #tpu.memory_space<hbm>>
      tpu.wait_dma2 semaphore(%arg34 : memref<!tpu.dma_semaphore, #tpu.memory_space<semaphore_mem>>) src(%dma_wait3A_330 : memref<4000xf32, #tpu.memory_space<hbm>>) dst(%arg28 : memref<4000xf32, #tpu.memory_space<vmem>>)
      %add3A_331 = arith.constant 9600000 : i32
      %add3A_332 = arith.addi %add3A_331, %add3A_314 : i32
      %dma_wait3A_333 = tpu.memref_slice %arg5[%add3A_332] : memref<12800000xf32, #tpu.memory_space<hbm>> -> memref<4000xf32, #tpu.memory_space<hbm>>
      %dma_wait3A_334 = tpu.memref_slice %arg5[%add3A_332] : memref<12800000xf32, #tpu.memory_space<hbm>> -> memref<4000xf32, #tpu.memory_space<hbm>>
      tpu.wait_dma2 semaphore(%arg34 : memref<!tpu.dma_semaphore, #tpu.memory_space<semaphore_mem>>) src(%dma_wait3A_334 : memref<4000xf32, #tpu.memory_space<hbm>>) dst(%arg29 : memref<4000xf32, #tpu.memory_space<vmem>>)
      %add3A_335 = arith.constant 1 : i32
      %add3A_336 = arith.addi %add3A_311, %add3A_335 : i32
      %lt3A_337 = arith.constant 25 : i32
      %lt3A_338 = arith.cmpi slt, %add3A_336, %lt3A_337 : i32
      %convert_element_type3A_339 = arith.extui %lt3A_338 : i1 to i32
      %cond3A_340 = arith.constant 0 : i32
      %cond3A_341 = arith.cmpi ne, %convert_element_type3A_339, %cond3A_340 : i32
      scf.if %cond3A_341 {
        %add3A_386 = arith.constant 1 : i32
        %add3A_387 = arith.addi %add3A_311, %add3A_386 : i32
        %mul3A_388 = arith.constant 4000 : i32
        %mul3A_389 = arith.muli %add3A_387, %mul3A_388 : i32
        %add3A_390 = arith.addi %mul3A_82, %mul3A_389 : i32
        %dma_start3A_391 = tpu.memref_slice %arg3[%add3A_390] : memref<3200000xi32, #tpu.memory_space<hbm>> -> memref<4000xi32, #tpu.memory_space<hbm>>
        %dma_start3A_392 = tpu.memref_slice %arg3[%add3A_390] : memref<3200000xi32, #tpu.memory_space<hbm>> -> memref<4000xi32, #tpu.memory_space<hbm>>
        tpu.enqueue_dma source(%dma_start3A_392 : memref<4000xi32, #tpu.memory_space<hbm>>) target(%arg18 : memref<4000xi32, #tpu.memory_space<vmem>>) target_semaphore(%arg34 : memref<!tpu.dma_semaphore, #tpu.memory_space<semaphore_mem>>)
        %dma_start3A_393 = tpu.memref_slice %arg4[%add3A_390] : memref<3200000xi32, #tpu.memory_space<hbm>> -> memref<4000xi32, #tpu.memory_space<hbm>>
        %dma_start3A_394 = tpu.memref_slice %arg4[%add3A_390] : memref<3200000xi32, #tpu.memory_space<hbm>> -> memref<4000xi32, #tpu.memory_space<hbm>>
        tpu.enqueue_dma source(%dma_start3A_394 : memref<4000xi32, #tpu.memory_space<hbm>>) target(%arg20 : memref<4000xi32, #tpu.memory_space<vmem>>) target_semaphore(%arg34 : memref<!tpu.dma_semaphore, #tpu.memory_space<semaphore_mem>>)
        %add3A_395 = arith.constant 0 : i32
        %add3A_396 = arith.addi %add3A_395, %add3A_390 : i32
        %dma_start3A_397 = tpu.memref_slice %arg5[%add3A_396] : memref<12800000xf32, #tpu.memory_space<hbm>> -> memref<4000xf32, #tpu.memory_space<hbm>>
        %dma_start3A_398 = tpu.memref_slice %arg5[%add3A_396] : memref<12800000xf32, #tpu.memory_space<hbm>> -> memref<4000xf32, #tpu.memory_space<hbm>>
        tpu.enqueue_dma source(%dma_start3A_398 : memref<4000xf32, #tpu.memory_space<hbm>>) target(%arg22 : memref<4000xf32, #tpu.memory_space<vmem>>) target_semaphore(%arg34 : memref<!tpu.dma_semaphore, #tpu.memory_space<semaphore_mem>>)
        %add3A_399 = arith.constant 3200000 : i32
        %add3A_400 = arith.addi %add3A_399, %add3A_390 : i32
        %dma_start3A_401 = tpu.memref_slice %arg5[%add3A_400] : memref<12800000xf32, #tpu.memory_space<hbm>> -> memref<4000xf32, #tpu.memory_space<hbm>>
        %dma_start3A_402 = tpu.memref_slice %arg5[%add3A_400] : memref<12800000xf32, #tpu.memory_space<hbm>> -> memref<4000xf32, #tpu.memory_space<hbm>>
        tpu.enqueue_dma source(%dma_start3A_402 : memref<4000xf32, #tpu.memory_space<hbm>>) target(%arg23 : memref<4000xf32, #tpu.memory_space<vmem>>) target_semaphore(%arg34 : memref<!tpu.dma_semaphore, #tpu.memory_space<semaphore_mem>>)
        %add3A_403 = arith.constant 6400000 : i32
        %add3A_404 = arith.addi %add3A_403, %add3A_390 : i32
        %dma_start3A_405 = tpu.memref_slice %arg5[%add3A_404] : memref<12800000xf32, #tpu.memory_space<hbm>> -> memref<4000xf32, #tpu.memory_space<hbm>>
        %dma_start3A_406 = tpu.memref_slice %arg5[%add3A_404] : memref<12800000xf32, #tpu.memory_space<hbm>> -> memref<4000xf32, #tpu.memory_space<hbm>>
        tpu.enqueue_dma source(%dma_start3A_406 : memref<4000xf32, #tpu.memory_space<hbm>>) target(%arg24 : memref<4000xf32, #tpu.memory_space<vmem>>) target_semaphore(%arg34 : memref<!tpu.dma_semaphore, #tpu.memory_space<semaphore_mem>>)
        %add3A_407 = arith.constant 9600000 : i32
        %add3A_408 = arith.addi %add3A_407, %add3A_390 : i32
        %dma_start3A_409 = tpu.memref_slice %arg5[%add3A_408] : memref<12800000xf32, #tpu.memory_space<hbm>> -> memref<4000xf32, #tpu.memory_space<hbm>>
        %dma_start3A_410 = tpu.memref_slice %arg5[%add3A_408] : memref<12800000xf32, #tpu.memory_space<hbm>> -> memref<4000xf32, #tpu.memory_space<hbm>>
        tpu.enqueue_dma source(%dma_start3A_410 : memref<4000xf32, #tpu.memory_space<hbm>>) target(%arg25 : memref<4000xf32, #tpu.memory_space<vmem>>) target_semaphore(%arg34 : memref<!tpu.dma_semaphore, #tpu.memory_space<semaphore_mem>>)
      } else {
      }
      %dma_start3A_342 = arith.constant 0 : i32
      %dma_start3A_343 = tpu.memref_slice %arg8[%dma_start3A_342] : memref<100352xf32, #tpu.memory_space<vmem_shared>> -> memref<100352xf32, #tpu.memory_space<vmem_shared>>
      tpu.enqueue_indirect_dma source(%dma_start3A_343 : memref<100352xf32, #tpu.memory_space<vmem_shared>>) target(%arg30 : memref<4000xf32, #tpu.memory_space<vmem>>) offsets(%arg19 : memref<4000xi32, #tpu.memory_space<vmem>>) semaphore(%arg35 : memref<!tpu.dma_semaphore, #tpu.memory_space<semaphore_mem>>)
      %dma_start3A_344 = arith.constant 0 : i32
      %dma_start3A_345 = tpu.memref_slice %arg9[%dma_start3A_344] : memref<100352xf32, #tpu.memory_space<vmem_shared>> -> memref<100352xf32, #tpu.memory_space<vmem_shared>>
      tpu.enqueue_indirect_dma source(%dma_start3A_345 : memref<100352xf32, #tpu.memory_space<vmem_shared>>) target(%arg31 : memref<4000xf32, #tpu.memory_space<vmem>>) offsets(%arg19 : memref<4000xi32, #tpu.memory_space<vmem>>) semaphore(%arg35 : memref<!tpu.dma_semaphore, #tpu.memory_space<semaphore_mem>>)
      %dma_start3A_346 = arith.constant 0 : i32
      %dma_start3A_347 = tpu.memref_slice %arg10[%dma_start3A_346] : memref<100352xf32, #tpu.memory_space<vmem_shared>> -> memref<100352xf32, #tpu.memory_space<vmem_shared>>
      tpu.enqueue_indirect_dma source(%dma_start3A_347 : memref<100352xf32, #tpu.memory_space<vmem_shared>>) target(%arg32 : memref<4000xf32, #tpu.memory_space<vmem>>) offsets(%arg19 : memref<4000xi32, #tpu.memory_space<vmem>>) semaphore(%arg35 : memref<!tpu.dma_semaphore, #tpu.memory_space<semaphore_mem>>)
      %dma_start3A_348 = arith.constant 0 : i32
      %dma_start3A_349 = tpu.memref_slice %arg11[%dma_start3A_348] : memref<100352xf32, #tpu.memory_space<vmem_shared>> -> memref<100352xf32, #tpu.memory_space<vmem_shared>>
      tpu.enqueue_indirect_dma source(%dma_start3A_349 : memref<100352xf32, #tpu.memory_space<vmem_shared>>) target(%arg33 : memref<4000xf32, #tpu.memory_space<vmem>>) offsets(%arg19 : memref<4000xi32, #tpu.memory_space<vmem>>) semaphore(%arg35 : memref<!tpu.dma_semaphore, #tpu.memory_space<semaphore_mem>>)
      %dma_wait3A_350 = arith.constant 0 : i32
      %dma_wait3A_351 = tpu.memref_slice %arg8[%dma_wait3A_350] : memref<100352xf32, #tpu.memory_space<vmem_shared>> -> memref<100352xf32, #tpu.memory_space<vmem_shared>>
      tpu.wait_indirect_dma semaphore(%arg35 : memref<!tpu.dma_semaphore, #tpu.memory_space<semaphore_mem>>) src(%dma_wait3A_351 : memref<100352xf32, #tpu.memory_space<vmem_shared>>) dst(%arg30 : memref<4000xf32, #tpu.memory_space<vmem>>)
      %parallel_loop3A_352 = arith.constant 0 : i32
      %parallel_loop3A_353 = arith.constant 250 : i32
      %parallel_loop3A_354 = arith.constant 1 : i32
      scf.for %parallel_loop3A_386 = %parallel_loop3A_352 to %parallel_loop3A_353 step %parallel_loop3A_354  : i32 {
        %parallel_loop3A_387 = arith.constant 16 : i32
        %parallel_loop3A_388 = arith.muli %parallel_loop3A_386, %parallel_loop3A_387 : i32
        %parallel_loop3A_389 = arith.index_cast %parallel_loop3A_388 : i32 to index
        %parallel_loop3A_390 = tpu.vector_load %arg30[%parallel_loop3A_389] {strides = array<i32>} : memref<4000xf32, #tpu.memory_space<vmem>>, vector<16xf32>,
        %parallel_loop3A_391 = vector.shape_cast %parallel_loop3A_390 : vector<16xf32> to vector<16xf32>
        %parallel_loop3A_392 = arith.index_cast %parallel_loop3A_388 : i32 to index
        %parallel_loop3A_393 = tpu.vector_load %arg26[%parallel_loop3A_392] {strides = array<i32>} : memref<4000xf32, #tpu.memory_space<vmem>>, vector<16xf32>,
        %parallel_loop3A_394 = vector.shape_cast %parallel_loop3A_393 : vector<16xf32> to vector<16xf32>
        %parallel_loop3A_395 = arith.mulf %parallel_loop3A_391, %parallel_loop3A_394 : vector<16xf32>
        %parallel_loop3A_396 = arith.index_cast %parallel_loop3A_388 : i32 to index
        %parallel_loop3A_397 = tpu.vector_load %arg30[%parallel_loop3A_396] {strides = array<i32>} : memref<4000xf32, #tpu.memory_space<vmem>>, vector<16xf32>,
        %parallel_loop3A_398 = vector.shape_cast %parallel_loop3A_397 : vector<16xf32> to vector<16xf32>
        %parallel_loop3A_399 = vector.shape_cast %parallel_loop3A_395 : vector<16xf32> to vector<16xf32>
        tpu.vector_store %arg30[%parallel_loop3A_396], %parallel_loop3A_399 {strides = array<i32>} : memref<4000xf32, #tpu.memory_space<vmem>>, vector<16xf32>,
      } {sc.loop_unroll_factor = 4 : i64, sc.parallel_access}
      %dma_start3A_355 = arith.constant 0 : i32
      %dma_start3A_356 = tpu.memref_slice %arg12[%dma_start3A_355] : memref<100352xf32, #tpu.memory_space<vmem_shared>> -> memref<100352xf32, #tpu.memory_space<vmem_shared>>
      tpu.enqueue_indirect_dma source(%arg30 : memref<4000xf32, #tpu.memory_space<vmem>>) target(%dma_start3A_356 : memref<100352xf32, #tpu.memory_space<vmem_shared>>) offsets(%arg21 : memref<4000xi32, #tpu.memory_space<vmem>>) semaphore(%arg36 : memref<!tpu.dma_semaphore, #tpu.memory_space<semaphore_mem>>) {add = true}
      %dma_wait3A_357 = arith.constant 0 : i32
      %dma_wait3A_358 = tpu.memref_slice %arg9[%dma_wait3A_357] : memref<100352xf32, #tpu.memory_space<vmem_shared>> -> memref<100352xf32, #tpu.memory_space<vmem_shared>>
      tpu.wait_indirect_dma semaphore(%arg35 : memref<!tpu.dma_semaphore, #tpu.memory_space<semaphore_mem>>) src(%dma_wait3A_358 : memref<100352xf32, #tpu.memory_space<vmem_shared>>) dst(%arg31 : memref<4000xf32, #tpu.memory_space<vmem>>)
      %parallel_loop3A_359 = arith.constant 0 : i32
      %parallel_loop3A_360 = arith.constant 250 : i32
      %parallel_loop3A_361 = arith.constant 1 : i32
      scf.for %parallel_loop3A_386 = %parallel_loop3A_359 to %parallel_loop3A_360 step %parallel_loop3A_361  : i32 {
        %parallel_loop3A_387 = arith.constant 16 : i32
        %parallel_loop3A_388 = arith.muli %parallel_loop3A_386, %parallel_loop3A_387 : i32
        %parallel_loop3A_389 = arith.index_cast %parallel_loop3A_388 : i32 to index
        %parallel_loop3A_390 = tpu.vector_load %arg31[%parallel_loop3A_389] {strides = array<i32>} : memref<4000xf32, #tpu.memory_space<vmem>>, vector<16xf32>,
        %parallel_loop3A_391 = vector.shape_cast %parallel_loop3A_390 : vector<16xf32> to vector<16xf32>
        %parallel_loop3A_392 = arith.index_cast %parallel_loop3A_388 : i32 to index
        %parallel_loop3A_393 = tpu.vector_load %arg27[%parallel_loop3A_392] {strides = array<i32>} : memref<4000xf32, #tpu.memory_space<vmem>>, vector<16xf32>,
        %parallel_loop3A_394 = vector.shape_cast %parallel_loop3A_393 : vector<16xf32> to vector<16xf32>
        %parallel_loop3A_395 = arith.mulf %parallel_loop3A_391, %parallel_loop3A_394 : vector<16xf32>
        %parallel_loop3A_396 = arith.index_cast %parallel_loop3A_388 : i32 to index
        %parallel_loop3A_397 = tpu.vector_load %arg31[%parallel_loop3A_396] {strides = array<i32>} : memref<4000xf32, #tpu.memory_space<vmem>>, vector<16xf32>,
        %parallel_loop3A_398 = vector.shape_cast %parallel_loop3A_397 : vector<16xf32> to vector<16xf32>
        %parallel_loop3A_399 = vector.shape_cast %parallel_loop3A_395 : vector<16xf32> to vector<16xf32>
        tpu.vector_store %arg31[%parallel_loop3A_396], %parallel_loop3A_399 {strides = array<i32>} : memref<4000xf32, #tpu.memory_space<vmem>>, vector<16xf32>,
      } {sc.loop_unroll_factor = 4 : i64, sc.parallel_access}
      %dma_start3A_362 = arith.constant 0 : i32
      %dma_start3A_363 = tpu.memref_slice %arg13[%dma_start3A_362] : memref<100352xf32, #tpu.memory_space<vmem_shared>> -> memref<100352xf32, #tpu.memory_space<vmem_shared>>
      tpu.enqueue_indirect_dma source(%arg31 : memref<4000xf32, #tpu.memory_space<vmem>>) target(%dma_start3A_363 : memref<100352xf32, #tpu.memory_space<vmem_shared>>) offsets(%arg21 : memref<4000xi32, #tpu.memory_space<vmem>>) semaphore(%arg36 : memref<!tpu.dma_semaphore, #tpu.memory_space<semaphore_mem>>) {add = true}
      %dma_wait3A_364 = arith.constant 0 : i32
      %dma_wait3A_365 = tpu.memref_slice %arg10[%dma_wait3A_364] : memref<100352xf32, #tpu.memory_space<vmem_shared>> -> memref<100352xf32, #tpu.memory_space<vmem_shared>>
      tpu.wait_indirect_dma semaphore(%arg35 : memref<!tpu.dma_semaphore, #tpu.memory_space<semaphore_mem>>) src(%dma_wait3A_365 : memref<100352xf32, #tpu.memory_space<vmem_shared>>) dst(%arg32 : memref<4000xf32, #tpu.memory_space<vmem>>)
      %parallel_loop3A_366 = arith.constant 0 : i32
      %parallel_loop3A_367 = arith.constant 250 : i32
      %parallel_loop3A_368 = arith.constant 1 : i32
      scf.for %parallel_loop3A_386 = %parallel_loop3A_366 to %parallel_loop3A_367 step %parallel_loop3A_368  : i32 {
        %parallel_loop3A_387 = arith.constant 16 : i32
        %parallel_loop3A_388 = arith.muli %parallel_loop3A_386, %parallel_loop3A_387 : i32
        %parallel_loop3A_389 = arith.index_cast %parallel_loop3A_388 : i32 to index
        %parallel_loop3A_390 = tpu.vector_load %arg32[%parallel_loop3A_389] {strides = array<i32>} : memref<4000xf32, #tpu.memory_space<vmem>>, vector<16xf32>,
        %parallel_loop3A_391 = vector.shape_cast %parallel_loop3A_390 : vector<16xf32> to vector<16xf32>
        %parallel_loop3A_392 = arith.index_cast %parallel_loop3A_388 : i32 to index
        %parallel_loop3A_393 = tpu.vector_load %arg28[%parallel_loop3A_392] {strides = array<i32>} : memref<4000xf32, #tpu.memory_space<vmem>>, vector<16xf32>,
        %parallel_loop3A_394 = vector.shape_cast %parallel_loop3A_393 : vector<16xf32> to vector<16xf32>
        %parallel_loop3A_395 = arith.mulf %parallel_loop3A_391, %parallel_loop3A_394 : vector<16xf32>
        %parallel_loop3A_396 = arith.index_cast %parallel_loop3A_388 : i32 to index
        %parallel_loop3A_397 = tpu.vector_load %arg32[%parallel_loop3A_396] {strides = array<i32>} : memref<4000xf32, #tpu.memory_space<vmem>>, vector<16xf32>,
        %parallel_loop3A_398 = vector.shape_cast %parallel_loop3A_397 : vector<16xf32> to vector<16xf32>
        %parallel_loop3A_399 = vector.shape_cast %parallel_loop3A_395 : vector<16xf32> to vector<16xf32>
        tpu.vector_store %arg32[%parallel_loop3A_396], %parallel_loop3A_399 {strides = array<i32>} : memref<4000xf32, #tpu.memory_space<vmem>>, vector<16xf32>,
      } {sc.loop_unroll_factor = 4 : i64, sc.parallel_access}
      %dma_start3A_369 = arith.constant 0 : i32
      %dma_start3A_370 = tpu.memref_slice %arg14[%dma_start3A_369] : memref<100352xf32, #tpu.memory_space<vmem_shared>> -> memref<100352xf32, #tpu.memory_space<vmem_shared>>
      tpu.enqueue_indirect_dma source(%arg32 : memref<4000xf32, #tpu.memory_space<vmem>>) target(%dma_start3A_370 : memref<100352xf32, #tpu.memory_space<vmem_shared>>) offsets(%arg21 : memref<4000xi32, #tpu.memory_space<vmem>>) semaphore(%arg36 : memref<!tpu.dma_semaphore, #tpu.memory_space<semaphore_mem>>) {add = true}
      %dma_wait3A_371 = arith.constant 0 : i32
      %dma_wait3A_372 = tpu.memref_slice %arg11[%dma_wait3A_371] : memref<100352xf32, #tpu.memory_space<vmem_shared>> -> memref<100352xf32, #tpu.memory_space<vmem_shared>>
      tpu.wait_indirect_dma semaphore(%arg35 : memref<!tpu.dma_semaphore, #tpu.memory_space<semaphore_mem>>) src(%dma_wait3A_372 : memref<100352xf32, #tpu.memory_space<vmem_shared>>) dst(%arg33 : memref<4000xf32, #tpu.memory_space<vmem>>)
      %parallel_loop3A_373 = arith.constant 0 : i32
      %parallel_loop3A_374 = arith.constant 250 : i32
      %parallel_loop3A_375 = arith.constant 1 : i32
      scf.for %parallel_loop3A_386 = %parallel_loop3A_373 to %parallel_loop3A_374 step %parallel_loop3A_375  : i32 {
        %parallel_loop3A_387 = arith.constant 16 : i32
        %parallel_loop3A_388 = arith.muli %parallel_loop3A_386, %parallel_loop3A_387 : i32
        %parallel_loop3A_389 = arith.index_cast %parallel_loop3A_388 : i32 to index
        %parallel_loop3A_390 = tpu.vector_load %arg33[%parallel_loop3A_389] {strides = array<i32>} : memref<4000xf32, #tpu.memory_space<vmem>>, vector<16xf32>,
        %parallel_loop3A_391 = vector.shape_cast %parallel_loop3A_390 : vector<16xf32> to vector<16xf32>
        %parallel_loop3A_392 = arith.index_cast %parallel_loop3A_388 : i32 to index
        %parallel_loop3A_393 = tpu.vector_load %arg29[%parallel_loop3A_392] {strides = array<i32>} : memref<4000xf32, #tpu.memory_space<vmem>>, vector<16xf32>,
        %parallel_loop3A_394 = vector.shape_cast %parallel_loop3A_393 : vector<16xf32> to vector<16xf32>
        %parallel_loop3A_395 = arith.mulf %parallel_loop3A_391, %parallel_loop3A_394 : vector<16xf32>
        %parallel_loop3A_396 = arith.index_cast %parallel_loop3A_388 : i32 to index
        %parallel_loop3A_397 = tpu.vector_load %arg33[%parallel_loop3A_396] {strides = array<i32>} : memref<4000xf32, #tpu.memory_space<vmem>>, vector<16xf32>,
        %parallel_loop3A_398 = vector.shape_cast %parallel_loop3A_397 : vector<16xf32> to vector<16xf32>
        %parallel_loop3A_399 = vector.shape_cast %parallel_loop3A_395 : vector<16xf32> to vector<16xf32>
        tpu.vector_store %arg33[%parallel_loop3A_396], %parallel_loop3A_399 {strides = array<i32>} : memref<4000xf32, #tpu.memory_space<vmem>>, vector<16xf32>,
      } {sc.loop_unroll_factor = 4 : i64, sc.parallel_access}
      %dma_start3A_376 = arith.constant 0 : i32
      %dma_start3A_377 = tpu.memref_slice %arg15[%dma_start3A_376] : memref<100352xf32, #tpu.memory_space<vmem_shared>> -> memref<100352xf32, #tpu.memory_space<vmem_shared>>
      tpu.enqueue_indirect_dma source(%arg33 : memref<4000xf32, #tpu.memory_space<vmem>>) target(%dma_start3A_377 : memref<100352xf32, #tpu.memory_space<vmem_shared>>) offsets(%arg21 : memref<4000xi32, #tpu.memory_space<vmem>>) semaphore(%arg36 : memref<!tpu.dma_semaphore, #tpu.memory_space<semaphore_mem>>) {add = true}
      %dma_wait3A_378 = arith.constant 0 : i32
      %dma_wait3A_379 = tpu.memref_slice %arg12[%dma_wait3A_378] : memref<100352xf32, #tpu.memory_space<vmem_shared>> -> memref<100352xf32, #tpu.memory_space<vmem_shared>>
      tpu.wait_indirect_dma semaphore(%arg36 : memref<!tpu.dma_semaphore, #tpu.memory_space<semaphore_mem>>) src(%arg30 : memref<4000xf32, #tpu.memory_space<vmem>>) dst(%dma_wait3A_379 : memref<100352xf32, #tpu.memory_space<vmem_shared>>)
      %dma_wait3A_380 = arith.constant 0 : i32
      %dma_wait3A_381 = tpu.memref_slice %arg13[%dma_wait3A_380] : memref<100352xf32, #tpu.memory_space<vmem_shared>> -> memref<100352xf32, #tpu.memory_space<vmem_shared>>
      tpu.wait_indirect_dma semaphore(%arg36 : memref<!tpu.dma_semaphore, #tpu.memory_space<semaphore_mem>>) src(%arg31 : memref<4000xf32, #tpu.memory_space<vmem>>) dst(%dma_wait3A_381 : memref<100352xf32, #tpu.memory_space<vmem_shared>>)
      %dma_wait3A_382 = arith.constant 0 : i32
      %dma_wait3A_383 = tpu.memref_slice %arg14[%dma_wait3A_382] : memref<100352xf32, #tpu.memory_space<vmem_shared>> -> memref<100352xf32, #tpu.memory_space<vmem_shared>>
      tpu.wait_indirect_dma semaphore(%arg36 : memref<!tpu.dma_semaphore, #tpu.memory_space<semaphore_mem>>) src(%arg32 : memref<4000xf32, #tpu.memory_space<vmem>>) dst(%dma_wait3A_383 : memref<100352xf32, #tpu.memory_space<vmem_shared>>)
      %dma_wait3A_384 = arith.constant 0 : i32
      %dma_wait3A_385 = tpu.memref_slice %arg15[%dma_wait3A_384] : memref<100352xf32, #tpu.memory_space<vmem_shared>> -> memref<100352xf32, #tpu.memory_space<vmem_shared>>
      tpu.wait_indirect_dma semaphore(%arg36 : memref<!tpu.dma_semaphore, #tpu.memory_space<semaphore_mem>>) src(%arg33 : memref<4000xf32, #tpu.memory_space<vmem>>) dst(%dma_wait3A_385 : memref<100352xf32, #tpu.memory_space<vmem_shared>>)
    }
    %scan3A_132 = arith.constant 12 : i32
    %add3A_133 = arith.constant 96000 : i32
    %add3A_134 = arith.addi %mul3A_82, %add3A_133 : i32
    %dma_wait3A = tpu.memref_slice %arg3[%add3A_134] : memref<3200000xi32, #tpu.memory_space<hbm>> -> memref<4000xi32, #tpu.memory_space<hbm>>
    %dma_wait3A_135 = tpu.memref_slice %arg3[%add3A_134] : memref<3200000xi32, #tpu.memory_space<hbm>> -> memref<4000xi32, #tpu.memory_space<hbm>>
    tpu.wait_dma2 semaphore(%arg34 : memref<!tpu.dma_semaphore, #tpu.memory_space<semaphore_mem>>) src(%dma_wait3A_135 : memref<4000xi32, #tpu.memory_space<hbm>>) dst(%arg18 : memref<4000xi32, #tpu.memory_space<vmem>>)
    %dma_wait3A_136 = tpu.memref_slice %arg4[%add3A_134] : memref<3200000xi32, #tpu.memory_space<hbm>> -> memref<4000xi32, #tpu.memory_space<hbm>>
    %dma_wait3A_137 = tpu.memref_slice %arg4[%add3A_134] : memref<3200000xi32, #tpu.memory_space<hbm>> -> memref<4000xi32, #tpu.memory_space<hbm>>
    tpu.wait_dma2 semaphore(%arg34 : memref<!tpu.dma_semaphore, #tpu.memory_space<semaphore_mem>>) src(%dma_wait3A_137 : memref<4000xi32, #tpu.memory_space<hbm>>) dst(%arg20 : memref<4000xi32, #tpu.memory_space<vmem>>)
    %add3A_138 = arith.constant 0 : i32
    %add3A_139 = arith.addi %add3A_138, %add3A_134 : i32
    %dma_wait3A_140 = tpu.memref_slice %arg5[%add3A_139] : memref<12800000xf32, #tpu.memory_space<hbm>> -> memref<4000xf32, #tpu.memory_space<hbm>>
    %dma_wait3A_141 = tpu.memref_slice %arg5[%add3A_139] : memref<12800000xf32, #tpu.memory_space<hbm>> -> memref<4000xf32, #tpu.memory_space<hbm>>
    tpu.wait_dma2 semaphore(%arg34 : memref<!tpu.dma_semaphore, #tpu.memory_space<semaphore_mem>>) src(%dma_wait3A_141 : memref<4000xf32, #tpu.memory_space<hbm>>) dst(%arg22 : memref<4000xf32, #tpu.memory_space<vmem>>)
    %add3A_142 = arith.constant 3200000 : i32
    %add3A_143 = arith.addi %add3A_142, %add3A_134 : i32
    %dma_wait3A_144 = tpu.memref_slice %arg5[%add3A_143] : memref<12800000xf32, #tpu.memory_space<hbm>> -> memref<4000xf32, #tpu.memory_space<hbm>>
    %dma_wait3A_145 = tpu.memref_slice %arg5[%add3A_143] : memref<12800000xf32, #tpu.memory_space<hbm>> -> memref<4000xf32, #tpu.memory_space<hbm>>
    tpu.wait_dma2 semaphore(%arg34 : memref<!tpu.dma_semaphore, #tpu.memory_space<semaphore_mem>>) src(%dma_wait3A_145 : memref<4000xf32, #tpu.memory_space<hbm>>) dst(%arg23 : memref<4000xf32, #tpu.memory_space<vmem>>)
    %add3A_146 = arith.constant 6400000 : i32
    %add3A_147 = arith.addi %add3A_146, %add3A_134 : i32
    %dma_wait3A_148 = tpu.memref_slice %arg5[%add3A_147] : memref<12800000xf32, #tpu.memory_space<hbm>> -> memref<4000xf32, #tpu.memory_space<hbm>>
    %dma_wait3A_149 = tpu.memref_slice %arg5[%add3A_147] : memref<12800000xf32, #tpu.memory_space<hbm>> -> memref<4000xf32, #tpu.memory_space<hbm>>
    tpu.wait_dma2 semaphore(%arg34 : memref<!tpu.dma_semaphore, #tpu.memory_space<semaphore_mem>>) src(%dma_wait3A_149 : memref<4000xf32, #tpu.memory_space<hbm>>) dst(%arg24 : memref<4000xf32, #tpu.memory_space<vmem>>)
    %add3A_150 = arith.constant 9600000 : i32
    %add3A_151 = arith.addi %add3A_150, %add3A_134 : i32
    %dma_wait3A_152 = tpu.memref_slice %arg5[%add3A_151] : memref<12800000xf32, #tpu.memory_space<hbm>> -> memref<4000xf32, #tpu.memory_space<hbm>>
    %dma_wait3A_153 = tpu.memref_slice %arg5[%add3A_151] : memref<12800000xf32, #tpu.memory_space<hbm>> -> memref<4000xf32, #tpu.memory_space<hbm>>
    tpu.wait_dma2 semaphore(%arg34 : memref<!tpu.dma_semaphore, #tpu.memory_space<semaphore_mem>>) src(%dma_wait3A_153 : memref<4000xf32, #tpu.memory_space<hbm>>) dst(%arg25 : memref<4000xf32, #tpu.memory_space<vmem>>)
    %dma_start3A_154 = arith.constant 0 : i32
    %dma_start3A_155 = tpu.memref_slice %arg8[%dma_start3A_154] : memref<100352xf32, #tpu.memory_space<vmem_shared>> -> memref<100352xf32, #tpu.memory_space<vmem_shared>>
    tpu.enqueue_indirect_dma source(%dma_start3A_155 : memref<100352xf32, #tpu.memory_space<vmem_shared>>) target(%arg30 : memref<4000xf32, #tpu.memory_space<vmem>>) offsets(%arg18 : memref<4000xi32, #tpu.memory_space<vmem>>) semaphore(%arg35 : memref<!tpu.dma_semaphore, #tpu.memory_space<semaphore_mem>>)
    %dma_start3A_156 = arith.constant 0 : i32
    %dma_start3A_157 = tpu.memref_slice %arg9[%dma_start3A_156] : memref<100352xf32, #tpu.memory_space<vmem_shared>> -> memref<100352xf32, #tpu.memory_space<vmem_shared>>
    tpu.enqueue_indirect_dma source(%dma_start3A_157 : memref<100352xf32, #tpu.memory_space<vmem_shared>>) target(%arg31 : memref<4000xf32, #tpu.memory_space<vmem>>) offsets(%arg18 : memref<4000xi32, #tpu.memory_space<vmem>>) semaphore(%arg35 : memref<!tpu.dma_semaphore, #tpu.memory_space<semaphore_mem>>)
    %dma_start3A_158 = arith.constant 0 : i32
    %dma_start3A_159 = tpu.memref_slice %arg10[%dma_start3A_158] : memref<100352xf32, #tpu.memory_space<vmem_shared>> -> memref<100352xf32, #tpu.memory_space<vmem_shared>>
    tpu.enqueue_indirect_dma source(%dma_start3A_159 : memref<100352xf32, #tpu.memory_space<vmem_shared>>) target(%arg32 : memref<4000xf32, #tpu.memory_space<vmem>>) offsets(%arg18 : memref<4000xi32, #tpu.memory_space<vmem>>) semaphore(%arg35 : memref<!tpu.dma_semaphore, #tpu.memory_space<semaphore_mem>>)
    %dma_start3A_160 = arith.constant 0 : i32
    %dma_start3A_161 = tpu.memref_slice %arg11[%dma_start3A_160] : memref<100352xf32, #tpu.memory_space<vmem_shared>> -> memref<100352xf32, #tpu.memory_space<vmem_shared>>
    tpu.enqueue_indirect_dma source(%dma_start3A_161 : memref<100352xf32, #tpu.memory_space<vmem_shared>>) target(%arg33 : memref<4000xf32, #tpu.memory_space<vmem>>) offsets(%arg18 : memref<4000xi32, #tpu.memory_space<vmem>>) semaphore(%arg35 : memref<!tpu.dma_semaphore, #tpu.memory_space<semaphore_mem>>)
    %dma_wait3A_162 = arith.constant 0 : i32
    %dma_wait3A_163 = tpu.memref_slice %arg8[%dma_wait3A_162] : memref<100352xf32, #tpu.memory_space<vmem_shared>> -> memref<100352xf32, #tpu.memory_space<vmem_shared>>
    tpu.wait_indirect_dma semaphore(%arg35 : memref<!tpu.dma_semaphore, #tpu.memory_space<semaphore_mem>>) src(%dma_wait3A_163 : memref<100352xf32, #tpu.memory_space<vmem_shared>>) dst(%arg30 : memref<4000xf32, #tpu.memory_space<vmem>>)
    %parallel_loop3A = arith.constant 0 : i32
    %parallel_loop3A_164 = arith.constant 250 : i32
    %parallel_loop3A_165 = arith.constant 1 : i32
    scf.for %parallel_loop3A_226 = %parallel_loop3A to %parallel_loop3A_164 step %parallel_loop3A_165  : i32 {
      %parallel_loop3A_227 = arith.constant 16 : i32
      %parallel_loop3A_228 = arith.muli %parallel_loop3A_226, %parallel_loop3A_227 : i32
      %parallel_loop3A_229 = arith.index_cast %parallel_loop3A_228 : i32 to index
      %parallel_loop3A_230 = tpu.vector_load %arg30[%parallel_loop3A_229] {strides = array<i32>} : memref<4000xf32, #tpu.memory_space<vmem>>, vector<16xf32>,
      %parallel_loop3A_231 = vector.shape_cast %parallel_loop3A_230 : vector<16xf32> to vector<16xf32>
      %parallel_loop3A_232 = arith.index_cast %parallel_loop3A_228 : i32 to index
      %parallel_loop3A_233 = tpu.vector_load %arg22[%parallel_loop3A_232] {strides = array<i32>} : memref<4000xf32, #tpu.memory_space<vmem>>, vector<16xf32>,
      %parallel_loop3A_234 = vector.shape_cast %parallel_loop3A_233 : vector<16xf32> to vector<16xf32>
      %parallel_loop3A_235 = arith.mulf %parallel_loop3A_231, %parallel_loop3A_234 : vector<16xf32>
      %parallel_loop3A_236 = arith.index_cast %parallel_loop3A_228 : i32 to index
      %parallel_loop3A_237 = tpu.vector_load %arg30[%parallel_loop3A_236] {strides = array<i32>} : memref<4000xf32, #tpu.memory_space<vmem>>, vector<16xf32>,
      %parallel_loop3A_238 = vector.shape_cast %parallel_loop3A_237 : vector<16xf32> to vector<16xf32>
      %parallel_loop3A_239 = vector.shape_cast %parallel_loop3A_235 : vector<16xf32> to vector<16xf32>
      tpu.vector_store %arg30[%parallel_loop3A_236], %parallel_loop3A_239 {strides = array<i32>} : memref<4000xf32, #tpu.memory_space<vmem>>, vector<16xf32>,
    } {sc.loop_unroll_factor = 4 : i64, sc.parallel_access}
    %dma_start3A_166 = arith.constant 0 : i32
    %dma_start3A_167 = tpu.memref_slice %arg12[%dma_start3A_166] : memref<100352xf32, #tpu.memory_space<vmem_shared>> -> memref<100352xf32, #tpu.memory_space<vmem_shared>>
    tpu.enqueue_indirect_dma source(%arg30 : memref<4000xf32, #tpu.memory_space<vmem>>) target(%dma_start3A_167 : memref<100352xf32, #tpu.memory_space<vmem_shared>>) offsets(%arg20 : memref<4000xi32, #tpu.memory_space<vmem>>) semaphore(%arg36 : memref<!tpu.dma_semaphore, #tpu.memory_space<semaphore_mem>>) {add = true}
    %dma_wait3A_168 = arith.constant 0 : i32
    %dma_wait3A_169 = tpu.memref_slice %arg9[%dma_wait3A_168] : memref<100352xf32, #tpu.memory_space<vmem_shared>> -> memref<100352xf32, #tpu.memory_space<vmem_shared>>
    tpu.wait_indirect_dma semaphore(%arg35 : memref<!tpu.dma_semaphore, #tpu.memory_space<semaphore_mem>>) src(%dma_wait3A_169 : memref<100352xf32, #tpu.memory_space<vmem_shared>>) dst(%arg31 : memref<4000xf32, #tpu.memory_space<vmem>>)
    %parallel_loop3A_170 = arith.constant 0 : i32
    %parallel_loop3A_171 = arith.constant 250 : i32
    %parallel_loop3A_172 = arith.constant 1 : i32
    scf.for %parallel_loop3A_226 = %parallel_loop3A_170 to %parallel_loop3A_171 step %parallel_loop3A_172  : i32 {
      %parallel_loop3A_227 = arith.constant 16 : i32
      %parallel_loop3A_228 = arith.muli %parallel_loop3A_226, %parallel_loop3A_227 : i32
      %parallel_loop3A_229 = arith.index_cast %parallel_loop3A_228 : i32 to index
      %parallel_loop3A_230 = tpu.vector_load %arg31[%parallel_loop3A_229] {strides = array<i32>} : memref<4000xf32, #tpu.memory_space<vmem>>, vector<16xf32>,
      %parallel_loop3A_231 = vector.shape_cast %parallel_loop3A_230 : vector<16xf32> to vector<16xf32>
      %parallel_loop3A_232 = arith.index_cast %parallel_loop3A_228 : i32 to index
      %parallel_loop3A_233 = tpu.vector_load %arg23[%parallel_loop3A_232] {strides = array<i32>} : memref<4000xf32, #tpu.memory_space<vmem>>, vector<16xf32>,
      %parallel_loop3A_234 = vector.shape_cast %parallel_loop3A_233 : vector<16xf32> to vector<16xf32>
      %parallel_loop3A_235 = arith.mulf %parallel_loop3A_231, %parallel_loop3A_234 : vector<16xf32>
      %parallel_loop3A_236 = arith.index_cast %parallel_loop3A_228 : i32 to index
      %parallel_loop3A_237 = tpu.vector_load %arg31[%parallel_loop3A_236] {strides = array<i32>} : memref<4000xf32, #tpu.memory_space<vmem>>, vector<16xf32>,
      %parallel_loop3A_238 = vector.shape_cast %parallel_loop3A_237 : vector<16xf32> to vector<16xf32>
      %parallel_loop3A_239 = vector.shape_cast %parallel_loop3A_235 : vector<16xf32> to vector<16xf32>
      tpu.vector_store %arg31[%parallel_loop3A_236], %parallel_loop3A_239 {strides = array<i32>} : memref<4000xf32, #tpu.memory_space<vmem>>, vector<16xf32>,
    } {sc.loop_unroll_factor = 4 : i64, sc.parallel_access}
    %dma_start3A_173 = arith.constant 0 : i32
    %dma_start3A_174 = tpu.memref_slice %arg13[%dma_start3A_173] : memref<100352xf32, #tpu.memory_space<vmem_shared>> -> memref<100352xf32, #tpu.memory_space<vmem_shared>>
    tpu.enqueue_indirect_dma source(%arg31 : memref<4000xf32, #tpu.memory_space<vmem>>) target(%dma_start3A_174 : memref<100352xf32, #tpu.memory_space<vmem_shared>>) offsets(%arg20 : memref<4000xi32, #tpu.memory_space<vmem>>) semaphore(%arg36 : memref<!tpu.dma_semaphore, #tpu.memory_space<semaphore_mem>>) {add = true}
    %dma_wait3A_175 = arith.constant 0 : i32
    %dma_wait3A_176 = tpu.memref_slice %arg10[%dma_wait3A_175] : memref<100352xf32, #tpu.memory_space<vmem_shared>> -> memref<100352xf32, #tpu.memory_space<vmem_shared>>
    tpu.wait_indirect_dma semaphore(%arg35 : memref<!tpu.dma_semaphore, #tpu.memory_space<semaphore_mem>>) src(%dma_wait3A_176 : memref<100352xf32, #tpu.memory_space<vmem_shared>>) dst(%arg32 : memref<4000xf32, #tpu.memory_space<vmem>>)
    %parallel_loop3A_177 = arith.constant 0 : i32
    %parallel_loop3A_178 = arith.constant 250 : i32
    %parallel_loop3A_179 = arith.constant 1 : i32
    scf.for %parallel_loop3A_226 = %parallel_loop3A_177 to %parallel_loop3A_178 step %parallel_loop3A_179  : i32 {
      %parallel_loop3A_227 = arith.constant 16 : i32
      %parallel_loop3A_228 = arith.muli %parallel_loop3A_226, %parallel_loop3A_227 : i32
      %parallel_loop3A_229 = arith.index_cast %parallel_loop3A_228 : i32 to index
      %parallel_loop3A_230 = tpu.vector_load %arg32[%parallel_loop3A_229] {strides = array<i32>} : memref<4000xf32, #tpu.memory_space<vmem>>, vector<16xf32>,
      %parallel_loop3A_231 = vector.shape_cast %parallel_loop3A_230 : vector<16xf32> to vector<16xf32>
      %parallel_loop3A_232 = arith.index_cast %parallel_loop3A_228 : i32 to index
      %parallel_loop3A_233 = tpu.vector_load %arg24[%parallel_loop3A_232] {strides = array<i32>} : memref<4000xf32, #tpu.memory_space<vmem>>, vector<16xf32>,
      %parallel_loop3A_234 = vector.shape_cast %parallel_loop3A_233 : vector<16xf32> to vector<16xf32>
      %parallel_loop3A_235 = arith.mulf %parallel_loop3A_231, %parallel_loop3A_234 : vector<16xf32>
      %parallel_loop3A_236 = arith.index_cast %parallel_loop3A_228 : i32 to index
      %parallel_loop3A_237 = tpu.vector_load %arg32[%parallel_loop3A_236] {strides = array<i32>} : memref<4000xf32, #tpu.memory_space<vmem>>, vector<16xf32>,
      %parallel_loop3A_238 = vector.shape_cast %parallel_loop3A_237 : vector<16xf32> to vector<16xf32>
      %parallel_loop3A_239 = vector.shape_cast %parallel_loop3A_235 : vector<16xf32> to vector<16xf32>
      tpu.vector_store %arg32[%parallel_loop3A_236], %parallel_loop3A_239 {strides = array<i32>} : memref<4000xf32, #tpu.memory_space<vmem>>, vector<16xf32>,
    } {sc.loop_unroll_factor = 4 : i64, sc.parallel_access}
    %dma_start3A_180 = arith.constant 0 : i32
    %dma_start3A_181 = tpu.memref_slice %arg14[%dma_start3A_180] : memref<100352xf32, #tpu.memory_space<vmem_shared>> -> memref<100352xf32, #tpu.memory_space<vmem_shared>>
    tpu.enqueue_indirect_dma source(%arg32 : memref<4000xf32, #tpu.memory_space<vmem>>) target(%dma_start3A_181 : memref<100352xf32, #tpu.memory_space<vmem_shared>>) offsets(%arg20 : memref<4000xi32, #tpu.memory_space<vmem>>) semaphore(%arg36 : memref<!tpu.dma_semaphore, #tpu.memory_space<semaphore_mem>>) {add = true}
    %dma_wait3A_182 = arith.constant 0 : i32
    %dma_wait3A_183 = tpu.memref_slice %arg11[%dma_wait3A_182] : memref<100352xf32, #tpu.memory_space<vmem_shared>> -> memref<100352xf32, #tpu.memory_space<vmem_shared>>
    tpu.wait_indirect_dma semaphore(%arg35 : memref<!tpu.dma_semaphore, #tpu.memory_space<semaphore_mem>>) src(%dma_wait3A_183 : memref<100352xf32, #tpu.memory_space<vmem_shared>>) dst(%arg33 : memref<4000xf32, #tpu.memory_space<vmem>>)
    %parallel_loop3A_184 = arith.constant 0 : i32
    %parallel_loop3A_185 = arith.constant 250 : i32
    %parallel_loop3A_186 = arith.constant 1 : i32
    scf.for %parallel_loop3A_226 = %parallel_loop3A_184 to %parallel_loop3A_185 step %parallel_loop3A_186  : i32 {
      %parallel_loop3A_227 = arith.constant 16 : i32
      %parallel_loop3A_228 = arith.muli %parallel_loop3A_226, %parallel_loop3A_227 : i32
      %parallel_loop3A_229 = arith.index_cast %parallel_loop3A_228 : i32 to index
      %parallel_loop3A_230 = tpu.vector_load %arg33[%parallel_loop3A_229] {strides = array<i32>} : memref<4000xf32, #tpu.memory_space<vmem>>, vector<16xf32>,
      %parallel_loop3A_231 = vector.shape_cast %parallel_loop3A_230 : vector<16xf32> to vector<16xf32>
      %parallel_loop3A_232 = arith.index_cast %parallel_loop3A_228 : i32 to index
      %parallel_loop3A_233 = tpu.vector_load %arg25[%parallel_loop3A_232] {strides = array<i32>} : memref<4000xf32, #tpu.memory_space<vmem>>, vector<16xf32>,
      %parallel_loop3A_234 = vector.shape_cast %parallel_loop3A_233 : vector<16xf32> to vector<16xf32>
      %parallel_loop3A_235 = arith.mulf %parallel_loop3A_231, %parallel_loop3A_234 : vector<16xf32>
      %parallel_loop3A_236 = arith.index_cast %parallel_loop3A_228 : i32 to index
      %parallel_loop3A_237 = tpu.vector_load %arg33[%parallel_loop3A_236] {strides = array<i32>} : memref<4000xf32, #tpu.memory_space<vmem>>, vector<16xf32>,
      %parallel_loop3A_238 = vector.shape_cast %parallel_loop3A_237 : vector<16xf32> to vector<16xf32>
      %parallel_loop3A_239 = vector.shape_cast %parallel_loop3A_235 : vector<16xf32> to vector<16xf32>
      tpu.vector_store %arg33[%parallel_loop3A_236], %parallel_loop3A_239 {strides = array<i32>} : memref<4000xf32, #tpu.memory_space<vmem>>, vector<16xf32>,
    } {sc.loop_unroll_factor = 4 : i64, sc.parallel_access}
    %dma_start3A_187 = arith.constant 0 : i32
    %dma_start3A_188 = tpu.memref_slice %arg15[%dma_start3A_187] : memref<100352xf32, #tpu.memory_space<vmem_shared>> -> memref<100352xf32, #tpu.memory_space<vmem_shared>>
    tpu.enqueue_indirect_dma source(%arg33 : memref<4000xf32, #tpu.memory_space<vmem>>) target(%dma_start3A_188 : memref<100352xf32, #tpu.memory_space<vmem_shared>>) offsets(%arg20 : memref<4000xi32, #tpu.memory_space<vmem>>) semaphore(%arg36 : memref<!tpu.dma_semaphore, #tpu.memory_space<semaphore_mem>>) {add = true}
    %dma_wait3A_189 = arith.constant 0 : i32
    %dma_wait3A_190 = tpu.memref_slice %arg12[%dma_wait3A_189] : memref<100352xf32, #tpu.memory_space<vmem_shared>> -> memref<100352xf32, #tpu.memory_space<vmem_shared>>
    tpu.wait_indirect_dma semaphore(%arg36 : memref<!tpu.dma_semaphore, #tpu.memory_space<semaphore_mem>>) src(%arg30 : memref<4000xf32, #tpu.memory_space<vmem>>) dst(%dma_wait3A_190 : memref<100352xf32, #tpu.memory_space<vmem_shared>>)
    %dma_wait3A_191 = arith.constant 0 : i32
    %dma_wait3A_192 = tpu.memref_slice %arg13[%dma_wait3A_191] : memref<100352xf32, #tpu.memory_space<vmem_shared>> -> memref<100352xf32, #tpu.memory_space<vmem_shared>>
    tpu.wait_indirect_dma semaphore(%arg36 : memref<!tpu.dma_semaphore, #tpu.memory_space<semaphore_mem>>) src(%arg31 : memref<4000xf32, #tpu.memory_space<vmem>>) dst(%dma_wait3A_192 : memref<100352xf32, #tpu.memory_space<vmem_shared>>)
    %dma_wait3A_193 = arith.constant 0 : i32
    %dma_wait3A_194 = tpu.memref_slice %arg14[%dma_wait3A_193] : memref<100352xf32, #tpu.memory_space<vmem_shared>> -> memref<100352xf32, #tpu.memory_space<vmem_shared>>
    tpu.wait_indirect_dma semaphore(%arg36 : memref<!tpu.dma_semaphore, #tpu.memory_space<semaphore_mem>>) src(%arg32 : memref<4000xf32, #tpu.memory_space<vmem>>) dst(%dma_wait3A_194 : memref<100352xf32, #tpu.memory_space<vmem_shared>>)
    %dma_wait3A_195 = arith.constant 0 : i32
    %dma_wait3A_196 = tpu.memref_slice %arg15[%dma_wait3A_195] : memref<100352xf32, #tpu.memory_space<vmem_shared>> -> memref<100352xf32, #tpu.memory_space<vmem_shared>>
    tpu.wait_indirect_dma semaphore(%arg36 : memref<!tpu.dma_semaphore, #tpu.memory_space<semaphore_mem>>) src(%arg33 : memref<4000xf32, #tpu.memory_space<vmem>>) dst(%dma_wait3A_196 : memref<100352xf32, #tpu.memory_space<vmem_shared>>)
    %barrier3A_197 = arith.constant 0 : index
    tpu.barrier barrier_id(%barrier3A_197)
    %mul3A_198 = arith.constant 4 : i32
    %mul3A_199 = arith.muli %arg0, %mul3A_198 : i32
    %add3A_200 = arith.constant 0 : i32
    %add3A_201 = arith.addi %mul3A_199, %add3A_200 : i32
    %mul3A_202 = arith.constant 100352 : i32
    %mul3A_203 = arith.muli %add3A_201, %mul3A_202 : i32
    %add3A_204 = arith.addi %mul3A_203, %mul3A_0 : i32
    "tpu.region"() ({
      %run_scoped3A = tpu.sem_alloc : memref<!tpu.dma_semaphore, #tpu.memory_space<semaphore_mem>>
      %dma_start3A_226 = tpu.memref_slice %arg6[%add3A_204] : memref<802816xf32, #tpu.memory_space<hbm>> -> memref<6272xf32, #tpu.memory_space<hbm>>
      %dma_start3A_227 = tpu.memref_slice %arg12[%mul3A_0] : memref<100352xf32, #tpu.memory_space<vmem_shared>> -> memref<6272xf32, #tpu.memory_space<vmem_shared>>
      tpu.enqueue_dma source(%dma_start3A_227 : memref<6272xf32, #tpu.memory_space<vmem_shared>>) target(%dma_start3A_226 : memref<6272xf32, #tpu.memory_space<hbm>>) target_semaphore(%run_scoped3A : memref<!tpu.dma_semaphore, #tpu.memory_space<semaphore_mem>>)
      %dma_wait3A_228 = tpu.memref_slice %arg6[%add3A_204] : memref<802816xf32, #tpu.memory_space<hbm>> -> memref<6272xf32, #tpu.memory_space<hbm>>
      %dma_wait3A_229 = tpu.memref_slice %arg12[%mul3A_0] : memref<100352xf32, #tpu.memory_space<vmem_shared>> -> memref<6272xf32, #tpu.memory_space<vmem_shared>>
      tpu.wait_dma2 semaphore(%run_scoped3A : memref<!tpu.dma_semaphore, #tpu.memory_space<semaphore_mem>>) src(%dma_wait3A_229 : memref<6272xf32, #tpu.memory_space<vmem_shared>>) dst(%dma_wait3A_228 : memref<6272xf32, #tpu.memory_space<hbm>>)
      tpu.yield
    }) : () -> ()
    %mul3A_205 = arith.constant 4 : i32
    %mul3A_206 = arith.muli %arg0, %mul3A_205 : i32
    %add3A_207 = arith.constant 1 : i32
    %add3A_208 = arith.addi %mul3A_206, %add3A_207 : i32
    %mul3A_209 = arith.constant 100352 : i32
    %mul3A_210 = arith.muli %add3A_208, %mul3A_209 : i32
    %add3A_211 = arith.addi %mul3A_210, %mul3A_0 : i32
    "tpu.region"() ({
      %run_scoped3A = tpu.sem_alloc : memref<!tpu.dma_semaphore, #tpu.memory_space<semaphore_mem>>
      %dma_start3A_226 = tpu.memref_slice %arg6[%add3A_211] : memref<802816xf32, #tpu.memory_space<hbm>> -> memref<6272xf32, #tpu.memory_space<hbm>>
      %dma_start3A_227 = tpu.memref_slice %arg13[%mul3A_0] : memref<100352xf32, #tpu.memory_space<vmem_shared>> -> memref<6272xf32, #tpu.memory_space<vmem_shared>>
      tpu.enqueue_dma source(%dma_start3A_227 : memref<6272xf32, #tpu.memory_space<vmem_shared>>) target(%dma_start3A_226 : memref<6272xf32, #tpu.memory_space<hbm>>) target_semaphore(%run_scoped3A : memref<!tpu.dma_semaphore, #tpu.memory_space<semaphore_mem>>)
      %dma_wait3A_228 = tpu.memref_slice %arg6[%add3A_211] : memref<802816xf32, #tpu.memory_space<hbm>> -> memref<6272xf32, #tpu.memory_space<hbm>>
      %dma_wait3A_229 = tpu.memref_slice %arg13[%mul3A_0] : memref<100352xf32, #tpu.memory_space<vmem_shared>> -> memref<6272xf32, #tpu.memory_space<vmem_shared>>
      tpu.wait_dma2 semaphore(%run_scoped3A : memref<!tpu.dma_semaphore, #tpu.memory_space<semaphore_mem>>) src(%dma_wait3A_229 : memref<6272xf32, #tpu.memory_space<vmem_shared>>) dst(%dma_wait3A_228 : memref<6272xf32, #tpu.memory_space<hbm>>)
      tpu.yield
    }) : () -> ()
    %mul3A_212 = arith.constant 4 : i32
    %mul3A_213 = arith.muli %arg0, %mul3A_212 : i32
    %add3A_214 = arith.constant 2 : i32
    %add3A_215 = arith.addi %mul3A_213, %add3A_214 : i32
    %mul3A_216 = arith.constant 100352 : i32
    %mul3A_217 = arith.muli %add3A_215, %mul3A_216 : i32
    %add3A_218 = arith.addi %mul3A_217, %mul3A_0 : i32
    "tpu.region"() ({
      %run_scoped3A = tpu.sem_alloc : memref<!tpu.dma_semaphore, #tpu.memory_space<semaphore_mem>>
      %dma_start3A_226 = tpu.memref_slice %arg6[%add3A_218] : memref<802816xf32, #tpu.memory_space<hbm>> -> memref<6272xf32, #tpu.memory_space<hbm>>
      %dma_start3A_227 = tpu.memref_slice %arg14[%mul3A_0] : memref<100352xf32, #tpu.memory_space<vmem_shared>> -> memref<6272xf32, #tpu.memory_space<vmem_shared>>
      tpu.enqueue_dma source(%dma_start3A_227 : memref<6272xf32, #tpu.memory_space<vmem_shared>>) target(%dma_start3A_226 : memref<6272xf32, #tpu.memory_space<hbm>>) target_semaphore(%run_scoped3A : memref<!tpu.dma_semaphore, #tpu.memory_space<semaphore_mem>>)
      %dma_wait3A_228 = tpu.memref_slice %arg6[%add3A_218] : memref<802816xf32, #tpu.memory_space<hbm>> -> memref<6272xf32, #tpu.memory_space<hbm>>
      %dma_wait3A_229 = tpu.memref_slice %arg14[%mul3A_0] : memref<100352xf32, #tpu.memory_space<vmem_shared>> -> memref<6272xf32, #tpu.memory_space<vmem_shared>>
      tpu.wait_dma2 semaphore(%run_scoped3A : memref<!tpu.dma_semaphore, #tpu.memory_space<semaphore_mem>>) src(%dma_wait3A_229 : memref<6272xf32, #tpu.memory_space<vmem_shared>>) dst(%dma_wait3A_228 : memref<6272xf32, #tpu.memory_space<hbm>>)
      tpu.yield
    }) : () -> ()
    %mul3A_219 = arith.constant 4 : i32
    %mul3A_220 = arith.muli %arg0, %mul3A_219 : i32
    %add3A_221 = arith.constant 3 : i32
    %add3A_222 = arith.addi %mul3A_220, %add3A_221 : i32
    %mul3A_223 = arith.constant 100352 : i32
    %mul3A_224 = arith.muli %add3A_222, %mul3A_223 : i32
    %add3A_225 = arith.addi %mul3A_224, %mul3A_0 : i32
    "tpu.region"() ({
      %run_scoped3A = tpu.sem_alloc : memref<!tpu.dma_semaphore, #tpu.memory_space<semaphore_mem>>
      %dma_start3A_226 = tpu.memref_slice %arg6[%add3A_225] : memref<802816xf32, #tpu.memory_space<hbm>> -> memref<6272xf32, #tpu.memory_space<hbm>>
      %dma_start3A_227 = tpu.memref_slice %arg15[%mul3A_0] : memref<100352xf32, #tpu.memory_space<vmem_shared>> -> memref<6272xf32, #tpu.memory_space<vmem_shared>>
      tpu.enqueue_dma source(%dma_start3A_227 : memref<6272xf32, #tpu.memory_space<vmem_shared>>) target(%dma_start3A_226 : memref<6272xf32, #tpu.memory_space<hbm>>) target_semaphore(%run_scoped3A : memref<!tpu.dma_semaphore, #tpu.memory_space<semaphore_mem>>)
      %dma_wait3A_228 = tpu.memref_slice %arg6[%add3A_225] : memref<802816xf32, #tpu.memory_space<hbm>> -> memref<6272xf32, #tpu.memory_space<hbm>>
      %dma_wait3A_229 = tpu.memref_slice %arg15[%mul3A_0] : memref<100352xf32, #tpu.memory_space<vmem_shared>> -> memref<6272xf32, #tpu.memory_space<vmem_shared>>
      tpu.wait_dma2 semaphore(%run_scoped3A : memref<!tpu.dma_semaphore, #tpu.memory_space<semaphore_mem>>) src(%dma_wait3A_229 : memref<6272xf32, #tpu.memory_space<vmem_shared>>) dst(%dma_wait3A_228 : memref<6272xf32, #tpu.memory_space<hbm>>)
      tpu.yield
    }) : () -> ()
    return
  }
}

#map = affine_map<(d0, d1) -> (0)>
module attributes {stable_mosaic.version = 14 : i64} {
  func.func @_combine_body(%arg0: i32, %arg1: i32, %arg2: memref<802816xf32, #tpu.memory_space<hbm>>, %arg3: memref<802816xf32, #tpu.memory_space<hbm>>, %arg4: memref<401408xf32, #tpu.memory_space<hbm>>, %arg5: memref<401408xf32, #tpu.memory_space<hbm>>, %arg6: memref<192xf32, #tpu.memory_space<hbm>>, %arg7: memref<401408xf32, #tpu.memory_space<hbm>>, %arg8: memref<3136xf32, #tpu.memory_space<vmem>>, %arg9: memref<3136xf32, #tpu.memory_space<vmem>>, %arg10: memref<3136xf32, #tpu.memory_space<vmem>>, %arg11: memref<3136xf32, #tpu.memory_space<vmem>>, %arg12: memref<3136xf32, #tpu.memory_space<vmem>>, %arg13: memref<16xf32, #tpu.memory_space<vmem>>, %arg14: memref<16xf32, #tpu.memory_space<vmem>>, %arg15: memref<16xf32, #tpu.memory_space<vmem>>) attributes {dimension_semantics = [#tpu.dimension_semantics<core_parallel>, #tpu.dimension_semantics<subcore_parallel>], iteration_bounds = array<i64: 2, 16>, scalar_prefetch = 0 : i64, scratch_operands = 8 : i64, tpu.core_type = #tpu.core_type<sc_vector_subcore>, window_params = [{transform_indices = #map}, {transform_indices = #map}, {transform_indices = #map}, {transform_indices = #map}, {transform_indices = #map}, {transform_indices = #map}]} {
    %mul3A = arith.constant 16 : i32
    %mul3A_0 = arith.muli %arg0, %mul3A : i32
    %add3A = arith.addi %mul3A_0, %arg1 : i32
    %mul3A_1 = arith.constant 3136 : i32
    %mul3A_2 = arith.muli %add3A, %mul3A_1 : i32
    %add3A_3 = arith.constant 0 : i32
    %add3A_4 = arith.addi %add3A_3, %mul3A_2 : i32
    "tpu.region"() ({
      %run_scoped3A = tpu.sem_alloc : memref<!tpu.dma_semaphore, #tpu.memory_space<semaphore_mem>>
      %dma_start3A = tpu.memref_slice %arg2[%add3A_4] : memref<802816xf32, #tpu.memory_space<hbm>> -> memref<3136xf32, #tpu.memory_space<hbm>>
      %dma_start3A_113 = tpu.memref_slice %arg2[%add3A_4] : memref<802816xf32, #tpu.memory_space<hbm>> -> memref<3136xf32, #tpu.memory_space<hbm>>
      tpu.enqueue_dma source(%dma_start3A_113 : memref<3136xf32, #tpu.memory_space<hbm>>) target(%arg8 : memref<3136xf32, #tpu.memory_space<vmem>>) target_semaphore(%run_scoped3A : memref<!tpu.dma_semaphore, #tpu.memory_space<semaphore_mem>>)
      %dma_wait3A = tpu.memref_slice %arg2[%add3A_4] : memref<802816xf32, #tpu.memory_space<hbm>> -> memref<3136xf32, #tpu.memory_space<hbm>>
      %dma_wait3A_114 = tpu.memref_slice %arg2[%add3A_4] : memref<802816xf32, #tpu.memory_space<hbm>> -> memref<3136xf32, #tpu.memory_space<hbm>>
      tpu.wait_dma2 semaphore(%run_scoped3A : memref<!tpu.dma_semaphore, #tpu.memory_space<semaphore_mem>>) src(%dma_wait3A_114 : memref<3136xf32, #tpu.memory_space<hbm>>) dst(%arg8 : memref<3136xf32, #tpu.memory_space<vmem>>)
      tpu.yield
    }) : () -> ()
    %add3A_5 = arith.constant 401408 : i32
    %add3A_6 = arith.addi %add3A_5, %mul3A_2 : i32
    "tpu.region"() ({
      %run_scoped3A = tpu.sem_alloc : memref<!tpu.dma_semaphore, #tpu.memory_space<semaphore_mem>>
      %dma_start3A = tpu.memref_slice %arg2[%add3A_6] : memref<802816xf32, #tpu.memory_space<hbm>> -> memref<3136xf32, #tpu.memory_space<hbm>>
      %dma_start3A_113 = tpu.memref_slice %arg2[%add3A_6] : memref<802816xf32, #tpu.memory_space<hbm>> -> memref<3136xf32, #tpu.memory_space<hbm>>
      tpu.enqueue_dma source(%dma_start3A_113 : memref<3136xf32, #tpu.memory_space<hbm>>) target(%arg9 : memref<3136xf32, #tpu.memory_space<vmem>>) target_semaphore(%run_scoped3A : memref<!tpu.dma_semaphore, #tpu.memory_space<semaphore_mem>>)
      %dma_wait3A = tpu.memref_slice %arg2[%add3A_6] : memref<802816xf32, #tpu.memory_space<hbm>> -> memref<3136xf32, #tpu.memory_space<hbm>>
      %dma_wait3A_114 = tpu.memref_slice %arg2[%add3A_6] : memref<802816xf32, #tpu.memory_space<hbm>> -> memref<3136xf32, #tpu.memory_space<hbm>>
      tpu.wait_dma2 semaphore(%run_scoped3A : memref<!tpu.dma_semaphore, #tpu.memory_space<semaphore_mem>>) src(%dma_wait3A_114 : memref<3136xf32, #tpu.memory_space<hbm>>) dst(%arg9 : memref<3136xf32, #tpu.memory_space<vmem>>)
      tpu.yield
    }) : () -> ()
    %add3A_7 = arith.constant 0 : i32
    %add3A_8 = arith.addi %add3A_7, %mul3A_2 : i32
    "tpu.region"() ({
      %run_scoped3A = tpu.sem_alloc : memref<!tpu.dma_semaphore, #tpu.memory_space<semaphore_mem>>
      %dma_start3A = tpu.memref_slice %arg3[%add3A_8] : memref<802816xf32, #tpu.memory_space<hbm>> -> memref<3136xf32, #tpu.memory_space<hbm>>
      %dma_start3A_113 = tpu.memref_slice %arg3[%add3A_8] : memref<802816xf32, #tpu.memory_space<hbm>> -> memref<3136xf32, #tpu.memory_space<hbm>>
      tpu.enqueue_dma source(%dma_start3A_113 : memref<3136xf32, #tpu.memory_space<hbm>>) target(%arg10 : memref<3136xf32, #tpu.memory_space<vmem>>) target_semaphore(%run_scoped3A : memref<!tpu.dma_semaphore, #tpu.memory_space<semaphore_mem>>)
      %dma_wait3A = tpu.memref_slice %arg3[%add3A_8] : memref<802816xf32, #tpu.memory_space<hbm>> -> memref<3136xf32, #tpu.memory_space<hbm>>
      %dma_wait3A_114 = tpu.memref_slice %arg3[%add3A_8] : memref<802816xf32, #tpu.memory_space<hbm>> -> memref<3136xf32, #tpu.memory_space<hbm>>
      tpu.wait_dma2 semaphore(%run_scoped3A : memref<!tpu.dma_semaphore, #tpu.memory_space<semaphore_mem>>) src(%dma_wait3A_114 : memref<3136xf32, #tpu.memory_space<hbm>>) dst(%arg10 : memref<3136xf32, #tpu.memory_space<vmem>>)
      tpu.yield
    }) : () -> ()
    %add3A_9 = arith.constant 0 : i32
    %add3A_10 = arith.addi %add3A_9, %mul3A_2 : i32
    "tpu.region"() ({
      %run_scoped3A = tpu.sem_alloc : memref<!tpu.dma_semaphore, #tpu.memory_space<semaphore_mem>>
      %dma_start3A = tpu.memref_slice %arg4[%add3A_10] : memref<401408xf32, #tpu.memory_space<hbm>> -> memref<3136xf32, #tpu.memory_space<hbm>>
      %dma_start3A_113 = tpu.memref_slice %arg4[%add3A_10] : memref<401408xf32, #tpu.memory_space<hbm>> -> memref<3136xf32, #tpu.memory_space<hbm>>
      tpu.enqueue_dma source(%dma_start3A_113 : memref<3136xf32, #tpu.memory_space<hbm>>) target(%arg11 : memref<3136xf32, #tpu.memory_space<vmem>>) target_semaphore(%run_scoped3A : memref<!tpu.dma_semaphore, #tpu.memory_space<semaphore_mem>>)
      %dma_wait3A = tpu.memref_slice %arg4[%add3A_10] : memref<401408xf32, #tpu.memory_space<hbm>> -> memref<3136xf32, #tpu.memory_space<hbm>>
      %dma_wait3A_114 = tpu.memref_slice %arg4[%add3A_10] : memref<401408xf32, #tpu.memory_space<hbm>> -> memref<3136xf32, #tpu.memory_space<hbm>>
      tpu.wait_dma2 semaphore(%run_scoped3A : memref<!tpu.dma_semaphore, #tpu.memory_space<semaphore_mem>>) src(%dma_wait3A_114 : memref<3136xf32, #tpu.memory_space<hbm>>) dst(%arg11 : memref<3136xf32, #tpu.memory_space<vmem>>)
      tpu.yield
    }) : () -> ()
    %add3A_11 = arith.constant 0 : i32
    %add3A_12 = arith.addi %add3A_11, %mul3A_2 : i32
    "tpu.region"() ({
      %run_scoped3A = tpu.sem_alloc : memref<!tpu.dma_semaphore, #tpu.memory_space<semaphore_mem>>
      %dma_start3A = tpu.memref_slice %arg5[%add3A_12] : memref<401408xf32, #tpu.memory_space<hbm>> -> memref<3136xf32, #tpu.memory_space<hbm>>
      %dma_start3A_113 = tpu.memref_slice %arg5[%add3A_12] : memref<401408xf32, #tpu.memory_space<hbm>> -> memref<3136xf32, #tpu.memory_space<hbm>>
      tpu.enqueue_dma source(%dma_start3A_113 : memref<3136xf32, #tpu.memory_space<hbm>>) target(%arg12 : memref<3136xf32, #tpu.memory_space<vmem>>) target_semaphore(%run_scoped3A : memref<!tpu.dma_semaphore, #tpu.memory_space<semaphore_mem>>)
      %dma_wait3A = tpu.memref_slice %arg5[%add3A_12] : memref<401408xf32, #tpu.memory_space<hbm>> -> memref<3136xf32, #tpu.memory_space<hbm>>
      %dma_wait3A_114 = tpu.memref_slice %arg5[%add3A_12] : memref<401408xf32, #tpu.memory_space<hbm>> -> memref<3136xf32, #tpu.memory_space<hbm>>
      tpu.wait_dma2 semaphore(%run_scoped3A : memref<!tpu.dma_semaphore, #tpu.memory_space<semaphore_mem>>) src(%dma_wait3A_114 : memref<3136xf32, #tpu.memory_space<hbm>>) dst(%arg12 : memref<3136xf32, #tpu.memory_space<vmem>>)
      tpu.yield
    }) : () -> ()
    "tpu.region"() ({
      %run_scoped3A = tpu.sem_alloc : memref<!tpu.dma_semaphore, #tpu.memory_space<semaphore_mem>>
      %dma_start3A = arith.constant 0 : i32
      %dma_start3A_113 = tpu.memref_slice %arg6[%dma_start3A] : memref<192xf32, #tpu.memory_space<hbm>> -> memref<16xf32, #tpu.memory_space<hbm>>
      %dma_start3A_114 = arith.constant 0 : i32
      %dma_start3A_115 = tpu.memref_slice %arg6[%dma_start3A_114] : memref<192xf32, #tpu.memory_space<hbm>> -> memref<16xf32, #tpu.memory_space<hbm>>
      tpu.enqueue_dma source(%dma_start3A_115 : memref<16xf32, #tpu.memory_space<hbm>>) target(%arg13 : memref<16xf32, #tpu.memory_space<vmem>>) target_semaphore(%run_scoped3A : memref<!tpu.dma_semaphore, #tpu.memory_space<semaphore_mem>>)
      %dma_wait3A = arith.constant 0 : i32
      %dma_wait3A_116 = tpu.memref_slice %arg6[%dma_wait3A] : memref<192xf32, #tpu.memory_space<hbm>> -> memref<16xf32, #tpu.memory_space<hbm>>
      %dma_wait3A_117 = arith.constant 0 : i32
      %dma_wait3A_118 = tpu.memref_slice %arg6[%dma_wait3A_117] : memref<192xf32, #tpu.memory_space<hbm>> -> memref<16xf32, #tpu.memory_space<hbm>>
      tpu.wait_dma2 semaphore(%run_scoped3A : memref<!tpu.dma_semaphore, #tpu.memory_space<semaphore_mem>>) src(%dma_wait3A_118 : memref<16xf32, #tpu.memory_space<hbm>>) dst(%arg13 : memref<16xf32, #tpu.memory_space<vmem>>)
      tpu.yield
    }) : () -> ()
    "tpu.region"() ({
      %run_scoped3A = tpu.sem_alloc : memref<!tpu.dma_semaphore, #tpu.memory_space<semaphore_mem>>
      %dma_start3A = arith.constant 64 : i32
      %dma_start3A_113 = tpu.memref_slice %arg6[%dma_start3A] : memref<192xf32, #tpu.memory_space<hbm>> -> memref<16xf32, #tpu.memory_space<hbm>>
      %dma_start3A_114 = arith.constant 64 : i32
      %dma_start3A_115 = tpu.memref_slice %arg6[%dma_start3A_114] : memref<192xf32, #tpu.memory_space<hbm>> -> memref<16xf32, #tpu.memory_space<hbm>>
      tpu.enqueue_dma source(%dma_start3A_115 : memref<16xf32, #tpu.memory_space<hbm>>) target(%arg14 : memref<16xf32, #tpu.memory_space<vmem>>) target_semaphore(%run_scoped3A : memref<!tpu.dma_semaphore, #tpu.memory_space<semaphore_mem>>)
      %dma_wait3A = arith.constant 64 : i32
      %dma_wait3A_116 = tpu.memref_slice %arg6[%dma_wait3A] : memref<192xf32, #tpu.memory_space<hbm>> -> memref<16xf32, #tpu.memory_space<hbm>>
      %dma_wait3A_117 = arith.constant 64 : i32
      %dma_wait3A_118 = tpu.memref_slice %arg6[%dma_wait3A_117] : memref<192xf32, #tpu.memory_space<hbm>> -> memref<16xf32, #tpu.memory_space<hbm>>
      tpu.wait_dma2 semaphore(%run_scoped3A : memref<!tpu.dma_semaphore, #tpu.memory_space<semaphore_mem>>) src(%dma_wait3A_118 : memref<16xf32, #tpu.memory_space<hbm>>) dst(%arg14 : memref<16xf32, #tpu.memory_space<vmem>>)
      tpu.yield
    }) : () -> ()
    "tpu.region"() ({
      %run_scoped3A = tpu.sem_alloc : memref<!tpu.dma_semaphore, #tpu.memory_space<semaphore_mem>>
      %dma_start3A = arith.constant 128 : i32
      %dma_start3A_113 = tpu.memref_slice %arg6[%dma_start3A] : memref<192xf32, #tpu.memory_space<hbm>> -> memref<16xf32, #tpu.memory_space<hbm>>
      %dma_start3A_114 = arith.constant 128 : i32
      %dma_start3A_115 = tpu.memref_slice %arg6[%dma_start3A_114] : memref<192xf32, #tpu.memory_space<hbm>> -> memref<16xf32, #tpu.memory_space<hbm>>
      tpu.enqueue_dma source(%dma_start3A_115 : memref<16xf32, #tpu.memory_space<hbm>>) target(%arg15 : memref<16xf32, #tpu.memory_space<vmem>>) target_semaphore(%run_scoped3A : memref<!tpu.dma_semaphore, #tpu.memory_space<semaphore_mem>>)
      %dma_wait3A = arith.constant 128 : i32
      %dma_wait3A_116 = tpu.memref_slice %arg6[%dma_wait3A] : memref<192xf32, #tpu.memory_space<hbm>> -> memref<16xf32, #tpu.memory_space<hbm>>
      %dma_wait3A_117 = arith.constant 128 : i32
      %dma_wait3A_118 = tpu.memref_slice %arg6[%dma_wait3A_117] : memref<192xf32, #tpu.memory_space<hbm>> -> memref<16xf32, #tpu.memory_space<hbm>>
      tpu.wait_dma2 semaphore(%run_scoped3A : memref<!tpu.dma_semaphore, #tpu.memory_space<semaphore_mem>>) src(%dma_wait3A_118 : memref<16xf32, #tpu.memory_space<hbm>>) dst(%arg15 : memref<16xf32, #tpu.memory_space<vmem>>)
      tpu.yield
    }) : () -> ()
    %get3A = arith.constant 0 : index
    %get3A_13 = tpu.vector_load %arg13[%get3A] {strides = array<i32>} : memref<16xf32, #tpu.memory_space<vmem>>, vector<16xf32>,
    %get3A_14 = vector.shape_cast %get3A_13 : vector<16xf32> to vector<16xf32>
    %get3A_15 = arith.constant 0 : index
    %get3A_16 = tpu.vector_load %arg14[%get3A_15] {strides = array<i32>} : memref<16xf32, #tpu.memory_space<vmem>>, vector<16xf32>,
    %get3A_17 = vector.shape_cast %get3A_16 : vector<16xf32> to vector<16xf32>
    %get3A_18 = arith.constant 0 : index
    %get3A_19 = tpu.vector_load %arg15[%get3A_18] {strides = array<i32>} : memref<16xf32, #tpu.memory_space<vmem>>, vector<16xf32>,
    %get3A_20 = vector.shape_cast %get3A_19 : vector<16xf32> to vector<16xf32>
    %scan3A = arith.constant 0 : i32
    %scan3A_21 = arith.constant 0 : i32
    %scan3A_22 = arith.constant 196 : i32
    %scan3A_23 = arith.addi %scan3A_21, %scan3A_22 : i32
    %scan3A_24 = arith.constant 1 : i32
    %scan3A_25 = scf.for %scan3A_113 = %scan3A_21 to %scan3A_23 step %scan3A_24 iter_args(%scan3A_114 = %scan3A) -> (i32)  : i32 {
      %mul3A_115 = arith.constant 16 : i32
      %mul3A_116 = arith.muli %scan3A_113, %mul3A_115 : i32
      %get3A_117 = arith.index_cast %mul3A_116 : i32 to index
      %get3A_118 = tpu.vector_load %arg8[%get3A_117] {strides = array<i32>} : memref<3136xf32, #tpu.memory_space<vmem>>, vector<16xf32>,
      %get3A_119 = vector.shape_cast %get3A_118 : vector<16xf32> to vector<16xf32>
      %get3A_120 = arith.index_cast %mul3A_116 : i32 to index
      %get3A_121 = tpu.vector_load %arg9[%get3A_120] {strides = array<i32>} : memref<3136xf32, #tpu.memory_space<vmem>>, vector<16xf32>,
      %get3A_122 = vector.shape_cast %get3A_121 : vector<16xf32> to vector<16xf32>
      %add3A_123 = arith.addf %get3A_119, %get3A_122 : vector<16xf32>
      %max3A = arith.constant 1.000000e+00 : f32
      %max3A_124 = vector.broadcast %max3A : f32 to vector<16xf32>
      %max3A_125 = arith.maximumf %add3A_123, %max3A_124 : vector<16xf32>
      %div3A = arith.divf %add3A_123, %max3A_125 : vector<16xf32>
      %get3A_126 = arith.index_cast %mul3A_116 : i32 to index
      %get3A_127 = tpu.vector_load %arg10[%get3A_126] {strides = array<i32>} : memref<3136xf32, #tpu.memory_space<vmem>>, vector<16xf32>,
      %get3A_128 = vector.shape_cast %get3A_127 : vector<16xf32> to vector<16xf32>
      %mul3A_129 = arith.mulf %get3A_14, %get3A_128 : vector<16xf32>
      %mul3A_130 = arith.mulf %get3A_17, %div3A : vector<16xf32>
      %add3A_131 = arith.addf %mul3A_129, %mul3A_130 : vector<16xf32>
      %get3A_132 = arith.index_cast %mul3A_116 : i32 to index
      %get3A_133 = tpu.vector_load %arg11[%get3A_132] {strides = array<i32>} : memref<3136xf32, #tpu.memory_space<vmem>>, vector<16xf32>,
      %get3A_134 = vector.shape_cast %get3A_133 : vector<16xf32> to vector<16xf32>
      %mul3A_135 = arith.mulf %get3A_20, %get3A_134 : vector<16xf32>
      %sub3A = arith.constant 1.000000e+00 : f32
      %sub3A_136 = vector.broadcast %sub3A : f32 to vector<16xf32>
      %sub3A_137 = arith.subf %sub3A_136, %mul3A_135 : vector<16xf32>
      %mul3A_138 = arith.mulf %sub3A_137, %add3A_131 : vector<16xf32>
      %get3A_139 = arith.index_cast %mul3A_116 : i32 to index
      %get3A_140 = tpu.vector_load %arg12[%get3A_139] {strides = array<i32>} : memref<3136xf32, #tpu.memory_space<vmem>>, vector<16xf32>,
      %get3A_141 = vector.shape_cast %get3A_140 : vector<16xf32> to vector<16xf32>
      %neg3A = arith.constant 0.000000e+00 : f32
      %neg3A_142 = vector.broadcast %neg3A : f32 to vector<16xf32>
      %neg3A_143 = arith.subf %neg3A_142, %get3A_141 : vector<16xf32>
      %exp3A = math.exp %neg3A_143 : vector<16xf32>
      %add3A_144 = arith.constant 1.000000e+00 : f32
      %add3A_145 = vector.broadcast %add3A_144 : f32 to vector<16xf32>
      %add3A_146 = arith.addf %add3A_145, %exp3A : vector<16xf32>
      %div3A_147 = arith.constant 1.000000e+00 : f32
      %div3A_148 = vector.broadcast %div3A_147 : f32 to vector<16xf32>
      %div3A_149 = arith.divf %div3A_148, %add3A_146 : vector<16xf32>
      %mul3A_150 = arith.mulf %mul3A_138, %div3A_149 : vector<16xf32>
      %swap3A = arith.index_cast %mul3A_116 : i32 to index
      %swap3A_151 = tpu.vector_load %arg8[%swap3A] {strides = array<i32>} : memref<3136xf32, #tpu.memory_space<vmem>>, vector<16xf32>,
      %swap3A_152 = vector.shape_cast %swap3A_151 : vector<16xf32> to vector<16xf32>
      %swap3A_153 = vector.shape_cast %mul3A_150 : vector<16xf32> to vector<16xf32>
      tpu.vector_store %arg8[%swap3A], %swap3A_153 {strides = array<i32>} : memref<3136xf32, #tpu.memory_space<vmem>>, vector<16xf32>,
      %scan3A_154 = arith.constant 0 : i32
      scf.yield %scan3A_154 : i32
    }
    %scan3A_26 = arith.constant 196 : i32
    %add3A_27 = arith.constant 0 : i32
    %add3A_28 = arith.addi %add3A_27, %mul3A_2 : i32
    "tpu.region"() ({
      %run_scoped3A = tpu.sem_alloc : memref<!tpu.dma_semaphore, #tpu.memory_space<semaphore_mem>>
      %dma_start3A = tpu.memref_slice %arg7[%add3A_28] : memref<401408xf32, #tpu.memory_space<hbm>> -> memref<3136xf32, #tpu.memory_space<hbm>>
      %dma_start3A_113 = tpu.memref_slice %arg7[%add3A_28] : memref<401408xf32, #tpu.memory_space<hbm>> -> memref<3136xf32, #tpu.memory_space<hbm>>
      tpu.enqueue_dma source(%arg8 : memref<3136xf32, #tpu.memory_space<vmem>>) target(%dma_start3A_113 : memref<3136xf32, #tpu.memory_space<hbm>>) target_semaphore(%run_scoped3A : memref<!tpu.dma_semaphore, #tpu.memory_space<semaphore_mem>>)
      %dma_wait3A = tpu.memref_slice %arg7[%add3A_28] : memref<401408xf32, #tpu.memory_space<hbm>> -> memref<3136xf32, #tpu.memory_space<hbm>>
      %dma_wait3A_114 = tpu.memref_slice %arg7[%add3A_28] : memref<401408xf32, #tpu.memory_space<hbm>> -> memref<3136xf32, #tpu.memory_space<hbm>>
      tpu.wait_dma2 semaphore(%run_scoped3A : memref<!tpu.dma_semaphore, #tpu.memory_space<semaphore_mem>>) src(%arg8 : memref<3136xf32, #tpu.memory_space<vmem>>) dst(%dma_wait3A_114 : memref<3136xf32, #tpu.memory_space<hbm>>)
      tpu.yield
    }) : () -> ()
    %add3A_29 = arith.constant 100352 : i32
    %add3A_30 = arith.addi %add3A_29, %mul3A_2 : i32
    "tpu.region"() ({
      %run_scoped3A = tpu.sem_alloc : memref<!tpu.dma_semaphore, #tpu.memory_space<semaphore_mem>>
      %dma_start3A = tpu.memref_slice %arg2[%add3A_30] : memref<802816xf32, #tpu.memory_space<hbm>> -> memref<3136xf32, #tpu.memory_space<hbm>>
      %dma_start3A_113 = tpu.memref_slice %arg2[%add3A_30] : memref<802816xf32, #tpu.memory_space<hbm>> -> memref<3136xf32, #tpu.memory_space<hbm>>
      tpu.enqueue_dma source(%dma_start3A_113 : memref<3136xf32, #tpu.memory_space<hbm>>) target(%arg8 : memref<3136xf32, #tpu.memory_space<vmem>>) target_semaphore(%run_scoped3A : memref<!tpu.dma_semaphore, #tpu.memory_space<semaphore_mem>>)
      %dma_wait3A = tpu.memref_slice %arg2[%add3A_30] : memref<802816xf32, #tpu.memory_space<hbm>> -> memref<3136xf32, #tpu.memory_space<hbm>>
      %dma_wait3A_114 = tpu.memref_slice %arg2[%add3A_30] : memref<802816xf32, #tpu.memory_space<hbm>> -> memref<3136xf32, #tpu.memory_space<hbm>>
      tpu.wait_dma2 semaphore(%run_scoped3A : memref<!tpu.dma_semaphore, #tpu.memory_space<semaphore_mem>>) src(%dma_wait3A_114 : memref<3136xf32, #tpu.memory_space<hbm>>) dst(%arg8 : memref<3136xf32, #tpu.memory_space<vmem>>)
      tpu.yield
    }) : () -> ()
    %add3A_31 = arith.constant 501760 : i32
    %add3A_32 = arith.addi %add3A_31, %mul3A_2 : i32
    "tpu.region"() ({
      %run_scoped3A = tpu.sem_alloc : memref<!tpu.dma_semaphore, #tpu.memory_space<semaphore_mem>>
      %dma_start3A = tpu.memref_slice %arg2[%add3A_32] : memref<802816xf32, #tpu.memory_space<hbm>> -> memref<3136xf32, #tpu.memory_space<hbm>>
      %dma_start3A_113 = tpu.memref_slice %arg2[%add3A_32] : memref<802816xf32, #tpu.memory_space<hbm>> -> memref<3136xf32, #tpu.memory_space<hbm>>
      tpu.enqueue_dma source(%dma_start3A_113 : memref<3136xf32, #tpu.memory_space<hbm>>) target(%arg9 : memref<3136xf32, #tpu.memory_space<vmem>>) target_semaphore(%run_scoped3A : memref<!tpu.dma_semaphore, #tpu.memory_space<semaphore_mem>>)
      %dma_wait3A = tpu.memref_slice %arg2[%add3A_32] : memref<802816xf32, #tpu.memory_space<hbm>> -> memref<3136xf32, #tpu.memory_space<hbm>>
      %dma_wait3A_114 = tpu.memref_slice %arg2[%add3A_32] : memref<802816xf32, #tpu.memory_space<hbm>> -> memref<3136xf32, #tpu.memory_space<hbm>>
      tpu.wait_dma2 semaphore(%run_scoped3A : memref<!tpu.dma_semaphore, #tpu.memory_space<semaphore_mem>>) src(%dma_wait3A_114 : memref<3136xf32, #tpu.memory_space<hbm>>) dst(%arg9 : memref<3136xf32, #tpu.memory_space<vmem>>)
      tpu.yield
    }) : () -> ()
    %add3A_33 = arith.constant 100352 : i32
    %add3A_34 = arith.addi %add3A_33, %mul3A_2 : i32
    "tpu.region"() ({
      %run_scoped3A = tpu.sem_alloc : memref<!tpu.dma_semaphore, #tpu.memory_space<semaphore_mem>>
      %dma_start3A = tpu.memref_slice %arg3[%add3A_34] : memref<802816xf32, #tpu.memory_space<hbm>> -> memref<3136xf32, #tpu.memory_space<hbm>>
      %dma_start3A_113 = tpu.memref_slice %arg3[%add3A_34] : memref<802816xf32, #tpu.memory_space<hbm>> -> memref<3136xf32, #tpu.memory_space<hbm>>
      tpu.enqueue_dma source(%dma_start3A_113 : memref<3136xf32, #tpu.memory_space<hbm>>) target(%arg10 : memref<3136xf32, #tpu.memory_space<vmem>>) target_semaphore(%run_scoped3A : memref<!tpu.dma_semaphore, #tpu.memory_space<semaphore_mem>>)
      %dma_wait3A = tpu.memref_slice %arg3[%add3A_34] : memref<802816xf32, #tpu.memory_space<hbm>> -> memref<3136xf32, #tpu.memory_space<hbm>>
      %dma_wait3A_114 = tpu.memref_slice %arg3[%add3A_34] : memref<802816xf32, #tpu.memory_space<hbm>> -> memref<3136xf32, #tpu.memory_space<hbm>>
      tpu.wait_dma2 semaphore(%run_scoped3A : memref<!tpu.dma_semaphore, #tpu.memory_space<semaphore_mem>>) src(%dma_wait3A_114 : memref<3136xf32, #tpu.memory_space<hbm>>) dst(%arg10 : memref<3136xf32, #tpu.memory_space<vmem>>)
      tpu.yield
    }) : () -> ()
    %add3A_35 = arith.constant 100352 : i32
    %add3A_36 = arith.addi %add3A_35, %mul3A_2 : i32
    "tpu.region"() ({
      %run_scoped3A = tpu.sem_alloc : memref<!tpu.dma_semaphore, #tpu.memory_space<semaphore_mem>>
      %dma_start3A = tpu.memref_slice %arg4[%add3A_36] : memref<401408xf32, #tpu.memory_space<hbm>> -> memref<3136xf32, #tpu.memory_space<hbm>>
      %dma_start3A_113 = tpu.memref_slice %arg4[%add3A_36] : memref<401408xf32, #tpu.memory_space<hbm>> -> memref<3136xf32, #tpu.memory_space<hbm>>
      tpu.enqueue_dma source(%dma_start3A_113 : memref<3136xf32, #tpu.memory_space<hbm>>) target(%arg11 : memref<3136xf32, #tpu.memory_space<vmem>>) target_semaphore(%run_scoped3A : memref<!tpu.dma_semaphore, #tpu.memory_space<semaphore_mem>>)
      %dma_wait3A = tpu.memref_slice %arg4[%add3A_36] : memref<401408xf32, #tpu.memory_space<hbm>> -> memref<3136xf32, #tpu.memory_space<hbm>>
      %dma_wait3A_114 = tpu.memref_slice %arg4[%add3A_36] : memref<401408xf32, #tpu.memory_space<hbm>> -> memref<3136xf32, #tpu.memory_space<hbm>>
      tpu.wait_dma2 semaphore(%run_scoped3A : memref<!tpu.dma_semaphore, #tpu.memory_space<semaphore_mem>>) src(%dma_wait3A_114 : memref<3136xf32, #tpu.memory_space<hbm>>) dst(%arg11 : memref<3136xf32, #tpu.memory_space<vmem>>)
      tpu.yield
    }) : () -> ()
    %add3A_37 = arith.constant 100352 : i32
    %add3A_38 = arith.addi %add3A_37, %mul3A_2 : i32
    "tpu.region"() ({
      %run_scoped3A = tpu.sem_alloc : memref<!tpu.dma_semaphore, #tpu.memory_space<semaphore_mem>>
      %dma_start3A = tpu.memref_slice %arg5[%add3A_38] : memref<401408xf32, #tpu.memory_space<hbm>> -> memref<3136xf32, #tpu.memory_space<hbm>>
      %dma_start3A_113 = tpu.memref_slice %arg5[%add3A_38] : memref<401408xf32, #tpu.memory_space<hbm>> -> memref<3136xf32, #tpu.memory_space<hbm>>
      tpu.enqueue_dma source(%dma_start3A_113 : memref<3136xf32, #tpu.memory_space<hbm>>) target(%arg12 : memref<3136xf32, #tpu.memory_space<vmem>>) target_semaphore(%run_scoped3A : memref<!tpu.dma_semaphore, #tpu.memory_space<semaphore_mem>>)
      %dma_wait3A = tpu.memref_slice %arg5[%add3A_38] : memref<401408xf32, #tpu.memory_space<hbm>> -> memref<3136xf32, #tpu.memory_space<hbm>>
      %dma_wait3A_114 = tpu.memref_slice %arg5[%add3A_38] : memref<401408xf32, #tpu.memory_space<hbm>> -> memref<3136xf32, #tpu.memory_space<hbm>>
      tpu.wait_dma2 semaphore(%run_scoped3A : memref<!tpu.dma_semaphore, #tpu.memory_space<semaphore_mem>>) src(%dma_wait3A_114 : memref<3136xf32, #tpu.memory_space<hbm>>) dst(%arg12 : memref<3136xf32, #tpu.memory_space<vmem>>)
      tpu.yield
    }) : () -> ()
    "tpu.region"() ({
      %run_scoped3A = tpu.sem_alloc : memref<!tpu.dma_semaphore, #tpu.memory_space<semaphore_mem>>
      %dma_start3A = arith.constant 16 : i32
      %dma_start3A_113 = tpu.memref_slice %arg6[%dma_start3A] : memref<192xf32, #tpu.memory_space<hbm>> -> memref<16xf32, #tpu.memory_space<hbm>>
      %dma_start3A_114 = arith.constant 16 : i32
      %dma_start3A_115 = tpu.memref_slice %arg6[%dma_start3A_114] : memref<192xf32, #tpu.memory_space<hbm>> -> memref<16xf32, #tpu.memory_space<hbm>>
      tpu.enqueue_dma source(%dma_start3A_115 : memref<16xf32, #tpu.memory_space<hbm>>) target(%arg13 : memref<16xf32, #tpu.memory_space<vmem>>) target_semaphore(%run_scoped3A : memref<!tpu.dma_semaphore, #tpu.memory_space<semaphore_mem>>)
      %dma_wait3A = arith.constant 16 : i32
      %dma_wait3A_116 = tpu.memref_slice %arg6[%dma_wait3A] : memref<192xf32, #tpu.memory_space<hbm>> -> memref<16xf32, #tpu.memory_space<hbm>>
      %dma_wait3A_117 = arith.constant 16 : i32
      %dma_wait3A_118 = tpu.memref_slice %arg6[%dma_wait3A_117] : memref<192xf32, #tpu.memory_space<hbm>> -> memref<16xf32, #tpu.memory_space<hbm>>
      tpu.wait_dma2 semaphore(%run_scoped3A : memref<!tpu.dma_semaphore, #tpu.memory_space<semaphore_mem>>) src(%dma_wait3A_118 : memref<16xf32, #tpu.memory_space<hbm>>) dst(%arg13 : memref<16xf32, #tpu.memory_space<vmem>>)
      tpu.yield
    }) : () -> ()
    "tpu.region"() ({
      %run_scoped3A = tpu.sem_alloc : memref<!tpu.dma_semaphore, #tpu.memory_space<semaphore_mem>>
      %dma_start3A = arith.constant 80 : i32
      %dma_start3A_113 = tpu.memref_slice %arg6[%dma_start3A] : memref<192xf32, #tpu.memory_space<hbm>> -> memref<16xf32, #tpu.memory_space<hbm>>
      %dma_start3A_114 = arith.constant 80 : i32
      %dma_start3A_115 = tpu.memref_slice %arg6[%dma_start3A_114] : memref<192xf32, #tpu.memory_space<hbm>> -> memref<16xf32, #tpu.memory_space<hbm>>
      tpu.enqueue_dma source(%dma_start3A_115 : memref<16xf32, #tpu.memory_space<hbm>>) target(%arg14 : memref<16xf32, #tpu.memory_space<vmem>>) target_semaphore(%run_scoped3A : memref<!tpu.dma_semaphore, #tpu.memory_space<semaphore_mem>>)
      %dma_wait3A = arith.constant 80 : i32
      %dma_wait3A_116 = tpu.memref_slice %arg6[%dma_wait3A] : memref<192xf32, #tpu.memory_space<hbm>> -> memref<16xf32, #tpu.memory_space<hbm>>
      %dma_wait3A_117 = arith.constant 80 : i32
      %dma_wait3A_118 = tpu.memref_slice %arg6[%dma_wait3A_117] : memref<192xf32, #tpu.memory_space<hbm>> -> memref<16xf32, #tpu.memory_space<hbm>>
      tpu.wait_dma2 semaphore(%run_scoped3A : memref<!tpu.dma_semaphore, #tpu.memory_space<semaphore_mem>>) src(%dma_wait3A_118 : memref<16xf32, #tpu.memory_space<hbm>>) dst(%arg14 : memref<16xf32, #tpu.memory_space<vmem>>)
      tpu.yield
    }) : () -> ()
    "tpu.region"() ({
      %run_scoped3A = tpu.sem_alloc : memref<!tpu.dma_semaphore, #tpu.memory_space<semaphore_mem>>
      %dma_start3A = arith.constant 144 : i32
      %dma_start3A_113 = tpu.memref_slice %arg6[%dma_start3A] : memref<192xf32, #tpu.memory_space<hbm>> -> memref<16xf32, #tpu.memory_space<hbm>>
      %dma_start3A_114 = arith.constant 144 : i32
      %dma_start3A_115 = tpu.memref_slice %arg6[%dma_start3A_114] : memref<192xf32, #tpu.memory_space<hbm>> -> memref<16xf32, #tpu.memory_space<hbm>>
      tpu.enqueue_dma source(%dma_start3A_115 : memref<16xf32, #tpu.memory_space<hbm>>) target(%arg15 : memref<16xf32, #tpu.memory_space<vmem>>) target_semaphore(%run_scoped3A : memref<!tpu.dma_semaphore, #tpu.memory_space<semaphore_mem>>)
      %dma_wait3A = arith.constant 144 : i32
      %dma_wait3A_116 = tpu.memref_slice %arg6[%dma_wait3A] : memref<192xf32, #tpu.memory_space<hbm>> -> memref<16xf32, #tpu.memory_space<hbm>>
      %dma_wait3A_117 = arith.constant 144 : i32
      %dma_wait3A_118 = tpu.memref_slice %arg6[%dma_wait3A_117] : memref<192xf32, #tpu.memory_space<hbm>> -> memref<16xf32, #tpu.memory_space<hbm>>
      tpu.wait_dma2 semaphore(%run_scoped3A : memref<!tpu.dma_semaphore, #tpu.memory_space<semaphore_mem>>) src(%dma_wait3A_118 : memref<16xf32, #tpu.memory_space<hbm>>) dst(%arg15 : memref<16xf32, #tpu.memory_space<vmem>>)
      tpu.yield
    }) : () -> ()
    %get3A_39 = arith.constant 0 : index
    %get3A_40 = tpu.vector_load %arg13[%get3A_39] {strides = array<i32>} : memref<16xf32, #tpu.memory_space<vmem>>, vector<16xf32>,
    %get3A_41 = vector.shape_cast %get3A_40 : vector<16xf32> to vector<16xf32>
    %get3A_42 = arith.constant 0 : index
    %get3A_43 = tpu.vector_load %arg14[%get3A_42] {strides = array<i32>} : memref<16xf32, #tpu.memory_space<vmem>>, vector<16xf32>,
    %get3A_44 = vector.shape_cast %get3A_43 : vector<16xf32> to vector<16xf32>
    %get3A_45 = arith.constant 0 : index
    %get3A_46 = tpu.vector_load %arg15[%get3A_45] {strides = array<i32>} : memref<16xf32, #tpu.memory_space<vmem>>, vector<16xf32>,
    %get3A_47 = vector.shape_cast %get3A_46 : vector<16xf32> to vector<16xf32>
    %scan3A_48 = arith.constant 0 : i32
    %scan3A_49 = arith.constant 0 : i32
    %scan3A_50 = arith.constant 196 : i32
    %scan3A_51 = arith.addi %scan3A_49, %scan3A_50 : i32
    %scan3A_52 = arith.constant 1 : i32
    %scan3A_53 = scf.for %scan3A_113 = %scan3A_49 to %scan3A_51 step %scan3A_52 iter_args(%scan3A_114 = %scan3A_48) -> (i32)  : i32 {
      %mul3A_115 = arith.constant 16 : i32
      %mul3A_116 = arith.muli %scan3A_113, %mul3A_115 : i32
      %get3A_117 = arith.index_cast %mul3A_116 : i32 to index
      %get3A_118 = tpu.vector_load %arg8[%get3A_117] {strides = array<i32>} : memref<3136xf32, #tpu.memory_space<vmem>>, vector<16xf32>,
      %get3A_119 = vector.shape_cast %get3A_118 : vector<16xf32> to vector<16xf32>
      %get3A_120 = arith.index_cast %mul3A_116 : i32 to index
      %get3A_121 = tpu.vector_load %arg9[%get3A_120] {strides = array<i32>} : memref<3136xf32, #tpu.memory_space<vmem>>, vector<16xf32>,
      %get3A_122 = vector.shape_cast %get3A_121 : vector<16xf32> to vector<16xf32>
      %add3A_123 = arith.addf %get3A_119, %get3A_122 : vector<16xf32>
      %max3A = arith.constant 1.000000e+00 : f32
      %max3A_124 = vector.broadcast %max3A : f32 to vector<16xf32>
      %max3A_125 = arith.maximumf %add3A_123, %max3A_124 : vector<16xf32>
      %div3A = arith.divf %add3A_123, %max3A_125 : vector<16xf32>
      %get3A_126 = arith.index_cast %mul3A_116 : i32 to index
      %get3A_127 = tpu.vector_load %arg10[%get3A_126] {strides = array<i32>} : memref<3136xf32, #tpu.memory_space<vmem>>, vector<16xf32>,
      %get3A_128 = vector.shape_cast %get3A_127 : vector<16xf32> to vector<16xf32>
      %mul3A_129 = arith.mulf %get3A_41, %get3A_128 : vector<16xf32>
      %mul3A_130 = arith.mulf %get3A_44, %div3A : vector<16xf32>
      %add3A_131 = arith.addf %mul3A_129, %mul3A_130 : vector<16xf32>
      %get3A_132 = arith.index_cast %mul3A_116 : i32 to index
      %get3A_133 = tpu.vector_load %arg11[%get3A_132] {strides = array<i32>} : memref<3136xf32, #tpu.memory_space<vmem>>, vector<16xf32>,
      %get3A_134 = vector.shape_cast %get3A_133 : vector<16xf32> to vector<16xf32>
      %mul3A_135 = arith.mulf %get3A_47, %get3A_134 : vector<16xf32>
      %sub3A = arith.constant 1.000000e+00 : f32
      %sub3A_136 = vector.broadcast %sub3A : f32 to vector<16xf32>
      %sub3A_137 = arith.subf %sub3A_136, %mul3A_135 : vector<16xf32>
      %mul3A_138 = arith.mulf %sub3A_137, %add3A_131 : vector<16xf32>
      %get3A_139 = arith.index_cast %mul3A_116 : i32 to index
      %get3A_140 = tpu.vector_load %arg12[%get3A_139] {strides = array<i32>} : memref<3136xf32, #tpu.memory_space<vmem>>, vector<16xf32>,
      %get3A_141 = vector.shape_cast %get3A_140 : vector<16xf32> to vector<16xf32>
      %neg3A = arith.constant 0.000000e+00 : f32
      %neg3A_142 = vector.broadcast %neg3A : f32 to vector<16xf32>
      %neg3A_143 = arith.subf %neg3A_142, %get3A_141 : vector<16xf32>
      %exp3A = math.exp %neg3A_143 : vector<16xf32>
      %add3A_144 = arith.constant 1.000000e+00 : f32
      %add3A_145 = vector.broadcast %add3A_144 : f32 to vector<16xf32>
      %add3A_146 = arith.addf %add3A_145, %exp3A : vector<16xf32>
      %div3A_147 = arith.constant 1.000000e+00 : f32
      %div3A_148 = vector.broadcast %div3A_147 : f32 to vector<16xf32>
      %div3A_149 = arith.divf %div3A_148, %add3A_146 : vector<16xf32>
      %mul3A_150 = arith.mulf %mul3A_138, %div3A_149 : vector<16xf32>
      %swap3A = arith.index_cast %mul3A_116 : i32 to index
      %swap3A_151 = tpu.vector_load %arg8[%swap3A] {strides = array<i32>} : memref<3136xf32, #tpu.memory_space<vmem>>, vector<16xf32>,
      %swap3A_152 = vector.shape_cast %swap3A_151 : vector<16xf32> to vector<16xf32>
      %swap3A_153 = vector.shape_cast %mul3A_150 : vector<16xf32> to vector<16xf32>
      tpu.vector_store %arg8[%swap3A], %swap3A_153 {strides = array<i32>} : memref<3136xf32, #tpu.memory_space<vmem>>, vector<16xf32>,
      %scan3A_154 = arith.constant 0 : i32
      scf.yield %scan3A_154 : i32
    }
    %scan3A_54 = arith.constant 196 : i32
    %add3A_55 = arith.constant 100352 : i32
    %add3A_56 = arith.addi %add3A_55, %mul3A_2 : i32
    "tpu.region"() ({
      %run_scoped3A = tpu.sem_alloc : memref<!tpu.dma_semaphore, #tpu.memory_space<semaphore_mem>>
      %dma_start3A = tpu.memref_slice %arg7[%add3A_56] : memref<401408xf32, #tpu.memory_space<hbm>> -> memref<3136xf32, #tpu.memory_space<hbm>>
      %dma_start3A_113 = tpu.memref_slice %arg7[%add3A_56] : memref<401408xf32, #tpu.memory_space<hbm>> -> memref<3136xf32, #tpu.memory_space<hbm>>
      tpu.enqueue_dma source(%arg8 : memref<3136xf32, #tpu.memory_space<vmem>>) target(%dma_start3A_113 : memref<3136xf32, #tpu.memory_space<hbm>>) target_semaphore(%run_scoped3A : memref<!tpu.dma_semaphore, #tpu.memory_space<semaphore_mem>>)
      %dma_wait3A = tpu.memref_slice %arg7[%add3A_56] : memref<401408xf32, #tpu.memory_space<hbm>> -> memref<3136xf32, #tpu.memory_space<hbm>>
      %dma_wait3A_114 = tpu.memref_slice %arg7[%add3A_56] : memref<401408xf32, #tpu.memory_space<hbm>> -> memref<3136xf32, #tpu.memory_space<hbm>>
      tpu.wait_dma2 semaphore(%run_scoped3A : memref<!tpu.dma_semaphore, #tpu.memory_space<semaphore_mem>>) src(%arg8 : memref<3136xf32, #tpu.memory_space<vmem>>) dst(%dma_wait3A_114 : memref<3136xf32, #tpu.memory_space<hbm>>)
      tpu.yield
    }) : () -> ()
    %add3A_57 = arith.constant 200704 : i32
    %add3A_58 = arith.addi %add3A_57, %mul3A_2 : i32
    "tpu.region"() ({
      %run_scoped3A = tpu.sem_alloc : memref<!tpu.dma_semaphore, #tpu.memory_space<semaphore_mem>>
      %dma_start3A = tpu.memref_slice %arg2[%add3A_58] : memref<802816xf32, #tpu.memory_space<hbm>> -> memref<3136xf32, #tpu.memory_space<hbm>>
      %dma_start3A_113 = tpu.memref_slice %arg2[%add3A_58] : memref<802816xf32, #tpu.memory_space<hbm>> -> memref<3136xf32, #tpu.memory_space<hbm>>
      tpu.enqueue_dma source(%dma_start3A_113 : memref<3136xf32, #tpu.memory_space<hbm>>) target(%arg8 : memref<3136xf32, #tpu.memory_space<vmem>>) target_semaphore(%run_scoped3A : memref<!tpu.dma_semaphore, #tpu.memory_space<semaphore_mem>>)
      %dma_wait3A = tpu.memref_slice %arg2[%add3A_58] : memref<802816xf32, #tpu.memory_space<hbm>> -> memref<3136xf32, #tpu.memory_space<hbm>>
      %dma_wait3A_114 = tpu.memref_slice %arg2[%add3A_58] : memref<802816xf32, #tpu.memory_space<hbm>> -> memref<3136xf32, #tpu.memory_space<hbm>>
      tpu.wait_dma2 semaphore(%run_scoped3A : memref<!tpu.dma_semaphore, #tpu.memory_space<semaphore_mem>>) src(%dma_wait3A_114 : memref<3136xf32, #tpu.memory_space<hbm>>) dst(%arg8 : memref<3136xf32, #tpu.memory_space<vmem>>)
      tpu.yield
    }) : () -> ()
    %add3A_59 = arith.constant 602112 : i32
    %add3A_60 = arith.addi %add3A_59, %mul3A_2 : i32
    "tpu.region"() ({
      %run_scoped3A = tpu.sem_alloc : memref<!tpu.dma_semaphore, #tpu.memory_space<semaphore_mem>>
      %dma_start3A = tpu.memref_slice %arg2[%add3A_60] : memref<802816xf32, #tpu.memory_space<hbm>> -> memref<3136xf32, #tpu.memory_space<hbm>>
      %dma_start3A_113 = tpu.memref_slice %arg2[%add3A_60] : memref<802816xf32, #tpu.memory_space<hbm>> -> memref<3136xf32, #tpu.memory_space<hbm>>
      tpu.enqueue_dma source(%dma_start3A_113 : memref<3136xf32, #tpu.memory_space<hbm>>) target(%arg9 : memref<3136xf32, #tpu.memory_space<vmem>>) target_semaphore(%run_scoped3A : memref<!tpu.dma_semaphore, #tpu.memory_space<semaphore_mem>>)
      %dma_wait3A = tpu.memref_slice %arg2[%add3A_60] : memref<802816xf32, #tpu.memory_space<hbm>> -> memref<3136xf32, #tpu.memory_space<hbm>>
      %dma_wait3A_114 = tpu.memref_slice %arg2[%add3A_60] : memref<802816xf32, #tpu.memory_space<hbm>> -> memref<3136xf32, #tpu.memory_space<hbm>>
      tpu.wait_dma2 semaphore(%run_scoped3A : memref<!tpu.dma_semaphore, #tpu.memory_space<semaphore_mem>>) src(%dma_wait3A_114 : memref<3136xf32, #tpu.memory_space<hbm>>) dst(%arg9 : memref<3136xf32, #tpu.memory_space<vmem>>)
      tpu.yield
    }) : () -> ()
    %add3A_61 = arith.constant 200704 : i32
    %add3A_62 = arith.addi %add3A_61, %mul3A_2 : i32
    "tpu.region"() ({
      %run_scoped3A = tpu.sem_alloc : memref<!tpu.dma_semaphore, #tpu.memory_space<semaphore_mem>>
      %dma_start3A = tpu.memref_slice %arg3[%add3A_62] : memref<802816xf32, #tpu.memory_space<hbm>> -> memref<3136xf32, #tpu.memory_space<hbm>>
      %dma_start3A_113 = tpu.memref_slice %arg3[%add3A_62] : memref<802816xf32, #tpu.memory_space<hbm>> -> memref<3136xf32, #tpu.memory_space<hbm>>
      tpu.enqueue_dma source(%dma_start3A_113 : memref<3136xf32, #tpu.memory_space<hbm>>) target(%arg10 : memref<3136xf32, #tpu.memory_space<vmem>>) target_semaphore(%run_scoped3A : memref<!tpu.dma_semaphore, #tpu.memory_space<semaphore_mem>>)
      %dma_wait3A = tpu.memref_slice %arg3[%add3A_62] : memref<802816xf32, #tpu.memory_space<hbm>> -> memref<3136xf32, #tpu.memory_space<hbm>>
      %dma_wait3A_114 = tpu.memref_slice %arg3[%add3A_62] : memref<802816xf32, #tpu.memory_space<hbm>> -> memref<3136xf32, #tpu.memory_space<hbm>>
      tpu.wait_dma2 semaphore(%run_scoped3A : memref<!tpu.dma_semaphore, #tpu.memory_space<semaphore_mem>>) src(%dma_wait3A_114 : memref<3136xf32, #tpu.memory_space<hbm>>) dst(%arg10 : memref<3136xf32, #tpu.memory_space<vmem>>)
      tpu.yield
    }) : () -> ()
    %add3A_63 = arith.constant 200704 : i32
    %add3A_64 = arith.addi %add3A_63, %mul3A_2 : i32
    "tpu.region"() ({
      %run_scoped3A = tpu.sem_alloc : memref<!tpu.dma_semaphore, #tpu.memory_space<semaphore_mem>>
      %dma_start3A = tpu.memref_slice %arg4[%add3A_64] : memref<401408xf32, #tpu.memory_space<hbm>> -> memref<3136xf32, #tpu.memory_space<hbm>>
      %dma_start3A_113 = tpu.memref_slice %arg4[%add3A_64] : memref<401408xf32, #tpu.memory_space<hbm>> -> memref<3136xf32, #tpu.memory_space<hbm>>
      tpu.enqueue_dma source(%dma_start3A_113 : memref<3136xf32, #tpu.memory_space<hbm>>) target(%arg11 : memref<3136xf32, #tpu.memory_space<vmem>>) target_semaphore(%run_scoped3A : memref<!tpu.dma_semaphore, #tpu.memory_space<semaphore_mem>>)
      %dma_wait3A = tpu.memref_slice %arg4[%add3A_64] : memref<401408xf32, #tpu.memory_space<hbm>> -> memref<3136xf32, #tpu.memory_space<hbm>>
      %dma_wait3A_114 = tpu.memref_slice %arg4[%add3A_64] : memref<401408xf32, #tpu.memory_space<hbm>> -> memref<3136xf32, #tpu.memory_space<hbm>>
      tpu.wait_dma2 semaphore(%run_scoped3A : memref<!tpu.dma_semaphore, #tpu.memory_space<semaphore_mem>>) src(%dma_wait3A_114 : memref<3136xf32, #tpu.memory_space<hbm>>) dst(%arg11 : memref<3136xf32, #tpu.memory_space<vmem>>)
      tpu.yield
    }) : () -> ()
    %add3A_65 = arith.constant 200704 : i32
    %add3A_66 = arith.addi %add3A_65, %mul3A_2 : i32
    "tpu.region"() ({
      %run_scoped3A = tpu.sem_alloc : memref<!tpu.dma_semaphore, #tpu.memory_space<semaphore_mem>>
      %dma_start3A = tpu.memref_slice %arg5[%add3A_66] : memref<401408xf32, #tpu.memory_space<hbm>> -> memref<3136xf32, #tpu.memory_space<hbm>>
      %dma_start3A_113 = tpu.memref_slice %arg5[%add3A_66] : memref<401408xf32, #tpu.memory_space<hbm>> -> memref<3136xf32, #tpu.memory_space<hbm>>
      tpu.enqueue_dma source(%dma_start3A_113 : memref<3136xf32, #tpu.memory_space<hbm>>) target(%arg12 : memref<3136xf32, #tpu.memory_space<vmem>>) target_semaphore(%run_scoped3A : memref<!tpu.dma_semaphore, #tpu.memory_space<semaphore_mem>>)
      %dma_wait3A = tpu.memref_slice %arg5[%add3A_66] : memref<401408xf32, #tpu.memory_space<hbm>> -> memref<3136xf32, #tpu.memory_space<hbm>>
      %dma_wait3A_114 = tpu.memref_slice %arg5[%add3A_66] : memref<401408xf32, #tpu.memory_space<hbm>> -> memref<3136xf32, #tpu.memory_space<hbm>>
      tpu.wait_dma2 semaphore(%run_scoped3A : memref<!tpu.dma_semaphore, #tpu.memory_space<semaphore_mem>>) src(%dma_wait3A_114 : memref<3136xf32, #tpu.memory_space<hbm>>) dst(%arg12 : memref<3136xf32, #tpu.memory_space<vmem>>)
      tpu.yield
    }) : () -> ()
    "tpu.region"() ({
      %run_scoped3A = tpu.sem_alloc : memref<!tpu.dma_semaphore, #tpu.memory_space<semaphore_mem>>
      %dma_start3A = arith.constant 32 : i32
      %dma_start3A_113 = tpu.memref_slice %arg6[%dma_start3A] : memref<192xf32, #tpu.memory_space<hbm>> -> memref<16xf32, #tpu.memory_space<hbm>>
      %dma_start3A_114 = arith.constant 32 : i32
      %dma_start3A_115 = tpu.memref_slice %arg6[%dma_start3A_114] : memref<192xf32, #tpu.memory_space<hbm>> -> memref<16xf32, #tpu.memory_space<hbm>>
      tpu.enqueue_dma source(%dma_start3A_115 : memref<16xf32, #tpu.memory_space<hbm>>) target(%arg13 : memref<16xf32, #tpu.memory_space<vmem>>) target_semaphore(%run_scoped3A : memref<!tpu.dma_semaphore, #tpu.memory_space<semaphore_mem>>)
      %dma_wait3A = arith.constant 32 : i32
      %dma_wait3A_116 = tpu.memref_slice %arg6[%dma_wait3A] : memref<192xf32, #tpu.memory_space<hbm>> -> memref<16xf32, #tpu.memory_space<hbm>>
      %dma_wait3A_117 = arith.constant 32 : i32
      %dma_wait3A_118 = tpu.memref_slice %arg6[%dma_wait3A_117] : memref<192xf32, #tpu.memory_space<hbm>> -> memref<16xf32, #tpu.memory_space<hbm>>
      tpu.wait_dma2 semaphore(%run_scoped3A : memref<!tpu.dma_semaphore, #tpu.memory_space<semaphore_mem>>) src(%dma_wait3A_118 : memref<16xf32, #tpu.memory_space<hbm>>) dst(%arg13 : memref<16xf32, #tpu.memory_space<vmem>>)
      tpu.yield
    }) : () -> ()
    "tpu.region"() ({
      %run_scoped3A = tpu.sem_alloc : memref<!tpu.dma_semaphore, #tpu.memory_space<semaphore_mem>>
      %dma_start3A = arith.constant 96 : i32
      %dma_start3A_113 = tpu.memref_slice %arg6[%dma_start3A] : memref<192xf32, #tpu.memory_space<hbm>> -> memref<16xf32, #tpu.memory_space<hbm>>
      %dma_start3A_114 = arith.constant 96 : i32
      %dma_start3A_115 = tpu.memref_slice %arg6[%dma_start3A_114] : memref<192xf32, #tpu.memory_space<hbm>> -> memref<16xf32, #tpu.memory_space<hbm>>
      tpu.enqueue_dma source(%dma_start3A_115 : memref<16xf32, #tpu.memory_space<hbm>>) target(%arg14 : memref<16xf32, #tpu.memory_space<vmem>>) target_semaphore(%run_scoped3A : memref<!tpu.dma_semaphore, #tpu.memory_space<semaphore_mem>>)
      %dma_wait3A = arith.constant 96 : i32
      %dma_wait3A_116 = tpu.memref_slice %arg6[%dma_wait3A] : memref<192xf32, #tpu.memory_space<hbm>> -> memref<16xf32, #tpu.memory_space<hbm>>
      %dma_wait3A_117 = arith.constant 96 : i32
      %dma_wait3A_118 = tpu.memref_slice %arg6[%dma_wait3A_117] : memref<192xf32, #tpu.memory_space<hbm>> -> memref<16xf32, #tpu.memory_space<hbm>>
      tpu.wait_dma2 semaphore(%run_scoped3A : memref<!tpu.dma_semaphore, #tpu.memory_space<semaphore_mem>>) src(%dma_wait3A_118 : memref<16xf32, #tpu.memory_space<hbm>>) dst(%arg14 : memref<16xf32, #tpu.memory_space<vmem>>)
      tpu.yield
    }) : () -> ()
    "tpu.region"() ({
      %run_scoped3A = tpu.sem_alloc : memref<!tpu.dma_semaphore, #tpu.memory_space<semaphore_mem>>
      %dma_start3A = arith.constant 160 : i32
      %dma_start3A_113 = tpu.memref_slice %arg6[%dma_start3A] : memref<192xf32, #tpu.memory_space<hbm>> -> memref<16xf32, #tpu.memory_space<hbm>>
      %dma_start3A_114 = arith.constant 160 : i32
      %dma_start3A_115 = tpu.memref_slice %arg6[%dma_start3A_114] : memref<192xf32, #tpu.memory_space<hbm>> -> memref<16xf32, #tpu.memory_space<hbm>>
      tpu.enqueue_dma source(%dma_start3A_115 : memref<16xf32, #tpu.memory_space<hbm>>) target(%arg15 : memref<16xf32, #tpu.memory_space<vmem>>) target_semaphore(%run_scoped3A : memref<!tpu.dma_semaphore, #tpu.memory_space<semaphore_mem>>)
      %dma_wait3A = arith.constant 160 : i32
      %dma_wait3A_116 = tpu.memref_slice %arg6[%dma_wait3A] : memref<192xf32, #tpu.memory_space<hbm>> -> memref<16xf32, #tpu.memory_space<hbm>>
      %dma_wait3A_117 = arith.constant 160 : i32
      %dma_wait3A_118 = tpu.memref_slice %arg6[%dma_wait3A_117] : memref<192xf32, #tpu.memory_space<hbm>> -> memref<16xf32, #tpu.memory_space<hbm>>
      tpu.wait_dma2 semaphore(%run_scoped3A : memref<!tpu.dma_semaphore, #tpu.memory_space<semaphore_mem>>) src(%dma_wait3A_118 : memref<16xf32, #tpu.memory_space<hbm>>) dst(%arg15 : memref<16xf32, #tpu.memory_space<vmem>>)
      tpu.yield
    }) : () -> ()
    %get3A_67 = arith.constant 0 : index
    %get3A_68 = tpu.vector_load %arg13[%get3A_67] {strides = array<i32>} : memref<16xf32, #tpu.memory_space<vmem>>, vector<16xf32>,
    %get3A_69 = vector.shape_cast %get3A_68 : vector<16xf32> to vector<16xf32>
    %get3A_70 = arith.constant 0 : index
    %get3A_71 = tpu.vector_load %arg14[%get3A_70] {strides = array<i32>} : memref<16xf32, #tpu.memory_space<vmem>>, vector<16xf32>,
    %get3A_72 = vector.shape_cast %get3A_71 : vector<16xf32> to vector<16xf32>
    %get3A_73 = arith.constant 0 : index
    %get3A_74 = tpu.vector_load %arg15[%get3A_73] {strides = array<i32>} : memref<16xf32, #tpu.memory_space<vmem>>, vector<16xf32>,
    %get3A_75 = vector.shape_cast %get3A_74 : vector<16xf32> to vector<16xf32>
    %scan3A_76 = arith.constant 0 : i32
    %scan3A_77 = arith.constant 0 : i32
    %scan3A_78 = arith.constant 196 : i32
    %scan3A_79 = arith.addi %scan3A_77, %scan3A_78 : i32
    %scan3A_80 = arith.constant 1 : i32
    %scan3A_81 = scf.for %scan3A_113 = %scan3A_77 to %scan3A_79 step %scan3A_80 iter_args(%scan3A_114 = %scan3A_76) -> (i32)  : i32 {
      %mul3A_115 = arith.constant 16 : i32
      %mul3A_116 = arith.muli %scan3A_113, %mul3A_115 : i32
      %get3A_117 = arith.index_cast %mul3A_116 : i32 to index
      %get3A_118 = tpu.vector_load %arg8[%get3A_117] {strides = array<i32>} : memref<3136xf32, #tpu.memory_space<vmem>>, vector<16xf32>,
      %get3A_119 = vector.shape_cast %get3A_118 : vector<16xf32> to vector<16xf32>
      %get3A_120 = arith.index_cast %mul3A_116 : i32 to index
      %get3A_121 = tpu.vector_load %arg9[%get3A_120] {strides = array<i32>} : memref<3136xf32, #tpu.memory_space<vmem>>, vector<16xf32>,
      %get3A_122 = vector.shape_cast %get3A_121 : vector<16xf32> to vector<16xf32>
      %add3A_123 = arith.addf %get3A_119, %get3A_122 : vector<16xf32>
      %max3A = arith.constant 1.000000e+00 : f32
      %max3A_124 = vector.broadcast %max3A : f32 to vector<16xf32>
      %max3A_125 = arith.maximumf %add3A_123, %max3A_124 : vector<16xf32>
      %div3A = arith.divf %add3A_123, %max3A_125 : vector<16xf32>
      %get3A_126 = arith.index_cast %mul3A_116 : i32 to index
      %get3A_127 = tpu.vector_load %arg10[%get3A_126] {strides = array<i32>} : memref<3136xf32, #tpu.memory_space<vmem>>, vector<16xf32>,
      %get3A_128 = vector.shape_cast %get3A_127 : vector<16xf32> to vector<16xf32>
      %mul3A_129 = arith.mulf %get3A_69, %get3A_128 : vector<16xf32>
      %mul3A_130 = arith.mulf %get3A_72, %div3A : vector<16xf32>
      %add3A_131 = arith.addf %mul3A_129, %mul3A_130 : vector<16xf32>
      %get3A_132 = arith.index_cast %mul3A_116 : i32 to index
      %get3A_133 = tpu.vector_load %arg11[%get3A_132] {strides = array<i32>} : memref<3136xf32, #tpu.memory_space<vmem>>, vector<16xf32>,
      %get3A_134 = vector.shape_cast %get3A_133 : vector<16xf32> to vector<16xf32>
      %mul3A_135 = arith.mulf %get3A_75, %get3A_134 : vector<16xf32>
      %sub3A = arith.constant 1.000000e+00 : f32
      %sub3A_136 = vector.broadcast %sub3A : f32 to vector<16xf32>
      %sub3A_137 = arith.subf %sub3A_136, %mul3A_135 : vector<16xf32>
      %mul3A_138 = arith.mulf %sub3A_137, %add3A_131 : vector<16xf32>
      %get3A_139 = arith.index_cast %mul3A_116 : i32 to index
      %get3A_140 = tpu.vector_load %arg12[%get3A_139] {strides = array<i32>} : memref<3136xf32, #tpu.memory_space<vmem>>, vector<16xf32>,
      %get3A_141 = vector.shape_cast %get3A_140 : vector<16xf32> to vector<16xf32>
      %neg3A = arith.constant 0.000000e+00 : f32
      %neg3A_142 = vector.broadcast %neg3A : f32 to vector<16xf32>
      %neg3A_143 = arith.subf %neg3A_142, %get3A_141 : vector<16xf32>
      %exp3A = math.exp %neg3A_143 : vector<16xf32>
      %add3A_144 = arith.constant 1.000000e+00 : f32
      %add3A_145 = vector.broadcast %add3A_144 : f32 to vector<16xf32>
      %add3A_146 = arith.addf %add3A_145, %exp3A : vector<16xf32>
      %div3A_147 = arith.constant 1.000000e+00 : f32
      %div3A_148 = vector.broadcast %div3A_147 : f32 to vector<16xf32>
      %div3A_149 = arith.divf %div3A_148, %add3A_146 : vector<16xf32>
      %mul3A_150 = arith.mulf %mul3A_138, %div3A_149 : vector<16xf32>
      %swap3A = arith.index_cast %mul3A_116 : i32 to index
      %swap3A_151 = tpu.vector_load %arg8[%swap3A] {strides = array<i32>} : memref<3136xf32, #tpu.memory_space<vmem>>, vector<16xf32>,
      %swap3A_152 = vector.shape_cast %swap3A_151 : vector<16xf32> to vector<16xf32>
      %swap3A_153 = vector.shape_cast %mul3A_150 : vector<16xf32> to vector<16xf32>
      tpu.vector_store %arg8[%swap3A], %swap3A_153 {strides = array<i32>} : memref<3136xf32, #tpu.memory_space<vmem>>, vector<16xf32>,
      %scan3A_154 = arith.constant 0 : i32
      scf.yield %scan3A_154 : i32
    }
    %scan3A_82 = arith.constant 196 : i32
    %add3A_83 = arith.constant 200704 : i32
    %add3A_84 = arith.addi %add3A_83, %mul3A_2 : i32
    "tpu.region"() ({
      %run_scoped3A = tpu.sem_alloc : memref<!tpu.dma_semaphore, #tpu.memory_space<semaphore_mem>>
      %dma_start3A = tpu.memref_slice %arg7[%add3A_84] : memref<401408xf32, #tpu.memory_space<hbm>> -> memref<3136xf32, #tpu.memory_space<hbm>>
      %dma_start3A_113 = tpu.memref_slice %arg7[%add3A_84] : memref<401408xf32, #tpu.memory_space<hbm>> -> memref<3136xf32, #tpu.memory_space<hbm>>
      tpu.enqueue_dma source(%arg8 : memref<3136xf32, #tpu.memory_space<vmem>>) target(%dma_start3A_113 : memref<3136xf32, #tpu.memory_space<hbm>>) target_semaphore(%run_scoped3A : memref<!tpu.dma_semaphore, #tpu.memory_space<semaphore_mem>>)
      %dma_wait3A = tpu.memref_slice %arg7[%add3A_84] : memref<401408xf32, #tpu.memory_space<hbm>> -> memref<3136xf32, #tpu.memory_space<hbm>>
      %dma_wait3A_114 = tpu.memref_slice %arg7[%add3A_84] : memref<401408xf32, #tpu.memory_space<hbm>> -> memref<3136xf32, #tpu.memory_space<hbm>>
      tpu.wait_dma2 semaphore(%run_scoped3A : memref<!tpu.dma_semaphore, #tpu.memory_space<semaphore_mem>>) src(%arg8 : memref<3136xf32, #tpu.memory_space<vmem>>) dst(%dma_wait3A_114 : memref<3136xf32, #tpu.memory_space<hbm>>)
      tpu.yield
    }) : () -> ()
    %add3A_85 = arith.constant 301056 : i32
    %add3A_86 = arith.addi %add3A_85, %mul3A_2 : i32
    "tpu.region"() ({
      %run_scoped3A = tpu.sem_alloc : memref<!tpu.dma_semaphore, #tpu.memory_space<semaphore_mem>>
      %dma_start3A = tpu.memref_slice %arg2[%add3A_86] : memref<802816xf32, #tpu.memory_space<hbm>> -> memref<3136xf32, #tpu.memory_space<hbm>>
      %dma_start3A_113 = tpu.memref_slice %arg2[%add3A_86] : memref<802816xf32, #tpu.memory_space<hbm>> -> memref<3136xf32, #tpu.memory_space<hbm>>
      tpu.enqueue_dma source(%dma_start3A_113 : memref<3136xf32, #tpu.memory_space<hbm>>) target(%arg8 : memref<3136xf32, #tpu.memory_space<vmem>>) target_semaphore(%run_scoped3A : memref<!tpu.dma_semaphore, #tpu.memory_space<semaphore_mem>>)
      %dma_wait3A = tpu.memref_slice %arg2[%add3A_86] : memref<802816xf32, #tpu.memory_space<hbm>> -> memref<3136xf32, #tpu.memory_space<hbm>>
      %dma_wait3A_114 = tpu.memref_slice %arg2[%add3A_86] : memref<802816xf32, #tpu.memory_space<hbm>> -> memref<3136xf32, #tpu.memory_space<hbm>>
      tpu.wait_dma2 semaphore(%run_scoped3A : memref<!tpu.dma_semaphore, #tpu.memory_space<semaphore_mem>>) src(%dma_wait3A_114 : memref<3136xf32, #tpu.memory_space<hbm>>) dst(%arg8 : memref<3136xf32, #tpu.memory_space<vmem>>)
      tpu.yield
    }) : () -> ()
    %add3A_87 = arith.constant 702464 : i32
    %add3A_88 = arith.addi %add3A_87, %mul3A_2 : i32
    "tpu.region"() ({
      %run_scoped3A = tpu.sem_alloc : memref<!tpu.dma_semaphore, #tpu.memory_space<semaphore_mem>>
      %dma_start3A = tpu.memref_slice %arg2[%add3A_88] : memref<802816xf32, #tpu.memory_space<hbm>> -> memref<3136xf32, #tpu.memory_space<hbm>>
      %dma_start3A_113 = tpu.memref_slice %arg2[%add3A_88] : memref<802816xf32, #tpu.memory_space<hbm>> -> memref<3136xf32, #tpu.memory_space<hbm>>
      tpu.enqueue_dma source(%dma_start3A_113 : memref<3136xf32, #tpu.memory_space<hbm>>) target(%arg9 : memref<3136xf32, #tpu.memory_space<vmem>>) target_semaphore(%run_scoped3A : memref<!tpu.dma_semaphore, #tpu.memory_space<semaphore_mem>>)
      %dma_wait3A = tpu.memref_slice %arg2[%add3A_88] : memref<802816xf32, #tpu.memory_space<hbm>> -> memref<3136xf32, #tpu.memory_space<hbm>>
      %dma_wait3A_114 = tpu.memref_slice %arg2[%add3A_88] : memref<802816xf32, #tpu.memory_space<hbm>> -> memref<3136xf32, #tpu.memory_space<hbm>>
      tpu.wait_dma2 semaphore(%run_scoped3A : memref<!tpu.dma_semaphore, #tpu.memory_space<semaphore_mem>>) src(%dma_wait3A_114 : memref<3136xf32, #tpu.memory_space<hbm>>) dst(%arg9 : memref<3136xf32, #tpu.memory_space<vmem>>)
      tpu.yield
    }) : () -> ()
    %add3A_89 = arith.constant 301056 : i32
    %add3A_90 = arith.addi %add3A_89, %mul3A_2 : i32
    "tpu.region"() ({
      %run_scoped3A = tpu.sem_alloc : memref<!tpu.dma_semaphore, #tpu.memory_space<semaphore_mem>>
      %dma_start3A = tpu.memref_slice %arg3[%add3A_90] : memref<802816xf32, #tpu.memory_space<hbm>> -> memref<3136xf32, #tpu.memory_space<hbm>>
      %dma_start3A_113 = tpu.memref_slice %arg3[%add3A_90] : memref<802816xf32, #tpu.memory_space<hbm>> -> memref<3136xf32, #tpu.memory_space<hbm>>
      tpu.enqueue_dma source(%dma_start3A_113 : memref<3136xf32, #tpu.memory_space<hbm>>) target(%arg10 : memref<3136xf32, #tpu.memory_space<vmem>>) target_semaphore(%run_scoped3A : memref<!tpu.dma_semaphore, #tpu.memory_space<semaphore_mem>>)
      %dma_wait3A = tpu.memref_slice %arg3[%add3A_90] : memref<802816xf32, #tpu.memory_space<hbm>> -> memref<3136xf32, #tpu.memory_space<hbm>>
      %dma_wait3A_114 = tpu.memref_slice %arg3[%add3A_90] : memref<802816xf32, #tpu.memory_space<hbm>> -> memref<3136xf32, #tpu.memory_space<hbm>>
      tpu.wait_dma2 semaphore(%run_scoped3A : memref<!tpu.dma_semaphore, #tpu.memory_space<semaphore_mem>>) src(%dma_wait3A_114 : memref<3136xf32, #tpu.memory_space<hbm>>) dst(%arg10 : memref<3136xf32, #tpu.memory_space<vmem>>)
      tpu.yield
    }) : () -> ()
    %add3A_91 = arith.constant 301056 : i32
    %add3A_92 = arith.addi %add3A_91, %mul3A_2 : i32
    "tpu.region"() ({
      %run_scoped3A = tpu.sem_alloc : memref<!tpu.dma_semaphore, #tpu.memory_space<semaphore_mem>>
      %dma_start3A = tpu.memref_slice %arg4[%add3A_92] : memref<401408xf32, #tpu.memory_space<hbm>> -> memref<3136xf32, #tpu.memory_space<hbm>>
      %dma_start3A_113 = tpu.memref_slice %arg4[%add3A_92] : memref<401408xf32, #tpu.memory_space<hbm>> -> memref<3136xf32, #tpu.memory_space<hbm>>
      tpu.enqueue_dma source(%dma_start3A_113 : memref<3136xf32, #tpu.memory_space<hbm>>) target(%arg11 : memref<3136xf32, #tpu.memory_space<vmem>>) target_semaphore(%run_scoped3A : memref<!tpu.dma_semaphore, #tpu.memory_space<semaphore_mem>>)
      %dma_wait3A = tpu.memref_slice %arg4[%add3A_92] : memref<401408xf32, #tpu.memory_space<hbm>> -> memref<3136xf32, #tpu.memory_space<hbm>>
      %dma_wait3A_114 = tpu.memref_slice %arg4[%add3A_92] : memref<401408xf32, #tpu.memory_space<hbm>> -> memref<3136xf32, #tpu.memory_space<hbm>>
      tpu.wait_dma2 semaphore(%run_scoped3A : memref<!tpu.dma_semaphore, #tpu.memory_space<semaphore_mem>>) src(%dma_wait3A_114 : memref<3136xf32, #tpu.memory_space<hbm>>) dst(%arg11 : memref<3136xf32, #tpu.memory_space<vmem>>)
      tpu.yield
    }) : () -> ()
    %add3A_93 = arith.constant 301056 : i32
    %add3A_94 = arith.addi %add3A_93, %mul3A_2 : i32
    "tpu.region"() ({
      %run_scoped3A = tpu.sem_alloc : memref<!tpu.dma_semaphore, #tpu.memory_space<semaphore_mem>>
      %dma_start3A = tpu.memref_slice %arg5[%add3A_94] : memref<401408xf32, #tpu.memory_space<hbm>> -> memref<3136xf32, #tpu.memory_space<hbm>>
      %dma_start3A_113 = tpu.memref_slice %arg5[%add3A_94] : memref<401408xf32, #tpu.memory_space<hbm>> -> memref<3136xf32, #tpu.memory_space<hbm>>
      tpu.enqueue_dma source(%dma_start3A_113 : memref<3136xf32, #tpu.memory_space<hbm>>) target(%arg12 : memref<3136xf32, #tpu.memory_space<vmem>>) target_semaphore(%run_scoped3A : memref<!tpu.dma_semaphore, #tpu.memory_space<semaphore_mem>>)
      %dma_wait3A = tpu.memref_slice %arg5[%add3A_94] : memref<401408xf32, #tpu.memory_space<hbm>> -> memref<3136xf32, #tpu.memory_space<hbm>>
      %dma_wait3A_114 = tpu.memref_slice %arg5[%add3A_94] : memref<401408xf32, #tpu.memory_space<hbm>> -> memref<3136xf32, #tpu.memory_space<hbm>>
      tpu.wait_dma2 semaphore(%run_scoped3A : memref<!tpu.dma_semaphore, #tpu.memory_space<semaphore_mem>>) src(%dma_wait3A_114 : memref<3136xf32, #tpu.memory_space<hbm>>) dst(%arg12 : memref<3136xf32, #tpu.memory_space<vmem>>)
      tpu.yield
    }) : () -> ()
    "tpu.region"() ({
      %run_scoped3A = tpu.sem_alloc : memref<!tpu.dma_semaphore, #tpu.memory_space<semaphore_mem>>
      %dma_start3A = arith.constant 48 : i32
      %dma_start3A_113 = tpu.memref_slice %arg6[%dma_start3A] : memref<192xf32, #tpu.memory_space<hbm>> -> memref<16xf32, #tpu.memory_space<hbm>>
      %dma_start3A_114 = arith.constant 48 : i32
      %dma_start3A_115 = tpu.memref_slice %arg6[%dma_start3A_114] : memref<192xf32, #tpu.memory_space<hbm>> -> memref<16xf32, #tpu.memory_space<hbm>>
      tpu.enqueue_dma source(%dma_start3A_115 : memref<16xf32, #tpu.memory_space<hbm>>) target(%arg13 : memref<16xf32, #tpu.memory_space<vmem>>) target_semaphore(%run_scoped3A : memref<!tpu.dma_semaphore, #tpu.memory_space<semaphore_mem>>)
      %dma_wait3A = arith.constant 48 : i32
      %dma_wait3A_116 = tpu.memref_slice %arg6[%dma_wait3A] : memref<192xf32, #tpu.memory_space<hbm>> -> memref<16xf32, #tpu.memory_space<hbm>>
      %dma_wait3A_117 = arith.constant 48 : i32
      %dma_wait3A_118 = tpu.memref_slice %arg6[%dma_wait3A_117] : memref<192xf32, #tpu.memory_space<hbm>> -> memref<16xf32, #tpu.memory_space<hbm>>
      tpu.wait_dma2 semaphore(%run_scoped3A : memref<!tpu.dma_semaphore, #tpu.memory_space<semaphore_mem>>) src(%dma_wait3A_118 : memref<16xf32, #tpu.memory_space<hbm>>) dst(%arg13 : memref<16xf32, #tpu.memory_space<vmem>>)
      tpu.yield
    }) : () -> ()
    "tpu.region"() ({
      %run_scoped3A = tpu.sem_alloc : memref<!tpu.dma_semaphore, #tpu.memory_space<semaphore_mem>>
      %dma_start3A = arith.constant 112 : i32
      %dma_start3A_113 = tpu.memref_slice %arg6[%dma_start3A] : memref<192xf32, #tpu.memory_space<hbm>> -> memref<16xf32, #tpu.memory_space<hbm>>
      %dma_start3A_114 = arith.constant 112 : i32
      %dma_start3A_115 = tpu.memref_slice %arg6[%dma_start3A_114] : memref<192xf32, #tpu.memory_space<hbm>> -> memref<16xf32, #tpu.memory_space<hbm>>
      tpu.enqueue_dma source(%dma_start3A_115 : memref<16xf32, #tpu.memory_space<hbm>>) target(%arg14 : memref<16xf32, #tpu.memory_space<vmem>>) target_semaphore(%run_scoped3A : memref<!tpu.dma_semaphore, #tpu.memory_space<semaphore_mem>>)
      %dma_wait3A = arith.constant 112 : i32
      %dma_wait3A_116 = tpu.memref_slice %arg6[%dma_wait3A] : memref<192xf32, #tpu.memory_space<hbm>> -> memref<16xf32, #tpu.memory_space<hbm>>
      %dma_wait3A_117 = arith.constant 112 : i32
      %dma_wait3A_118 = tpu.memref_slice %arg6[%dma_wait3A_117] : memref<192xf32, #tpu.memory_space<hbm>> -> memref<16xf32, #tpu.memory_space<hbm>>
      tpu.wait_dma2 semaphore(%run_scoped3A : memref<!tpu.dma_semaphore, #tpu.memory_space<semaphore_mem>>) src(%dma_wait3A_118 : memref<16xf32, #tpu.memory_space<hbm>>) dst(%arg14 : memref<16xf32, #tpu.memory_space<vmem>>)
      tpu.yield
    }) : () -> ()
    "tpu.region"() ({
      %run_scoped3A = tpu.sem_alloc : memref<!tpu.dma_semaphore, #tpu.memory_space<semaphore_mem>>
      %dma_start3A = arith.constant 176 : i32
      %dma_start3A_113 = tpu.memref_slice %arg6[%dma_start3A] : memref<192xf32, #tpu.memory_space<hbm>> -> memref<16xf32, #tpu.memory_space<hbm>>
      %dma_start3A_114 = arith.constant 176 : i32
      %dma_start3A_115 = tpu.memref_slice %arg6[%dma_start3A_114] : memref<192xf32, #tpu.memory_space<hbm>> -> memref<16xf32, #tpu.memory_space<hbm>>
      tpu.enqueue_dma source(%dma_start3A_115 : memref<16xf32, #tpu.memory_space<hbm>>) target(%arg15 : memref<16xf32, #tpu.memory_space<vmem>>) target_semaphore(%run_scoped3A : memref<!tpu.dma_semaphore, #tpu.memory_space<semaphore_mem>>)
      %dma_wait3A = arith.constant 176 : i32
      %dma_wait3A_116 = tpu.memref_slice %arg6[%dma_wait3A] : memref<192xf32, #tpu.memory_space<hbm>> -> memref<16xf32, #tpu.memory_space<hbm>>
      %dma_wait3A_117 = arith.constant 176 : i32
      %dma_wait3A_118 = tpu.memref_slice %arg6[%dma_wait3A_117] : memref<192xf32, #tpu.memory_space<hbm>> -> memref<16xf32, #tpu.memory_space<hbm>>
      tpu.wait_dma2 semaphore(%run_scoped3A : memref<!tpu.dma_semaphore, #tpu.memory_space<semaphore_mem>>) src(%dma_wait3A_118 : memref<16xf32, #tpu.memory_space<hbm>>) dst(%arg15 : memref<16xf32, #tpu.memory_space<vmem>>)
      tpu.yield
    }) : () -> ()
    %get3A_95 = arith.constant 0 : index
    %get3A_96 = tpu.vector_load %arg13[%get3A_95] {strides = array<i32>} : memref<16xf32, #tpu.memory_space<vmem>>, vector<16xf32>,
    %get3A_97 = vector.shape_cast %get3A_96 : vector<16xf32> to vector<16xf32>
    %get3A_98 = arith.constant 0 : index
    %get3A_99 = tpu.vector_load %arg14[%get3A_98] {strides = array<i32>} : memref<16xf32, #tpu.memory_space<vmem>>, vector<16xf32>,
    %get3A_100 = vector.shape_cast %get3A_99 : vector<16xf32> to vector<16xf32>
    %get3A_101 = arith.constant 0 : index
    %get3A_102 = tpu.vector_load %arg15[%get3A_101] {strides = array<i32>} : memref<16xf32, #tpu.memory_space<vmem>>, vector<16xf32>,
    %get3A_103 = vector.shape_cast %get3A_102 : vector<16xf32> to vector<16xf32>
    %scan3A_104 = arith.constant 0 : i32
    %scan3A_105 = arith.constant 0 : i32
    %scan3A_106 = arith.constant 196 : i32
    %scan3A_107 = arith.addi %scan3A_105, %scan3A_106 : i32
    %scan3A_108 = arith.constant 1 : i32
    %scan3A_109 = scf.for %scan3A_113 = %scan3A_105 to %scan3A_107 step %scan3A_108 iter_args(%scan3A_114 = %scan3A_104) -> (i32)  : i32 {
      %mul3A_115 = arith.constant 16 : i32
      %mul3A_116 = arith.muli %scan3A_113, %mul3A_115 : i32
      %get3A_117 = arith.index_cast %mul3A_116 : i32 to index
      %get3A_118 = tpu.vector_load %arg8[%get3A_117] {strides = array<i32>} : memref<3136xf32, #tpu.memory_space<vmem>>, vector<16xf32>,
      %get3A_119 = vector.shape_cast %get3A_118 : vector<16xf32> to vector<16xf32>
      %get3A_120 = arith.index_cast %mul3A_116 : i32 to index
      %get3A_121 = tpu.vector_load %arg9[%get3A_120] {strides = array<i32>} : memref<3136xf32, #tpu.memory_space<vmem>>, vector<16xf32>,
      %get3A_122 = vector.shape_cast %get3A_121 : vector<16xf32> to vector<16xf32>
      %add3A_123 = arith.addf %get3A_119, %get3A_122 : vector<16xf32>
      %max3A = arith.constant 1.000000e+00 : f32
      %max3A_124 = vector.broadcast %max3A : f32 to vector<16xf32>
      %max3A_125 = arith.maximumf %add3A_123, %max3A_124 : vector<16xf32>
      %div3A = arith.divf %add3A_123, %max3A_125 : vector<16xf32>
      %get3A_126 = arith.index_cast %mul3A_116 : i32 to index
      %get3A_127 = tpu.vector_load %arg10[%get3A_126] {strides = array<i32>} : memref<3136xf32, #tpu.memory_space<vmem>>, vector<16xf32>,
      %get3A_128 = vector.shape_cast %get3A_127 : vector<16xf32> to vector<16xf32>
      %mul3A_129 = arith.mulf %get3A_97, %get3A_128 : vector<16xf32>
      %mul3A_130 = arith.mulf %get3A_100, %div3A : vector<16xf32>
      %add3A_131 = arith.addf %mul3A_129, %mul3A_130 : vector<16xf32>
      %get3A_132 = arith.index_cast %mul3A_116 : i32 to index
      %get3A_133 = tpu.vector_load %arg11[%get3A_132] {strides = array<i32>} : memref<3136xf32, #tpu.memory_space<vmem>>, vector<16xf32>,
      %get3A_134 = vector.shape_cast %get3A_133 : vector<16xf32> to vector<16xf32>
      %mul3A_135 = arith.mulf %get3A_103, %get3A_134 : vector<16xf32>
      %sub3A = arith.constant 1.000000e+00 : f32
      %sub3A_136 = vector.broadcast %sub3A : f32 to vector<16xf32>
      %sub3A_137 = arith.subf %sub3A_136, %mul3A_135 : vector<16xf32>
      %mul3A_138 = arith.mulf %sub3A_137, %add3A_131 : vector<16xf32>
      %get3A_139 = arith.index_cast %mul3A_116 : i32 to index
      %get3A_140 = tpu.vector_load %arg12[%get3A_139] {strides = array<i32>} : memref<3136xf32, #tpu.memory_space<vmem>>, vector<16xf32>,
      %get3A_141 = vector.shape_cast %get3A_140 : vector<16xf32> to vector<16xf32>
      %neg3A = arith.constant 0.000000e+00 : f32
      %neg3A_142 = vector.broadcast %neg3A : f32 to vector<16xf32>
      %neg3A_143 = arith.subf %neg3A_142, %get3A_141 : vector<16xf32>
      %exp3A = math.exp %neg3A_143 : vector<16xf32>
      %add3A_144 = arith.constant 1.000000e+00 : f32
      %add3A_145 = vector.broadcast %add3A_144 : f32 to vector<16xf32>
      %add3A_146 = arith.addf %add3A_145, %exp3A : vector<16xf32>
      %div3A_147 = arith.constant 1.000000e+00 : f32
      %div3A_148 = vector.broadcast %div3A_147 : f32 to vector<16xf32>
      %div3A_149 = arith.divf %div3A_148, %add3A_146 : vector<16xf32>
      %mul3A_150 = arith.mulf %mul3A_138, %div3A_149 : vector<16xf32>
      %swap3A = arith.index_cast %mul3A_116 : i32 to index
      %swap3A_151 = tpu.vector_load %arg8[%swap3A] {strides = array<i32>} : memref<3136xf32, #tpu.memory_space<vmem>>, vector<16xf32>,
      %swap3A_152 = vector.shape_cast %swap3A_151 : vector<16xf32> to vector<16xf32>
      %swap3A_153 = vector.shape_cast %mul3A_150 : vector<16xf32> to vector<16xf32>
      tpu.vector_store %arg8[%swap3A], %swap3A_153 {strides = array<i32>} : memref<3136xf32, #tpu.memory_space<vmem>>, vector<16xf32>,
      %scan3A_154 = arith.constant 0 : i32
      scf.yield %scan3A_154 : i32
    }
    %scan3A_110 = arith.constant 196 : i32
    %add3A_111 = arith.constant 301056 : i32
    %add3A_112 = arith.addi %add3A_111, %mul3A_2 : i32
    "tpu.region"() ({
      %run_scoped3A = tpu.sem_alloc : memref<!tpu.dma_semaphore, #tpu.memory_space<semaphore_mem>>
      %dma_start3A = tpu.memref_slice %arg7[%add3A_112] : memref<401408xf32, #tpu.memory_space<hbm>> -> memref<3136xf32, #tpu.memory_space<hbm>>
      %dma_start3A_113 = tpu.memref_slice %arg7[%add3A_112] : memref<401408xf32, #tpu.memory_space<hbm>> -> memref<3136xf32, #tpu.memory_space<hbm>>
      tpu.enqueue_dma source(%arg8 : memref<3136xf32, #tpu.memory_space<vmem>>) target(%dma_start3A_113 : memref<3136xf32, #tpu.memory_space<hbm>>) target_semaphore(%run_scoped3A : memref<!tpu.dma_semaphore, #tpu.memory_space<semaphore_mem>>)
      %dma_wait3A = tpu.memref_slice %arg7[%add3A_112] : memref<401408xf32, #tpu.memory_space<hbm>> -> memref<3136xf32, #tpu.memory_space<hbm>>
      %dma_wait3A_114 = tpu.memref_slice %arg7[%add3A_112] : memref<401408xf32, #tpu.memory_space<hbm>> -> memref<3136xf32, #tpu.memory_space<hbm>>
      tpu.wait_dma2 semaphore(%run_scoped3A : memref<!tpu.dma_semaphore, #tpu.memory_space<semaphore_mem>>) src(%arg8 : memref<3136xf32, #tpu.memory_space<vmem>>) dst(%dma_wait3A_114 : memref<3136xf32, #tpu.memory_space<hbm>>)
      tpu.yield
    }) : () -> ()
    return
  }
}

#map = affine_map<(d0, d1) -> (0)>
module attributes {stable_mosaic.version = 14 : i64} {
  func.func @body_first(%arg0: i32, %arg1: i32, %arg2: memref<401408xf32, #tpu.memory_space<hbm>>, %arg3: memref<3200000xi32, #tpu.memory_space<hbm>>, %arg4: memref<3200000xi32, #tpu.memory_space<hbm>>, %arg5: memref<12800000xf32, #tpu.memory_space<hbm>>, %arg6: memref<802816xf32, #tpu.memory_space<hbm>>, %arg7: memref<100352xf32, #tpu.memory_space<vmem_shared>>, %arg8: memref<100352xf32, #tpu.memory_space<vmem_shared>>, %arg9: memref<100352xf32, #tpu.memory_space<vmem_shared>>, %arg10: memref<100352xf32, #tpu.memory_space<vmem_shared>>, %arg11: memref<100352xf32, #tpu.memory_space<vmem_shared>>, %arg12: memref<100352xf32, #tpu.memory_space<vmem_shared>>, %arg13: memref<100352xf32, #tpu.memory_space<vmem_shared>>, %arg14: memref<100352xf32, #tpu.memory_space<vmem_shared>>, %arg15: memref<6272xf32, #tpu.memory_space<vmem>>, %arg16: memref<6272xf32, #tpu.memory_space<vmem>>, %arg17: memref<4000xi32, #tpu.memory_space<vmem>>, %arg18: memref<4000xi32, #tpu.memory_space<vmem>>, %arg19: memref<4000xi32, #tpu.memory_space<vmem>>, %arg20: memref<4000xi32, #tpu.memory_space<vmem>>, %arg21: memref<4000xf32, #tpu.memory_space<vmem>>, %arg22: memref<4000xf32, #tpu.memory_space<vmem>>, %arg23: memref<4000xf32, #tpu.memory_space<vmem>>, %arg24: memref<4000xf32, #tpu.memory_space<vmem>>, %arg25: memref<4000xf32, #tpu.memory_space<vmem>>, %arg26: memref<4000xf32, #tpu.memory_space<vmem>>, %arg27: memref<4000xf32, #tpu.memory_space<vmem>>, %arg28: memref<4000xf32, #tpu.memory_space<vmem>>, %arg29: memref<4000xf32, #tpu.memory_space<vmem>>, %arg30: memref<4000xf32, #tpu.memory_space<vmem>>, %arg31: memref<4000xf32, #tpu.memory_space<vmem>>, %arg32: memref<4000xf32, #tpu.memory_space<vmem>>, %arg33: memref<!tpu.dma_semaphore, #tpu.memory_space<semaphore_mem>>, %arg34: memref<!tpu.dma_semaphore, #tpu.memory_space<semaphore_mem>>, %arg35: memref<!tpu.dma_semaphore, #tpu.memory_space<semaphore_mem>>) attributes {dimension_semantics = [#tpu.dimension_semantics<core_parallel>, #tpu.dimension_semantics<subcore_parallel>], iteration_bounds = array<i64: 2, 16>, scalar_prefetch = 0 : i64, scratch_operands = 29 : i64, tpu.core_type = #tpu.core_type<sc_vector_subcore>, window_params = [{transform_indices = #map}, {transform_indices = #map}, {transform_indices = #map}, {transform_indices = #map}, {transform_indices = #map}]} {
    %mul3A = arith.constant 6272 : i32
    %mul3A_0 = arith.muli %arg1, %mul3A : i32
    %add3A = arith.constant 0 : i32
    %add3A_1 = arith.addi %add3A, %mul3A_0 : i32
    "tpu.region"() ({
      %run_scoped3A = tpu.sem_alloc : memref<!tpu.dma_semaphore, #tpu.memory_space<semaphore_mem>>
      %dma_start3A_138 = tpu.memref_slice %arg2[%add3A_1] : memref<401408xf32, #tpu.memory_space<hbm>> -> memref<6272xf32, #tpu.memory_space<hbm>>
      %dma_start3A_139 = tpu.memref_slice %arg2[%add3A_1] : memref<401408xf32, #tpu.memory_space<hbm>> -> memref<6272xf32, #tpu.memory_space<hbm>>
      tpu.enqueue_dma source(%dma_start3A_139 : memref<6272xf32, #tpu.memory_space<hbm>>) target(%arg15 : memref<6272xf32, #tpu.memory_space<vmem>>) target_semaphore(%run_scoped3A : memref<!tpu.dma_semaphore, #tpu.memory_space<semaphore_mem>>)
      %dma_wait3A_140 = tpu.memref_slice %arg2[%add3A_1] : memref<401408xf32, #tpu.memory_space<hbm>> -> memref<6272xf32, #tpu.memory_space<hbm>>
      %dma_wait3A_141 = tpu.memref_slice %arg2[%add3A_1] : memref<401408xf32, #tpu.memory_space<hbm>> -> memref<6272xf32, #tpu.memory_space<hbm>>
      tpu.wait_dma2 semaphore(%run_scoped3A : memref<!tpu.dma_semaphore, #tpu.memory_space<semaphore_mem>>) src(%dma_wait3A_141 : memref<6272xf32, #tpu.memory_space<hbm>>) dst(%arg15 : memref<6272xf32, #tpu.memory_space<vmem>>)
      tpu.yield
    }) : () -> ()
    "tpu.region"() ({
      %run_scoped3A = tpu.sem_alloc : memref<!tpu.dma_semaphore, #tpu.memory_space<semaphore_mem>>
      %dma_start3A_138 = tpu.memref_slice %arg7[%mul3A_0] : memref<100352xf32, #tpu.memory_space<vmem_shared>> -> memref<6272xf32, #tpu.memory_space<vmem_shared>>
      %dma_start3A_139 = tpu.memref_slice %arg7[%mul3A_0] : memref<100352xf32, #tpu.memory_space<vmem_shared>> -> memref<6272xf32, #tpu.memory_space<vmem_shared>>
      tpu.enqueue_dma source(%arg15 : memref<6272xf32, #tpu.memory_space<vmem>>) target(%dma_start3A_139 : memref<6272xf32, #tpu.memory_space<vmem_shared>>) target_semaphore(%run_scoped3A : memref<!tpu.dma_semaphore, #tpu.memory_space<semaphore_mem>>)
      %dma_wait3A_140 = tpu.memref_slice %arg7[%mul3A_0] : memref<100352xf32, #tpu.memory_space<vmem_shared>> -> memref<6272xf32, #tpu.memory_space<vmem_shared>>
      %dma_wait3A_141 = tpu.memref_slice %arg7[%mul3A_0] : memref<100352xf32, #tpu.memory_space<vmem_shared>> -> memref<6272xf32, #tpu.memory_space<vmem_shared>>
      tpu.wait_dma2 semaphore(%run_scoped3A : memref<!tpu.dma_semaphore, #tpu.memory_space<semaphore_mem>>) src(%arg15 : memref<6272xf32, #tpu.memory_space<vmem>>) dst(%dma_wait3A_141 : memref<6272xf32, #tpu.memory_space<vmem_shared>>)
      tpu.yield
    }) : () -> ()
    %add3A_2 = arith.constant 100352 : i32
    %add3A_3 = arith.addi %add3A_2, %mul3A_0 : i32
    "tpu.region"() ({
      %run_scoped3A = tpu.sem_alloc : memref<!tpu.dma_semaphore, #tpu.memory_space<semaphore_mem>>
      %dma_start3A_138 = tpu.memref_slice %arg2[%add3A_3] : memref<401408xf32, #tpu.memory_space<hbm>> -> memref<6272xf32, #tpu.memory_space<hbm>>
      %dma_start3A_139 = tpu.memref_slice %arg2[%add3A_3] : memref<401408xf32, #tpu.memory_space<hbm>> -> memref<6272xf32, #tpu.memory_space<hbm>>
      tpu.enqueue_dma source(%dma_start3A_139 : memref<6272xf32, #tpu.memory_space<hbm>>) target(%arg15 : memref<6272xf32, #tpu.memory_space<vmem>>) target_semaphore(%run_scoped3A : memref<!tpu.dma_semaphore, #tpu.memory_space<semaphore_mem>>)
      %dma_wait3A_140 = tpu.memref_slice %arg2[%add3A_3] : memref<401408xf32, #tpu.memory_space<hbm>> -> memref<6272xf32, #tpu.memory_space<hbm>>
      %dma_wait3A_141 = tpu.memref_slice %arg2[%add3A_3] : memref<401408xf32, #tpu.memory_space<hbm>> -> memref<6272xf32, #tpu.memory_space<hbm>>
      tpu.wait_dma2 semaphore(%run_scoped3A : memref<!tpu.dma_semaphore, #tpu.memory_space<semaphore_mem>>) src(%dma_wait3A_141 : memref<6272xf32, #tpu.memory_space<hbm>>) dst(%arg15 : memref<6272xf32, #tpu.memory_space<vmem>>)
      tpu.yield
    }) : () -> ()
    "tpu.region"() ({
      %run_scoped3A = tpu.sem_alloc : memref<!tpu.dma_semaphore, #tpu.memory_space<semaphore_mem>>
      %dma_start3A_138 = tpu.memref_slice %arg8[%mul3A_0] : memref<100352xf32, #tpu.memory_space<vmem_shared>> -> memref<6272xf32, #tpu.memory_space<vmem_shared>>
      %dma_start3A_139 = tpu.memref_slice %arg8[%mul3A_0] : memref<100352xf32, #tpu.memory_space<vmem_shared>> -> memref<6272xf32, #tpu.memory_space<vmem_shared>>
      tpu.enqueue_dma source(%arg15 : memref<6272xf32, #tpu.memory_space<vmem>>) target(%dma_start3A_139 : memref<6272xf32, #tpu.memory_space<vmem_shared>>) target_semaphore(%run_scoped3A : memref<!tpu.dma_semaphore, #tpu.memory_space<semaphore_mem>>)
      %dma_wait3A_140 = tpu.memref_slice %arg8[%mul3A_0] : memref<100352xf32, #tpu.memory_space<vmem_shared>> -> memref<6272xf32, #tpu.memory_space<vmem_shared>>
      %dma_wait3A_141 = tpu.memref_slice %arg8[%mul3A_0] : memref<100352xf32, #tpu.memory_space<vmem_shared>> -> memref<6272xf32, #tpu.memory_space<vmem_shared>>
      tpu.wait_dma2 semaphore(%run_scoped3A : memref<!tpu.dma_semaphore, #tpu.memory_space<semaphore_mem>>) src(%arg15 : memref<6272xf32, #tpu.memory_space<vmem>>) dst(%dma_wait3A_141 : memref<6272xf32, #tpu.memory_space<vmem_shared>>)
      tpu.yield
    }) : () -> ()
    %add3A_4 = arith.constant 200704 : i32
    %add3A_5 = arith.addi %add3A_4, %mul3A_0 : i32
    "tpu.region"() ({
      %run_scoped3A = tpu.sem_alloc : memref<!tpu.dma_semaphore, #tpu.memory_space<semaphore_mem>>
      %dma_start3A_138 = tpu.memref_slice %arg2[%add3A_5] : memref<401408xf32, #tpu.memory_space<hbm>> -> memref<6272xf32, #tpu.memory_space<hbm>>
      %dma_start3A_139 = tpu.memref_slice %arg2[%add3A_5] : memref<401408xf32, #tpu.memory_space<hbm>> -> memref<6272xf32, #tpu.memory_space<hbm>>
      tpu.enqueue_dma source(%dma_start3A_139 : memref<6272xf32, #tpu.memory_space<hbm>>) target(%arg15 : memref<6272xf32, #tpu.memory_space<vmem>>) target_semaphore(%run_scoped3A : memref<!tpu.dma_semaphore, #tpu.memory_space<semaphore_mem>>)
      %dma_wait3A_140 = tpu.memref_slice %arg2[%add3A_5] : memref<401408xf32, #tpu.memory_space<hbm>> -> memref<6272xf32, #tpu.memory_space<hbm>>
      %dma_wait3A_141 = tpu.memref_slice %arg2[%add3A_5] : memref<401408xf32, #tpu.memory_space<hbm>> -> memref<6272xf32, #tpu.memory_space<hbm>>
      tpu.wait_dma2 semaphore(%run_scoped3A : memref<!tpu.dma_semaphore, #tpu.memory_space<semaphore_mem>>) src(%dma_wait3A_141 : memref<6272xf32, #tpu.memory_space<hbm>>) dst(%arg15 : memref<6272xf32, #tpu.memory_space<vmem>>)
      tpu.yield
    }) : () -> ()
    "tpu.region"() ({
      %run_scoped3A = tpu.sem_alloc : memref<!tpu.dma_semaphore, #tpu.memory_space<semaphore_mem>>
      %dma_start3A_138 = tpu.memref_slice %arg9[%mul3A_0] : memref<100352xf32, #tpu.memory_space<vmem_shared>> -> memref<6272xf32, #tpu.memory_space<vmem_shared>>
      %dma_start3A_139 = tpu.memref_slice %arg9[%mul3A_0] : memref<100352xf32, #tpu.memory_space<vmem_shared>> -> memref<6272xf32, #tpu.memory_space<vmem_shared>>
      tpu.enqueue_dma source(%arg15 : memref<6272xf32, #tpu.memory_space<vmem>>) target(%dma_start3A_139 : memref<6272xf32, #tpu.memory_space<vmem_shared>>) target_semaphore(%run_scoped3A : memref<!tpu.dma_semaphore, #tpu.memory_space<semaphore_mem>>)
      %dma_wait3A_140 = tpu.memref_slice %arg9[%mul3A_0] : memref<100352xf32, #tpu.memory_space<vmem_shared>> -> memref<6272xf32, #tpu.memory_space<vmem_shared>>
      %dma_wait3A_141 = tpu.memref_slice %arg9[%mul3A_0] : memref<100352xf32, #tpu.memory_space<vmem_shared>> -> memref<6272xf32, #tpu.memory_space<vmem_shared>>
      tpu.wait_dma2 semaphore(%run_scoped3A : memref<!tpu.dma_semaphore, #tpu.memory_space<semaphore_mem>>) src(%arg15 : memref<6272xf32, #tpu.memory_space<vmem>>) dst(%dma_wait3A_141 : memref<6272xf32, #tpu.memory_space<vmem_shared>>)
      tpu.yield
    }) : () -> ()
    %add3A_6 = arith.constant 301056 : i32
    %add3A_7 = arith.addi %add3A_6, %mul3A_0 : i32
    "tpu.region"() ({
      %run_scoped3A = tpu.sem_alloc : memref<!tpu.dma_semaphore, #tpu.memory_space<semaphore_mem>>
      %dma_start3A_138 = tpu.memref_slice %arg2[%add3A_7] : memref<401408xf32, #tpu.memory_space<hbm>> -> memref<6272xf32, #tpu.memory_space<hbm>>
      %dma_start3A_139 = tpu.memref_slice %arg2[%add3A_7] : memref<401408xf32, #tpu.memory_space<hbm>> -> memref<6272xf32, #tpu.memory_space<hbm>>
      tpu.enqueue_dma source(%dma_start3A_139 : memref<6272xf32, #tpu.memory_space<hbm>>) target(%arg15 : memref<6272xf32, #tpu.memory_space<vmem>>) target_semaphore(%run_scoped3A : memref<!tpu.dma_semaphore, #tpu.memory_space<semaphore_mem>>)
      %dma_wait3A_140 = tpu.memref_slice %arg2[%add3A_7] : memref<401408xf32, #tpu.memory_space<hbm>> -> memref<6272xf32, #tpu.memory_space<hbm>>
      %dma_wait3A_141 = tpu.memref_slice %arg2[%add3A_7] : memref<401408xf32, #tpu.memory_space<hbm>> -> memref<6272xf32, #tpu.memory_space<hbm>>
      tpu.wait_dma2 semaphore(%run_scoped3A : memref<!tpu.dma_semaphore, #tpu.memory_space<semaphore_mem>>) src(%dma_wait3A_141 : memref<6272xf32, #tpu.memory_space<hbm>>) dst(%arg15 : memref<6272xf32, #tpu.memory_space<vmem>>)
      tpu.yield
    }) : () -> ()
    "tpu.region"() ({
      %run_scoped3A = tpu.sem_alloc : memref<!tpu.dma_semaphore, #tpu.memory_space<semaphore_mem>>
      %dma_start3A_138 = tpu.memref_slice %arg10[%mul3A_0] : memref<100352xf32, #tpu.memory_space<vmem_shared>> -> memref<6272xf32, #tpu.memory_space<vmem_shared>>
      %dma_start3A_139 = tpu.memref_slice %arg10[%mul3A_0] : memref<100352xf32, #tpu.memory_space<vmem_shared>> -> memref<6272xf32, #tpu.memory_space<vmem_shared>>
      tpu.enqueue_dma source(%arg15 : memref<6272xf32, #tpu.memory_space<vmem>>) target(%dma_start3A_139 : memref<6272xf32, #tpu.memory_space<vmem_shared>>) target_semaphore(%run_scoped3A : memref<!tpu.dma_semaphore, #tpu.memory_space<semaphore_mem>>)
      %dma_wait3A_140 = tpu.memref_slice %arg10[%mul3A_0] : memref<100352xf32, #tpu.memory_space<vmem_shared>> -> memref<6272xf32, #tpu.memory_space<vmem_shared>>
      %dma_wait3A_141 = tpu.memref_slice %arg10[%mul3A_0] : memref<100352xf32, #tpu.memory_space<vmem_shared>> -> memref<6272xf32, #tpu.memory_space<vmem_shared>>
      tpu.wait_dma2 semaphore(%run_scoped3A : memref<!tpu.dma_semaphore, #tpu.memory_space<semaphore_mem>>) src(%arg15 : memref<6272xf32, #tpu.memory_space<vmem>>) dst(%dma_wait3A_141 : memref<6272xf32, #tpu.memory_space<vmem_shared>>)
      tpu.yield
    }) : () -> ()
    %scan3A = arith.constant 0 : i32
    %scan3A_8 = arith.constant 0 : i32
    %scan3A_9 = arith.constant 392 : i32
    %scan3A_10 = arith.addi %scan3A_8, %scan3A_9 : i32
    %scan3A_11 = arith.constant 1 : i32
    %scan3A_12 = scf.for %scan3A_138 = %scan3A_8 to %scan3A_10 step %scan3A_11 iter_args(%scan3A_139 = %scan3A) -> (i32)  : i32 {
      %broadcast_in_dim3A = arith.constant 0.000000e+00 : f32
      %broadcast_in_dim3A_140 = vector.broadcast %broadcast_in_dim3A : f32 to vector<16xf32>
      %mul3A_141 = arith.constant 16 : i32
      %mul3A_142 = arith.muli %scan3A_138, %mul3A_141 : i32
      %swap3A = arith.index_cast %mul3A_142 : i32 to index
      %swap3A_143 = tpu.vector_load %arg16[%swap3A] {strides = array<i32>} : memref<6272xf32, #tpu.memory_space<vmem>>, vector<16xf32>,
      %swap3A_144 = vector.shape_cast %swap3A_143 : vector<16xf32> to vector<16xf32>
      %swap3A_145 = vector.shape_cast %broadcast_in_dim3A_140 : vector<16xf32> to vector<16xf32>
      tpu.vector_store %arg16[%swap3A], %swap3A_145 {strides = array<i32>} : memref<6272xf32, #tpu.memory_space<vmem>>, vector<16xf32>,
      %scan3A_146 = arith.constant 0 : i32
      scf.yield %scan3A_146 : i32
    }
    %scan3A_13 = arith.constant 392 : i32
    "tpu.region"() ({
      %run_scoped3A = tpu.sem_alloc : memref<!tpu.dma_semaphore, #tpu.memory_space<semaphore_mem>>
      %dma_start3A_138 = tpu.memref_slice %arg11[%mul3A_0] : memref<100352xf32, #tpu.memory_space<vmem_shared>> -> memref<6272xf32, #tpu.memory_space<vmem_shared>>
      %dma_start3A_139 = tpu.memref_slice %arg11[%mul3A_0] : memref<100352xf32, #tpu.memory_space<vmem_shared>> -> memref<6272xf32, #tpu.memory_space<vmem_shared>>
      tpu.enqueue_dma source(%arg16 : memref<6272xf32, #tpu.memory_space<vmem>>) target(%dma_start3A_139 : memref<6272xf32, #tpu.memory_space<vmem_shared>>) target_semaphore(%run_scoped3A : memref<!tpu.dma_semaphore, #tpu.memory_space<semaphore_mem>>)
      %dma_wait3A_140 = tpu.memref_slice %arg11[%mul3A_0] : memref<100352xf32, #tpu.memory_space<vmem_shared>> -> memref<6272xf32, #tpu.memory_space<vmem_shared>>
      %dma_wait3A_141 = tpu.memref_slice %arg11[%mul3A_0] : memref<100352xf32, #tpu.memory_space<vmem_shared>> -> memref<6272xf32, #tpu.memory_space<vmem_shared>>
      tpu.wait_dma2 semaphore(%run_scoped3A : memref<!tpu.dma_semaphore, #tpu.memory_space<semaphore_mem>>) src(%arg16 : memref<6272xf32, #tpu.memory_space<vmem>>) dst(%dma_wait3A_141 : memref<6272xf32, #tpu.memory_space<vmem_shared>>)
      tpu.yield
    }) : () -> ()
    "tpu.region"() ({
      %run_scoped3A = tpu.sem_alloc : memref<!tpu.dma_semaphore, #tpu.memory_space<semaphore_mem>>
      %dma_start3A_138 = tpu.memref_slice %arg12[%mul3A_0] : memref<100352xf32, #tpu.memory_space<vmem_shared>> -> memref<6272xf32, #tpu.memory_space<vmem_shared>>
      %dma_start3A_139 = tpu.memref_slice %arg12[%mul3A_0] : memref<100352xf32, #tpu.memory_space<vmem_shared>> -> memref<6272xf32, #tpu.memory_space<vmem_shared>>
      tpu.enqueue_dma source(%arg16 : memref<6272xf32, #tpu.memory_space<vmem>>) target(%dma_start3A_139 : memref<6272xf32, #tpu.memory_space<vmem_shared>>) target_semaphore(%run_scoped3A : memref<!tpu.dma_semaphore, #tpu.memory_space<semaphore_mem>>)
      %dma_wait3A_140 = tpu.memref_slice %arg12[%mul3A_0] : memref<100352xf32, #tpu.memory_space<vmem_shared>> -> memref<6272xf32, #tpu.memory_space<vmem_shared>>
      %dma_wait3A_141 = tpu.memref_slice %arg12[%mul3A_0] : memref<100352xf32, #tpu.memory_space<vmem_shared>> -> memref<6272xf32, #tpu.memory_space<vmem_shared>>
      tpu.wait_dma2 semaphore(%run_scoped3A : memref<!tpu.dma_semaphore, #tpu.memory_space<semaphore_mem>>) src(%arg16 : memref<6272xf32, #tpu.memory_space<vmem>>) dst(%dma_wait3A_141 : memref<6272xf32, #tpu.memory_space<vmem_shared>>)
      tpu.yield
    }) : () -> ()
    "tpu.region"() ({
      %run_scoped3A = tpu.sem_alloc : memref<!tpu.dma_semaphore, #tpu.memory_space<semaphore_mem>>
      %dma_start3A_138 = tpu.memref_slice %arg13[%mul3A_0] : memref<100352xf32, #tpu.memory_space<vmem_shared>> -> memref<6272xf32, #tpu.memory_space<vmem_shared>>
      %dma_start3A_139 = tpu.memref_slice %arg13[%mul3A_0] : memref<100352xf32, #tpu.memory_space<vmem_shared>> -> memref<6272xf32, #tpu.memory_space<vmem_shared>>
      tpu.enqueue_dma source(%arg16 : memref<6272xf32, #tpu.memory_space<vmem>>) target(%dma_start3A_139 : memref<6272xf32, #tpu.memory_space<vmem_shared>>) target_semaphore(%run_scoped3A : memref<!tpu.dma_semaphore, #tpu.memory_space<semaphore_mem>>)
      %dma_wait3A_140 = tpu.memref_slice %arg13[%mul3A_0] : memref<100352xf32, #tpu.memory_space<vmem_shared>> -> memref<6272xf32, #tpu.memory_space<vmem_shared>>
      %dma_wait3A_141 = tpu.memref_slice %arg13[%mul3A_0] : memref<100352xf32, #tpu.memory_space<vmem_shared>> -> memref<6272xf32, #tpu.memory_space<vmem_shared>>
      tpu.wait_dma2 semaphore(%run_scoped3A : memref<!tpu.dma_semaphore, #tpu.memory_space<semaphore_mem>>) src(%arg16 : memref<6272xf32, #tpu.memory_space<vmem>>) dst(%dma_wait3A_141 : memref<6272xf32, #tpu.memory_space<vmem_shared>>)
      tpu.yield
    }) : () -> ()
    "tpu.region"() ({
      %run_scoped3A = tpu.sem_alloc : memref<!tpu.dma_semaphore, #tpu.memory_space<semaphore_mem>>
      %dma_start3A_138 = tpu.memref_slice %arg14[%mul3A_0] : memref<100352xf32, #tpu.memory_space<vmem_shared>> -> memref<6272xf32, #tpu.memory_space<vmem_shared>>
      %dma_start3A_139 = tpu.memref_slice %arg14[%mul3A_0] : memref<100352xf32, #tpu.memory_space<vmem_shared>> -> memref<6272xf32, #tpu.memory_space<vmem_shared>>
      tpu.enqueue_dma source(%arg16 : memref<6272xf32, #tpu.memory_space<vmem>>) target(%dma_start3A_139 : memref<6272xf32, #tpu.memory_space<vmem_shared>>) target_semaphore(%run_scoped3A : memref<!tpu.dma_semaphore, #tpu.memory_space<semaphore_mem>>)
      %dma_wait3A_140 = tpu.memref_slice %arg14[%mul3A_0] : memref<100352xf32, #tpu.memory_space<vmem_shared>> -> memref<6272xf32, #tpu.memory_space<vmem_shared>>
      %dma_wait3A_141 = tpu.memref_slice %arg14[%mul3A_0] : memref<100352xf32, #tpu.memory_space<vmem_shared>> -> memref<6272xf32, #tpu.memory_space<vmem_shared>>
      tpu.wait_dma2 semaphore(%run_scoped3A : memref<!tpu.dma_semaphore, #tpu.memory_space<semaphore_mem>>) src(%arg16 : memref<6272xf32, #tpu.memory_space<vmem>>) dst(%dma_wait3A_141 : memref<6272xf32, #tpu.memory_space<vmem_shared>>)
      tpu.yield
    }) : () -> ()
    %barrier3A = arith.constant 0 : index
    tpu.barrier barrier_id(%barrier3A)
    %mul3A_14 = arith.constant 16 : i32
    %mul3A_15 = arith.muli %arg0, %mul3A_14 : i32
    %add3A_16 = arith.addi %mul3A_15, %arg1 : i32
    %mul3A_17 = arith.constant 100000 : i32
    %mul3A_18 = arith.muli %add3A_16, %mul3A_17 : i32
    %add3A_19 = arith.constant 0 : i32
    %add3A_20 = arith.addi %mul3A_18, %add3A_19 : i32
    %dma_start3A = tpu.memref_slice %arg3[%add3A_20] : memref<3200000xi32, #tpu.memory_space<hbm>> -> memref<4000xi32, #tpu.memory_space<hbm>>
    %dma_start3A_21 = tpu.memref_slice %arg3[%add3A_20] : memref<3200000xi32, #tpu.memory_space<hbm>> -> memref<4000xi32, #tpu.memory_space<hbm>>
    tpu.enqueue_dma source(%dma_start3A_21 : memref<4000xi32, #tpu.memory_space<hbm>>) target(%arg17 : memref<4000xi32, #tpu.memory_space<vmem>>) target_semaphore(%arg33 : memref<!tpu.dma_semaphore, #tpu.memory_space<semaphore_mem>>)
    %dma_start3A_22 = tpu.memref_slice %arg4[%add3A_20] : memref<3200000xi32, #tpu.memory_space<hbm>> -> memref<4000xi32, #tpu.memory_space<hbm>>
    %dma_start3A_23 = tpu.memref_slice %arg4[%add3A_20] : memref<3200000xi32, #tpu.memory_space<hbm>> -> memref<4000xi32, #tpu.memory_space<hbm>>
    tpu.enqueue_dma source(%dma_start3A_23 : memref<4000xi32, #tpu.memory_space<hbm>>) target(%arg19 : memref<4000xi32, #tpu.memory_space<vmem>>) target_semaphore(%arg33 : memref<!tpu.dma_semaphore, #tpu.memory_space<semaphore_mem>>)
    %add3A_24 = arith.constant 0 : i32
    %add3A_25 = arith.addi %add3A_24, %add3A_20 : i32
    %dma_start3A_26 = tpu.memref_slice %arg5[%add3A_25] : memref<12800000xf32, #tpu.memory_space<hbm>> -> memref<4000xf32, #tpu.memory_space<hbm>>
    %dma_start3A_27 = tpu.memref_slice %arg5[%add3A_25] : memref<12800000xf32, #tpu.memory_space<hbm>> -> memref<4000xf32, #tpu.memory_space<hbm>>
    tpu.enqueue_dma source(%dma_start3A_27 : memref<4000xf32, #tpu.memory_space<hbm>>) target(%arg21 : memref<4000xf32, #tpu.memory_space<vmem>>) target_semaphore(%arg33 : memref<!tpu.dma_semaphore, #tpu.memory_space<semaphore_mem>>)
    %add3A_28 = arith.constant 3200000 : i32
    %add3A_29 = arith.addi %add3A_28, %add3A_20 : i32
    %dma_start3A_30 = tpu.memref_slice %arg5[%add3A_29] : memref<12800000xf32, #tpu.memory_space<hbm>> -> memref<4000xf32, #tpu.memory_space<hbm>>
    %dma_start3A_31 = tpu.memref_slice %arg5[%add3A_29] : memref<12800000xf32, #tpu.memory_space<hbm>> -> memref<4000xf32, #tpu.memory_space<hbm>>
    tpu.enqueue_dma source(%dma_start3A_31 : memref<4000xf32, #tpu.memory_space<hbm>>) target(%arg22 : memref<4000xf32, #tpu.memory_space<vmem>>) target_semaphore(%arg33 : memref<!tpu.dma_semaphore, #tpu.memory_space<semaphore_mem>>)
    %add3A_32 = arith.constant 6400000 : i32
    %add3A_33 = arith.addi %add3A_32, %add3A_20 : i32
    %dma_start3A_34 = tpu.memref_slice %arg5[%add3A_33] : memref<12800000xf32, #tpu.memory_space<hbm>> -> memref<4000xf32, #tpu.memory_space<hbm>>
    %dma_start3A_35 = tpu.memref_slice %arg5[%add3A_33] : memref<12800000xf32, #tpu.memory_space<hbm>> -> memref<4000xf32, #tpu.memory_space<hbm>>
    tpu.enqueue_dma source(%dma_start3A_35 : memref<4000xf32, #tpu.memory_space<hbm>>) target(%arg23 : memref<4000xf32, #tpu.memory_space<vmem>>) target_semaphore(%arg33 : memref<!tpu.dma_semaphore, #tpu.memory_space<semaphore_mem>>)
    %add3A_36 = arith.constant 9600000 : i32
    %add3A_37 = arith.addi %add3A_36, %add3A_20 : i32
    %dma_start3A_38 = tpu.memref_slice %arg5[%add3A_37] : memref<12800000xf32, #tpu.memory_space<hbm>> -> memref<4000xf32, #tpu.memory_space<hbm>>
    %dma_start3A_39 = tpu.memref_slice %arg5[%add3A_37] : memref<12800000xf32, #tpu.memory_space<hbm>> -> memref<4000xf32, #tpu.memory_space<hbm>>
    tpu.enqueue_dma source(%dma_start3A_39 : memref<4000xf32, #tpu.memory_space<hbm>>) target(%arg24 : memref<4000xf32, #tpu.memory_space<vmem>>) target_semaphore(%arg33 : memref<!tpu.dma_semaphore, #tpu.memory_space<semaphore_mem>>)
    %scan3A_40 = arith.constant 0 : i32
    %scan3A_41 = arith.constant 12 : i32
    %scan3A_42 = arith.addi %scan3A_40, %scan3A_41 : i32
    %scan3A_43 = arith.constant 1 : i32
    scf.for %scan3A_138 = %scan3A_40 to %scan3A_42 step %scan3A_43  : i32 {
      %mul3A_139 = arith.constant 2 : i32
      %mul3A_140 = arith.muli %scan3A_138, %mul3A_139 : i32
      %add3A_141 = arith.constant 0 : i32
      %add3A_142 = arith.addi %add3A_141, %mul3A_140 : i32
      %mul3A_143 = arith.constant 4000 : i32
      %mul3A_144 = arith.muli %add3A_142, %mul3A_143 : i32
      %add3A_145 = arith.addi %mul3A_18, %mul3A_144 : i32
      %dma_wait3A_146 = tpu.memref_slice %arg3[%add3A_145] : memref<3200000xi32, #tpu.memory_space<hbm>> -> memref<4000xi32, #tpu.memory_space<hbm>>
      %dma_wait3A_147 = tpu.memref_slice %arg3[%add3A_145] : memref<3200000xi32, #tpu.memory_space<hbm>> -> memref<4000xi32, #tpu.memory_space<hbm>>
      tpu.wait_dma2 semaphore(%arg33 : memref<!tpu.dma_semaphore, #tpu.memory_space<semaphore_mem>>) src(%dma_wait3A_147 : memref<4000xi32, #tpu.memory_space<hbm>>) dst(%arg17 : memref<4000xi32, #tpu.memory_space<vmem>>)
      %dma_wait3A_148 = tpu.memref_slice %arg4[%add3A_145] : memref<3200000xi32, #tpu.memory_space<hbm>> -> memref<4000xi32, #tpu.memory_space<hbm>>
      %dma_wait3A_149 = tpu.memref_slice %arg4[%add3A_145] : memref<3200000xi32, #tpu.memory_space<hbm>> -> memref<4000xi32, #tpu.memory_space<hbm>>
      tpu.wait_dma2 semaphore(%arg33 : memref<!tpu.dma_semaphore, #tpu.memory_space<semaphore_mem>>) src(%dma_wait3A_149 : memref<4000xi32, #tpu.memory_space<hbm>>) dst(%arg19 : memref<4000xi32, #tpu.memory_space<vmem>>)
      %add3A_150 = arith.constant 0 : i32
      %add3A_151 = arith.addi %add3A_150, %add3A_145 : i32
      %dma_wait3A_152 = tpu.memref_slice %arg5[%add3A_151] : memref<12800000xf32, #tpu.memory_space<hbm>> -> memref<4000xf32, #tpu.memory_space<hbm>>
      %dma_wait3A_153 = tpu.memref_slice %arg5[%add3A_151] : memref<12800000xf32, #tpu.memory_space<hbm>> -> memref<4000xf32, #tpu.memory_space<hbm>>
      tpu.wait_dma2 semaphore(%arg33 : memref<!tpu.dma_semaphore, #tpu.memory_space<semaphore_mem>>) src(%dma_wait3A_153 : memref<4000xf32, #tpu.memory_space<hbm>>) dst(%arg21 : memref<4000xf32, #tpu.memory_space<vmem>>)
      %add3A_154 = arith.constant 3200000 : i32
      %add3A_155 = arith.addi %add3A_154, %add3A_145 : i32
      %dma_wait3A_156 = tpu.memref_slice %arg5[%add3A_155] : memref<12800000xf32, #tpu.memory_space<hbm>> -> memref<4000xf32, #tpu.memory_space<hbm>>
      %dma_wait3A_157 = tpu.memref_slice %arg5[%add3A_155] : memref<12800000xf32, #tpu.memory_space<hbm>> -> memref<4000xf32, #tpu.memory_space<hbm>>
      tpu.wait_dma2 semaphore(%arg33 : memref<!tpu.dma_semaphore, #tpu.memory_space<semaphore_mem>>) src(%dma_wait3A_157 : memref<4000xf32, #tpu.memory_space<hbm>>) dst(%arg22 : memref<4000xf32, #tpu.memory_space<vmem>>)
      %add3A_158 = arith.constant 6400000 : i32
      %add3A_159 = arith.addi %add3A_158, %add3A_145 : i32
      %dma_wait3A_160 = tpu.memref_slice %arg5[%add3A_159] : memref<12800000xf32, #tpu.memory_space<hbm>> -> memref<4000xf32, #tpu.memory_space<hbm>>
      %dma_wait3A_161 = tpu.memref_slice %arg5[%add3A_159] : memref<12800000xf32, #tpu.memory_space<hbm>> -> memref<4000xf32, #tpu.memory_space<hbm>>
      tpu.wait_dma2 semaphore(%arg33 : memref<!tpu.dma_semaphore, #tpu.memory_space<semaphore_mem>>) src(%dma_wait3A_161 : memref<4000xf32, #tpu.memory_space<hbm>>) dst(%arg23 : memref<4000xf32, #tpu.memory_space<vmem>>)
      %add3A_162 = arith.constant 9600000 : i32
      %add3A_163 = arith.addi %add3A_162, %add3A_145 : i32
      %dma_wait3A_164 = tpu.memref_slice %arg5[%add3A_163] : memref<12800000xf32, #tpu.memory_space<hbm>> -> memref<4000xf32, #tpu.memory_space<hbm>>
      %dma_wait3A_165 = tpu.memref_slice %arg5[%add3A_163] : memref<12800000xf32, #tpu.memory_space<hbm>> -> memref<4000xf32, #tpu.memory_space<hbm>>
      tpu.wait_dma2 semaphore(%arg33 : memref<!tpu.dma_semaphore, #tpu.memory_space<semaphore_mem>>) src(%dma_wait3A_165 : memref<4000xf32, #tpu.memory_space<hbm>>) dst(%arg24 : memref<4000xf32, #tpu.memory_space<vmem>>)
      %add3A_166 = arith.constant 1 : i32
      %add3A_167 = arith.addi %add3A_142, %add3A_166 : i32
      %lt3A = arith.constant 25 : i32
      %lt3A_168 = arith.cmpi slt, %add3A_167, %lt3A : i32
      %convert_element_type3A = arith.extui %lt3A_168 : i1 to i32
      %cond3A = arith.constant 0 : i32
      %cond3A_169 = arith.cmpi ne, %convert_element_type3A, %cond3A : i32
      scf.if %cond3A_169 {
        %add3A_306 = arith.constant 1 : i32
        %add3A_307 = arith.addi %add3A_142, %add3A_306 : i32
        %mul3A_308 = arith.constant 4000 : i32
        %mul3A_309 = arith.muli %add3A_307, %mul3A_308 : i32
        %add3A_310 = arith.addi %mul3A_18, %mul3A_309 : i32
        %dma_start3A_311 = tpu.memref_slice %arg3[%add3A_310] : memref<3200000xi32, #tpu.memory_space<hbm>> -> memref<4000xi32, #tpu.memory_space<hbm>>
        %dma_start3A_312 = tpu.memref_slice %arg3[%add3A_310] : memref<3200000xi32, #tpu.memory_space<hbm>> -> memref<4000xi32, #tpu.memory_space<hbm>>
        tpu.enqueue_dma source(%dma_start3A_312 : memref<4000xi32, #tpu.memory_space<hbm>>) target(%arg18 : memref<4000xi32, #tpu.memory_space<vmem>>) target_semaphore(%arg33 : memref<!tpu.dma_semaphore, #tpu.memory_space<semaphore_mem>>)
        %dma_start3A_313 = tpu.memref_slice %arg4[%add3A_310] : memref<3200000xi32, #tpu.memory_space<hbm>> -> memref<4000xi32, #tpu.memory_space<hbm>>
        %dma_start3A_314 = tpu.memref_slice %arg4[%add3A_310] : memref<3200000xi32, #tpu.memory_space<hbm>> -> memref<4000xi32, #tpu.memory_space<hbm>>
        tpu.enqueue_dma source(%dma_start3A_314 : memref<4000xi32, #tpu.memory_space<hbm>>) target(%arg20 : memref<4000xi32, #tpu.memory_space<vmem>>) target_semaphore(%arg33 : memref<!tpu.dma_semaphore, #tpu.memory_space<semaphore_mem>>)
        %add3A_315 = arith.constant 0 : i32
        %add3A_316 = arith.addi %add3A_315, %add3A_310 : i32
        %dma_start3A_317 = tpu.memref_slice %arg5[%add3A_316] : memref<12800000xf32, #tpu.memory_space<hbm>> -> memref<4000xf32, #tpu.memory_space<hbm>>
        %dma_start3A_318 = tpu.memref_slice %arg5[%add3A_316] : memref<12800000xf32, #tpu.memory_space<hbm>> -> memref<4000xf32, #tpu.memory_space<hbm>>
        tpu.enqueue_dma source(%dma_start3A_318 : memref<4000xf32, #tpu.memory_space<hbm>>) target(%arg25 : memref<4000xf32, #tpu.memory_space<vmem>>) target_semaphore(%arg33 : memref<!tpu.dma_semaphore, #tpu.memory_space<semaphore_mem>>)
        %add3A_319 = arith.constant 3200000 : i32
        %add3A_320 = arith.addi %add3A_319, %add3A_310 : i32
        %dma_start3A_321 = tpu.memref_slice %arg5[%add3A_320] : memref<12800000xf32, #tpu.memory_space<hbm>> -> memref<4000xf32, #tpu.memory_space<hbm>>
        %dma_start3A_322 = tpu.memref_slice %arg5[%add3A_320] : memref<12800000xf32, #tpu.memory_space<hbm>> -> memref<4000xf32, #tpu.memory_space<hbm>>
        tpu.enqueue_dma source(%dma_start3A_322 : memref<4000xf32, #tpu.memory_space<hbm>>) target(%arg26 : memref<4000xf32, #tpu.memory_space<vmem>>) target_semaphore(%arg33 : memref<!tpu.dma_semaphore, #tpu.memory_space<semaphore_mem>>)
        %add3A_323 = arith.constant 6400000 : i32
        %add3A_324 = arith.addi %add3A_323, %add3A_310 : i32
        %dma_start3A_325 = tpu.memref_slice %arg5[%add3A_324] : memref<12800000xf32, #tpu.memory_space<hbm>> -> memref<4000xf32, #tpu.memory_space<hbm>>
        %dma_start3A_326 = tpu.memref_slice %arg5[%add3A_324] : memref<12800000xf32, #tpu.memory_space<hbm>> -> memref<4000xf32, #tpu.memory_space<hbm>>
        tpu.enqueue_dma source(%dma_start3A_326 : memref<4000xf32, #tpu.memory_space<hbm>>) target(%arg27 : memref<4000xf32, #tpu.memory_space<vmem>>) target_semaphore(%arg33 : memref<!tpu.dma_semaphore, #tpu.memory_space<semaphore_mem>>)
        %add3A_327 = arith.constant 9600000 : i32
        %add3A_328 = arith.addi %add3A_327, %add3A_310 : i32
        %dma_start3A_329 = tpu.memref_slice %arg5[%add3A_328] : memref<12800000xf32, #tpu.memory_space<hbm>> -> memref<4000xf32, #tpu.memory_space<hbm>>
        %dma_start3A_330 = tpu.memref_slice %arg5[%add3A_328] : memref<12800000xf32, #tpu.memory_space<hbm>> -> memref<4000xf32, #tpu.memory_space<hbm>>
        tpu.enqueue_dma source(%dma_start3A_330 : memref<4000xf32, #tpu.memory_space<hbm>>) target(%arg28 : memref<4000xf32, #tpu.memory_space<vmem>>) target_semaphore(%arg33 : memref<!tpu.dma_semaphore, #tpu.memory_space<semaphore_mem>>)
      } else {
      }
      %dma_start3A_170 = arith.constant 0 : i32
      %dma_start3A_171 = tpu.memref_slice %arg2[%dma_start3A_170] : memref<401408xf32, #tpu.memory_space<hbm>> -> memref<100352xf32, #tpu.memory_space<hbm>>
      %dma_start3A_172 = arith.constant 0 : i32
      %dma_start3A_173 = tpu.memref_slice %dma_start3A_171[%dma_start3A_172] : memref<100352xf32, #tpu.memory_space<hbm>> -> memref<100352xf32, #tpu.memory_space<hbm>>
      tpu.enqueue_indirect_dma source(%dma_start3A_173 : memref<100352xf32, #tpu.memory_space<hbm>>) target(%arg29 : memref<4000xf32, #tpu.memory_space<vmem>>) offsets(%arg17 : memref<4000xi32, #tpu.memory_space<vmem>>) semaphore(%arg34 : memref<!tpu.dma_semaphore, #tpu.memory_space<semaphore_mem>>)
      %dma_start3A_174 = arith.constant 100352 : i32
      %dma_start3A_175 = tpu.memref_slice %arg2[%dma_start3A_174] : memref<401408xf32, #tpu.memory_space<hbm>> -> memref<100352xf32, #tpu.memory_space<hbm>>
      %dma_start3A_176 = arith.constant 0 : i32
      %dma_start3A_177 = tpu.memref_slice %dma_start3A_175[%dma_start3A_176] : memref<100352xf32, #tpu.memory_space<hbm>> -> memref<100352xf32, #tpu.memory_space<hbm>>
      tpu.enqueue_indirect_dma source(%dma_start3A_177 : memref<100352xf32, #tpu.memory_space<hbm>>) target(%arg30 : memref<4000xf32, #tpu.memory_space<vmem>>) offsets(%arg17 : memref<4000xi32, #tpu.memory_space<vmem>>) semaphore(%arg34 : memref<!tpu.dma_semaphore, #tpu.memory_space<semaphore_mem>>)
      %dma_start3A_178 = arith.constant 200704 : i32
      %dma_start3A_179 = tpu.memref_slice %arg2[%dma_start3A_178] : memref<401408xf32, #tpu.memory_space<hbm>> -> memref<100352xf32, #tpu.memory_space<hbm>>
      %dma_start3A_180 = arith.constant 0 : i32
      %dma_start3A_181 = tpu.memref_slice %dma_start3A_179[%dma_start3A_180] : memref<100352xf32, #tpu.memory_space<hbm>> -> memref<100352xf32, #tpu.memory_space<hbm>>
      tpu.enqueue_indirect_dma source(%dma_start3A_181 : memref<100352xf32, #tpu.memory_space<hbm>>) target(%arg31 : memref<4000xf32, #tpu.memory_space<vmem>>) offsets(%arg17 : memref<4000xi32, #tpu.memory_space<vmem>>) semaphore(%arg34 : memref<!tpu.dma_semaphore, #tpu.memory_space<semaphore_mem>>)
      %dma_start3A_182 = arith.constant 301056 : i32
      %dma_start3A_183 = tpu.memref_slice %arg2[%dma_start3A_182] : memref<401408xf32, #tpu.memory_space<hbm>> -> memref<100352xf32, #tpu.memory_space<hbm>>
      %dma_start3A_184 = arith.constant 0 : i32
      %dma_start3A_185 = tpu.memref_slice %dma_start3A_183[%dma_start3A_184] : memref<100352xf32, #tpu.memory_space<hbm>> -> memref<100352xf32, #tpu.memory_space<hbm>>
      tpu.enqueue_indirect_dma source(%dma_start3A_185 : memref<100352xf32, #tpu.memory_space<hbm>>) target(%arg32 : memref<4000xf32, #tpu.memory_space<vmem>>) offsets(%arg17 : memref<4000xi32, #tpu.memory_space<vmem>>) semaphore(%arg34 : memref<!tpu.dma_semaphore, #tpu.memory_space<semaphore_mem>>)
      %dma_wait3A_186 = arith.constant 0 : i32
      %dma_wait3A_187 = tpu.memref_slice %arg2[%dma_wait3A_186] : memref<401408xf32, #tpu.memory_space<hbm>> -> memref<100352xf32, #tpu.memory_space<hbm>>
      %dma_wait3A_188 = arith.constant 0 : i32
      %dma_wait3A_189 = tpu.memref_slice %dma_wait3A_187[%dma_wait3A_188] : memref<100352xf32, #tpu.memory_space<hbm>> -> memref<100352xf32, #tpu.memory_space<hbm>>
      tpu.wait_indirect_dma semaphore(%arg34 : memref<!tpu.dma_semaphore, #tpu.memory_space<semaphore_mem>>) src(%dma_wait3A_189 : memref<100352xf32, #tpu.memory_space<hbm>>) dst(%arg29 : memref<4000xf32, #tpu.memory_space<vmem>>)
      %parallel_loop3A_190 = arith.constant 0 : i32
      %parallel_loop3A_191 = arith.constant 250 : i32
      %parallel_loop3A_192 = arith.constant 1 : i32
      scf.for %parallel_loop3A_306 = %parallel_loop3A_190 to %parallel_loop3A_191 step %parallel_loop3A_192  : i32 {
        %parallel_loop3A_307 = arith.constant 16 : i32
        %parallel_loop3A_308 = arith.muli %parallel_loop3A_306, %parallel_loop3A_307 : i32
        %parallel_loop3A_309 = arith.index_cast %parallel_loop3A_308 : i32 to index
        %parallel_loop3A_310 = tpu.vector_load %arg29[%parallel_loop3A_309] {strides = array<i32>} : memref<4000xf32, #tpu.memory_space<vmem>>, vector<16xf32>,
        %parallel_loop3A_311 = vector.shape_cast %parallel_loop3A_310 : vector<16xf32> to vector<16xf32>
        %parallel_loop3A_312 = arith.index_cast %parallel_loop3A_308 : i32 to index
        %parallel_loop3A_313 = tpu.vector_load %arg21[%parallel_loop3A_312] {strides = array<i32>} : memref<4000xf32, #tpu.memory_space<vmem>>, vector<16xf32>,
        %parallel_loop3A_314 = vector.shape_cast %parallel_loop3A_313 : vector<16xf32> to vector<16xf32>
        %parallel_loop3A_315 = arith.mulf %parallel_loop3A_311, %parallel_loop3A_314 : vector<16xf32>
        %parallel_loop3A_316 = arith.index_cast %parallel_loop3A_308 : i32 to index
        %parallel_loop3A_317 = tpu.vector_load %arg29[%parallel_loop3A_316] {strides = array<i32>} : memref<4000xf32, #tpu.memory_space<vmem>>, vector<16xf32>,
        %parallel_loop3A_318 = vector.shape_cast %parallel_loop3A_317 : vector<16xf32> to vector<16xf32>
        %parallel_loop3A_319 = vector.shape_cast %parallel_loop3A_315 : vector<16xf32> to vector<16xf32>
        tpu.vector_store %arg29[%parallel_loop3A_316], %parallel_loop3A_319 {strides = array<i32>} : memref<4000xf32, #tpu.memory_space<vmem>>, vector<16xf32>,
      } {sc.loop_unroll_factor = 4 : i64, sc.parallel_access}
      %dma_start3A_193 = arith.constant 0 : i32
      %dma_start3A_194 = tpu.memref_slice %arg11[%dma_start3A_193] : memref<100352xf32, #tpu.memory_space<vmem_shared>> -> memref<100352xf32, #tpu.memory_space<vmem_shared>>
      tpu.enqueue_indirect_dma source(%arg29 : memref<4000xf32, #tpu.memory_space<vmem>>) target(%dma_start3A_194 : memref<100352xf32, #tpu.memory_space<vmem_shared>>) offsets(%arg19 : memref<4000xi32, #tpu.memory_space<vmem>>) semaphore(%arg35 : memref<!tpu.dma_semaphore, #tpu.memory_space<semaphore_mem>>) {add = true}
      %dma_wait3A_195 = arith.constant 100352 : i32
      %dma_wait3A_196 = tpu.memref_slice %arg2[%dma_wait3A_195] : memref<401408xf32, #tpu.memory_space<hbm>> -> memref<100352xf32, #tpu.memory_space<hbm>>
      %dma_wait3A_197 = arith.constant 0 : i32
      %dma_wait3A_198 = tpu.memref_slice %dma_wait3A_196[%dma_wait3A_197] : memref<100352xf32, #tpu.memory_space<hbm>> -> memref<100352xf32, #tpu.memory_space<hbm>>
      tpu.wait_indirect_dma semaphore(%arg34 : memref<!tpu.dma_semaphore, #tpu.memory_space<semaphore_mem>>) src(%dma_wait3A_198 : memref<100352xf32, #tpu.memory_space<hbm>>) dst(%arg30 : memref<4000xf32, #tpu.memory_space<vmem>>)
      %parallel_loop3A_199 = arith.constant 0 : i32
      %parallel_loop3A_200 = arith.constant 250 : i32
      %parallel_loop3A_201 = arith.constant 1 : i32
      scf.for %parallel_loop3A_306 = %parallel_loop3A_199 to %parallel_loop3A_200 step %parallel_loop3A_201  : i32 {
        %parallel_loop3A_307 = arith.constant 16 : i32
        %parallel_loop3A_308 = arith.muli %parallel_loop3A_306, %parallel_loop3A_307 : i32
        %parallel_loop3A_309 = arith.index_cast %parallel_loop3A_308 : i32 to index
        %parallel_loop3A_310 = tpu.vector_load %arg30[%parallel_loop3A_309] {strides = array<i32>} : memref<4000xf32, #tpu.memory_space<vmem>>, vector<16xf32>,
        %parallel_loop3A_311 = vector.shape_cast %parallel_loop3A_310 : vector<16xf32> to vector<16xf32>
        %parallel_loop3A_312 = arith.index_cast %parallel_loop3A_308 : i32 to index
        %parallel_loop3A_313 = tpu.vector_load %arg22[%parallel_loop3A_312] {strides = array<i32>} : memref<4000xf32, #tpu.memory_space<vmem>>, vector<16xf32>,
        %parallel_loop3A_314 = vector.shape_cast %parallel_loop3A_313 : vector<16xf32> to vector<16xf32>
        %parallel_loop3A_315 = arith.mulf %parallel_loop3A_311, %parallel_loop3A_314 : vector<16xf32>
        %parallel_loop3A_316 = arith.index_cast %parallel_loop3A_308 : i32 to index
        %parallel_loop3A_317 = tpu.vector_load %arg30[%parallel_loop3A_316] {strides = array<i32>} : memref<4000xf32, #tpu.memory_space<vmem>>, vector<16xf32>,
        %parallel_loop3A_318 = vector.shape_cast %parallel_loop3A_317 : vector<16xf32> to vector<16xf32>
        %parallel_loop3A_319 = vector.shape_cast %parallel_loop3A_315 : vector<16xf32> to vector<16xf32>
        tpu.vector_store %arg30[%parallel_loop3A_316], %parallel_loop3A_319 {strides = array<i32>} : memref<4000xf32, #tpu.memory_space<vmem>>, vector<16xf32>,
      } {sc.loop_unroll_factor = 4 : i64, sc.parallel_access}
      %dma_start3A_202 = arith.constant 0 : i32
      %dma_start3A_203 = tpu.memref_slice %arg12[%dma_start3A_202] : memref<100352xf32, #tpu.memory_space<vmem_shared>> -> memref<100352xf32, #tpu.memory_space<vmem_shared>>
      tpu.enqueue_indirect_dma source(%arg30 : memref<4000xf32, #tpu.memory_space<vmem>>) target(%dma_start3A_203 : memref<100352xf32, #tpu.memory_space<vmem_shared>>) offsets(%arg19 : memref<4000xi32, #tpu.memory_space<vmem>>) semaphore(%arg35 : memref<!tpu.dma_semaphore, #tpu.memory_space<semaphore_mem>>) {add = true}
      %dma_wait3A_204 = arith.constant 200704 : i32
      %dma_wait3A_205 = tpu.memref_slice %arg2[%dma_wait3A_204] : memref<401408xf32, #tpu.memory_space<hbm>> -> memref<100352xf32, #tpu.memory_space<hbm>>
      %dma_wait3A_206 = arith.constant 0 : i32
      %dma_wait3A_207 = tpu.memref_slice %dma_wait3A_205[%dma_wait3A_206] : memref<100352xf32, #tpu.memory_space<hbm>> -> memref<100352xf32, #tpu.memory_space<hbm>>
      tpu.wait_indirect_dma semaphore(%arg34 : memref<!tpu.dma_semaphore, #tpu.memory_space<semaphore_mem>>) src(%dma_wait3A_207 : memref<100352xf32, #tpu.memory_space<hbm>>) dst(%arg31 : memref<4000xf32, #tpu.memory_space<vmem>>)
      %parallel_loop3A_208 = arith.constant 0 : i32
      %parallel_loop3A_209 = arith.constant 250 : i32
      %parallel_loop3A_210 = arith.constant 1 : i32
      scf.for %parallel_loop3A_306 = %parallel_loop3A_208 to %parallel_loop3A_209 step %parallel_loop3A_210  : i32 {
        %parallel_loop3A_307 = arith.constant 16 : i32
        %parallel_loop3A_308 = arith.muli %parallel_loop3A_306, %parallel_loop3A_307 : i32
        %parallel_loop3A_309 = arith.index_cast %parallel_loop3A_308 : i32 to index
        %parallel_loop3A_310 = tpu.vector_load %arg31[%parallel_loop3A_309] {strides = array<i32>} : memref<4000xf32, #tpu.memory_space<vmem>>, vector<16xf32>,
        %parallel_loop3A_311 = vector.shape_cast %parallel_loop3A_310 : vector<16xf32> to vector<16xf32>
        %parallel_loop3A_312 = arith.index_cast %parallel_loop3A_308 : i32 to index
        %parallel_loop3A_313 = tpu.vector_load %arg23[%parallel_loop3A_312] {strides = array<i32>} : memref<4000xf32, #tpu.memory_space<vmem>>, vector<16xf32>,
        %parallel_loop3A_314 = vector.shape_cast %parallel_loop3A_313 : vector<16xf32> to vector<16xf32>
        %parallel_loop3A_315 = arith.mulf %parallel_loop3A_311, %parallel_loop3A_314 : vector<16xf32>
        %parallel_loop3A_316 = arith.index_cast %parallel_loop3A_308 : i32 to index
        %parallel_loop3A_317 = tpu.vector_load %arg31[%parallel_loop3A_316] {strides = array<i32>} : memref<4000xf32, #tpu.memory_space<vmem>>, vector<16xf32>,
        %parallel_loop3A_318 = vector.shape_cast %parallel_loop3A_317 : vector<16xf32> to vector<16xf32>
        %parallel_loop3A_319 = vector.shape_cast %parallel_loop3A_315 : vector<16xf32> to vector<16xf32>
        tpu.vector_store %arg31[%parallel_loop3A_316], %parallel_loop3A_319 {strides = array<i32>} : memref<4000xf32, #tpu.memory_space<vmem>>, vector<16xf32>,
      } {sc.loop_unroll_factor = 4 : i64, sc.parallel_access}
      %dma_start3A_211 = arith.constant 0 : i32
      %dma_start3A_212 = tpu.memref_slice %arg13[%dma_start3A_211] : memref<100352xf32, #tpu.memory_space<vmem_shared>> -> memref<100352xf32, #tpu.memory_space<vmem_shared>>
      tpu.enqueue_indirect_dma source(%arg31 : memref<4000xf32, #tpu.memory_space<vmem>>) target(%dma_start3A_212 : memref<100352xf32, #tpu.memory_space<vmem_shared>>) offsets(%arg19 : memref<4000xi32, #tpu.memory_space<vmem>>) semaphore(%arg35 : memref<!tpu.dma_semaphore, #tpu.memory_space<semaphore_mem>>) {add = true}
      %dma_wait3A_213 = arith.constant 301056 : i32
      %dma_wait3A_214 = tpu.memref_slice %arg2[%dma_wait3A_213] : memref<401408xf32, #tpu.memory_space<hbm>> -> memref<100352xf32, #tpu.memory_space<hbm>>
      %dma_wait3A_215 = arith.constant 0 : i32
      %dma_wait3A_216 = tpu.memref_slice %dma_wait3A_214[%dma_wait3A_215] : memref<100352xf32, #tpu.memory_space<hbm>> -> memref<100352xf32, #tpu.memory_space<hbm>>
      tpu.wait_indirect_dma semaphore(%arg34 : memref<!tpu.dma_semaphore, #tpu.memory_space<semaphore_mem>>) src(%dma_wait3A_216 : memref<100352xf32, #tpu.memory_space<hbm>>) dst(%arg32 : memref<4000xf32, #tpu.memory_space<vmem>>)
      %parallel_loop3A_217 = arith.constant 0 : i32
      %parallel_loop3A_218 = arith.constant 250 : i32
      %parallel_loop3A_219 = arith.constant 1 : i32
      scf.for %parallel_loop3A_306 = %parallel_loop3A_217 to %parallel_loop3A_218 step %parallel_loop3A_219  : i32 {
        %parallel_loop3A_307 = arith.constant 16 : i32
        %parallel_loop3A_308 = arith.muli %parallel_loop3A_306, %parallel_loop3A_307 : i32
        %parallel_loop3A_309 = arith.index_cast %parallel_loop3A_308 : i32 to index
        %parallel_loop3A_310 = tpu.vector_load %arg32[%parallel_loop3A_309] {strides = array<i32>} : memref<4000xf32, #tpu.memory_space<vmem>>, vector<16xf32>,
        %parallel_loop3A_311 = vector.shape_cast %parallel_loop3A_310 : vector<16xf32> to vector<16xf32>
        %parallel_loop3A_312 = arith.index_cast %parallel_loop3A_308 : i32 to index
        %parallel_loop3A_313 = tpu.vector_load %arg24[%parallel_loop3A_312] {strides = array<i32>} : memref<4000xf32, #tpu.memory_space<vmem>>, vector<16xf32>,
        %parallel_loop3A_314 = vector.shape_cast %parallel_loop3A_313 : vector<16xf32> to vector<16xf32>
        %parallel_loop3A_315 = arith.mulf %parallel_loop3A_311, %parallel_loop3A_314 : vector<16xf32>
        %parallel_loop3A_316 = arith.index_cast %parallel_loop3A_308 : i32 to index
        %parallel_loop3A_317 = tpu.vector_load %arg32[%parallel_loop3A_316] {strides = array<i32>} : memref<4000xf32, #tpu.memory_space<vmem>>, vector<16xf32>,
        %parallel_loop3A_318 = vector.shape_cast %parallel_loop3A_317 : vector<16xf32> to vector<16xf32>
        %parallel_loop3A_319 = vector.shape_cast %parallel_loop3A_315 : vector<16xf32> to vector<16xf32>
        tpu.vector_store %arg32[%parallel_loop3A_316], %parallel_loop3A_319 {strides = array<i32>} : memref<4000xf32, #tpu.memory_space<vmem>>, vector<16xf32>,
      } {sc.loop_unroll_factor = 4 : i64, sc.parallel_access}
      %dma_start3A_220 = arith.constant 0 : i32
      %dma_start3A_221 = tpu.memref_slice %arg14[%dma_start3A_220] : memref<100352xf32, #tpu.memory_space<vmem_shared>> -> memref<100352xf32, #tpu.memory_space<vmem_shared>>
      tpu.enqueue_indirect_dma source(%arg32 : memref<4000xf32, #tpu.memory_space<vmem>>) target(%dma_start3A_221 : memref<100352xf32, #tpu.memory_space<vmem_shared>>) offsets(%arg19 : memref<4000xi32, #tpu.memory_space<vmem>>) semaphore(%arg35 : memref<!tpu.dma_semaphore, #tpu.memory_space<semaphore_mem>>) {add = true}
      %dma_wait3A_222 = arith.constant 0 : i32
      %dma_wait3A_223 = tpu.memref_slice %arg11[%dma_wait3A_222] : memref<100352xf32, #tpu.memory_space<vmem_shared>> -> memref<100352xf32, #tpu.memory_space<vmem_shared>>
      tpu.wait_indirect_dma semaphore(%arg35 : memref<!tpu.dma_semaphore, #tpu.memory_space<semaphore_mem>>) src(%arg29 : memref<4000xf32, #tpu.memory_space<vmem>>) dst(%dma_wait3A_223 : memref<100352xf32, #tpu.memory_space<vmem_shared>>)
      %dma_wait3A_224 = arith.constant 0 : i32
      %dma_wait3A_225 = tpu.memref_slice %arg12[%dma_wait3A_224] : memref<100352xf32, #tpu.memory_space<vmem_shared>> -> memref<100352xf32, #tpu.memory_space<vmem_shared>>
      tpu.wait_indirect_dma semaphore(%arg35 : memref<!tpu.dma_semaphore, #tpu.memory_space<semaphore_mem>>) src(%arg30 : memref<4000xf32, #tpu.memory_space<vmem>>) dst(%dma_wait3A_225 : memref<100352xf32, #tpu.memory_space<vmem_shared>>)
      %dma_wait3A_226 = arith.constant 0 : i32
      %dma_wait3A_227 = tpu.memref_slice %arg13[%dma_wait3A_226] : memref<100352xf32, #tpu.memory_space<vmem_shared>> -> memref<100352xf32, #tpu.memory_space<vmem_shared>>
      tpu.wait_indirect_dma semaphore(%arg35 : memref<!tpu.dma_semaphore, #tpu.memory_space<semaphore_mem>>) src(%arg31 : memref<4000xf32, #tpu.memory_space<vmem>>) dst(%dma_wait3A_227 : memref<100352xf32, #tpu.memory_space<vmem_shared>>)
      %dma_wait3A_228 = arith.constant 0 : i32
      %dma_wait3A_229 = tpu.memref_slice %arg14[%dma_wait3A_228] : memref<100352xf32, #tpu.memory_space<vmem_shared>> -> memref<100352xf32, #tpu.memory_space<vmem_shared>>
      tpu.wait_indirect_dma semaphore(%arg35 : memref<!tpu.dma_semaphore, #tpu.memory_space<semaphore_mem>>) src(%arg32 : memref<4000xf32, #tpu.memory_space<vmem>>) dst(%dma_wait3A_229 : memref<100352xf32, #tpu.memory_space<vmem_shared>>)
      %add3A_230 = arith.constant 1 : i32
      %add3A_231 = arith.addi %add3A_142, %add3A_230 : i32
      %mul3A_232 = arith.constant 4000 : i32
      %mul3A_233 = arith.muli %add3A_231, %mul3A_232 : i32
      %add3A_234 = arith.addi %mul3A_18, %mul3A_233 : i32
      %dma_wait3A_235 = tpu.memref_slice %arg3[%add3A_234] : memref<3200000xi32, #tpu.memory_space<hbm>> -> memref<4000xi32, #tpu.memory_space<hbm>>
      %dma_wait3A_236 = tpu.memref_slice %arg3[%add3A_234] : memref<3200000xi32, #tpu.memory_space<hbm>> -> memref<4000xi32, #tpu.memory_space<hbm>>
      tpu.wait_dma2 semaphore(%arg33 : memref<!tpu.dma_semaphore, #tpu.memory_space<semaphore_mem>>) src(%dma_wait3A_236 : memref<4000xi32, #tpu.memory_space<hbm>>) dst(%arg18 : memref<4000xi32, #tpu.memory_space<vmem>>)
      %dma_wait3A_237 = tpu.memref_slice %arg4[%add3A_234] : memref<3200000xi32, #tpu.memory_space<hbm>> -> memref<4000xi32, #tpu.memory_space<hbm>>
      %dma_wait3A_238 = tpu.memref_slice %arg4[%add3A_234] : memref<3200000xi32, #tpu.memory_space<hbm>> -> memref<4000xi32, #tpu.memory_space<hbm>>
      tpu.wait_dma2 semaphore(%arg33 : memref<!tpu.dma_semaphore, #tpu.memory_space<semaphore_mem>>) src(%dma_wait3A_238 : memref<4000xi32, #tpu.memory_space<hbm>>) dst(%arg20 : memref<4000xi32, #tpu.memory_space<vmem>>)
      %add3A_239 = arith.constant 0 : i32
      %add3A_240 = arith.addi %add3A_239, %add3A_234 : i32
      %dma_wait3A_241 = tpu.memref_slice %arg5[%add3A_240] : memref<12800000xf32, #tpu.memory_space<hbm>> -> memref<4000xf32, #tpu.memory_space<hbm>>
      %dma_wait3A_242 = tpu.memref_slice %arg5[%add3A_240] : memref<12800000xf32, #tpu.memory_space<hbm>> -> memref<4000xf32, #tpu.memory_space<hbm>>
      tpu.wait_dma2 semaphore(%arg33 : memref<!tpu.dma_semaphore, #tpu.memory_space<semaphore_mem>>) src(%dma_wait3A_242 : memref<4000xf32, #tpu.memory_space<hbm>>) dst(%arg25 : memref<4000xf32, #tpu.memory_space<vmem>>)
      %add3A_243 = arith.constant 3200000 : i32
      %add3A_244 = arith.addi %add3A_243, %add3A_234 : i32
      %dma_wait3A_245 = tpu.memref_slice %arg5[%add3A_244] : memref<12800000xf32, #tpu.memory_space<hbm>> -> memref<4000xf32, #tpu.memory_space<hbm>>
      %dma_wait3A_246 = tpu.memref_slice %arg5[%add3A_244] : memref<12800000xf32, #tpu.memory_space<hbm>> -> memref<4000xf32, #tpu.memory_space<hbm>>
      tpu.wait_dma2 semaphore(%arg33 : memref<!tpu.dma_semaphore, #tpu.memory_space<semaphore_mem>>) src(%dma_wait3A_246 : memref<4000xf32, #tpu.memory_space<hbm>>) dst(%arg26 : memref<4000xf32, #tpu.memory_space<vmem>>)
      %add3A_247 = arith.constant 6400000 : i32
      %add3A_248 = arith.addi %add3A_247, %add3A_234 : i32
      %dma_wait3A_249 = tpu.memref_slice %arg5[%add3A_248] : memref<12800000xf32, #tpu.memory_space<hbm>> -> memref<4000xf32, #tpu.memory_space<hbm>>
      %dma_wait3A_250 = tpu.memref_slice %arg5[%add3A_248] : memref<12800000xf32, #tpu.memory_space<hbm>> -> memref<4000xf32, #tpu.memory_space<hbm>>
      tpu.wait_dma2 semaphore(%arg33 : memref<!tpu.dma_semaphore, #tpu.memory_space<semaphore_mem>>) src(%dma_wait3A_250 : memref<4000xf32, #tpu.memory_space<hbm>>) dst(%arg27 : memref<4000xf32, #tpu.memory_space<vmem>>)
      %add3A_251 = arith.constant 9600000 : i32
      %add3A_252 = arith.addi %add3A_251, %add3A_234 : i32
      %dma_wait3A_253 = tpu.memref_slice %arg5[%add3A_252] : memref<12800000xf32, #tpu.memory_space<hbm>> -> memref<4000xf32, #tpu.memory_space<hbm>>
      %dma_wait3A_254 = tpu.memref_slice %arg5[%add3A_252] : memref<12800000xf32, #tpu.memory_space<hbm>> -> memref<4000xf32, #tpu.memory_space<hbm>>
      tpu.wait_dma2 semaphore(%arg33 : memref<!tpu.dma_semaphore, #tpu.memory_space<semaphore_mem>>) src(%dma_wait3A_254 : memref<4000xf32, #tpu.memory_space<hbm>>) dst(%arg28 : memref<4000xf32, #tpu.memory_space<vmem>>)
      %add3A_255 = arith.constant 1 : i32
      %add3A_256 = arith.addi %add3A_231, %add3A_255 : i32
      %lt3A_257 = arith.constant 25 : i32
      %lt3A_258 = arith.cmpi slt, %add3A_256, %lt3A_257 : i32
      %convert_element_type3A_259 = arith.extui %lt3A_258 : i1 to i32
      %cond3A_260 = arith.constant 0 : i32
      %cond3A_261 = arith.cmpi ne, %convert_element_type3A_259, %cond3A_260 : i32
      scf.if %cond3A_261 {
        %add3A_306 = arith.constant 1 : i32
        %add3A_307 = arith.addi %add3A_231, %add3A_306 : i32
        %mul3A_308 = arith.constant 4000 : i32
        %mul3A_309 = arith.muli %add3A_307, %mul3A_308 : i32
        %add3A_310 = arith.addi %mul3A_18, %mul3A_309 : i32
        %dma_start3A_311 = tpu.memref_slice %arg3[%add3A_310] : memref<3200000xi32, #tpu.memory_space<hbm>> -> memref<4000xi32, #tpu.memory_space<hbm>>
        %dma_start3A_312 = tpu.memref_slice %arg3[%add3A_310] : memref<3200000xi32, #tpu.memory_space<hbm>> -> memref<4000xi32, #tpu.memory_space<hbm>>
        tpu.enqueue_dma source(%dma_start3A_312 : memref<4000xi32, #tpu.memory_space<hbm>>) target(%arg17 : memref<4000xi32, #tpu.memory_space<vmem>>) target_semaphore(%arg33 : memref<!tpu.dma_semaphore, #tpu.memory_space<semaphore_mem>>)
        %dma_start3A_313 = tpu.memref_slice %arg4[%add3A_310] : memref<3200000xi32, #tpu.memory_space<hbm>> -> memref<4000xi32, #tpu.memory_space<hbm>>
        %dma_start3A_314 = tpu.memref_slice %arg4[%add3A_310] : memref<3200000xi32, #tpu.memory_space<hbm>> -> memref<4000xi32, #tpu.memory_space<hbm>>
        tpu.enqueue_dma source(%dma_start3A_314 : memref<4000xi32, #tpu.memory_space<hbm>>) target(%arg19 : memref<4000xi32, #tpu.memory_space<vmem>>) target_semaphore(%arg33 : memref<!tpu.dma_semaphore, #tpu.memory_space<semaphore_mem>>)
        %add3A_315 = arith.constant 0 : i32
        %add3A_316 = arith.addi %add3A_315, %add3A_310 : i32
        %dma_start3A_317 = tpu.memref_slice %arg5[%add3A_316] : memref<12800000xf32, #tpu.memory_space<hbm>> -> memref<4000xf32, #tpu.memory_space<hbm>>
        %dma_start3A_318 = tpu.memref_slice %arg5[%add3A_316] : memref<12800000xf32, #tpu.memory_space<hbm>> -> memref<4000xf32, #tpu.memory_space<hbm>>
        tpu.enqueue_dma source(%dma_start3A_318 : memref<4000xf32, #tpu.memory_space<hbm>>) target(%arg21 : memref<4000xf32, #tpu.memory_space<vmem>>) target_semaphore(%arg33 : memref<!tpu.dma_semaphore, #tpu.memory_space<semaphore_mem>>)
        %add3A_319 = arith.constant 3200000 : i32
        %add3A_320 = arith.addi %add3A_319, %add3A_310 : i32
        %dma_start3A_321 = tpu.memref_slice %arg5[%add3A_320] : memref<12800000xf32, #tpu.memory_space<hbm>> -> memref<4000xf32, #tpu.memory_space<hbm>>
        %dma_start3A_322 = tpu.memref_slice %arg5[%add3A_320] : memref<12800000xf32, #tpu.memory_space<hbm>> -> memref<4000xf32, #tpu.memory_space<hbm>>
        tpu.enqueue_dma source(%dma_start3A_322 : memref<4000xf32, #tpu.memory_space<hbm>>) target(%arg22 : memref<4000xf32, #tpu.memory_space<vmem>>) target_semaphore(%arg33 : memref<!tpu.dma_semaphore, #tpu.memory_space<semaphore_mem>>)
        %add3A_323 = arith.constant 6400000 : i32
        %add3A_324 = arith.addi %add3A_323, %add3A_310 : i32
        %dma_start3A_325 = tpu.memref_slice %arg5[%add3A_324] : memref<12800000xf32, #tpu.memory_space<hbm>> -> memref<4000xf32, #tpu.memory_space<hbm>>
        %dma_start3A_326 = tpu.memref_slice %arg5[%add3A_324] : memref<12800000xf32, #tpu.memory_space<hbm>> -> memref<4000xf32, #tpu.memory_space<hbm>>
        tpu.enqueue_dma source(%dma_start3A_326 : memref<4000xf32, #tpu.memory_space<hbm>>) target(%arg23 : memref<4000xf32, #tpu.memory_space<vmem>>) target_semaphore(%arg33 : memref<!tpu.dma_semaphore, #tpu.memory_space<semaphore_mem>>)
        %add3A_327 = arith.constant 9600000 : i32
        %add3A_328 = arith.addi %add3A_327, %add3A_310 : i32
        %dma_start3A_329 = tpu.memref_slice %arg5[%add3A_328] : memref<12800000xf32, #tpu.memory_space<hbm>> -> memref<4000xf32, #tpu.memory_space<hbm>>
        %dma_start3A_330 = tpu.memref_slice %arg5[%add3A_328] : memref<12800000xf32, #tpu.memory_space<hbm>> -> memref<4000xf32, #tpu.memory_space<hbm>>
        tpu.enqueue_dma source(%dma_start3A_330 : memref<4000xf32, #tpu.memory_space<hbm>>) target(%arg24 : memref<4000xf32, #tpu.memory_space<vmem>>) target_semaphore(%arg33 : memref<!tpu.dma_semaphore, #tpu.memory_space<semaphore_mem>>)
      } else {
      }
      %dma_start3A_262 = arith.constant 0 : i32
      %dma_start3A_263 = tpu.memref_slice %arg7[%dma_start3A_262] : memref<100352xf32, #tpu.memory_space<vmem_shared>> -> memref<100352xf32, #tpu.memory_space<vmem_shared>>
      tpu.enqueue_indirect_dma source(%dma_start3A_263 : memref<100352xf32, #tpu.memory_space<vmem_shared>>) target(%arg29 : memref<4000xf32, #tpu.memory_space<vmem>>) offsets(%arg18 : memref<4000xi32, #tpu.memory_space<vmem>>) semaphore(%arg34 : memref<!tpu.dma_semaphore, #tpu.memory_space<semaphore_mem>>)
      %dma_start3A_264 = arith.constant 0 : i32
      %dma_start3A_265 = tpu.memref_slice %arg8[%dma_start3A_264] : memref<100352xf32, #tpu.memory_space<vmem_shared>> -> memref<100352xf32, #tpu.memory_space<vmem_shared>>
      tpu.enqueue_indirect_dma source(%dma_start3A_265 : memref<100352xf32, #tpu.memory_space<vmem_shared>>) target(%arg30 : memref<4000xf32, #tpu.memory_space<vmem>>) offsets(%arg18 : memref<4000xi32, #tpu.memory_space<vmem>>) semaphore(%arg34 : memref<!tpu.dma_semaphore, #tpu.memory_space<semaphore_mem>>)
      %dma_start3A_266 = arith.constant 0 : i32
      %dma_start3A_267 = tpu.memref_slice %arg9[%dma_start3A_266] : memref<100352xf32, #tpu.memory_space<vmem_shared>> -> memref<100352xf32, #tpu.memory_space<vmem_shared>>
      tpu.enqueue_indirect_dma source(%dma_start3A_267 : memref<100352xf32, #tpu.memory_space<vmem_shared>>) target(%arg31 : memref<4000xf32, #tpu.memory_space<vmem>>) offsets(%arg18 : memref<4000xi32, #tpu.memory_space<vmem>>) semaphore(%arg34 : memref<!tpu.dma_semaphore, #tpu.memory_space<semaphore_mem>>)
      %dma_start3A_268 = arith.constant 0 : i32
      %dma_start3A_269 = tpu.memref_slice %arg10[%dma_start3A_268] : memref<100352xf32, #tpu.memory_space<vmem_shared>> -> memref<100352xf32, #tpu.memory_space<vmem_shared>>
      tpu.enqueue_indirect_dma source(%dma_start3A_269 : memref<100352xf32, #tpu.memory_space<vmem_shared>>) target(%arg32 : memref<4000xf32, #tpu.memory_space<vmem>>) offsets(%arg18 : memref<4000xi32, #tpu.memory_space<vmem>>) semaphore(%arg34 : memref<!tpu.dma_semaphore, #tpu.memory_space<semaphore_mem>>)
      %dma_wait3A_270 = arith.constant 0 : i32
      %dma_wait3A_271 = tpu.memref_slice %arg7[%dma_wait3A_270] : memref<100352xf32, #tpu.memory_space<vmem_shared>> -> memref<100352xf32, #tpu.memory_space<vmem_shared>>
      tpu.wait_indirect_dma semaphore(%arg34 : memref<!tpu.dma_semaphore, #tpu.memory_space<semaphore_mem>>) src(%dma_wait3A_271 : memref<100352xf32, #tpu.memory_space<vmem_shared>>) dst(%arg29 : memref<4000xf32, #tpu.memory_space<vmem>>)
      %parallel_loop3A_272 = arith.constant 0 : i32
      %parallel_loop3A_273 = arith.constant 250 : i32
      %parallel_loop3A_274 = arith.constant 1 : i32
      scf.for %parallel_loop3A_306 = %parallel_loop3A_272 to %parallel_loop3A_273 step %parallel_loop3A_274  : i32 {
        %parallel_loop3A_307 = arith.constant 16 : i32
        %parallel_loop3A_308 = arith.muli %parallel_loop3A_306, %parallel_loop3A_307 : i32
        %parallel_loop3A_309 = arith.index_cast %parallel_loop3A_308 : i32 to index
        %parallel_loop3A_310 = tpu.vector_load %arg29[%parallel_loop3A_309] {strides = array<i32>} : memref<4000xf32, #tpu.memory_space<vmem>>, vector<16xf32>,
        %parallel_loop3A_311 = vector.shape_cast %parallel_loop3A_310 : vector<16xf32> to vector<16xf32>
        %parallel_loop3A_312 = arith.index_cast %parallel_loop3A_308 : i32 to index
        %parallel_loop3A_313 = tpu.vector_load %arg25[%parallel_loop3A_312] {strides = array<i32>} : memref<4000xf32, #tpu.memory_space<vmem>>, vector<16xf32>,
        %parallel_loop3A_314 = vector.shape_cast %parallel_loop3A_313 : vector<16xf32> to vector<16xf32>
        %parallel_loop3A_315 = arith.mulf %parallel_loop3A_311, %parallel_loop3A_314 : vector<16xf32>
        %parallel_loop3A_316 = arith.index_cast %parallel_loop3A_308 : i32 to index
        %parallel_loop3A_317 = tpu.vector_load %arg29[%parallel_loop3A_316] {strides = array<i32>} : memref<4000xf32, #tpu.memory_space<vmem>>, vector<16xf32>,
        %parallel_loop3A_318 = vector.shape_cast %parallel_loop3A_317 : vector<16xf32> to vector<16xf32>
        %parallel_loop3A_319 = vector.shape_cast %parallel_loop3A_315 : vector<16xf32> to vector<16xf32>
        tpu.vector_store %arg29[%parallel_loop3A_316], %parallel_loop3A_319 {strides = array<i32>} : memref<4000xf32, #tpu.memory_space<vmem>>, vector<16xf32>,
      } {sc.loop_unroll_factor = 4 : i64, sc.parallel_access}
      %dma_start3A_275 = arith.constant 0 : i32
      %dma_start3A_276 = tpu.memref_slice %arg11[%dma_start3A_275] : memref<100352xf32, #tpu.memory_space<vmem_shared>> -> memref<100352xf32, #tpu.memory_space<vmem_shared>>
      tpu.enqueue_indirect_dma source(%arg29 : memref<4000xf32, #tpu.memory_space<vmem>>) target(%dma_start3A_276 : memref<100352xf32, #tpu.memory_space<vmem_shared>>) offsets(%arg20 : memref<4000xi32, #tpu.memory_space<vmem>>) semaphore(%arg35 : memref<!tpu.dma_semaphore, #tpu.memory_space<semaphore_mem>>) {add = true}
      %dma_wait3A_277 = arith.constant 0 : i32
      %dma_wait3A_278 = tpu.memref_slice %arg8[%dma_wait3A_277] : memref<100352xf32, #tpu.memory_space<vmem_shared>> -> memref<100352xf32, #tpu.memory_space<vmem_shared>>
      tpu.wait_indirect_dma semaphore(%arg34 : memref<!tpu.dma_semaphore, #tpu.memory_space<semaphore_mem>>) src(%dma_wait3A_278 : memref<100352xf32, #tpu.memory_space<vmem_shared>>) dst(%arg30 : memref<4000xf32, #tpu.memory_space<vmem>>)
      %parallel_loop3A_279 = arith.constant 0 : i32
      %parallel_loop3A_280 = arith.constant 250 : i32
      %parallel_loop3A_281 = arith.constant 1 : i32
      scf.for %parallel_loop3A_306 = %parallel_loop3A_279 to %parallel_loop3A_280 step %parallel_loop3A_281  : i32 {
        %parallel_loop3A_307 = arith.constant 16 : i32
        %parallel_loop3A_308 = arith.muli %parallel_loop3A_306, %parallel_loop3A_307 : i32
        %parallel_loop3A_309 = arith.index_cast %parallel_loop3A_308 : i32 to index
        %parallel_loop3A_310 = tpu.vector_load %arg30[%parallel_loop3A_309] {strides = array<i32>} : memref<4000xf32, #tpu.memory_space<vmem>>, vector<16xf32>,
        %parallel_loop3A_311 = vector.shape_cast %parallel_loop3A_310 : vector<16xf32> to vector<16xf32>
        %parallel_loop3A_312 = arith.index_cast %parallel_loop3A_308 : i32 to index
        %parallel_loop3A_313 = tpu.vector_load %arg26[%parallel_loop3A_312] {strides = array<i32>} : memref<4000xf32, #tpu.memory_space<vmem>>, vector<16xf32>,
        %parallel_loop3A_314 = vector.shape_cast %parallel_loop3A_313 : vector<16xf32> to vector<16xf32>
        %parallel_loop3A_315 = arith.mulf %parallel_loop3A_311, %parallel_loop3A_314 : vector<16xf32>
        %parallel_loop3A_316 = arith.index_cast %parallel_loop3A_308 : i32 to index
        %parallel_loop3A_317 = tpu.vector_load %arg30[%parallel_loop3A_316] {strides = array<i32>} : memref<4000xf32, #tpu.memory_space<vmem>>, vector<16xf32>,
        %parallel_loop3A_318 = vector.shape_cast %parallel_loop3A_317 : vector<16xf32> to vector<16xf32>
        %parallel_loop3A_319 = vector.shape_cast %parallel_loop3A_315 : vector<16xf32> to vector<16xf32>
        tpu.vector_store %arg30[%parallel_loop3A_316], %parallel_loop3A_319 {strides = array<i32>} : memref<4000xf32, #tpu.memory_space<vmem>>, vector<16xf32>,
      } {sc.loop_unroll_factor = 4 : i64, sc.parallel_access}
      %dma_start3A_282 = arith.constant 0 : i32
      %dma_start3A_283 = tpu.memref_slice %arg12[%dma_start3A_282] : memref<100352xf32, #tpu.memory_space<vmem_shared>> -> memref<100352xf32, #tpu.memory_space<vmem_shared>>
      tpu.enqueue_indirect_dma source(%arg30 : memref<4000xf32, #tpu.memory_space<vmem>>) target(%dma_start3A_283 : memref<100352xf32, #tpu.memory_space<vmem_shared>>) offsets(%arg20 : memref<4000xi32, #tpu.memory_space<vmem>>) semaphore(%arg35 : memref<!tpu.dma_semaphore, #tpu.memory_space<semaphore_mem>>) {add = true}
      %dma_wait3A_284 = arith.constant 0 : i32
      %dma_wait3A_285 = tpu.memref_slice %arg9[%dma_wait3A_284] : memref<100352xf32, #tpu.memory_space<vmem_shared>> -> memref<100352xf32, #tpu.memory_space<vmem_shared>>
      tpu.wait_indirect_dma semaphore(%arg34 : memref<!tpu.dma_semaphore, #tpu.memory_space<semaphore_mem>>) src(%dma_wait3A_285 : memref<100352xf32, #tpu.memory_space<vmem_shared>>) dst(%arg31 : memref<4000xf32, #tpu.memory_space<vmem>>)
      %parallel_loop3A_286 = arith.constant 0 : i32
      %parallel_loop3A_287 = arith.constant 250 : i32
      %parallel_loop3A_288 = arith.constant 1 : i32
      scf.for %parallel_loop3A_306 = %parallel_loop3A_286 to %parallel_loop3A_287 step %parallel_loop3A_288  : i32 {
        %parallel_loop3A_307 = arith.constant 16 : i32
        %parallel_loop3A_308 = arith.muli %parallel_loop3A_306, %parallel_loop3A_307 : i32
        %parallel_loop3A_309 = arith.index_cast %parallel_loop3A_308 : i32 to index
        %parallel_loop3A_310 = tpu.vector_load %arg31[%parallel_loop3A_309] {strides = array<i32>} : memref<4000xf32, #tpu.memory_space<vmem>>, vector<16xf32>,
        %parallel_loop3A_311 = vector.shape_cast %parallel_loop3A_310 : vector<16xf32> to vector<16xf32>
        %parallel_loop3A_312 = arith.index_cast %parallel_loop3A_308 : i32 to index
        %parallel_loop3A_313 = tpu.vector_load %arg27[%parallel_loop3A_312] {strides = array<i32>} : memref<4000xf32, #tpu.memory_space<vmem>>, vector<16xf32>,
        %parallel_loop3A_314 = vector.shape_cast %parallel_loop3A_313 : vector<16xf32> to vector<16xf32>
        %parallel_loop3A_315 = arith.mulf %parallel_loop3A_311, %parallel_loop3A_314 : vector<16xf32>
        %parallel_loop3A_316 = arith.index_cast %parallel_loop3A_308 : i32 to index
        %parallel_loop3A_317 = tpu.vector_load %arg31[%parallel_loop3A_316] {strides = array<i32>} : memref<4000xf32, #tpu.memory_space<vmem>>, vector<16xf32>,
        %parallel_loop3A_318 = vector.shape_cast %parallel_loop3A_317 : vector<16xf32> to vector<16xf32>
        %parallel_loop3A_319 = vector.shape_cast %parallel_loop3A_315 : vector<16xf32> to vector<16xf32>
        tpu.vector_store %arg31[%parallel_loop3A_316], %parallel_loop3A_319 {strides = array<i32>} : memref<4000xf32, #tpu.memory_space<vmem>>, vector<16xf32>,
      } {sc.loop_unroll_factor = 4 : i64, sc.parallel_access}
      %dma_start3A_289 = arith.constant 0 : i32
      %dma_start3A_290 = tpu.memref_slice %arg13[%dma_start3A_289] : memref<100352xf32, #tpu.memory_space<vmem_shared>> -> memref<100352xf32, #tpu.memory_space<vmem_shared>>
      tpu.enqueue_indirect_dma source(%arg31 : memref<4000xf32, #tpu.memory_space<vmem>>) target(%dma_start3A_290 : memref<100352xf32, #tpu.memory_space<vmem_shared>>) offsets(%arg20 : memref<4000xi32, #tpu.memory_space<vmem>>) semaphore(%arg35 : memref<!tpu.dma_semaphore, #tpu.memory_space<semaphore_mem>>) {add = true}
      %dma_wait3A_291 = arith.constant 0 : i32
      %dma_wait3A_292 = tpu.memref_slice %arg10[%dma_wait3A_291] : memref<100352xf32, #tpu.memory_space<vmem_shared>> -> memref<100352xf32, #tpu.memory_space<vmem_shared>>
      tpu.wait_indirect_dma semaphore(%arg34 : memref<!tpu.dma_semaphore, #tpu.memory_space<semaphore_mem>>) src(%dma_wait3A_292 : memref<100352xf32, #tpu.memory_space<vmem_shared>>) dst(%arg32 : memref<4000xf32, #tpu.memory_space<vmem>>)
      %parallel_loop3A_293 = arith.constant 0 : i32
      %parallel_loop3A_294 = arith.constant 250 : i32
      %parallel_loop3A_295 = arith.constant 1 : i32
      scf.for %parallel_loop3A_306 = %parallel_loop3A_293 to %parallel_loop3A_294 step %parallel_loop3A_295  : i32 {
        %parallel_loop3A_307 = arith.constant 16 : i32
        %parallel_loop3A_308 = arith.muli %parallel_loop3A_306, %parallel_loop3A_307 : i32
        %parallel_loop3A_309 = arith.index_cast %parallel_loop3A_308 : i32 to index
        %parallel_loop3A_310 = tpu.vector_load %arg32[%parallel_loop3A_309] {strides = array<i32>} : memref<4000xf32, #tpu.memory_space<vmem>>, vector<16xf32>,
        %parallel_loop3A_311 = vector.shape_cast %parallel_loop3A_310 : vector<16xf32> to vector<16xf32>
        %parallel_loop3A_312 = arith.index_cast %parallel_loop3A_308 : i32 to index
        %parallel_loop3A_313 = tpu.vector_load %arg28[%parallel_loop3A_312] {strides = array<i32>} : memref<4000xf32, #tpu.memory_space<vmem>>, vector<16xf32>,
        %parallel_loop3A_314 = vector.shape_cast %parallel_loop3A_313 : vector<16xf32> to vector<16xf32>
        %parallel_loop3A_315 = arith.mulf %parallel_loop3A_311, %parallel_loop3A_314 : vector<16xf32>
        %parallel_loop3A_316 = arith.index_cast %parallel_loop3A_308 : i32 to index
        %parallel_loop3A_317 = tpu.vector_load %arg32[%parallel_loop3A_316] {strides = array<i32>} : memref<4000xf32, #tpu.memory_space<vmem>>, vector<16xf32>,
        %parallel_loop3A_318 = vector.shape_cast %parallel_loop3A_317 : vector<16xf32> to vector<16xf32>
        %parallel_loop3A_319 = vector.shape_cast %parallel_loop3A_315 : vector<16xf32> to vector<16xf32>
        tpu.vector_store %arg32[%parallel_loop3A_316], %parallel_loop3A_319 {strides = array<i32>} : memref<4000xf32, #tpu.memory_space<vmem>>, vector<16xf32>,
      } {sc.loop_unroll_factor = 4 : i64, sc.parallel_access}
      %dma_start3A_296 = arith.constant 0 : i32
      %dma_start3A_297 = tpu.memref_slice %arg14[%dma_start3A_296] : memref<100352xf32, #tpu.memory_space<vmem_shared>> -> memref<100352xf32, #tpu.memory_space<vmem_shared>>
      tpu.enqueue_indirect_dma source(%arg32 : memref<4000xf32, #tpu.memory_space<vmem>>) target(%dma_start3A_297 : memref<100352xf32, #tpu.memory_space<vmem_shared>>) offsets(%arg20 : memref<4000xi32, #tpu.memory_space<vmem>>) semaphore(%arg35 : memref<!tpu.dma_semaphore, #tpu.memory_space<semaphore_mem>>) {add = true}
      %dma_wait3A_298 = arith.constant 0 : i32
      %dma_wait3A_299 = tpu.memref_slice %arg11[%dma_wait3A_298] : memref<100352xf32, #tpu.memory_space<vmem_shared>> -> memref<100352xf32, #tpu.memory_space<vmem_shared>>
      tpu.wait_indirect_dma semaphore(%arg35 : memref<!tpu.dma_semaphore, #tpu.memory_space<semaphore_mem>>) src(%arg29 : memref<4000xf32, #tpu.memory_space<vmem>>) dst(%dma_wait3A_299 : memref<100352xf32, #tpu.memory_space<vmem_shared>>)
      %dma_wait3A_300 = arith.constant 0 : i32
      %dma_wait3A_301 = tpu.memref_slice %arg12[%dma_wait3A_300] : memref<100352xf32, #tpu.memory_space<vmem_shared>> -> memref<100352xf32, #tpu.memory_space<vmem_shared>>
      tpu.wait_indirect_dma semaphore(%arg35 : memref<!tpu.dma_semaphore, #tpu.memory_space<semaphore_mem>>) src(%arg30 : memref<4000xf32, #tpu.memory_space<vmem>>) dst(%dma_wait3A_301 : memref<100352xf32, #tpu.memory_space<vmem_shared>>)
      %dma_wait3A_302 = arith.constant 0 : i32
      %dma_wait3A_303 = tpu.memref_slice %arg13[%dma_wait3A_302] : memref<100352xf32, #tpu.memory_space<vmem_shared>> -> memref<100352xf32, #tpu.memory_space<vmem_shared>>
      tpu.wait_indirect_dma semaphore(%arg35 : memref<!tpu.dma_semaphore, #tpu.memory_space<semaphore_mem>>) src(%arg31 : memref<4000xf32, #tpu.memory_space<vmem>>) dst(%dma_wait3A_303 : memref<100352xf32, #tpu.memory_space<vmem_shared>>)
      %dma_wait3A_304 = arith.constant 0 : i32
      %dma_wait3A_305 = tpu.memref_slice %arg14[%dma_wait3A_304] : memref<100352xf32, #tpu.memory_space<vmem_shared>> -> memref<100352xf32, #tpu.memory_space<vmem_shared>>
      tpu.wait_indirect_dma semaphore(%arg35 : memref<!tpu.dma_semaphore, #tpu.memory_space<semaphore_mem>>) src(%arg32 : memref<4000xf32, #tpu.memory_space<vmem>>) dst(%dma_wait3A_305 : memref<100352xf32, #tpu.memory_space<vmem_shared>>)
    }
    %scan3A_44 = arith.constant 12 : i32
    %add3A_45 = arith.constant 96000 : i32
    %add3A_46 = arith.addi %mul3A_18, %add3A_45 : i32
    %dma_wait3A = tpu.memref_slice %arg3[%add3A_46] : memref<3200000xi32, #tpu.memory_space<hbm>> -> memref<4000xi32, #tpu.memory_space<hbm>>
    %dma_wait3A_47 = tpu.memref_slice %arg3[%add3A_46] : memref<3200000xi32, #tpu.memory_space<hbm>> -> memref<4000xi32, #tpu.memory_space<hbm>>
    tpu.wait_dma2 semaphore(%arg33 : memref<!tpu.dma_semaphore, #tpu.memory_space<semaphore_mem>>) src(%dma_wait3A_47 : memref<4000xi32, #tpu.memory_space<hbm>>) dst(%arg17 : memref<4000xi32, #tpu.memory_space<vmem>>)
    %dma_wait3A_48 = tpu.memref_slice %arg4[%add3A_46] : memref<3200000xi32, #tpu.memory_space<hbm>> -> memref<4000xi32, #tpu.memory_space<hbm>>
    %dma_wait3A_49 = tpu.memref_slice %arg4[%add3A_46] : memref<3200000xi32, #tpu.memory_space<hbm>> -> memref<4000xi32, #tpu.memory_space<hbm>>
    tpu.wait_dma2 semaphore(%arg33 : memref<!tpu.dma_semaphore, #tpu.memory_space<semaphore_mem>>) src(%dma_wait3A_49 : memref<4000xi32, #tpu.memory_space<hbm>>) dst(%arg19 : memref<4000xi32, #tpu.memory_space<vmem>>)
    %add3A_50 = arith.constant 0 : i32
    %add3A_51 = arith.addi %add3A_50, %add3A_46 : i32
    %dma_wait3A_52 = tpu.memref_slice %arg5[%add3A_51] : memref<12800000xf32, #tpu.memory_space<hbm>> -> memref<4000xf32, #tpu.memory_space<hbm>>
    %dma_wait3A_53 = tpu.memref_slice %arg5[%add3A_51] : memref<12800000xf32, #tpu.memory_space<hbm>> -> memref<4000xf32, #tpu.memory_space<hbm>>
    tpu.wait_dma2 semaphore(%arg33 : memref<!tpu.dma_semaphore, #tpu.memory_space<semaphore_mem>>) src(%dma_wait3A_53 : memref<4000xf32, #tpu.memory_space<hbm>>) dst(%arg21 : memref<4000xf32, #tpu.memory_space<vmem>>)
    %add3A_54 = arith.constant 3200000 : i32
    %add3A_55 = arith.addi %add3A_54, %add3A_46 : i32
    %dma_wait3A_56 = tpu.memref_slice %arg5[%add3A_55] : memref<12800000xf32, #tpu.memory_space<hbm>> -> memref<4000xf32, #tpu.memory_space<hbm>>
    %dma_wait3A_57 = tpu.memref_slice %arg5[%add3A_55] : memref<12800000xf32, #tpu.memory_space<hbm>> -> memref<4000xf32, #tpu.memory_space<hbm>>
    tpu.wait_dma2 semaphore(%arg33 : memref<!tpu.dma_semaphore, #tpu.memory_space<semaphore_mem>>) src(%dma_wait3A_57 : memref<4000xf32, #tpu.memory_space<hbm>>) dst(%arg22 : memref<4000xf32, #tpu.memory_space<vmem>>)
    %add3A_58 = arith.constant 6400000 : i32
    %add3A_59 = arith.addi %add3A_58, %add3A_46 : i32
    %dma_wait3A_60 = tpu.memref_slice %arg5[%add3A_59] : memref<12800000xf32, #tpu.memory_space<hbm>> -> memref<4000xf32, #tpu.memory_space<hbm>>
    %dma_wait3A_61 = tpu.memref_slice %arg5[%add3A_59] : memref<12800000xf32, #tpu.memory_space<hbm>> -> memref<4000xf32, #tpu.memory_space<hbm>>
    tpu.wait_dma2 semaphore(%arg33 : memref<!tpu.dma_semaphore, #tpu.memory_space<semaphore_mem>>) src(%dma_wait3A_61 : memref<4000xf32, #tpu.memory_space<hbm>>) dst(%arg23 : memref<4000xf32, #tpu.memory_space<vmem>>)
    %add3A_62 = arith.constant 9600000 : i32
    %add3A_63 = arith.addi %add3A_62, %add3A_46 : i32
    %dma_wait3A_64 = tpu.memref_slice %arg5[%add3A_63] : memref<12800000xf32, #tpu.memory_space<hbm>> -> memref<4000xf32, #tpu.memory_space<hbm>>
    %dma_wait3A_65 = tpu.memref_slice %arg5[%add3A_63] : memref<12800000xf32, #tpu.memory_space<hbm>> -> memref<4000xf32, #tpu.memory_space<hbm>>
    tpu.wait_dma2 semaphore(%arg33 : memref<!tpu.dma_semaphore, #tpu.memory_space<semaphore_mem>>) src(%dma_wait3A_65 : memref<4000xf32, #tpu.memory_space<hbm>>) dst(%arg24 : memref<4000xf32, #tpu.memory_space<vmem>>)
    %dma_start3A_66 = arith.constant 0 : i32
    %dma_start3A_67 = tpu.memref_slice %arg7[%dma_start3A_66] : memref<100352xf32, #tpu.memory_space<vmem_shared>> -> memref<100352xf32, #tpu.memory_space<vmem_shared>>
    tpu.enqueue_indirect_dma source(%dma_start3A_67 : memref<100352xf32, #tpu.memory_space<vmem_shared>>) target(%arg29 : memref<4000xf32, #tpu.memory_space<vmem>>) offsets(%arg17 : memref<4000xi32, #tpu.memory_space<vmem>>) semaphore(%arg34 : memref<!tpu.dma_semaphore, #tpu.memory_space<semaphore_mem>>)
    %dma_start3A_68 = arith.constant 0 : i32
    %dma_start3A_69 = tpu.memref_slice %arg8[%dma_start3A_68] : memref<100352xf32, #tpu.memory_space<vmem_shared>> -> memref<100352xf32, #tpu.memory_space<vmem_shared>>
    tpu.enqueue_indirect_dma source(%dma_start3A_69 : memref<100352xf32, #tpu.memory_space<vmem_shared>>) target(%arg30 : memref<4000xf32, #tpu.memory_space<vmem>>) offsets(%arg17 : memref<4000xi32, #tpu.memory_space<vmem>>) semaphore(%arg34 : memref<!tpu.dma_semaphore, #tpu.memory_space<semaphore_mem>>)
    %dma_start3A_70 = arith.constant 0 : i32
    %dma_start3A_71 = tpu.memref_slice %arg9[%dma_start3A_70] : memref<100352xf32, #tpu.memory_space<vmem_shared>> -> memref<100352xf32, #tpu.memory_space<vmem_shared>>
    tpu.enqueue_indirect_dma source(%dma_start3A_71 : memref<100352xf32, #tpu.memory_space<vmem_shared>>) target(%arg31 : memref<4000xf32, #tpu.memory_space<vmem>>) offsets(%arg17 : memref<4000xi32, #tpu.memory_space<vmem>>) semaphore(%arg34 : memref<!tpu.dma_semaphore, #tpu.memory_space<semaphore_mem>>)
    %dma_start3A_72 = arith.constant 0 : i32
    %dma_start3A_73 = tpu.memref_slice %arg10[%dma_start3A_72] : memref<100352xf32, #tpu.memory_space<vmem_shared>> -> memref<100352xf32, #tpu.memory_space<vmem_shared>>
    tpu.enqueue_indirect_dma source(%dma_start3A_73 : memref<100352xf32, #tpu.memory_space<vmem_shared>>) target(%arg32 : memref<4000xf32, #tpu.memory_space<vmem>>) offsets(%arg17 : memref<4000xi32, #tpu.memory_space<vmem>>) semaphore(%arg34 : memref<!tpu.dma_semaphore, #tpu.memory_space<semaphore_mem>>)
    %dma_wait3A_74 = arith.constant 0 : i32
    %dma_wait3A_75 = tpu.memref_slice %arg7[%dma_wait3A_74] : memref<100352xf32, #tpu.memory_space<vmem_shared>> -> memref<100352xf32, #tpu.memory_space<vmem_shared>>
    tpu.wait_indirect_dma semaphore(%arg34 : memref<!tpu.dma_semaphore, #tpu.memory_space<semaphore_mem>>) src(%dma_wait3A_75 : memref<100352xf32, #tpu.memory_space<vmem_shared>>) dst(%arg29 : memref<4000xf32, #tpu.memory_space<vmem>>)
    %parallel_loop3A = arith.constant 0 : i32
    %parallel_loop3A_76 = arith.constant 250 : i32
    %parallel_loop3A_77 = arith.constant 1 : i32
    scf.for %parallel_loop3A_138 = %parallel_loop3A to %parallel_loop3A_76 step %parallel_loop3A_77  : i32 {
      %parallel_loop3A_139 = arith.constant 16 : i32
      %parallel_loop3A_140 = arith.muli %parallel_loop3A_138, %parallel_loop3A_139 : i32
      %parallel_loop3A_141 = arith.index_cast %parallel_loop3A_140 : i32 to index
      %parallel_loop3A_142 = tpu.vector_load %arg29[%parallel_loop3A_141] {strides = array<i32>} : memref<4000xf32, #tpu.memory_space<vmem>>, vector<16xf32>,
      %parallel_loop3A_143 = vector.shape_cast %parallel_loop3A_142 : vector<16xf32> to vector<16xf32>
      %parallel_loop3A_144 = arith.index_cast %parallel_loop3A_140 : i32 to index
      %parallel_loop3A_145 = tpu.vector_load %arg21[%parallel_loop3A_144] {strides = array<i32>} : memref<4000xf32, #tpu.memory_space<vmem>>, vector<16xf32>,
      %parallel_loop3A_146 = vector.shape_cast %parallel_loop3A_145 : vector<16xf32> to vector<16xf32>
      %parallel_loop3A_147 = arith.mulf %parallel_loop3A_143, %parallel_loop3A_146 : vector<16xf32>
      %parallel_loop3A_148 = arith.index_cast %parallel_loop3A_140 : i32 to index
      %parallel_loop3A_149 = tpu.vector_load %arg29[%parallel_loop3A_148] {strides = array<i32>} : memref<4000xf32, #tpu.memory_space<vmem>>, vector<16xf32>,
      %parallel_loop3A_150 = vector.shape_cast %parallel_loop3A_149 : vector<16xf32> to vector<16xf32>
      %parallel_loop3A_151 = vector.shape_cast %parallel_loop3A_147 : vector<16xf32> to vector<16xf32>
      tpu.vector_store %arg29[%parallel_loop3A_148], %parallel_loop3A_151 {strides = array<i32>} : memref<4000xf32, #tpu.memory_space<vmem>>, vector<16xf32>,
    } {sc.loop_unroll_factor = 4 : i64, sc.parallel_access}
    %dma_start3A_78 = arith.constant 0 : i32
    %dma_start3A_79 = tpu.memref_slice %arg11[%dma_start3A_78] : memref<100352xf32, #tpu.memory_space<vmem_shared>> -> memref<100352xf32, #tpu.memory_space<vmem_shared>>
    tpu.enqueue_indirect_dma source(%arg29 : memref<4000xf32, #tpu.memory_space<vmem>>) target(%dma_start3A_79 : memref<100352xf32, #tpu.memory_space<vmem_shared>>) offsets(%arg19 : memref<4000xi32, #tpu.memory_space<vmem>>) semaphore(%arg35 : memref<!tpu.dma_semaphore, #tpu.memory_space<semaphore_mem>>) {add = true}
    %dma_wait3A_80 = arith.constant 0 : i32
    %dma_wait3A_81 = tpu.memref_slice %arg8[%dma_wait3A_80] : memref<100352xf32, #tpu.memory_space<vmem_shared>> -> memref<100352xf32, #tpu.memory_space<vmem_shared>>
    tpu.wait_indirect_dma semaphore(%arg34 : memref<!tpu.dma_semaphore, #tpu.memory_space<semaphore_mem>>) src(%dma_wait3A_81 : memref<100352xf32, #tpu.memory_space<vmem_shared>>) dst(%arg30 : memref<4000xf32, #tpu.memory_space<vmem>>)
    %parallel_loop3A_82 = arith.constant 0 : i32
    %parallel_loop3A_83 = arith.constant 250 : i32
    %parallel_loop3A_84 = arith.constant 1 : i32
    scf.for %parallel_loop3A_138 = %parallel_loop3A_82 to %parallel_loop3A_83 step %parallel_loop3A_84  : i32 {
      %parallel_loop3A_139 = arith.constant 16 : i32
      %parallel_loop3A_140 = arith.muli %parallel_loop3A_138, %parallel_loop3A_139 : i32
      %parallel_loop3A_141 = arith.index_cast %parallel_loop3A_140 : i32 to index
      %parallel_loop3A_142 = tpu.vector_load %arg30[%parallel_loop3A_141] {strides = array<i32>} : memref<4000xf32, #tpu.memory_space<vmem>>, vector<16xf32>,
      %parallel_loop3A_143 = vector.shape_cast %parallel_loop3A_142 : vector<16xf32> to vector<16xf32>
      %parallel_loop3A_144 = arith.index_cast %parallel_loop3A_140 : i32 to index
      %parallel_loop3A_145 = tpu.vector_load %arg22[%parallel_loop3A_144] {strides = array<i32>} : memref<4000xf32, #tpu.memory_space<vmem>>, vector<16xf32>,
      %parallel_loop3A_146 = vector.shape_cast %parallel_loop3A_145 : vector<16xf32> to vector<16xf32>
      %parallel_loop3A_147 = arith.mulf %parallel_loop3A_143, %parallel_loop3A_146 : vector<16xf32>
      %parallel_loop3A_148 = arith.index_cast %parallel_loop3A_140 : i32 to index
      %parallel_loop3A_149 = tpu.vector_load %arg30[%parallel_loop3A_148] {strides = array<i32>} : memref<4000xf32, #tpu.memory_space<vmem>>, vector<16xf32>,
      %parallel_loop3A_150 = vector.shape_cast %parallel_loop3A_149 : vector<16xf32> to vector<16xf32>
      %parallel_loop3A_151 = vector.shape_cast %parallel_loop3A_147 : vector<16xf32> to vector<16xf32>
      tpu.vector_store %arg30[%parallel_loop3A_148], %parallel_loop3A_151 {strides = array<i32>} : memref<4000xf32, #tpu.memory_space<vmem>>, vector<16xf32>,
    } {sc.loop_unroll_factor = 4 : i64, sc.parallel_access}
    %dma_start3A_85 = arith.constant 0 : i32
    %dma_start3A_86 = tpu.memref_slice %arg12[%dma_start3A_85] : memref<100352xf32, #tpu.memory_space<vmem_shared>> -> memref<100352xf32, #tpu.memory_space<vmem_shared>>
    tpu.enqueue_indirect_dma source(%arg30 : memref<4000xf32, #tpu.memory_space<vmem>>) target(%dma_start3A_86 : memref<100352xf32, #tpu.memory_space<vmem_shared>>) offsets(%arg19 : memref<4000xi32, #tpu.memory_space<vmem>>) semaphore(%arg35 : memref<!tpu.dma_semaphore, #tpu.memory_space<semaphore_mem>>) {add = true}
    %dma_wait3A_87 = arith.constant 0 : i32
    %dma_wait3A_88 = tpu.memref_slice %arg9[%dma_wait3A_87] : memref<100352xf32, #tpu.memory_space<vmem_shared>> -> memref<100352xf32, #tpu.memory_space<vmem_shared>>
    tpu.wait_indirect_dma semaphore(%arg34 : memref<!tpu.dma_semaphore, #tpu.memory_space<semaphore_mem>>) src(%dma_wait3A_88 : memref<100352xf32, #tpu.memory_space<vmem_shared>>) dst(%arg31 : memref<4000xf32, #tpu.memory_space<vmem>>)
    %parallel_loop3A_89 = arith.constant 0 : i32
    %parallel_loop3A_90 = arith.constant 250 : i32
    %parallel_loop3A_91 = arith.constant 1 : i32
    scf.for %parallel_loop3A_138 = %parallel_loop3A_89 to %parallel_loop3A_90 step %parallel_loop3A_91  : i32 {
      %parallel_loop3A_139 = arith.constant 16 : i32
      %parallel_loop3A_140 = arith.muli %parallel_loop3A_138, %parallel_loop3A_139 : i32
      %parallel_loop3A_141 = arith.index_cast %parallel_loop3A_140 : i32 to index
      %parallel_loop3A_142 = tpu.vector_load %arg31[%parallel_loop3A_141] {strides = array<i32>} : memref<4000xf32, #tpu.memory_space<vmem>>, vector<16xf32>,
      %parallel_loop3A_143 = vector.shape_cast %parallel_loop3A_142 : vector<16xf32> to vector<16xf32>
      %parallel_loop3A_144 = arith.index_cast %parallel_loop3A_140 : i32 to index
      %parallel_loop3A_145 = tpu.vector_load %arg23[%parallel_loop3A_144] {strides = array<i32>} : memref<4000xf32, #tpu.memory_space<vmem>>, vector<16xf32>,
      %parallel_loop3A_146 = vector.shape_cast %parallel_loop3A_145 : vector<16xf32> to vector<16xf32>
      %parallel_loop3A_147 = arith.mulf %parallel_loop3A_143, %parallel_loop3A_146 : vector<16xf32>
      %parallel_loop3A_148 = arith.index_cast %parallel_loop3A_140 : i32 to index
      %parallel_loop3A_149 = tpu.vector_load %arg31[%parallel_loop3A_148] {strides = array<i32>} : memref<4000xf32, #tpu.memory_space<vmem>>, vector<16xf32>,
      %parallel_loop3A_150 = vector.shape_cast %parallel_loop3A_149 : vector<16xf32> to vector<16xf32>
      %parallel_loop3A_151 = vector.shape_cast %parallel_loop3A_147 : vector<16xf32> to vector<16xf32>
      tpu.vector_store %arg31[%parallel_loop3A_148], %parallel_loop3A_151 {strides = array<i32>} : memref<4000xf32, #tpu.memory_space<vmem>>, vector<16xf32>,
    } {sc.loop_unroll_factor = 4 : i64, sc.parallel_access}
    %dma_start3A_92 = arith.constant 0 : i32
    %dma_start3A_93 = tpu.memref_slice %arg13[%dma_start3A_92] : memref<100352xf32, #tpu.memory_space<vmem_shared>> -> memref<100352xf32, #tpu.memory_space<vmem_shared>>
    tpu.enqueue_indirect_dma source(%arg31 : memref<4000xf32, #tpu.memory_space<vmem>>) target(%dma_start3A_93 : memref<100352xf32, #tpu.memory_space<vmem_shared>>) offsets(%arg19 : memref<4000xi32, #tpu.memory_space<vmem>>) semaphore(%arg35 : memref<!tpu.dma_semaphore, #tpu.memory_space<semaphore_mem>>) {add = true}
    %dma_wait3A_94 = arith.constant 0 : i32
    %dma_wait3A_95 = tpu.memref_slice %arg10[%dma_wait3A_94] : memref<100352xf32, #tpu.memory_space<vmem_shared>> -> memref<100352xf32, #tpu.memory_space<vmem_shared>>
    tpu.wait_indirect_dma semaphore(%arg34 : memref<!tpu.dma_semaphore, #tpu.memory_space<semaphore_mem>>) src(%dma_wait3A_95 : memref<100352xf32, #tpu.memory_space<vmem_shared>>) dst(%arg32 : memref<4000xf32, #tpu.memory_space<vmem>>)
    %parallel_loop3A_96 = arith.constant 0 : i32
    %parallel_loop3A_97 = arith.constant 250 : i32
    %parallel_loop3A_98 = arith.constant 1 : i32
    scf.for %parallel_loop3A_138 = %parallel_loop3A_96 to %parallel_loop3A_97 step %parallel_loop3A_98  : i32 {
      %parallel_loop3A_139 = arith.constant 16 : i32
      %parallel_loop3A_140 = arith.muli %parallel_loop3A_138, %parallel_loop3A_139 : i32
      %parallel_loop3A_141 = arith.index_cast %parallel_loop3A_140 : i32 to index
      %parallel_loop3A_142 = tpu.vector_load %arg32[%parallel_loop3A_141] {strides = array<i32>} : memref<4000xf32, #tpu.memory_space<vmem>>, vector<16xf32>,
      %parallel_loop3A_143 = vector.shape_cast %parallel_loop3A_142 : vector<16xf32> to vector<16xf32>
      %parallel_loop3A_144 = arith.index_cast %parallel_loop3A_140 : i32 to index
      %parallel_loop3A_145 = tpu.vector_load %arg24[%parallel_loop3A_144] {strides = array<i32>} : memref<4000xf32, #tpu.memory_space<vmem>>, vector<16xf32>,
      %parallel_loop3A_146 = vector.shape_cast %parallel_loop3A_145 : vector<16xf32> to vector<16xf32>
      %parallel_loop3A_147 = arith.mulf %parallel_loop3A_143, %parallel_loop3A_146 : vector<16xf32>
      %parallel_loop3A_148 = arith.index_cast %parallel_loop3A_140 : i32 to index
      %parallel_loop3A_149 = tpu.vector_load %arg32[%parallel_loop3A_148] {strides = array<i32>} : memref<4000xf32, #tpu.memory_space<vmem>>, vector<16xf32>,
      %parallel_loop3A_150 = vector.shape_cast %parallel_loop3A_149 : vector<16xf32> to vector<16xf32>
      %parallel_loop3A_151 = vector.shape_cast %parallel_loop3A_147 : vector<16xf32> to vector<16xf32>
      tpu.vector_store %arg32[%parallel_loop3A_148], %parallel_loop3A_151 {strides = array<i32>} : memref<4000xf32, #tpu.memory_space<vmem>>, vector<16xf32>,
    } {sc.loop_unroll_factor = 4 : i64, sc.parallel_access}
    %dma_start3A_99 = arith.constant 0 : i32
    %dma_start3A_100 = tpu.memref_slice %arg14[%dma_start3A_99] : memref<100352xf32, #tpu.memory_space<vmem_shared>> -> memref<100352xf32, #tpu.memory_space<vmem_shared>>
    tpu.enqueue_indirect_dma source(%arg32 : memref<4000xf32, #tpu.memory_space<vmem>>) target(%dma_start3A_100 : memref<100352xf32, #tpu.memory_space<vmem_shared>>) offsets(%arg19 : memref<4000xi32, #tpu.memory_space<vmem>>) semaphore(%arg35 : memref<!tpu.dma_semaphore, #tpu.memory_space<semaphore_mem>>) {add = true}
    %dma_wait3A_101 = arith.constant 0 : i32
    %dma_wait3A_102 = tpu.memref_slice %arg11[%dma_wait3A_101] : memref<100352xf32, #tpu.memory_space<vmem_shared>> -> memref<100352xf32, #tpu.memory_space<vmem_shared>>
    tpu.wait_indirect_dma semaphore(%arg35 : memref<!tpu.dma_semaphore, #tpu.memory_space<semaphore_mem>>) src(%arg29 : memref<4000xf32, #tpu.memory_space<vmem>>) dst(%dma_wait3A_102 : memref<100352xf32, #tpu.memory_space<vmem_shared>>)
    %dma_wait3A_103 = arith.constant 0 : i32
    %dma_wait3A_104 = tpu.memref_slice %arg12[%dma_wait3A_103] : memref<100352xf32, #tpu.memory_space<vmem_shared>> -> memref<100352xf32, #tpu.memory_space<vmem_shared>>
    tpu.wait_indirect_dma semaphore(%arg35 : memref<!tpu.dma_semaphore, #tpu.memory_space<semaphore_mem>>) src(%arg30 : memref<4000xf32, #tpu.memory_space<vmem>>) dst(%dma_wait3A_104 : memref<100352xf32, #tpu.memory_space<vmem_shared>>)
    %dma_wait3A_105 = arith.constant 0 : i32
    %dma_wait3A_106 = tpu.memref_slice %arg13[%dma_wait3A_105] : memref<100352xf32, #tpu.memory_space<vmem_shared>> -> memref<100352xf32, #tpu.memory_space<vmem_shared>>
    tpu.wait_indirect_dma semaphore(%arg35 : memref<!tpu.dma_semaphore, #tpu.memory_space<semaphore_mem>>) src(%arg31 : memref<4000xf32, #tpu.memory_space<vmem>>) dst(%dma_wait3A_106 : memref<100352xf32, #tpu.memory_space<vmem_shared>>)
    %dma_wait3A_107 = arith.constant 0 : i32
    %dma_wait3A_108 = tpu.memref_slice %arg14[%dma_wait3A_107] : memref<100352xf32, #tpu.memory_space<vmem_shared>> -> memref<100352xf32, #tpu.memory_space<vmem_shared>>
    tpu.wait_indirect_dma semaphore(%arg35 : memref<!tpu.dma_semaphore, #tpu.memory_space<semaphore_mem>>) src(%arg32 : memref<4000xf32, #tpu.memory_space<vmem>>) dst(%dma_wait3A_108 : memref<100352xf32, #tpu.memory_space<vmem_shared>>)
    %barrier3A_109 = arith.constant 0 : index
    tpu.barrier barrier_id(%barrier3A_109)
    %mul3A_110 = arith.constant 4 : i32
    %mul3A_111 = arith.muli %arg0, %mul3A_110 : i32
    %add3A_112 = arith.constant 0 : i32
    %add3A_113 = arith.addi %mul3A_111, %add3A_112 : i32
    %mul3A_114 = arith.constant 100352 : i32
    %mul3A_115 = arith.muli %add3A_113, %mul3A_114 : i32
    %add3A_116 = arith.addi %mul3A_115, %mul3A_0 : i32
    "tpu.region"() ({
      %run_scoped3A = tpu.sem_alloc : memref<!tpu.dma_semaphore, #tpu.memory_space<semaphore_mem>>
      %dma_start3A_138 = tpu.memref_slice %arg6[%add3A_116] : memref<802816xf32, #tpu.memory_space<hbm>> -> memref<6272xf32, #tpu.memory_space<hbm>>
      %dma_start3A_139 = tpu.memref_slice %arg11[%mul3A_0] : memref<100352xf32, #tpu.memory_space<vmem_shared>> -> memref<6272xf32, #tpu.memory_space<vmem_shared>>
      tpu.enqueue_dma source(%dma_start3A_139 : memref<6272xf32, #tpu.memory_space<vmem_shared>>) target(%dma_start3A_138 : memref<6272xf32, #tpu.memory_space<hbm>>) target_semaphore(%run_scoped3A : memref<!tpu.dma_semaphore, #tpu.memory_space<semaphore_mem>>)
      %dma_wait3A_140 = tpu.memref_slice %arg6[%add3A_116] : memref<802816xf32, #tpu.memory_space<hbm>> -> memref<6272xf32, #tpu.memory_space<hbm>>
      %dma_wait3A_141 = tpu.memref_slice %arg11[%mul3A_0] : memref<100352xf32, #tpu.memory_space<vmem_shared>> -> memref<6272xf32, #tpu.memory_space<vmem_shared>>
      tpu.wait_dma2 semaphore(%run_scoped3A : memref<!tpu.dma_semaphore, #tpu.memory_space<semaphore_mem>>) src(%dma_wait3A_141 : memref<6272xf32, #tpu.memory_space<vmem_shared>>) dst(%dma_wait3A_140 : memref<6272xf32, #tpu.memory_space<hbm>>)
      tpu.yield
    }) : () -> ()
    %mul3A_117 = arith.constant 4 : i32
    %mul3A_118 = arith.muli %arg0, %mul3A_117 : i32
    %add3A_119 = arith.constant 1 : i32
    %add3A_120 = arith.addi %mul3A_118, %add3A_119 : i32
    %mul3A_121 = arith.constant 100352 : i32
    %mul3A_122 = arith.muli %add3A_120, %mul3A_121 : i32
    %add3A_123 = arith.addi %mul3A_122, %mul3A_0 : i32
    "tpu.region"() ({
      %run_scoped3A = tpu.sem_alloc : memref<!tpu.dma_semaphore, #tpu.memory_space<semaphore_mem>>
      %dma_start3A_138 = tpu.memref_slice %arg6[%add3A_123] : memref<802816xf32, #tpu.memory_space<hbm>> -> memref<6272xf32, #tpu.memory_space<hbm>>
      %dma_start3A_139 = tpu.memref_slice %arg12[%mul3A_0] : memref<100352xf32, #tpu.memory_space<vmem_shared>> -> memref<6272xf32, #tpu.memory_space<vmem_shared>>
      tpu.enqueue_dma source(%dma_start3A_139 : memref<6272xf32, #tpu.memory_space<vmem_shared>>) target(%dma_start3A_138 : memref<6272xf32, #tpu.memory_space<hbm>>) target_semaphore(%run_scoped3A : memref<!tpu.dma_semaphore, #tpu.memory_space<semaphore_mem>>)
      %dma_wait3A_140 = tpu.memref_slice %arg6[%add3A_123] : memref<802816xf32, #tpu.memory_space<hbm>> -> memref<6272xf32, #tpu.memory_space<hbm>>
      %dma_wait3A_141 = tpu.memref_slice %arg12[%mul3A_0] : memref<100352xf32, #tpu.memory_space<vmem_shared>> -> memref<6272xf32, #tpu.memory_space<vmem_shared>>
      tpu.wait_dma2 semaphore(%run_scoped3A : memref<!tpu.dma_semaphore, #tpu.memory_space<semaphore_mem>>) src(%dma_wait3A_141 : memref<6272xf32, #tpu.memory_space<vmem_shared>>) dst(%dma_wait3A_140 : memref<6272xf32, #tpu.memory_space<hbm>>)
      tpu.yield
    }) : () -> ()
    %mul3A_124 = arith.constant 4 : i32
    %mul3A_125 = arith.muli %arg0, %mul3A_124 : i32
    %add3A_126 = arith.constant 2 : i32
    %add3A_127 = arith.addi %mul3A_125, %add3A_126 : i32
    %mul3A_128 = arith.constant 100352 : i32
    %mul3A_129 = arith.muli %add3A_127, %mul3A_128 : i32
    %add3A_130 = arith.addi %mul3A_129, %mul3A_0 : i32
    "tpu.region"() ({
      %run_scoped3A = tpu.sem_alloc : memref<!tpu.dma_semaphore, #tpu.memory_space<semaphore_mem>>
      %dma_start3A_138 = tpu.memref_slice %arg6[%add3A_130] : memref<802816xf32, #tpu.memory_space<hbm>> -> memref<6272xf32, #tpu.memory_space<hbm>>
      %dma_start3A_139 = tpu.memref_slice %arg13[%mul3A_0] : memref<100352xf32, #tpu.memory_space<vmem_shared>> -> memref<6272xf32, #tpu.memory_space<vmem_shared>>
      tpu.enqueue_dma source(%dma_start3A_139 : memref<6272xf32, #tpu.memory_space<vmem_shared>>) target(%dma_start3A_138 : memref<6272xf32, #tpu.memory_space<hbm>>) target_semaphore(%run_scoped3A : memref<!tpu.dma_semaphore, #tpu.memory_space<semaphore_mem>>)
      %dma_wait3A_140 = tpu.memref_slice %arg6[%add3A_130] : memref<802816xf32, #tpu.memory_space<hbm>> -> memref<6272xf32, #tpu.memory_space<hbm>>
      %dma_wait3A_141 = tpu.memref_slice %arg13[%mul3A_0] : memref<100352xf32, #tpu.memory_space<vmem_shared>> -> memref<6272xf32, #tpu.memory_space<vmem_shared>>
      tpu.wait_dma2 semaphore(%run_scoped3A : memref<!tpu.dma_semaphore, #tpu.memory_space<semaphore_mem>>) src(%dma_wait3A_141 : memref<6272xf32, #tpu.memory_space<vmem_shared>>) dst(%dma_wait3A_140 : memref<6272xf32, #tpu.memory_space<hbm>>)
      tpu.yield
    }) : () -> ()
    %mul3A_131 = arith.constant 4 : i32
    %mul3A_132 = arith.muli %arg0, %mul3A_131 : i32
    %add3A_133 = arith.constant 3 : i32
    %add3A_134 = arith.addi %mul3A_132, %add3A_133 : i32
    %mul3A_135 = arith.constant 100352 : i32
    %mul3A_136 = arith.muli %add3A_134, %mul3A_135 : i32
    %add3A_137 = arith.addi %mul3A_136, %mul3A_0 : i32
    "tpu.region"() ({
      %run_scoped3A = tpu.sem_alloc : memref<!tpu.dma_semaphore, #tpu.memory_space<semaphore_mem>>
      %dma_start3A_138 = tpu.memref_slice %arg6[%add3A_137] : memref<802816xf32, #tpu.memory_space<hbm>> -> memref<6272xf32, #tpu.memory_space<hbm>>
      %dma_start3A_139 = tpu.memref_slice %arg14[%mul3A_0] : memref<100352xf32, #tpu.memory_space<vmem_shared>> -> memref<6272xf32, #tpu.memory_space<vmem_shared>>
      tpu.enqueue_dma source(%dma_start3A_139 : memref<6272xf32, #tpu.memory_space<vmem_shared>>) target(%dma_start3A_138 : memref<6272xf32, #tpu.memory_space<hbm>>) target_semaphore(%run_scoped3A : memref<!tpu.dma_semaphore, #tpu.memory_space<semaphore_mem>>)
      %dma_wait3A_140 = tpu.memref_slice %arg6[%add3A_137] : memref<802816xf32, #tpu.memory_space<hbm>> -> memref<6272xf32, #tpu.memory_space<hbm>>
      %dma_wait3A_141 = tpu.memref_slice %arg14[%mul3A_0] : memref<100352xf32, #tpu.memory_space<vmem_shared>> -> memref<6272xf32, #tpu.memory_space<vmem_shared>>
      tpu.wait_dma2 semaphore(%run_scoped3A : memref<!tpu.dma_semaphore, #tpu.memory_space<semaphore_mem>>) src(%dma_wait3A_141 : memref<6272xf32, #tpu.memory_space<vmem_shared>>) dst(%dma_wait3A_140 : memref<6272xf32, #tpu.memory_space<hbm>>)
      tpu.yield
    }) : () -> ()
    return
  }
}

</mosaic_0001>

<sc_bundles>
// kernel: kernel.11.cloned.1.call-start
scs
__scs_entry_jumppad:
0x0: {  	(pc) =	sbr.rel $0x88, $3  }
0x1: {  	(tag) =	ssettag $0x0;
	lr =	simm.s32 $0x1  }
0x2: {  	[smem:$0x3F9C] =	sst lr;
	_ =	strace $0xD0000000  }
0x3: {  	_ = 	snop  }
0x4: {  	_ = 	snop  }
0x5: {  	_ = 	snop  }
0x6: {  	_ = 	snop  }
0x7: {  	_ = 	snop  }
__scs_overlays_trampoline_lowered:
0x8: {  	[smem:$0x3FAB] =	sst s0  }
0x9: {  	[smem:$0x3FAC] =	sst s1  }
0xa: {  	[smem:$0x3FAD] =	sst s2  }
0xb: {  	[smem:$0x3FAE] =	sst s3  }
0xc: {  	[smem:$0x3FAF] =	sst s4  }
0xd: {  	[smem:$0x3FB0] =	sst s5  }
0xe: {  	[smem:$0x3FB1] =	sst s6  }
0xf: {  	[smem:$0x3FB2] =	sst s7  }
0x10: {  	[smem:$0x3FB3] =	sst s8  }
0x11: {  	[smem:$0x3FB4] =	sst s9;
	s0 =	simm.s32 @!p0 $0x0  }
0x12: {  	s1 =	sld [smem:$0x3F9A];
	s0 =	simm.s32 @p0 $0x1  }
0x13: {  	[smem:$0x3FB5] =	sst s0;
	s0 =	simm.s32 @!p1 $0x0  }
0x14: {  	s2 =	sld [smem:$0x3F99];
	s0 =	simm.s32 @p1 $0x1  }
0x15: {  	[smem:$0x3FB6] =	sst s0;
	s0 =	simm.s32 @!p2 $0x0  }
0x16: {  	s3 =	sld [smem:$0x3FDB];
	s0 =	simm.s32 @p2 $0x1  }
0x17: {  	s4 =	simm.s32 $0x1BF5;
	[smem:$0x3FB8] =	sst s0  }
0x18: {  	s0 =	sld [smem:$0x3F9B];
	_ =	swait.ge [sflag:s4], $0x0  }
0x19: {  	s7 =	sld [smem:$0x3F9C]  }
0x1a: {  	s8 =	sadd.s32 $0xFFFFE003, lr  }
0x1b: {  	s9 =	sadd.s32 $0xFFFFFEF7, lr;
	s5 =	simm.s32 $0xFFFFFFFF;
	p2 =	slt.u32 s8, $0xFFFFF086  }
0x1c: {  	p1 =	slt.u32 s9, $0xF7A;
	s5 =	simm.s32 @!p2 $0x0  }
0x1d: {  	s5 =	simm.s32 @p1 $0x1;
	p0 =	seq.s32 s7, s2  }
0x1e: {  	s7 =	smul.u32 @!p0 $0xF7A, s2;
	p2 =	seq.s32 @!p0 s5, $0x0  }
0x1f: {  	s9 =	smul.u32 $0xF7A, s1;
	s8 =	simm.s32 @!p0 $0x1BF5;
	p2 =	por !p2, p0  }
0x20: {  	[sflag:s8] =	ssyncset.s32 @!p0 $0xFFFFF086;
	s6 =	sadd.s32 @!p0 s3, s7;
	s7 =	simm.s32 @!p0 $0x108  }
0x21: {  	s3 =	sadd.s32 s3, s9;
	s6 =	sadd.s32 @!p0 $0x88, s6;
	s7 =	simm.s32 @p2 $0x1082  }
0x22: {  	[simem:s7], [sflag:s8] =	dma.local @!p0 [hbm:s6], $0xF7A  }
0x23: {  	s9 =	sor.u32 $0xD0000000, s2;
	s6 =	simm.s32 $0x108;
	_ =	swait.ge @!p0 [sflag:s8], $0x0  }
0x24: {  	s3 =	sadd.s32 $0x88, s3;
	s6 =	simm.s32 @!p1 $0x1082;
	[sflag:s4] =	ssyncset.s32 $0xFFFFF086  }
0x25: {  	[simem:s6], [sflag:s4] =	dma.local [hbm:s3], $0xF7A  }
0x26: {  	[smem:$0x3F9C] =	sst s1;
	(tag) =	ssettag s2;
	_ =	strace s9  }
0x27: {  	s1 =	sld [smem:$0x3FAC]  }
0x28: {  	s2 =	sld [smem:$0x3FAD]  }
0x29: {  	s4 =	sld [smem:$0x3FAF]  }
0x2a: {  	p0 =	seq.s32 s5, $0x0;
	s5 =	sld [smem:$0x3FB0]  }
0x2b: {  	s6 =	sld [smem:$0x3FB1]  }
0x2c: {  	s7 =	sld [smem:$0x3FB2]  }
0x2d: {  	s3 =	simm.s32 $0x108;
	s8 =	sld [smem:$0x3FB3]  }
0x2e: {  	s3 =	simm.s32 @!p0 $0x1082;
	s9 =	sld [smem:$0x3FB4]  }
0x2f: {  	lr =	sadd.s32 s0, s3;
	s0 =	sld [smem:$0x3FAB]  }
0x30: {  	s3 =	sld [smem:$0x3FAE]  }
0x31: {  	[smem:$0x3FB7] =	sst s10  }
0x32: {  	s10 =	sld [smem:$0x3FB5];
	_ =	sdelay $0x3  }
0x33: {  	p0 =	seq.s32 s10, $0x1;
	s10 =	sld [smem:$0x3FB7];
	_ =	sdelay $0x3  }
0x34: {  	[smem:$0x3FB7] =	sst s10  }
0x35: {  	s10 =	sld [smem:$0x3FB6];
	_ =	sdelay $0x3  }
0x36: {  	p1 =	seq.s32 s10, $0x1;
	s10 =	sld [smem:$0x3FB7];
	_ =	sdelay $0x3  }
0x37: {  	[smem:$0x3FB7] =	sst s10  }
0x38: {  	s10 =	sld [smem:$0x3FB8]  }
0x39: {  	_ = 	snop;
	(pc) =	sbr.ind lr, $3  }
0x3a: {  	_ = 	snop  }
0x3b: {  	_ = 	snop  }
0x3c: {  	p2 =	seq.s32 s10, $0x1;
	s10 =	sld [smem:$0x3FB7]  }
0x3d: {  	_ =	shalt  }
0x3e: {  	_ =	shalt  }
0x3f: {  	_ =	shalt  }
0x40: {  	_ =	shalt  }
0x41: {  	_ =	shalt  }
0x42: {  	_ =	shalt  }
0x43: {  	_ =	shalt  }
0x44: {  	_ =	shalt  }
0x45: {  	_ =	shalt  }
0x46: {  	_ =	shalt  }
0x47: {  	_ =	shalt  }
0x48: {  	_ =	shalt  }
0x49: {  	_ =	shalt  }
0x4a: {  	_ =	shalt  }
0x4b: {  	_ =	shalt  }
0x4c: {  	_ =	shalt  }
0x4d: {  	_ =	shalt  }
0x4e: {  	_ =	shalt  }
0x4f: {  	_ =	shalt  }
0x50: {  	_ =	shalt  }
0x51: {  	_ =	shalt  }
0x52: {  	_ =	shalt  }
0x53: {  	_ =	shalt  }
0x54: {  	_ =	shalt  }
0x55: {  	_ =	shalt  }
0x56: {  	_ =	shalt  }
0x57: {  	_ =	shalt  }
0x58: {  	_ =	shalt  }
0x59: {  	_ =	shalt  }
0x5a: {  	_ =	shalt  }
0x5b: {  	_ =	shalt  }
0x5c: {  	_ =	shalt  }
0x5d: {  	_ =	shalt  }
0x5e: {  	_ =	shalt  }
0x5f: {  	_ =	shalt  }
0x60: {  	_ =	shalt  }
0x61: {  	_ =	shalt  }
0x62: {  	_ =	shalt  }
0x63: {  	_ =	shalt  }
0x64: {  	_ =	shalt  }
0x65: {  	_ =	shalt  }
0x66: {  	_ =	shalt  }
0x67: {  	_ =	shalt  }
0x68: {  	_ =	shalt  }
0x69: {  	_ =	shalt  }
0x6a: {  	_ =	shalt  }
0x6b: {  	_ =	shalt  }
0x6c: {  	_ =	shalt  }
0x6d: {  	_ =	shalt  }
0x6e: {  	_ =	shalt  }
0x6f: {  	_ =	shalt  }
0x70: {  	_ =	shalt  }
0x71: {  	_ =	shalt  }
0x72: {  	_ =	shalt  }
0x73: {  	_ =	shalt  }
0x74: {  	_ =	shalt  }
0x75: {  	_ =	shalt  }
0x76: {  	_ =	shalt  }
0x77: {  	_ =	shalt  }
0x78: {  	_ =	shalt  }
0x79: {  	_ =	shalt  }
0x7a: {  	_ =	shalt  }
0x7b: {  	_ =	shalt  }
0x7c: {  	_ =	shalt  }
0x7d: {  	_ =	shalt  }
0x7e: {  	_ =	shalt  }
0x7f: {  	_ =	shalt  }
0x80: {  	_ =	shalt  }
0x81: {  	_ =	shalt  }
0x82: {  	_ =	shalt  }
0x83: {  	_ =	shalt  }
0x84: {  	_ =	shalt  }
0x85: {  	_ =	shalt  }
0x86: {  	_ =	shalt  }
0x87: {  	_ =	shalt  }
.Lfunc_end0:
.L_simem_size_0:
called_computation.2_lowered:
.L_overlay_start_0:
0x88: {  	s2 =	sld [smem:$0x3FD9]  }
0x89: {  	s3 =	sld [smem:$0x3FFE];
	_ =	sdelay $0x1  }
0x8a: {  	s1 =	srdreg.scid  }
0x8b: {  	s0 =	sand.u32 $0x1, s1  }
0x8c: {  	s17 =	sshll.u32 s0, $0xA;
	s2 =	sadd.s32 s3, s2  }
0x8d: {  	s2 =	sadd.s32 s2, s17  }
0x8e: {  	[smem:$0x3FC3] =	sst s2  }
0x8f: {  	_ = 	snop  }
0x90: {  	s2 =	sld [smem:$0x3FD0];
	(tm) =	ssettm $0x1  }
0x91: {  	s18 =	sld [smem:$0x3FFB];
	_ =	sdelay $0x3  }
0x92: {  	_ =	strace s18  }
0x93: {  	s3 =	sld [smem:$0x3FFC];
	_ =	sdelay $0x3  }
0x94: {  	_ =	strace s3  }
0x95: {  	s3 =	sld [smem:$0x3FFD];
	_ =	sdelay $0x3  }
0x96: {  	_ =	strace s3  }
0x97: {  	_ =	strace $0x8FFFFFFF  }
0x98: {  	s19 =	sld [smem:$0x3FDB];
	_ =	sdelay $0x1  }
0x99: {  	s4 =	simm.s32 $_scs_section_size  }
0x9a: {  	s5 =	simm.s32 $_size__tile_overlayer_lowered;
	s6 =	simm.s32 $_tile_overlayer_lowered  }
0x9b: {  	s22 =	simm.s32 $0x1BFF;
	s21 =	sshll.u32 s6, $0x1;
	s3 =	sadd.s32 s4, s19  }
0x9c: {  	s7 =	simm.s32 $0x0;
	s20 =	sshll.u32 s5, $0x1;
	s5 =	sadd.s32 s21, s3  }
0x9d: {  	[timem:s7], [sflag:s22] =	dma.local [hbm:s5], s20  }
0x9e: {  	_ =	swait.ge [sflag:s22], s20  }
0x9f: {  	s4 =	ssub.s32 $0x0, s20;
	[sflag:s22] =	ssyncset.done $0x0  }
0xa0: {  	[sflag:s22] =	ssyncadd.s32 s4;
	_ =	sdelay $0x1  }
0xa1: {  	s23 =	simm.s32 $0x1B8B  }
0xa2: {  	_ =	swait.ge [sflag:s23], $0x1  }
0xa3: {  	[sflag:s23] =	ssyncset.done $0x0  }
0xa4: {  	s25 =	simm.s32 $0x1B8E;
	s24 =	sld [smem:$0x3FFE];
	[sflag:s23] =	ssyncadd.s32 $0xFFFFFFFF  }
0xa5: {  	s26 =	simm.s32 $execute0_lowered;
	[smem:$0x3FD2] =	sst s25  }
0xa6: {  	s5 =	sshll.u32 s26, $0x1;
	_ =	strace $0x8000004C;
	[dreg:$0x1] =	wrdreg $0xFFFFFFFF  }
0xa7: {  	s28 =	simm.s32 $_size_execute0_lowered;
	s3 =	sadd.s32 s3, s5;
	[dreg:$0x0] =	wrdreg $0x0  }
0xa8: {  	s5 =	sshll.u32 s28, $0x1;
	[dreg:$0x2] =	wrdreg s3  }
0xa9: {  	[dreg:$0x3] =	wrdreg s5  }
0xaa: {  	[dreg:$0x4] =	wrdreg $0xC0  }
0xab: {  	_ =	task [dreg:s7], $0x5FFFF  }
0xac: {  	[dreg:$0x1] =	wrdreg $0xFFFFFFFF  }
0xad: {  	[dreg:$0x0] =	wrdreg $0x60  }
0xae: {  	[dreg:$0x2] =	wrdreg s24  }
0xaf: {  	[dreg:$0x3] =	wrdreg s2  }
0xb0: {  	[dreg:$0x4] =	wrdreg $0x9  }
0xb1: {  	_ =	task.clear_ibuf [dreg:s7], $0x5FFFF;
	_ =	strace $0x9000004C  }
0xb2: {  	s29 =	simm.s32 $0x9;
	_ =	strace $0x8000004E  }
0xb3: {  	_ =	swait.ge [sflag:s29], $0x1  }
0xb4: {  	[sflag:s29] =	ssyncadd.s32 $0xFFFFFFFF  }
0xb5: {  	_ =	strace $0x9000004E  }
0xb6: {  	_ =	sfence  }
0xb7: {  	s30 =	sld [smem:$0x0];
	_ =	sdelay $0x2  }
0xb8: {  	s31 =	sshll.u32 s1, $0xD;
	s1 =	sshrl.u32 s1, $0x2  }
0xb9: {  	s3 =	sand.u32 $0x4000, s31;
	s1 =	sadd.s32 s1, s30  }
0xba: {  	s0 =	sor.u32 s3, s0;
	s1 =	sshll.u32 s1, $0x11  }
0xbb: {  	s0 =	sor.u32 s1, s0  }
0xbc: {  	s0 =	sadd.s32 $0x8F2B, s0  }
0xbd: {  	[sflag:s0] =	ssyncadd.remote.s32 $0x1  }
0xbe: {  	_ =	sfence.sel $0xFFFF  }
0xbf: {  	[dreg:$0x0] =	wrdreg $0xFFFFFFFF;
	(pc) =	sbr.abs _section_cstart, $3  }
0xc0: {  	[dreg:$0x1] =	wrdreg $0xFFFFFFFF  }
0xc1: {  	_ =	task.clear_ibuf [dreg:s7], $0x2FFFF;
	_ =	strace $0x9FFFFFFF  }
0xc2: {  	(tm) =	ssettm $0x7FFFFFFF  }
0xc3: {  	_ =	shalt  }
tec
execute0_lowered:
.L_overlay_start_1:
0x0: {  	(tag) =	ssettag $0x1  }
0x1: {  	s1 =	srdreg.scid  }
0x2: {  	s1 =	sand.u32 $0x1, s1  }
0x3: {  	s0 =	rddreg [dreg:$0x0];
	s4 =	stileid.u32;
	s2 =	sshll.u32 s1, $0x4  }
0x4: {  	s10 =	rddreg [dreg:$0x1];
	s3 =	simm.s32 $0x0;
	s2 =	sor.u32 s4, s2  }
0x5: {  	[smem:$0x7FF] =	sst s3;
	s6 =	sadd.s32 $0x100C00, s0;
	s2 =	smul.u32 $0xC40, s2  }
0x6: {  	s5 =	sadd.s32 $0xE8400, s0;
	s7 =	sadd.s32 $0xC3800, s0;
	s8 =	sadd.s32 $0x119400, s0  }
0x7: {  	s0 =	sadd.s32 $0xCFC00, s0;
	s28 =	sadd.s32 $0x10, s10;
	s2 =	sshrl.u32 s2, $0x3  }
0x8: {  	s30 =	sadd.s32 $0x2, s10;
	_ =	strace $0x8000004D;
	s9 =	sadd.s32 s6, s2  }
0x9: {  	s1 =	ssub.s32 $0x2, s1;
	s12 =	sadd.s32 s7, s2;
	[dreg:$0x3] =	wrdreg s9  }
0xa: {  	s11 =	sshrl.u32 s1, $0x1;
	s13 =	sadd.s32 s8, s2;
	[dreg:$0x4] =	wrdreg s12  }
0xb: {  	s14 =	sadd.s32 s0, s2;
	s15 =	sadd.s32 $0x3100, s2;
	[dreg:$0x5] =	wrdreg s13  }
0xc: {  	s1 =	ssub.s32 s1, s11;
	[dreg:$0x6] =	wrdreg s14;
	s11 =	sadd.s32 s5, s15  }
0xd: {  	s31 =	sadd.s32 $0xA, s10;
	s16 =	sadd.s32 s6, s15;
	[dreg:$0x7] =	wrdreg s11  }
0xe: {  	s4 =	sadd.s32 s5, s2;
	s17 =	sadd.s32 s7, s15;
	[dreg:$0x8] =	wrdreg s16  }
0xf: {  	s19 =	sadd.s32 $0x6200, s2;
	s18 =	sadd.s32 s8, s15;
	[dreg:$0x9] =	wrdreg s17  }
0x10: {  	s2 =	sadd.s32 $0x9300, s2;
	s9 =	sadd.s32 s0, s15;
	[dreg:$0xa] =	wrdreg s18  }
0x11: {  	s20 =	sadd.s32 s5, s19;
	s21 =	sadd.s32 s6, s19;
	[dreg:$0xb] =	wrdreg s9  }
0x12: {  	s22 =	sadd.s32 s7, s19;
	s23 =	sadd.s32 s8, s19;
	[dreg:$0xc] =	wrdreg s20  }
0x13: {  	s5 =	sadd.s32 s5, s2;
	s24 =	sadd.s32 s6, s2;
	[dreg:$0xd] =	wrdreg s21  }
0x14: {  	s25 =	sadd.s32 s7, s2;
	s26 =	sadd.s32 s8, s2;
	[dreg:$0xe] =	wrdreg s22  }
0x15: {  	s29 =	sadd.s32 $0xF500, s4;
	s6 =	sadd.s32 $0x14, s10;
	[dreg:$0xf] =	wrdreg s23  }
0x16: {  	s7 =	sadd.s32 $0x15700, s4;
	s8 =	sadd.s32 $0x6, s10;
	[dreg:$0x11] =	wrdreg s5  }
0x17: {  	s12 =	simm.s32 $0xC80;
	s13 =	simm.s32 $0x1900;
	[dreg:$0x12] =	wrdreg s24  }
0x18: {  	s14 =	simm.s32 $0x2580;
	s15 =	simm.s32 $0x3200;
	[dreg:$0x13] =	wrdreg s25  }
0x19: {  	s9 =	sadd.s32 s0, s19;
	[dreg:$0x14] =	wrdreg s26;
	s23 =	sadd.s32 s0, s2  }
0x1a: {  	s24 =	sadd.s32 $0xC400, s4;
	s25 =	smax.u32 s1, $0x1;
	s26 =	sadd.s32 $0x8, s10  }
0x1b: {  	s0 =	sadd.s32 $0x12, s10;
	s2 =	sadd.s32 $0x12600, s4;
	s1 =	sadd.s32 $0x4, s10  }
0x1c: {  	s5 =	sadd.s32 $0xC, s10;
	s11 =	simm.s32 $0x1;
	s16 =	simm.s32 $0x3E80  }
0x1d: {  	s17 =	simm.s32 $0x3F00;
	s18 =	simm.s32 $0x3F80;
	s19 =	simm.s32 $0x0  }
0x1e: {  	[dreg:$0x10] =	wrdreg s9;
	s9 =	sadd.s32 $0xE, s10;
	s10 =	sadd.s32 $0x16, s10  }
.LBB2_1:
0x1f: {  	[tilespmem:s3], [sflag:$0x1] =	stream.linear.gather [hbm4b:s4+s3], $0xC40, $0x38;
	[tilespmem:$0x4000] =	vst v63  }
0x20: {  	_ =	swait.ge [sflag:s11], $0xC40  }
0x21: {  	[sflag:s11] =	ssyncset.done $0x0  }
0x22: {  	[sflag:s11] =	ssyncadd.s32 $0xFFFFF3C0  }
0x23: {  	[tilespmem:s12], [sflag:$0x1] =	stream.linear.gather [hbm4b:s24+s3], $0xC40, $0x38;
	[tilespmem:$0x4000] =	vst v63  }
0x24: {  	_ =	swait.ge [sflag:s11], $0xC40  }
0x25: {  	[sflag:s11] =	ssyncset.done $0x0  }
0x26: {  	s20 =	rddreg [dreg:$0x3];
	[sflag:s11] =	ssyncadd.s32 $0xFFFFF3C0  }
0x27: {  	[tilespmem:s13], [sflag:$0x1] =	stream.linear.gather [hbm4b:s20+s3], $0xC40, $0x38;
	[tilespmem:$0x4000] =	vst v63  }
0x28: {  	_ =	swait.ge [sflag:s11], $0xC40  }
0x29: {  	[sflag:s11] =	ssyncset.done $0x0  }
0x2a: {  	s22 =	rddreg [dreg:$0x4];
	[sflag:s11] =	ssyncadd.s32 $0xFFFFF3C0  }
0x2b: {  	[tilespmem:s14], [sflag:$0x1] =	stream.linear.gather [hbm4b:s22+s3], $0xC40, $0x38;
	[tilespmem:$0x4000] =	vst v63  }
0x2c: {  	_ =	swait.ge [sflag:s11], $0xC40  }
0x2d: {  	[sflag:s11] =	ssyncset.done $0x0  }
0x2e: {  	s21 =	rddreg [dreg:$0x5];
	[sflag:s11] =	ssyncadd.s32 $0xFFFFF3C0  }
0x2f: {  	[tilespmem:s15], [sflag:$0x1] =	stream.linear.gather [hbm4b:s21+s3], $0xC40, $0x38;
	[tilespmem:$0x4000] =	vst v63  }
0x30: {  	_ =	swait.ge [sflag:s11], $0xC40  }
0x31: {  	[sflag:s11] =	ssyncset.done $0x0  }
0x32: {  	[sflag:s11] =	ssyncadd.s32 $0xFFFFF3C0  }
0x33: {  	s22 =	rddreg [dreg:$0x1]  }
0x34: {  	[tilespmem:s16], [sflag:$0x1] =	stream.linear.gather [hbm4b:s22+s3], $0x10, $0x38;
	[tilespmem:$0x4000] =	vst v63  }
0x35: {  	_ =	swait.ge [sflag:s11], $0x10  }
0x36: {  	[sflag:s11] =	ssyncset.done $0x0  }
0x37: {  	[sflag:s11] =	ssyncadd.s32 $0xFFFFFFF0  }
0x38: {  	[tilespmem:s17], [sflag:$0x1] =	stream.linear.gather [hbm4b:s26+s3], $0x10, $0x38;
	[tilespmem:$0x4000] =	vst v63  }
0x39: {  	_ =	swait.ge [sflag:s11], $0x10  }
0x3a: {  	[sflag:s11] =	ssyncset.done $0x0  }
0x3b: {  	[sflag:s11] =	ssyncadd.s32 $0xFFFFFFF0  }
0x3c: {  	[tilespmem:s18], [sflag:$0x1] =	stream.linear.gather [hbm4b:s28+s3], $0x10, $0x38;
	[tilespmem:$0x4000] =	vst v63  }
0x3d: {  	_ =	swait.ge [sflag:s11], $0x10  }
0x3e: {  	[sflag:s11] =	ssyncset.done $0x0  }
0x3f: {  	s20 =	simm.s32 $0x0;
	[sflag:s11] =	ssyncadd.s32 $0xFFFFFFF0  }
0x40: {  	v0 =	vld [tilespmem:s20+$0x3200];
	_ =	sdelay $0x3  }
0x41: {  	v1 =	vld [tilespmem:s20+$0xC80]  }
0x42: {  	v2 =	vld [tilespmem:s20+$0x0];
	v0 =	vsub.f32 $0.0e+00, v0;
	_ =	sdelay $0x1  }
0x43: {  	v0 =	vmul.f32 $1.442695020e+00, v0;
	_ =	sdelay $0x1  }
0x44: {  	(erf) = vpow2.f32 v0  }
0x45: {  	v3 =	vadd.f32 v1, v2;
	_ =	sdelay $0x1  }
0x46: {  	v0 =	vmax.f32 v3, $1.000000000e+00  }
0x47: {  	(erf) = vrcp.f32 v0;
	_ =	sdelay $0x2  }
0x48: {  	v4 =	vld [tilespmem:s20+$0x1900]  }
0x49: {  	v5 =	vld [tilespmem:s20+$0x2580]  }
0x4a: {  	v1 =	vld [tilespmem:$0x3F00];
	v6 =	vpop (erf)  }
0x4b: {  	v2 =	vld [tilespmem:$0x3F80];
	v6 =	vadd.f32 $1.000000000e+00, v6  }
0x4c: {  	v0 =	vld [tilespmem:$0x3E80]  }
0x4d: {  	(erf) = vrcp.f32 v6  }
0x4e: {  	v7 =	vpop (erf)  }
0x4f: {  	v3 =	vmul.f32 v7, v3  }
0x50: {  	v5 =	vmul.f32 v5, v2  }
0x51: {  	v4 =	vmul.f32 v4, v0;
	v3 =	vmul.f32 v3, v1;
	_ =	sdelay $0x1  }
0x52: {  	v3 =	vadd.f32 v3, v4;
	v4 =	vsub.f32 $1.000000000e+00, v5  }
0x53: {  	s21 =	simm.s32 $0x80;
	s22 =	simm.s32 $0x10  }
.LBB2_2:
0x54: {  	p0 =	sne.s32 s21, $0x30C0;
	v5 =	vld [tilespmem:s22+$0x3200];
	v3 =	vmul.f32 v3, v4  }
0x55: {  	v4 =	vpop (erf)  }
0x56: {  	v3 =	vmul.f32 v4, v3;
	_ =	sdelay $0x1  }
0x57: {  	v4 =	vld [tilespmem:s22+$0xC80];
	[tilespmem:s20+$0x0] =	vst v3;
	s20 =	smov.u32 s22  }
0x58: {  	v3 =	vld [tilespmem:s20+$0x0];
	v5 =	vsub.f32 $0.0e+00, v5;
	_ =	sdelay $0x1  }
0x59: {  	v5 =	vmul.f32 $1.442695020e+00, v5;
	_ =	sdelay $0x1  }
0x5a: {  	(erf) = vpow2.f32 v5  }
0x5b: {  	v3 =	vadd.f32 v4, v3;
	_ =	sdelay $0x1  }
0x5c: {  	v4 =	vmax.f32 v3, $1.000000000e+00  }
0x5d: {  	(erf) = vrcp.f32 v4;
	_ =	sdelay $0x4  }
0x5e: {  	v4 =	vpop (erf)  }
0x5f: {  	v5 =	vld [tilespmem:s20+$0x1900];
	v7 =	vadd.f32 $1.000000000e+00, v4  }
0x60: {  	v6 =	vld [tilespmem:s20+$0x2580]  }
0x61: {  	(erf) = vrcp.f32 v7  }
0x62: {  	v4 =	vpop (erf)  }
0x63: {  	v3 =	vmul.f32 v4, v3  }
.Ltmp0:
0x64: {  	v4 =	vmul.f32 v5, v0;
	(pc) =	sbr.rel @p0 .LBB2_2-.Ltmp0, $3  }
0x65: {  	v3 =	vmul.f32 v3, v1;
	v5 =	vmul.f32 v6, v2;
	_ =	sdelay $0x1  }
0x66: {  	v3 =	vadd.f32 v3, v4;
	v4 =	vsub.f32 $1.000000000e+00, v5  }
0x67: {  	s22 =	sshra.s32 s21, $0x2;
	s21 =	sadd.s32 $0x40, s21  }
0x68: {  	v5 =	vld [tilespmem:s22+$0x3200]  }
0x69: {  	v3 =	vmul.f32 v3, v4  }
0x6a: {  	v4 =	vpop (erf)  }
0x6b: {  	v3 =	vmul.f32 v4, v3;
	_ =	sdelay $0x1  }
0x6c: {  	v4 =	vld [tilespmem:s22+$0xC80];
	[tilespmem:s20+$0x0] =	vst v3;
	v5 =	vsub.f32 $0.0e+00, v5  }
0x6d: {  	v3 =	vld [tilespmem:s22+$0x0]  }
0x6e: {  	v5 =	vmul.f32 $1.442695020e+00, v5;
	_ =	sdelay $0x1  }
0x6f: {  	(erf) = vpow2.f32 v5;
	_ =	sdelay $0x1  }
0x70: {  	v3 =	vadd.f32 v4, v3;
	_ =	sdelay $0x1  }
0x71: {  	v4 =	vmax.f32 v3, $1.000000000e+00  }
0x72: {  	(erf) = vrcp.f32 v4;
	_ =	sdelay $0x3  }
0x73: {  	v4 =	vpop (erf)  }
0x74: {  	v4 =	vadd.f32 $1.000000000e+00, v4  }
0x75: {  	v6 =	vld [tilespmem:s22+$0x2580]  }
0x76: {  	v5 =	vld [tilespmem:s22+$0x1900];
	_ =	sdelay $0x1  }
0x77: {  	(erf) = vrcp.f32 v4;
	v4 =	vpop (erf)  }
0x78: {  	v3 =	vmul.f32 v4, v3  }
0x79: {  	v2 =	vmul.f32 v6, v2  }
0x7a: {  	v0 =	vmul.f32 v5, v0;
	v1 =	vmul.f32 v3, v1;
	_ =	sdelay $0x1  }
0x7b: {  	v0 =	vadd.f32 v1, v0;
	v1 =	vsub.f32 $1.000000000e+00, v2;
	_ =	sdelay $0x2  }
0x7c: {  	v0 =	vmul.f32 v0, v1  }
0x7d: {  	v1 =	vpop (erf)  }
0x7e: {  	v0 =	vmul.f32 v1, v0;
	_ =	sdelay $0x1  }
0x7f: {  	s21 =	rddreg [dreg:$0x6];
	s20 =	simm.s32 $0x0;
	[tilespmem:s22+$0x0] =	vst v0  }
0x80: {  	[hbm4b:s21+s20] =	stream.linear.scatter [tilespmem:s20], [sflag:$0x1], $0xC40, $0x38;
	[tilespmem:$0x4000] =	vst v63  }
0x81: {  	_ =	swait.ge [sflag:s11], $0xC40  }
0x82: {  	[sflag:s11] =	ssyncset.done $0x0  }
0x83: {  	s22 =	rddreg [dreg:$0x7];
	[sflag:s11] =	ssyncadd.s32 $0xFFFFF3C0  }
0x84: {  	[tilespmem:s20], [sflag:$0x1] =	stream.linear.gather [hbm4b:s22+s20], $0xC40, $0x38;
	[tilespmem:$0x4000] =	vst v63  }
0x85: {  	_ =	swait.ge [sflag:s11], $0xC40  }
0x86: {  	[sflag:s11] =	ssyncset.done $0x0  }
0x87: {  	[sflag:s11] =	ssyncadd.s32 $0xFFFFF3C0  }
0x88: {  	[tilespmem:s12], [sflag:$0x1] =	stream.linear.gather [hbm4b:s29+s20], $0xC40, $0x38;
	[tilespmem:$0x4000] =	vst v63  }
0x89: {  	_ =	swait.ge [sflag:s11], $0xC40  }
0x8a: {  	[sflag:s11] =	ssyncset.done $0x0  }
0x8b: {  	s22 =	rddreg [dreg:$0x8];
	[sflag:s11] =	ssyncadd.s32 $0xFFFFF3C0  }
0x8c: {  	[tilespmem:s13], [sflag:$0x1] =	stream.linear.gather [hbm4b:s22+s20], $0xC40, $0x38;
	[tilespmem:$0x4000] =	vst v63  }
0x8d: {  	_ =	swait.ge [sflag:s11], $0xC40  }
0x8e: {  	[sflag:s11] =	ssyncset.done $0x0  }
0x8f: {  	s22 =	rddreg [dreg:$0x9];
	[sflag:s11] =	ssyncadd.s32 $0xFFFFF3C0  }
0x90: {  	[tilespmem:s14], [sflag:$0x1] =	stream.linear.gather [hbm4b:s22+s20], $0xC40, $0x38;
	[tilespmem:$0x4000] =	vst v63  }
0x91: {  	_ =	swait.ge [sflag:s11], $0xC40  }
0x92: {  	[sflag:s11] =	ssyncset.done $0x0  }
0x93: {  	s22 =	rddreg [dreg:$0xa];
	[sflag:s11] =	ssyncadd.s32 $0xFFFFF3C0  }
0x94: {  	[tilespmem:s15], [sflag:$0x1] =	stream.linear.gather [hbm4b:s22+s20], $0xC40, $0x38;
	[tilespmem:$0x4000] =	vst v63  }
0x95: {  	_ =	swait.ge [sflag:s11], $0xC40  }
0x96: {  	[sflag:s11] =	ssyncset.done $0x0  }
0x97: {  	[sflag:s11] =	ssyncadd.s32 $0xFFFFF3C0  }
0x98: {  	[tilespmem:s16], [sflag:$0x1] =	stream.linear.gather [hbm4b:s30+s20], $0x10, $0x38;
	[tilespmem:$0x4000] =	vst v63  }
0x99: {  	_ =	swait.ge [sflag:s11], $0x10  }
0x9a: {  	[sflag:s11] =	ssyncset.done $0x0  }
0x9b: {  	[sflag:s11] =	ssyncadd.s32 $0xFFFFFFF0  }
0x9c: {  	[tilespmem:s17], [sflag:$0x1] =	stream.linear.gather [hbm4b:s31+s20], $0x10, $0x38;
	[tilespmem:$0x4000] =	vst v63  }
0x9d: {  	_ =	swait.ge [sflag:s11], $0x10  }
0x9e: {  	[sflag:s11] =	ssyncset.done $0x0  }
0x9f: {  	[sflag:s11] =	ssyncadd.s32 $0xFFFFFFF0  }
0xa0: {  	[tilespmem:s18], [sflag:$0x1] =	stream.linear.gather [hbm4b:s0+s20], $0x10, $0x38;
	[tilespmem:$0x4000] =	vst v63  }
0xa1: {  	_ =	swait.ge [sflag:s11], $0x10  }
0xa2: {  	[sflag:s11] =	ssyncset.done $0x0  }
0xa3: {  	s20 =	simm.s32 $0x0;
	[sflag:s11] =	ssyncadd.s32 $0xFFFFFFF0  }
0xa4: {  	v0 =	vld [tilespmem:s20+$0x3200];
	_ =	sdelay $0x3  }
0xa5: {  	v1 =	vld [tilespmem:s20+$0xC80]  }
0xa6: {  	v2 =	vld [tilespmem:s20+$0x0];
	v0 =	vsub.f32 $0.0e+00, v0;
	_ =	sdelay $0x1  }
0xa7: {  	v0 =	vmul.f32 $1.442695020e+00, v0;
	_ =	sdelay $0x1  }
0xa8: {  	(erf) = vpow2.f32 v0  }
0xa9: {  	v3 =	vadd.f32 v1, v2;
	_ =	sdelay $0x1  }
0xaa: {  	v0 =	vmax.f32 v3, $1.000000000e+00  }
0xab: {  	(erf) = vrcp.f32 v0;
	_ =	sdelay $0x2  }
0xac: {  	v4 =	vld [tilespmem:s20+$0x1900]  }
0xad: {  	v5 =	vld [tilespmem:s20+$0x2580]  }
0xae: {  	v1 =	vld [tilespmem:$0x3F00];
	v6 =	vpop (erf)  }
0xaf: {  	v2 =	vld [tilespmem:$0x3F80];
	v6 =	vadd.f32 $1.000000000e+00, v6  }
0xb0: {  	v0 =	vld [tilespmem:$0x3E80]  }
0xb1: {  	(erf) = vrcp.f32 v6  }
0xb2: {  	v7 =	vpop (erf)  }
0xb3: {  	v3 =	vmul.f32 v7, v3  }
0xb4: {  	v5 =	vmul.f32 v5, v2  }
0xb5: {  	v4 =	vmul.f32 v4, v0;
	v3 =	vmul.f32 v3, v1;
	_ =	sdelay $0x1  }
0xb6: {  	v3 =	vadd.f32 v3, v4;
	v4 =	vsub.f32 $1.000000000e+00, v5  }
0xb7: {  	s21 =	simm.s32 $0x80;
	s22 =	simm.s32 $0x10  }
.LBB2_4:
0xb8: {  	p0 =	sne.s32 s21, $0x30C0;
	v5 =	vld [tilespmem:s22+$0x3200];
	v3 =	vmul.f32 v3, v4  }
0xb9: {  	v4 =	vpop (erf)  }
0xba: {  	v3 =	vmul.f32 v4, v3;
	_ =	sdelay $0x1  }
0xbb: {  	v4 =	vld [tilespmem:s22+$0xC80];
	[tilespmem:s20+$0x0] =	vst v3;
	s20 =	smov.u32 s22  }
0xbc: {  	v3 =	vld [tilespmem:s20+$0x0];
	v5 =	vsub.f32 $0.0e+00, v5;
	_ =	sdelay $0x1  }
0xbd: {  	v5 =	vmul.f32 $1.442695020e+00, v5;
	_ =	sdelay $0x1  }
0xbe: {  	(erf) = vpow2.f32 v5  }
0xbf: {  	v3 =	vadd.f32 v4, v3;
	_ =	sdelay $0x1  }
0xc0: {  	v4 =	vmax.f32 v3, $1.000000000e+00  }
0xc1: {  	(erf) = vrcp.f32 v4;
	_ =	sdelay $0x4  }
0xc2: {  	v4 =	vpop (erf)  }
0xc3: {  	v5 =	vld [tilespmem:s20+$0x1900];
	v7 =	vadd.f32 $1.000000000e+00, v4  }
0xc4: {  	v6 =	vld [tilespmem:s20+$0x2580]  }
0xc5: {  	(erf) = vrcp.f32 v7  }
0xc6: {  	v4 =	vpop (erf)  }
0xc7: {  	v3 =	vmul.f32 v4, v3  }
.Ltmp1:
0xc8: {  	v4 =	vmul.f32 v5, v0;
	(pc) =	sbr.rel @p0 .LBB2_4-.Ltmp1, $3  }
0xc9: {  	v3 =	vmul.f32 v3, v1;
	v5 =	vmul.f32 v6, v2;
	_ =	sdelay $0x1  }
0xca: {  	v3 =	vadd.f32 v3, v4;
	v4 =	vsub.f32 $1.000000000e+00, v5  }
0xcb: {  	s22 =	sshra.s32 s21, $0x2;
	s21 =	sadd.s32 $0x40, s21  }
0xcc: {  	v5 =	vld [tilespmem:s22+$0x3200]  }
0xcd: {  	v3 =	vmul.f32 v3, v4  }
0xce: {  	v4 =	vpop (erf)  }
0xcf: {  	v3 =	vmul.f32 v4, v3;
	_ =	sdelay $0x1  }
0xd0: {  	v4 =	vld [tilespmem:s22+$0xC80];
	[tilespmem:s20+$0x0] =	vst v3;
	v5 =	vsub.f32 $0.0e+00, v5  }
0xd1: {  	v3 =	vld [tilespmem:s22+$0x0]  }
0xd2: {  	v5 =	vmul.f32 $1.442695020e+00, v5;
	_ =	sdelay $0x1  }
0xd3: {  	(erf) = vpow2.f32 v5;
	_ =	sdelay $0x1  }
0xd4: {  	v3 =	vadd.f32 v4, v3;
	_ =	sdelay $0x1  }
0xd5: {  	v4 =	vmax.f32 v3, $1.000000000e+00  }
0xd6: {  	(erf) = vrcp.f32 v4;
	_ =	sdelay $0x3  }
0xd7: {  	v4 =	vpop (erf)  }
0xd8: {  	v4 =	vadd.f32 $1.000000000e+00, v4  }
0xd9: {  	v6 =	vld [tilespmem:s22+$0x2580]  }
0xda: {  	v5 =	vld [tilespmem:s22+$0x1900];
	_ =	sdelay $0x1  }
0xdb: {  	(erf) = vrcp.f32 v4;
	v4 =	vpop (erf)  }
0xdc: {  	v3 =	vmul.f32 v4, v3  }
0xdd: {  	v2 =	vmul.f32 v6, v2  }
0xde: {  	v0 =	vmul.f32 v5, v0;
	v1 =	vmul.f32 v3, v1;
	_ =	sdelay $0x1  }
0xdf: {  	v0 =	vadd.f32 v1, v0;
	v1 =	vsub.f32 $1.000000000e+00, v2;
	_ =	sdelay $0x2  }
0xe0: {  	v0 =	vmul.f32 v0, v1  }
0xe1: {  	v1 =	vpop (erf)  }
0xe2: {  	v0 =	vmul.f32 v1, v0;
	_ =	sdelay $0x1  }
0xe3: {  	s21 =	rddreg [dreg:$0xb];
	s20 =	simm.s32 $0x0;
	[tilespmem:s22+$0x0] =	vst v0  }
0xe4: {  	[hbm4b:s21+s20] =	stream.linear.scatter [tilespmem:s20], [sflag:$0x1], $0xC40, $0x38;
	[tilespmem:$0x4000] =	vst v63  }
0xe5: {  	_ =	swait.ge [sflag:s11], $0xC40  }
0xe6: {  	[sflag:s11] =	ssyncset.done $0x0  }
0xe7: {  	s22 =	rddreg [dreg:$0xc];
	[sflag:s11] =	ssyncadd.s32 $0xFFFFF3C0  }
0xe8: {  	[tilespmem:s20], [sflag:$0x1] =	stream.linear.gather [hbm4b:s22+s20], $0xC40, $0x38;
	[tilespmem:$0x4000] =	vst v63  }
0xe9: {  	_ =	swait.ge [sflag:s11], $0xC40  }
0xea: {  	[sflag:s11] =	ssyncset.done $0x0  }
0xeb: {  	[sflag:s11] =	ssyncadd.s32 $0xFFFFF3C0  }
0xec: {  	[tilespmem:s12], [sflag:$0x1] =	stream.linear.gather [hbm4b:s2+s20], $0xC40, $0x38;
	[tilespmem:$0x4000] =	vst v63  }
0xed: {  	_ =	swait.ge [sflag:s11], $0xC40  }
0xee: {  	[sflag:s11] =	ssyncset.done $0x0  }
0xef: {  	s22 =	rddreg [dreg:$0xd];
	[sflag:s11] =	ssyncadd.s32 $0xFFFFF3C0  }
0xf0: {  	[tilespmem:s13], [sflag:$0x1] =	stream.linear.gather [hbm4b:s22+s20], $0xC40, $0x38;
	[tilespmem:$0x4000] =	vst v63  }
0xf1: {  	_ =	swait.ge [sflag:s11], $0xC40  }
0xf2: {  	[sflag:s11] =	ssyncset.done $0x0  }
0xf3: {  	s22 =	rddreg [dreg:$0xe];
	[sflag:s11] =	ssyncadd.s32 $0xFFFFF3C0  }
0xf4: {  	[tilespmem:s14], [sflag:$0x1] =	stream.linear.gather [hbm4b:s22+s20], $0xC40, $0x38;
	[tilespmem:$0x4000] =	vst v63  }
0xf5: {  	_ =	swait.ge [sflag:s11], $0xC40  }
0xf6: {  	[sflag:s11] =	ssyncset.done $0x0  }
0xf7: {  	s22 =	rddreg [dreg:$0xf];
	[sflag:s11] =	ssyncadd.s32 $0xFFFFF3C0  }
0xf8: {  	[tilespmem:s15], [sflag:$0x1] =	stream.linear.gather [hbm4b:s22+s20], $0xC40, $0x38;
	[tilespmem:$0x4000] =	vst v63  }
0xf9: {  	_ =	swait.ge [sflag:s11], $0xC40  }
0xfa: {  	[sflag:s11] =	ssyncset.done $0x0  }
0xfb: {  	[sflag:s11] =	ssyncadd.s32 $0xFFFFF3C0  }
0xfc: {  	[tilespmem:s16], [sflag:$0x1] =	stream.linear.gather [hbm4b:s1+s20], $0x10, $0x38;
	[tilespmem:$0x4000] =	vst v63  }
0xfd: {  	_ =	swait.ge [sflag:s11], $0x10  }
0xfe: {  	[sflag:s11] =	ssyncset.done $0x0  }
0xff: {  	[sflag:s11] =	ssyncadd.s32 $0xFFFFFFF0  }
0x100: {  	[tilespmem:s17], [sflag:$0x1] =	stream.linear.gather [hbm4b:s5+s20], $0x10, $0x38;
	[tilespmem:$0x4000] =	vst v63  }
0x101: {  	_ =	swait.ge [sflag:s11], $0x10  }
0x102: {  	[sflag:s11] =	ssyncset.done $0x0  }
0x103: {  	[sflag:s11] =	ssyncadd.s32 $0xFFFFFFF0  }
0x104: {  	[tilespmem:s18], [sflag:$0x1] =	stream.linear.gather [hbm4b:s6+s20], $0x10, $0x38;
	[tilespmem:$0x4000] =	vst v63  }
0x105: {  	_ =	swait.ge [sflag:s11], $0x10  }
0x106: {  	[sflag:s11] =	ssyncset.done $0x0  }
0x107: {  	s20 =	simm.s32 $0x0;
	[sflag:s11] =	ssyncadd.s32 $0xFFFFFFF0  }
0x108: {  	v0 =	vld [tilespmem:s20+$0x3200];
	_ =	sdelay $0x3  }
0x109: {  	v1 =	vld [tilespmem:s20+$0xC80]  }
0x10a: {  	v2 =	vld [tilespmem:s20+$0x0];
	v0 =	vsub.f32 $0.0e+00, v0;
	_ =	sdelay $0x1  }
0x10b: {  	v0 =	vmul.f32 $1.442695020e+00, v0;
	_ =	sdelay $0x1  }
0x10c: {  	(erf) = vpow2.f32 v0  }
0x10d: {  	v3 =	vadd.f32 v1, v2;
	_ =	sdelay $0x1  }
0x10e: {  	v0 =	vmax.f32 v3, $1.000000000e+00  }
0x10f: {  	(erf) = vrcp.f32 v0;
	_ =	sdelay $0x2  }
0x110: {  	v4 =	vld [tilespmem:s20+$0x1900]  }
0x111: {  	v5 =	vld [tilespmem:s20+$0x2580]  }
0x112: {  	v1 =	vld [tilespmem:$0x3F00];
	v6 =	vpop (erf)  }
0x113: {  	v2 =	vld [tilespmem:$0x3F80];
	v6 =	vadd.f32 $1.000000000e+00, v6  }
0x114: {  	v0 =	vld [tilespmem:$0x3E80]  }
0x115: {  	(erf) = vrcp.f32 v6  }
0x116: {  	v7 =	vpop (erf)  }
0x117: {  	v3 =	vmul.f32 v7, v3  }
0x118: {  	v5 =	vmul.f32 v5, v2  }
0x119: {  	v4 =	vmul.f32 v4, v0;
	v3 =	vmul.f32 v3, v1;
	_ =	sdelay $0x1  }
0x11a: {  	v3 =	vadd.f32 v3, v4;
	v4 =	vsub.f32 $1.000000000e+00, v5  }
0x11b: {  	s21 =	simm.s32 $0x80;
	s22 =	simm.s32 $0x10  }
.LBB2_6:
0x11c: {  	p0 =	sne.s32 s21, $0x30C0;
	v5 =	vld [tilespmem:s22+$0x3200];
	v3 =	vmul.f32 v3, v4  }
0x11d: {  	v4 =	vpop (erf)  }
0x11e: {  	v3 =	vmul.f32 v4, v3;
	_ =	sdelay $0x1  }
0x11f: {  	v4 =	vld [tilespmem:s22+$0xC80];
	[tilespmem:s20+$0x0] =	vst v3;
	s20 =	smov.u32 s22  }
0x120: {  	v3 =	vld [tilespmem:s20+$0x0];
	v5 =	vsub.f32 $0.0e+00, v5;
	_ =	sdelay $0x1  }
0x121: {  	v5 =	vmul.f32 $1.442695020e+00, v5;
	_ =	sdelay $0x1  }
0x122: {  	(erf) = vpow2.f32 v5  }
0x123: {  	v3 =	vadd.f32 v4, v3;
	_ =	sdelay $0x1  }
0x124: {  	v4 =	vmax.f32 v3, $1.000000000e+00  }
0x125: {  	(erf) = vrcp.f32 v4;
	_ =	sdelay $0x4  }
0x126: {  	v4 =	vpop (erf)  }
0x127: {  	v5 =	vld [tilespmem:s20+$0x1900];
	v7 =	vadd.f32 $1.000000000e+00, v4  }
0x128: {  	v6 =	vld [tilespmem:s20+$0x2580]  }
0x129: {  	(erf) = vrcp.f32 v7  }
0x12a: {  	v4 =	vpop (erf)  }
0x12b: {  	v3 =	vmul.f32 v4, v3  }
.Ltmp2:
0x12c: {  	v4 =	vmul.f32 v5, v0;
	(pc) =	sbr.rel @p0 .LBB2_6-.Ltmp2, $3  }
0x12d: {  	v3 =	vmul.f32 v3, v1;
	v5 =	vmul.f32 v6, v2;
	_ =	sdelay $0x1  }
0x12e: {  	v3 =	vadd.f32 v3, v4;
	v4 =	vsub.f32 $1.000000000e+00, v5  }
0x12f: {  	s22 =	sshra.s32 s21, $0x2;
	s21 =	sadd.s32 $0x40, s21  }
0x130: {  	v5 =	vld [tilespmem:s22+$0x3200]  }
0x131: {  	v3 =	vmul.f32 v3, v4  }
0x132: {  	v4 =	vpop (erf)  }
0x133: {  	v3 =	vmul.f32 v4, v3;
	_ =	sdelay $0x1  }
0x134: {  	v4 =	vld [tilespmem:s22+$0xC80];
	[tilespmem:s20+$0x0] =	vst v3;
	v5 =	vsub.f32 $0.0e+00, v5  }
0x135: {  	v3 =	vld [tilespmem:s22+$0x0]  }
0x136: {  	v5 =	vmul.f32 $1.442695020e+00, v5;
	_ =	sdelay $0x1  }
0x137: {  	(erf) = vpow2.f32 v5;
	_ =	sdelay $0x1  }
0x138: {  	v3 =	vadd.f32 v4, v3;
	_ =	sdelay $0x1  }
0x139: {  	v4 =	vmax.f32 v3, $1.000000000e+00  }
0x13a: {  	(erf) = vrcp.f32 v4;
	_ =	sdelay $0x3  }
0x13b: {  	v4 =	vpop (erf)  }
0x13c: {  	v4 =	vadd.f32 $1.000000000e+00, v4  }
0x13d: {  	v6 =	vld [tilespmem:s22+$0x2580]  }
0x13e: {  	v5 =	vld [tilespmem:s22+$0x1900];
	_ =	sdelay $0x1  }
0x13f: {  	(erf) = vrcp.f32 v4;
	v4 =	vpop (erf)  }
0x140: {  	v3 =	vmul.f32 v4, v3  }
0x141: {  	v2 =	vmul.f32 v6, v2  }
0x142: {  	v0 =	vmul.f32 v5, v0;
	v1 =	vmul.f32 v3, v1;
	_ =	sdelay $0x1  }
0x143: {  	v0 =	vadd.f32 v1, v0;
	v1 =	vsub.f32 $1.000000000e+00, v2;
	_ =	sdelay $0x2  }
0x144: {  	v0 =	vmul.f32 v0, v1  }
0x145: {  	v1 =	vpop (erf)  }
0x146: {  	v0 =	vmul.f32 v1, v0;
	_ =	sdelay $0x1  }
0x147: {  	s21 =	rddreg [dreg:$0x10];
	s20 =	simm.s32 $0x0;
	[tilespmem:s22+$0x0] =	vst v0  }
0x148: {  	[hbm4b:s21+s20] =	stream.linear.scatter [tilespmem:s20], [sflag:$0x1], $0xC40, $0x38;
	[tilespmem:$0x4000] =	vst v63  }
0x149: {  	_ =	swait.ge [sflag:s11], $0xC40  }
0x14a: {  	[sflag:s11] =	ssyncset.done $0x0  }
0x14b: {  	s22 =	rddreg [dreg:$0x11];
	[sflag:s11] =	ssyncadd.s32 $0xFFFFF3C0  }
0x14c: {  	[tilespmem:s20], [sflag:$0x1] =	stream.linear.gather [hbm4b:s22+s20], $0xC40, $0x38;
	[tilespmem:$0x4000] =	vst v63  }
0x14d: {  	_ =	swait.ge [sflag:s11], $0xC40  }
0x14e: {  	[sflag:s11] =	ssyncset.done $0x0  }
0x14f: {  	[sflag:s11] =	ssyncadd.s32 $0xFFFFF3C0  }
0x150: {  	[tilespmem:s12], [sflag:$0x1] =	stream.linear.gather [hbm4b:s7+s20], $0xC40, $0x38;
	[tilespmem:$0x4000] =	vst v63  }
0x151: {  	_ =	swait.ge [sflag:s11], $0xC40  }
0x152: {  	[sflag:s11] =	ssyncset.done $0x0  }
0x153: {  	s22 =	rddreg [dreg:$0x12];
	[sflag:s11] =	ssyncadd.s32 $0xFFFFF3C0  }
0x154: {  	[tilespmem:s13], [sflag:$0x1] =	stream.linear.gather [hbm4b:s22+s20], $0xC40, $0x38;
	[tilespmem:$0x4000] =	vst v63  }
0x155: {  	_ =	swait.ge [sflag:s11], $0xC40  }
0x156: {  	[sflag:s11] =	ssyncset.done $0x0  }
0x157: {  	s22 =	rddreg [dreg:$0x13];
	[sflag:s11] =	ssyncadd.s32 $0xFFFFF3C0  }
0x158: {  	[tilespmem:s14], [sflag:$0x1] =	stream.linear.gather [hbm4b:s22+s20], $0xC40, $0x38;
	[tilespmem:$0x4000] =	vst v63  }
0x159: {  	_ =	swait.ge [sflag:s11], $0xC40  }
0x15a: {  	[sflag:s11] =	ssyncset.done $0x0  }
0x15b: {  	s22 =	rddreg [dreg:$0x14];
	[sflag:s11] =	ssyncadd.s32 $0xFFFFF3C0  }
0x15c: {  	[tilespmem:s15], [sflag:$0x1] =	stream.linear.gather [hbm4b:s22+s20], $0xC40, $0x38;
	[tilespmem:$0x4000] =	vst v63  }
0x15d: {  	_ =	swait.ge [sflag:s11], $0xC40  }
0x15e: {  	[sflag:s11] =	ssyncset.done $0x0  }
0x15f: {  	[sflag:s11] =	ssyncadd.s32 $0xFFFFF3C0  }
0x160: {  	[tilespmem:s16], [sflag:$0x1] =	stream.linear.gather [hbm4b:s8+s20], $0x10, $0x38;
	[tilespmem:$0x4000] =	vst v63  }
0x161: {  	_ =	swait.ge [sflag:s11], $0x10  }
0x162: {  	[sflag:s11] =	ssyncset.done $0x0  }
0x163: {  	[sflag:s11] =	ssyncadd.s32 $0xFFFFFFF0  }
0x164: {  	[tilespmem:s17], [sflag:$0x1] =	stream.linear.gather [hbm4b:s9+s20], $0x10, $0x38;
	[tilespmem:$0x4000] =	vst v63  }
0x165: {  	_ =	swait.ge [sflag:s11], $0x10  }
0x166: {  	[sflag:s11] =	ssyncset.done $0x0  }
0x167: {  	[sflag:s11] =	ssyncadd.s32 $0xFFFFFFF0  }
0x168: {  	[tilespmem:s18], [sflag:$0x1] =	stream.linear.gather [hbm4b:s10+s20], $0x10, $0x38;
	[tilespmem:$0x4000] =	vst v63  }
0x169: {  	_ =	swait.ge [sflag:s11], $0x10  }
0x16a: {  	[sflag:s11] =	ssyncset.done $0x0  }
0x16b: {  	s20 =	simm.s32 $0x0;
	[sflag:s11] =	ssyncadd.s32 $0xFFFFFFF0  }
0x16c: {  	v0 =	vld [tilespmem:s20+$0x3200];
	_ =	sdelay $0x3  }
0x16d: {  	v1 =	vld [tilespmem:s20+$0xC80]  }
0x16e: {  	v2 =	vld [tilespmem:s20+$0x0];
	v0 =	vsub.f32 $0.0e+00, v0;
	_ =	sdelay $0x1  }
0x16f: {  	v0 =	vmul.f32 $1.442695020e+00, v0;
	_ =	sdelay $0x1  }
0x170: {  	(erf) = vpow2.f32 v0  }
0x171: {  	v3 =	vadd.f32 v1, v2;
	_ =	sdelay $0x1  }
0x172: {  	v0 =	vmax.f32 v3, $1.000000000e+00  }
0x173: {  	(erf) = vrcp.f32 v0;
	_ =	sdelay $0x2  }
0x174: {  	v4 =	vld [tilespmem:s20+$0x1900]  }
0x175: {  	v5 =	vld [tilespmem:s20+$0x2580]  }
0x176: {  	v1 =	vld [tilespmem:$0x3F00];
	v6 =	vpop (erf)  }
0x177: {  	v2 =	vld [tilespmem:$0x3F80];
	v6 =	vadd.f32 $1.000000000e+00, v6  }
0x178: {  	v0 =	vld [tilespmem:$0x3E80]  }
0x179: {  	(erf) = vrcp.f32 v6  }
0x17a: {  	v7 =	vpop (erf)  }
0x17b: {  	v3 =	vmul.f32 v7, v3  }
0x17c: {  	v5 =	vmul.f32 v5, v2  }
0x17d: {  	v4 =	vmul.f32 v4, v0;
	v3 =	vmul.f32 v3, v1;
	_ =	sdelay $0x1  }
0x17e: {  	v3 =	vadd.f32 v3, v4;
	v4 =	vsub.f32 $1.000000000e+00, v5  }
0x17f: {  	s21 =	simm.s32 $0x80;
	s22 =	simm.s32 $0x10  }
.LBB2_8:
0x180: {  	p0 =	sne.s32 s21, $0x30C0;
	v5 =	vld [tilespmem:s22+$0x3200];
	v3 =	vmul.f32 v3, v4  }
0x181: {  	v4 =	vpop (erf)  }
0x182: {  	v3 =	vmul.f32 v4, v3;
	_ =	sdelay $0x1  }
0x183: {  	v4 =	vld [tilespmem:s22+$0xC80];
	[tilespmem:s20+$0x0] =	vst v3;
	s20 =	smov.u32 s22  }
0x184: {  	v3 =	vld [tilespmem:s20+$0x0];
	v5 =	vsub.f32 $0.0e+00, v5;
	_ =	sdelay $0x1  }
0x185: {  	v5 =	vmul.f32 $1.442695020e+00, v5;
	_ =	sdelay $0x1  }
0x186: {  	(erf) = vpow2.f32 v5  }
0x187: {  	v3 =	vadd.f32 v4, v3;
	_ =	sdelay $0x1  }
0x188: {  	v4 =	vmax.f32 v3, $1.000000000e+00  }
0x189: {  	(erf) = vrcp.f32 v4;
	_ =	sdelay $0x4  }
0x18a: {  	v4 =	vpop (erf)  }
0x18b: {  	v5 =	vld [tilespmem:s20+$0x1900];
	v7 =	vadd.f32 $1.000000000e+00, v4  }
0x18c: {  	v6 =	vld [tilespmem:s20+$0x2580]  }
0x18d: {  	(erf) = vrcp.f32 v7  }
0x18e: {  	v4 =	vpop (erf)  }
0x18f: {  	v3 =	vmul.f32 v4, v3  }
.Ltmp3:
0x190: {  	v4 =	vmul.f32 v5, v0;
	(pc) =	sbr.rel @p0 .LBB2_8-.Ltmp3, $3  }
0x191: {  	v3 =	vmul.f32 v3, v1;
	v5 =	vmul.f32 v6, v2;
	_ =	sdelay $0x1  }
0x192: {  	v3 =	vadd.f32 v3, v4;
	v4 =	vsub.f32 $1.000000000e+00, v5  }
0x193: {  	s22 =	sshra.s32 s21, $0x2;
	s21 =	sadd.s32 $0x40, s21  }
0x194: {  	v5 =	vld [tilespmem:s22+$0x3200];
	v3 =	vmul.f32 v3, v4  }
0x195: {  	v57 =	vpop (erf)  }
0x196: {  	v3 =	vmul.f32 v57, v3;
	_ =	sdelay $0x1  }
0x197: {  	v58 =	vld [tilespmem:s22+$0xC80];
	[tilespmem:s20+$0x0] =	vst v3  }
0x198: {  	v3 =	vld [tilespmem:s22+$0x0];
	v5 =	vsub.f32 $0.0e+00, v5;
	_ =	sdelay $0x1  }
0x199: {  	v5 =	vmul.f32 $1.442695020e+00, v5;
	_ =	sdelay $0x1  }
0x19a: {  	(erf) = vpow2.f32 v5  }
0x19b: {  	v3 =	vadd.f32 v58, v3;
	_ =	sdelay $0x1  }
0x19c: {  	v4 =	vmax.f32 v3, $1.000000000e+00  }
0x19d: {  	(erf) = vrcp.f32 v4;
	_ =	sdelay $0x4  }
0x19e: {  	v59 =	vpop (erf)  }
0x19f: {  	v60 =	vld [tilespmem:s22+$0x1900];
	v4 =	vadd.f32 $1.000000000e+00, v59  }
0x1a0: {  	v6 =	vld [tilespmem:s22+$0x2580]  }
0x1a1: {  	(erf) = vrcp.f32 v4  }
0x1a2: {  	v61 =	vpop (erf)  }
0x1a3: {  	v3 =	vmul.f32 v61, v3  }
0x1a4: {  	v0 =	vmul.f32 v60, v0  }
0x1a5: {  	v2 =	vmul.f32 v6, v2;
	v1 =	vmul.f32 v3, v1;
	_ =	sdelay $0x1  }
0x1a6: {  	v62 =	vsub.f32 $1.000000000e+00, v2;
	v0 =	vadd.f32 v1, v0;
	_ =	sdelay $0x1  }
0x1a7: {  	v0 =	vmul.f32 v0, v62  }
0x1a8: {  	v63 =	vpop (erf)  }
0x1a9: {  	s19 =	sadd.s32 $0x1, s19;
	v0 =	vmul.f32 v63, v0  }
0x1aa: {  	p0 =	sne.s32 s19, s25  }
.Ltmp4:
0x1ab: {  	[tilespmem:s22+$0x0] =	vst v0;
	(pc) =	sbr.rel @p0 .LBB2_1-.Ltmp4, $4  }
0x1ac: {  	[hbm4b:s23+s3] =	stream.linear.scatter [tilespmem:s3], [sflag:$0x1], $0xC40, $0x38;
	[tilespmem:$0x4000] =	vst v63  }
0x1ad: {  	_ =	swait.ge [sflag:s11], $0xC40  }
0x1ae: {  	[sflag:s11] =	ssyncset.done $0x0  }
0x1af: {  	[sflag:s11] =	ssyncadd.s32 $0xFFFFF3C0  }
0x1b0: {  	_ =	sfence.sel $0x180000  }
0x1b1: {  	[bflag:$0x0] =	sbarrier.arrive $0xFFFF  }
0x1b2: {  	_ =	strace $0x9000004D  }
0x1b3: {  	s0 =	stileid.u32;
	[bflag:$0x2] =	sbarrier.arrive $0xFFFF  }
0x1b4: {  	p0 =	sne.s32 s0, $0x0;
	s0 =	rddreg [dreg:$0x2]  }
0x1b5: {  	s0 =	sadd.s32 @!p0 $0x100000, s0  }
0x1b6: {  	[sflag:s0] =	ssyncadd.tile.s32 @!p0 $0x1;
	_ =	shalt  }
.Lfunc_end2:
_tile_overlayer_lowered:
.L_overlay_start_2:
0x1b7: {  	(tag) =	ssettag $0x2  }
0x1b8: {  	s0 =	rddreg [dreg:$0x0];
	s2 =	stileid.u32  }
0x1b9: {  	s1 =	rddreg [dreg:$0x1];
	p0 =	sne.s32 s2, $0x0  }
0x1ba: {  	s3 =	rddreg [dreg:$0x2];
	[bflag:$0x3] =	sbarrier.arrive $0xFFFF;
	s2 =	simm.s32 @!p0 $0x1C01  }
0x1bb: {  	[timem:s3], [sflag:s2] =	dma.local @!p0 [hbm:s0], s1  }
0x1bc: {  	s0 =	simm.s32 @!p0 $0x1  }
0x1bd: {  	_ =	swait.ge @!p0 [sflag:s0], s1  }
0x1be: {  	s1 =	ssub.s32 @!p0 $0x0, s1;
	[sflag:s0] =	ssyncset.done @!p0 $0x0  }
0x1bf: {  	[sflag:s0] =	ssyncadd.s32 @!p0 s1  }
0x1c0: {  	[bflag:$0x3] =	sbarrier.arrive $0xFFFF  }
0x1c1: {  	_ =	shalt  }

// kernel: kernel.5.cloned.1.call-start
scs
__scs_entry_jumppad:
0x0: {  	(pc) =	sbr.rel $0x88, $3  }
0x1: {  	(tag) =	ssettag $0x0;
	lr =	simm.s32 $0x1  }
0x2: {  	[smem:$0x3F9C] =	sst lr;
	_ =	strace $0xD0000000  }
0x3: {  	_ = 	snop  }
0x4: {  	_ = 	snop  }
0x5: {  	_ = 	snop  }
0x6: {  	_ = 	snop  }
0x7: {  	_ = 	snop  }
__scs_overlays_trampoline_lowered:
0x8: {  	[smem:$0x3FAB] =	sst s0  }
0x9: {  	[smem:$0x3FAC] =	sst s1  }
0xa: {  	[smem:$0x3FAD] =	sst s2  }
0xb: {  	[smem:$0x3FAE] =	sst s3  }
0xc: {  	[smem:$0x3FAF] =	sst s4  }
0xd: {  	[smem:$0x3FB0] =	sst s5  }
0xe: {  	[smem:$0x3FB1] =	sst s6  }
0xf: {  	[smem:$0x3FB2] =	sst s7  }
0x10: {  	[smem:$0x3FB3] =	sst s8  }
0x11: {  	[smem:$0x3FB4] =	sst s9;
	s0 =	simm.s32 @!p0 $0x0  }
0x12: {  	s1 =	sld [smem:$0x3F9A];
	s0 =	simm.s32 @p0 $0x1  }
0x13: {  	[smem:$0x3FB5] =	sst s0;
	s0 =	simm.s32 @!p1 $0x0  }
0x14: {  	s2 =	sld [smem:$0x3F99];
	s0 =	simm.s32 @p1 $0x1  }
0x15: {  	[smem:$0x3FB6] =	sst s0;
	s0 =	simm.s32 @!p2 $0x0  }
0x16: {  	s3 =	sld [smem:$0x3FDB];
	s0 =	simm.s32 @p2 $0x1  }
0x17: {  	s4 =	simm.s32 $0x1BF5;
	[smem:$0x3FB8] =	sst s0  }
0x18: {  	s0 =	sld [smem:$0x3F9B];
	_ =	swait.ge [sflag:s4], $0x0  }
0x19: {  	s7 =	sld [smem:$0x3F9C]  }
0x1a: {  	s8 =	sadd.s32 $0xFFFFE003, lr  }
0x1b: {  	s9 =	sadd.s32 $0xFFFFFEF7, lr;
	s5 =	simm.s32 $0xFFFFFFFF;
	p2 =	slt.u32 s8, $0xFFFFF086  }
0x1c: {  	p1 =	slt.u32 s9, $0xF7A;
	s5 =	simm.s32 @!p2 $0x0  }
0x1d: {  	s5 =	simm.s32 @p1 $0x1;
	p0 =	seq.s32 s7, s2  }
0x1e: {  	s7 =	smul.u32 @!p0 $0xF7A, s2;
	p2 =	seq.s32 @!p0 s5, $0x0  }
0x1f: {  	s9 =	smul.u32 $0xF7A, s1;
	s8 =	simm.s32 @!p0 $0x1BF5;
	p2 =	por !p2, p0  }
0x20: {  	[sflag:s8] =	ssyncset.s32 @!p0 $0xFFFFF086;
	s6 =	sadd.s32 @!p0 s3, s7;
	s7 =	simm.s32 @!p0 $0x108  }
0x21: {  	s3 =	sadd.s32 s3, s9;
	s6 =	sadd.s32 @!p0 $0x88, s6;
	s7 =	simm.s32 @p2 $0x1082  }
0x22: {  	[simem:s7], [sflag:s8] =	dma.local @!p0 [hbm:s6], $0xF7A  }
0x23: {  	s9 =	sor.u32 $0xD0000000, s2;
	s6 =	simm.s32 $0x108;
	_ =	swait.ge @!p0 [sflag:s8], $0x0  }
0x24: {  	s3 =	sadd.s32 $0x88, s3;
	s6 =	simm.s32 @!p1 $0x1082;
	[sflag:s4] =	ssyncset.s32 $0xFFFFF086  }
0x25: {  	[simem:s6], [sflag:s4] =	dma.local [hbm:s3], $0xF7A  }
0x26: {  	[smem:$0x3F9C] =	sst s1;
	(tag) =	ssettag s2;
	_ =	strace s9  }
0x27: {  	s1 =	sld [smem:$0x3FAC]  }
0x28: {  	s2 =	sld [smem:$0x3FAD]  }
0x29: {  	s4 =	sld [smem:$0x3FAF]  }
0x2a: {  	p0 =	seq.s32 s5, $0x0;
	s5 =	sld [smem:$0x3FB0]  }
0x2b: {  	s6 =	sld [smem:$0x3FB1]  }
0x2c: {  	s7 =	sld [smem:$0x3FB2]  }
0x2d: {  	s3 =	simm.s32 $0x108;
	s8 =	sld [smem:$0x3FB3]  }
0x2e: {  	s3 =	simm.s32 @!p0 $0x1082;
	s9 =	sld [smem:$0x3FB4]  }
0x2f: {  	lr =	sadd.s32 s0, s3;
	s0 =	sld [smem:$0x3FAB]  }
0x30: {  	s3 =	sld [smem:$0x3FAE]  }
0x31: {  	[smem:$0x3FB7] =	sst s10  }
0x32: {  	s10 =	sld [smem:$0x3FB5];
	_ =	sdelay $0x3  }
0x33: {  	p0 =	seq.s32 s10, $0x1;
	s10 =	sld [smem:$0x3FB7];
	_ =	sdelay $0x3  }
0x34: {  	[smem:$0x3FB7] =	sst s10  }
0x35: {  	s10 =	sld [smem:$0x3FB6];
	_ =	sdelay $0x3  }
0x36: {  	p1 =	seq.s32 s10, $0x1;
	s10 =	sld [smem:$0x3FB7];
	_ =	sdelay $0x3  }
0x37: {  	[smem:$0x3FB7] =	sst s10  }
0x38: {  	s10 =	sld [smem:$0x3FB8]  }
0x39: {  	_ = 	snop;
	(pc) =	sbr.ind lr, $3  }
0x3a: {  	_ = 	snop  }
0x3b: {  	_ = 	snop  }
0x3c: {  	p2 =	seq.s32 s10, $0x1;
	s10 =	sld [smem:$0x3FB7]  }
0x3d: {  	_ =	shalt  }
0x3e: {  	_ =	shalt  }
0x3f: {  	_ =	shalt  }
0x40: {  	_ =	shalt  }
0x41: {  	_ =	shalt  }
0x42: {  	_ =	shalt  }
0x43: {  	_ =	shalt  }
0x44: {  	_ =	shalt  }
0x45: {  	_ =	shalt  }
0x46: {  	_ =	shalt  }
0x47: {  	_ =	shalt  }
0x48: {  	_ =	shalt  }
0x49: {  	_ =	shalt  }
0x4a: {  	_ =	shalt  }
0x4b: {  	_ =	shalt  }
0x4c: {  	_ =	shalt  }
0x4d: {  	_ =	shalt  }
0x4e: {  	_ =	shalt  }
0x4f: {  	_ =	shalt  }
0x50: {  	_ =	shalt  }
0x51: {  	_ =	shalt  }
0x52: {  	_ =	shalt  }
0x53: {  	_ =	shalt  }
0x54: {  	_ =	shalt  }
0x55: {  	_ =	shalt  }
0x56: {  	_ =	shalt  }
0x57: {  	_ =	shalt  }
0x58: {  	_ =	shalt  }
0x59: {  	_ =	shalt  }
0x5a: {  	_ =	shalt  }
0x5b: {  	_ =	shalt  }
0x5c: {  	_ =	shalt  }
0x5d: {  	_ =	shalt  }
0x5e: {  	_ =	shalt  }
0x5f: {  	_ =	shalt  }
0x60: {  	_ =	shalt  }
0x61: {  	_ =	shalt  }
0x62: {  	_ =	shalt  }
0x63: {  	_ =	shalt  }
0x64: {  	_ =	shalt  }
0x65: {  	_ =	shalt  }
0x66: {  	_ =	shalt  }
0x67: {  	_ =	shalt  }
0x68: {  	_ =	shalt  }
0x69: {  	_ =	shalt  }
0x6a: {  	_ =	shalt  }
0x6b: {  	_ =	shalt  }
0x6c: {  	_ =	shalt  }
0x6d: {  	_ =	shalt  }
0x6e: {  	_ =	shalt  }
0x6f: {  	_ =	shalt  }
0x70: {  	_ =	shalt  }
0x71: {  	_ =	shalt  }
0x72: {  	_ =	shalt  }
0x73: {  	_ =	shalt  }
0x74: {  	_ =	shalt  }
0x75: {  	_ =	shalt  }
0x76: {  	_ =	shalt  }
0x77: {  	_ =	shalt  }
0x78: {  	_ =	shalt  }
0x79: {  	_ =	shalt  }
0x7a: {  	_ =	shalt  }
0x7b: {  	_ =	shalt  }
0x7c: {  	_ =	shalt  }
0x7d: {  	_ =	shalt  }
0x7e: {  	_ =	shalt  }
0x7f: {  	_ =	shalt  }
0x80: {  	_ =	shalt  }
0x81: {  	_ =	shalt  }
0x82: {  	_ =	shalt  }
0x83: {  	_ =	shalt  }
0x84: {  	_ =	shalt  }
0x85: {  	_ =	shalt  }
0x86: {  	_ =	shalt  }
0x87: {  	_ =	shalt  }
.Lfunc_end0:
.L_simem_size_0:
called_computation_lowered:
.L_overlay_start_0:
0x88: {  	s2 =	sld [smem:$0x3FD9]  }
0x89: {  	s3 =	sld [smem:$0x3FFE];
	_ =	sdelay $0x1  }
0x8a: {  	s1 =	srdreg.scid  }
0x8b: {  	s0 =	sand.u32 $0x1, s1  }
0x8c: {  	s16 =	sshll.u32 s0, $0xA;
	s2 =	sadd.s32 s3, s2  }
0x8d: {  	s2 =	sadd.s32 s2, s16  }
0x8e: {  	[smem:$0x3FC3] =	sst s2  }
0x8f: {  	_ = 	snop  }
0x90: {  	(tm) =	ssettm $0x1  }
0x91: {  	s17 =	sld [smem:$0x3FFB];
	_ =	sdelay $0x3  }
0x92: {  	_ =	strace s17  }
0x93: {  	s2 =	sld [smem:$0x3FFC];
	_ =	sdelay $0x3  }
0x94: {  	_ =	strace s2  }
0x95: {  	s2 =	sld [smem:$0x3FFD];
	_ =	sdelay $0x3  }
0x96: {  	_ =	strace s2  }
0x97: {  	_ =	strace $0x8FFFFFFF  }
0x98: {  	s18 =	sld [smem:$0x3FDB];
	_ =	sdelay $0x1  }
0x99: {  	s19 =	simm.s32 $_scs_section_size  }
0x9a: {  	s4 =	simm.s32 $_size__tile_overlayer_lowered;
	s5 =	simm.s32 $_tile_overlayer_lowered  }
0x9b: {  	s22 =	simm.s32 $0x1BFF;
	s21 =	sshll.u32 s5, $0x1;
	s2 =	sadd.s32 s19, s18  }
0x9c: {  	s6 =	simm.s32 $0x0;
	s20 =	sshll.u32 s4, $0x1;
	s4 =	sadd.s32 s21, s2  }
0x9d: {  	[timem:s6], [sflag:s22] =	dma.local [hbm:s4], s20  }
0x9e: {  	_ =	swait.ge [sflag:s22], s20  }
0x9f: {  	s3 =	ssub.s32 $0x0, s20;
	[sflag:s22] =	ssyncset.done $0x0  }
0xa0: {  	[sflag:s22] =	ssyncadd.s32 s3;
	_ =	sdelay $0x1  }
0xa1: {  	s23 =	simm.s32 $0x1B8B  }
0xa2: {  	_ =	swait.ge [sflag:s23], $0x1  }
0xa3: {  	[sflag:s23] =	ssyncset.done $0x0  }
0xa4: {  	s25 =	simm.s32 $0x1B8E;
	s24 =	sld [smem:$0x3FFE];
	[sflag:s23] =	ssyncadd.s32 $0xFFFFFFFF  }
0xa5: {  	s26 =	simm.s32 $execute0_lowered;
	[smem:$0x3FD2] =	sst s25  }
0xa6: {  	s4 =	sshll.u32 s26, $0x1;
	_ =	strace $0x80000046;
	[dreg:$0x1] =	wrdreg $0xFFFFFFFF  }
0xa7: {  	s28 =	simm.s32 $_size_execute0_lowered;
	s2 =	sadd.s32 s2, s4;
	[dreg:$0x0] =	wrdreg $0x0  }
0xa8: {  	s4 =	sshll.u32 s28, $0x1;
	[dreg:$0x2] =	wrdreg s2  }
0xa9: {  	[dreg:$0x3] =	wrdreg s4  }
0xaa: {  	[dreg:$0x4] =	wrdreg $0xC0  }
0xab: {  	_ =	task [dreg:s6], $0x5FFFF  }
0xac: {  	[dreg:$0x1] =	wrdreg $0xFFFFFFFF  }
0xad: {  	[dreg:$0x0] =	wrdreg $0x60  }
0xae: {  	[dreg:$0x2] =	wrdreg s24  }
0xaf: {  	[dreg:$0x3] =	wrdreg $0x0  }
0xb0: {  	[dreg:$0x4] =	wrdreg $0x18800  }
0xb1: {  	[dreg:$0x5] =	wrdreg $0x31000  }
0xb2: {  	[dreg:$0x6] =	wrdreg $0x49800  }
0xb3: {  	[dreg:$0x7] =	wrdreg $0x62000  }
0xb4: {  	[dreg:$0x8] =	wrdreg $0x7A800  }
0xb5: {  	[dreg:$0x9] =	wrdreg $0x93000  }
0xb6: {  	[dreg:$0xa] =	wrdreg $0xAB800  }
0xb7: {  	[dreg:$0xb] =	wrdreg $0x9  }
0xb8: {  	_ =	task.clear_ibuf [dreg:s6], $0xCFFFF;
	_ =	strace $0x90000046  }
0xb9: {  	s29 =	simm.s32 $0x9;
	_ =	strace $0x80000048  }
0xba: {  	_ =	swait.ge [sflag:s29], $0x1  }
0xbb: {  	[sflag:s29] =	ssyncadd.s32 $0xFFFFFFFF  }
0xbc: {  	_ =	strace $0x90000048  }
0xbd: {  	_ =	sfence  }
0xbe: {  	s30 =	sld [smem:$0x0];
	_ =	sdelay $0x2  }
0xbf: {  	s31 =	sshll.u32 s1, $0xD;
	s1 =	sshrl.u32 s1, $0x2  }
0xc0: {  	s3 =	sand.u32 $0x4000, s31;
	s1 =	sadd.s32 s1, s30  }
0xc1: {  	s0 =	sor.u32 s3, s0;
	s1 =	sshll.u32 s1, $0x11  }
0xc2: {  	s0 =	sor.u32 s1, s0  }
0xc3: {  	s0 =	sadd.s32 $0x8F2B, s0  }
0xc4: {  	[sflag:s0] =	ssyncadd.remote.s32 $0x1  }
0xc5: {  	_ =	sfence.sel $0xFFFF  }
0xc6: {  	[dreg:$0x0] =	wrdreg $0xFFFFFFFF;
	(pc) =	sbr.abs _section_cstart, $3  }
0xc7: {  	[dreg:$0x1] =	wrdreg $0xFFFFFFFF  }
0xc8: {  	_ =	task.clear_ibuf [dreg:s6], $0x2FFFF;
	_ =	strace $0x9FFFFFFF  }
0xc9: {  	(tm) =	ssettm $0x7FFFFFFF  }
tec
execute0_lowered:
.L_overlay_start_1:
0x0: {  	(tag) =	ssettag $0x1  }
0x1: {  	s14 =	rddreg [dreg:$0x0]  }
0x2: {  	s8 =	rddreg [dreg:$0x1]  }
0x3: {  	s12 =	rddreg [dreg:$0x2]  }
0x4: {  	s15 =	rddreg [dreg:$0x3]  }
0x5: {  	s17 =	rddreg [dreg:$0x4]  }
0x6: {  	s19 =	rddreg [dreg:$0x5]  }
0x7: {  	s20 =	rddreg [dreg:$0x6]  }
0x8: {  	s0 =	srdreg.scid;
	s21 =	rddreg [dreg:$0x7]  }
0x9: {  	s16 =	stileid.u32;
	s22 =	rddreg [dreg:$0x8]  }
0xa: {  	s11 =	simm.s32 $0x0;
	s0 =	sand.u32 $0x1, s0;
	s1 =	smul.u32 $0x1880, s16  }
0xb: {  	[smem:$0x7FF] =	sst s11;
	s18 =	sadd.s32 $0xC3800, s14;
	s13 =	sadd.s32 $0x61C00, s14  }
0xc: {  	s7 =	smov.u32 s19;
	s9 =	smov.u32 s20;
	s6 =	smov.u32 s22  }
0xd: {  	s31 =	sadd.s32 $0xC6900, s14;
	s2 =	smul.u32 $0x62000, s0;
	_ =	strace $0x80000047  }
0xe: {  	s3 =	ssub.s32 $0x2, s0;
	s0 =	sshll.u32 s0, $0x4;
	[dreg:$0xa] =	wrdreg s18  }
0xf: {  	s4 =	sshrl.u32 s3, $0x1;
	s5 =	sshrl.u32 s1, $0x3;
	s0 =	sor.u32 s16, s0  }
0x10: {  	s10 =	sadd.s32 s1, s8;
	s12 =	sadd.s32 s1, s12;
	s16 =	sadd.s32 s1, s15  }
0x11: {  	s25 =	sadd.s32 s1, s20;
	s23 =	sadd.s32 s1, s21;
	[dreg:$0xc] =	wrdreg s10  }
0x12: {  	s2 =	sadd.s32 s1, s2;
	s3 =	ssub.s32 s3, s4;
	[dreg:$0xd] =	wrdreg s12  }
0x13: {  	s5 =	sadd.s32 s18, s5;
	s0 =	smul.u32 $0x186A0, s0;
	[dreg:$0xe] =	wrdreg s16  }
0x14: {  	s18 =	sadd.s32 s1, s17;
	s16 =	sadd.s32 s1, s19;
	[dreg:$0x12] =	wrdreg s23  }
0x15: {  	s10 =	smov.u32 s21;
	s1 =	sadd.s32 s1, s22;
	[dreg:$0x11] =	wrdreg s25  }
0x16: {  	s23 =	sadd.s32 $0x3D0C00, s14;
	s4 =	sadd.s32 $0xCCB00, s14;
	[dreg:$0xf] =	wrdreg s18  }
0x17: {  	s2 =	sshrl.u32 s2, $0x3;
	[dreg:$0x13] =	wrdreg s1;
	s19 =	smax.u32 s3, $0x1  }
0x18: {  	s20 =	sadd.s32 $0x3100, s5;
	s21 =	sadd.s32 $0x6200, s5;
	[dreg:$0xb] =	wrdreg s5  }
0x19: {  	s22 =	sadd.s32 $0x9300, s5;
	s3 =	simm.s32 $0x1B500;
	[dreg:$0x10] =	wrdreg s16  }
0x1a: {  	s5 =	simm.s32 $0x1C500;
	s1 =	simm.s32 $0x3;
	[dreg:$0x1b] =	wrdreg s19  }
0x1b: {  	s2 =	sadd.s32 s2, s14;
	s24 =	sshrl.u32 s0, $0x3;
	[dreg:$0x1c] =	wrdreg s20  }
0x1c: {  	s28 =	sadd.s32 $0xFA0, s0;
	s29 =	sadd.s32 $0x1F40, s0;
	[dreg:$0x1d] =	wrdreg s21  }
0x1d: {  	[dreg:$0x1e] =	wrdreg s22;
	s19 =	simm.s32 $0x1;
	s26 =	sadd.s32 s13, s24  }
0x1e: {  	s20 =	simm.s32 $0x10500;
	s30 =	sadd.s32 s14, s24;
	[dreg:$0x14] =	wrdreg s26  }
0x1f: {  	s21 =	simm.s32 $0x12500;
	s12 =	sadd.s32 $0xCFC00, s2;
	[dreg:$0x15] =	wrdreg s30  }
0x20: {  	s22 =	simm.s32 $0x1D500;
	s15 =	sadd.s32 $0xD2D00, s2;
	[dreg:$0x17] =	wrdreg s12  }
0x21: {  	s8 =	sadd.s32 s23, s24;
	s17 =	sadd.s32 $0xD5E00, s2;
	[dreg:$0x18] =	wrdreg s15  }
0x22: {  	s18 =	sadd.s32 $0xD8F00, s2;
	s2 =	simm.s32 $0xFA0;
	[dreg:$0x19] =	wrdreg s17  }
0x23: {  	[dreg:$0x1a] =	wrdreg s18;
	s24 =	sadd.s32 $0x61A80, s8;
	s26 =	sadd.s32 $0xC3500, s8  }
0x24: {  	[dreg:$0x16] =	wrdreg s8;
	s30 =	sadd.s32 $0x124F80, s8;
	s8 =	sadd.s32 $0xC9A00, s14  }
0x25: {  	s12 =	smov.u32 s14;
	s18 =	simm.s32 $0xF500;
	[dreg:$0x1f] =	wrdreg s24  }
0x26: {  	s17 =	simm.s32 $0x1E500;
	s15 =	simm.s32 $0x2;
	[smem:$0x7FC] =	sst s26  }
0x27: {  	v0 =	vimm.f32 $0.0e+00;
	[smem:$0x7FD] =	sst s30;
	s24 =	simm.s32 $0x11500;
	s26 =	simm.s32 $0x0  }
.LBB2_1:
0x28: {  	[smem:$0x7FB] =	sst s26  }
0x29: {  	s0 =	rddreg [dreg:$0xb];
	s30 =	simm.s32 $0x4;
	s14 =	simm.s32 $0xC400  }
0x2a: {  	[tilespmem:s14], [sflag:$0x4] =	stream.linear.gather [hbm4b:s0+s11], $0x1880, $0x38;
	[tilespmem:$0x1F500] =	vst v63  }
0x2b: {  	_ =	swait.ge [sflag:s30], $0x1880  }
0x2c: {  	[sflag:s30] =	ssyncset.done $0x0  }
0x2d: {  	s26 =	rddreg [dreg:$0xc];
	[sflag:s30] =	ssyncadd.s32 $0xFFFFE780  }
0x2e: {  	[spmem:s26] =	stream.linear.scatter [tilespmem:s14], [sflag:$0x4], $0x1880, $0x38;
	[tilespmem:$0x1F500] =	vst v63  }
0x2f: {  	_ =	swait.ge [sflag:s30], $0x1880  }
0x30: {  	[sflag:s30] =	ssyncset.done $0x0  }
0x31: {  	s26 =	rddreg [dreg:$0x1c];
	[sflag:s30] =	ssyncadd.s32 $0xFFFFE780  }
0x32: {  	[tilespmem:s14], [sflag:$0x4] =	stream.linear.gather [hbm4b:s26+s11], $0x1880, $0x38;
	[tilespmem:$0x1F500] =	vst v63  }
0x33: {  	_ =	swait.ge [sflag:s30], $0x1880  }
0x34: {  	[sflag:s30] =	ssyncset.done $0x0  }
0x35: {  	s26 =	rddreg [dreg:$0xd];
	[sflag:s30] =	ssyncadd.s32 $0xFFFFE780  }
0x36: {  	[spmem:s26] =	stream.linear.scatter [tilespmem:s14], [sflag:$0x4], $0x1880, $0x38;
	[tilespmem:$0x1F500] =	vst v63  }
0x37: {  	_ =	swait.ge [sflag:s30], $0x1880  }
0x38: {  	[sflag:s30] =	ssyncset.done $0x0  }
0x39: {  	s26 =	rddreg [dreg:$0x1d];
	[sflag:s30] =	ssyncadd.s32 $0xFFFFE780  }
0x3a: {  	[tilespmem:s14], [sflag:$0x4] =	stream.linear.gather [hbm4b:s26+s11], $0x1880, $0x38;
	[tilespmem:$0x1F500] =	vst v63  }
0x3b: {  	_ =	swait.ge [sflag:s30], $0x1880  }
0x3c: {  	[sflag:s30] =	ssyncset.done $0x0  }
0x3d: {  	s26 =	rddreg [dreg:$0xe];
	[sflag:s30] =	ssyncadd.s32 $0xFFFFE780  }
0x3e: {  	[spmem:s26] =	stream.linear.scatter [tilespmem:s14], [sflag:$0x4], $0x1880, $0x38;
	[tilespmem:$0x1F500] =	vst v63  }
0x3f: {  	_ =	swait.ge [sflag:s30], $0x1880  }
0x40: {  	[sflag:s30] =	ssyncset.done $0x0  }
0x41: {  	s26 =	rddreg [dreg:$0x1e];
	[sflag:s30] =	ssyncadd.s32 $0xFFFFE780  }
0x42: {  	[tilespmem:s14], [sflag:$0x4] =	stream.linear.gather [hbm4b:s26+s11], $0x1880, $0x38;
	[tilespmem:$0x1F500] =	vst v63  }
0x43: {  	_ =	swait.ge [sflag:s30], $0x1880  }
0x44: {  	[sflag:s30] =	ssyncset.done $0x0  }
0x45: {  	s26 =	rddreg [dreg:$0xf];
	[sflag:s30] =	ssyncadd.s32 $0xFFFFE780  }
0x46: {  	[spmem:s26] =	stream.linear.scatter [tilespmem:s14], [sflag:$0x4], $0x1880, $0x38;
	[tilespmem:$0x1F500] =	vst v63  }
0x47: {  	_ =	swait.ge [sflag:s30], $0x1880  }
0x48: {  	[sflag:s30] =	ssyncset.done $0x0  }
0x49: {  	s0 =	simm.s32 $0x40;
	s14 =	simm.s32 $0x0;
	[sflag:s30] =	ssyncadd.s32 $0xFFFFE780  }
.LBB2_2:
0x4a: {  	p0 =	sne.s32 s0, $0x61C0;
	[tilespmem:s14+$0xDC80] =	vst v0;
	s14 =	smov.u32 s0;
	s0 =	sadd.s32 $0x40, s0  }
.Ltmp0:
0x4b: {  	(pc) =	sbr.rel @p0 .LBB2_2-.Ltmp0, $2  }
0x4c: {  	_ =	sdelay $0x2  }
0x4d: {  	s14 =	sshra.s32 s14, $0x2  }
0x4e: {  	[tilespmem:s14+$0xDC80] =	vst v0;
	s26 =	simm.s32 $0xDC80  }
0x4f: {  	[spmem:s16] =	stream.linear.scatter [tilespmem:s26], [sflag:$0x4], $0x1880, $0x38;
	[tilespmem:$0x1F500] =	vst v63  }
0x50: {  	s16 =	simm.s32 $0x4  }
0x51: {  	_ =	swait.ge [sflag:s16], $0x1880  }
0x52: {  	[sflag:s16] =	ssyncset.done $0x0  }
0x53: {  	[sflag:s16] =	ssyncadd.s32 $0xFFFFE780  }
0x54: {  	[spmem:s25] =	stream.linear.scatter [tilespmem:s26], [sflag:$0x4], $0x1880, $0x38;
	[tilespmem:$0x1F500] =	vst v63  }
0x55: {  	_ =	swait.ge [sflag:s16], $0x1880  }
0x56: {  	[sflag:s16] =	ssyncset.done $0x0  }
0x57: {  	s0 =	rddreg [dreg:$0x12];
	[sflag:s16] =	ssyncadd.s32 $0xFFFFE780  }
0x58: {  	[spmem:s0] =	stream.linear.scatter [tilespmem:s26], [sflag:$0x4], $0x1880, $0x38;
	[tilespmem:$0x1F500] =	vst v63  }
0x59: {  	_ =	swait.ge [sflag:s16], $0x1880  }
0x5a: {  	[sflag:s16] =	ssyncset.done $0x0  }
0x5b: {  	s25 =	rddreg [dreg:$0x13];
	[sflag:s16] =	ssyncadd.s32 $0xFFFFE780  }
0x5c: {  	[spmem:s25] =	stream.linear.scatter [tilespmem:s26], [sflag:$0x4], $0x1880, $0x38;
	[tilespmem:$0x1F500] =	vst v63  }
0x5d: {  	_ =	swait.ge [sflag:s16], $0x1880  }
0x5e: {  	[sflag:s16] =	ssyncset.done $0x0  }
0x5f: {  	[sflag:s16] =	ssyncadd.s32 $0xFFFFE780  }
0x60: {  	[bflag:$0x0] =	sbarrier.arrive $0xFFFF  }
0x61: {  	s26 =	rddreg [dreg:$0x14]  }
0x62: {  	s25 =	simm.s32 $0x0;
	s30 =	rddreg [dreg:$0x15]  }
0x63: {  	[tilespmem:s18], [sflag:$0x1] =	stream.linear.gather [hbm4b:s26+s25], $0xFA0, $0x38;
	[tilespmem:$0x1F500] =	vst v63  }
0x64: {  	s14 =	rddreg [dreg:$0x16]  }
0x65: {  	[tilespmem:s24], [sflag:$0x1] =	stream.linear.gather [hbm4b:s30+s25], $0xFA0, $0x38;
	[tilespmem:$0x1F500] =	vst v63  }
0x66: {  	s16 =	simm.s32 $0x13500;
	s26 =	rddreg [dreg:$0x1f]  }
0x67: {  	[tilespmem:s16], [sflag:$0x1] =	stream.linear.gather [hbm4b:s14+s25], $0xFA0, $0x38;
	[tilespmem:$0x1F500] =	vst v63  }
0x68: {  	s30 =	simm.s32 $0x14500;
	s14 =	sld [smem:$0x7FC]  }
0x69: {  	[tilespmem:s30], [sflag:$0x1] =	stream.linear.gather [hbm4b:s26+s25], $0xFA0, $0x38;
	[tilespmem:$0x1F500] =	vst v63  }
0x6a: {  	s16 =	simm.s32 $0x15500;
	s26 =	sld [smem:$0x7FD]  }
0x6b: {  	[tilespmem:s16], [sflag:$0x1] =	stream.linear.gather [hbm4b:s14+s25], $0xFA0, $0x38;
	[tilespmem:$0x1F500] =	vst v63  }
0x6c: {  	s30 =	simm.s32 $0x16500  }
0x6d: {  	[tilespmem:s30], [sflag:$0x1] =	stream.linear.gather [hbm4b:s26+s25], $0xFA0, $0x38;
	[tilespmem:$0x1F500] =	vst v63  }
.LBB2_4:
0x6e: {  	_ =	swait.ge [sflag:s19], $0xFA0  }
0x6f: {  	[sflag:s19] =	ssyncset.done $0x0  }
0x70: {  	[sflag:s19] =	ssyncadd.s32 $0xFFFFF060  }
0x71: {  	_ =	swait.ge [sflag:s19], $0xFA0  }
0x72: {  	[sflag:s19] =	ssyncset.done $0x0  }
0x73: {  	[sflag:s19] =	ssyncadd.s32 $0xFFFFF060  }
0x74: {  	_ =	swait.ge [sflag:s19], $0xFA0  }
0x75: {  	[sflag:s19] =	ssyncset.done $0x0  }
0x76: {  	[sflag:s19] =	ssyncadd.s32 $0xFFFFF060  }
0x77: {  	_ =	swait.ge [sflag:s19], $0xFA0  }
0x78: {  	[sflag:s19] =	ssyncset.done $0x0  }
0x79: {  	[sflag:s19] =	ssyncadd.s32 $0xFFFFF060  }
0x7a: {  	_ =	swait.ge [sflag:s19], $0xFA0  }
0x7b: {  	s30 =	smul.u32 $0x1F40, s25;
	[sflag:s19] =	ssyncset.done $0x0  }
0x7c: {  	[sflag:s19] =	ssyncadd.s32 $0xFFFFF060  }
0x7d: {  	s0 =	sadd.s32 s30, s28;
	_ =	swait.ge [sflag:s19], $0xFA0  }
0x7e: {  	s0 =	sshrl.u32 s0, $0x3;
	[sflag:s19] =	ssyncset.done $0x0  }
0x7f: {  	s14 =	sadd.s32 s13, s0;
	[sflag:s19] =	ssyncadd.s32 $0xFFFFF060  }
0x80: {  	[tilespmem:s20], [sflag:$0x1] =	stream.linear.gather [hbm4b:s14+s11], $0xFA0, $0x38;
	[tilespmem:$0x1F500] =	vst v63  }
0x81: {  	s26 =	sadd.s32 s12, s0  }
0x82: {  	[tilespmem:s21], [sflag:$0x1] =	stream.linear.gather [hbm4b:s26+s11], $0xFA0, $0x38;
	[tilespmem:$0x1F500] =	vst v63  }
0x83: {  	s16 =	simm.s32 $0x17500;
	s0 =	sadd.s32 s23, s0  }
0x84: {  	[tilespmem:s16], [sflag:$0x1] =	stream.linear.gather [hbm4b:s0+s11], $0xFA0, $0x38;
	[tilespmem:$0x1F500] =	vst v63  }
0x85: {  	s26 =	sadd.s32 $0x61A80, s0;
	s16 =	simm.s32 $0x18500  }
0x86: {  	[tilespmem:s16], [sflag:$0x1] =	stream.linear.gather [hbm4b:s26+s11], $0xFA0, $0x38;
	[tilespmem:$0x1F500] =	vst v63  }
0x87: {  	s16 =	sadd.s32 $0xC3500, s0;
	s26 =	simm.s32 $0x19500  }
0x88: {  	[tilespmem:s26], [sflag:$0x1] =	stream.linear.gather [hbm4b:s16+s11], $0xFA0, $0x38;
	[tilespmem:$0x1F500] =	vst v63  }
0x89: {  	s0 =	sadd.s32 $0x124F80, s0;
	s16 =	simm.s32 $0x1A500  }
0x8a: {  	[tilespmem:s16], [sflag:$0x1] =	stream.linear.gather [hbm4b:s0+s11], $0xFA0, $0x38;
	[tilespmem:$0x1F500] =	vst v63  }
0x8b: {  	s26 =	rddreg [dreg:$0xa]  }
0x8c: {  	[tilespmem:s3], [sflag:$0x2] =	stream.indirect.gather [hbm4b:s26+s2], $0x1, s18, s2, $0xb8;
	[tilespmem:$0x1F500] =	vst v63  }
0x8d: {  	_ = 	snop  }
0x8e: {  	[tilespmem:s5], [sflag:$0x2] =	stream.indirect.gather [hbm4b:s31+s2], $0x1, s18, s2, $0xb8;
	[tilespmem:$0x1F500] =	vst v63  }
0x8f: {  	_ = 	snop  }
0x90: {  	[tilespmem:s22], [sflag:$0x2] =	stream.indirect.gather [hbm4b:s8+s2], $0x1, s18, s2, $0xb8;
	[tilespmem:$0x1F500] =	vst v63  }
0x91: {  	_ = 	snop  }
0x92: {  	[tilespmem:s17], [sflag:$0x2] =	stream.indirect.gather [hbm4b:s4+s2], $0x1, s18, s2, $0xb8;
	[tilespmem:$0x1F500] =	vst v63  }
0x93: {  	_ =	swait.ge [sflag:s15], $0xFA0  }
0x94: {  	[sflag:s15] =	ssyncset.done $0x0  }
0x95: {  	s14 =	simm.s32 $0x1B520;
	[sflag:s15] =	ssyncadd.s32 $0xFFFFF060  }
0x96: {  	s26 =	simm.s32 $0x13520;
	v6 =	vld [tilespmem:s14+$0x10]  }
0x97: {  	v7 =	vld [tilespmem:s26+$0x10]  }
0x98: {  	v3 =	vld [tilespmem:s26+$0xFFFFFFE0]  }
0x99: {  	v1 =	vld [tilespmem:s14+$0xFFFFFFF0]  }
0x9a: {  	v5 =	vld [tilespmem:s26+$0xFFFFFFF0]  }
0x9b: {  	v2 =	vld [tilespmem:s14+$0x0]  }
0x9c: {  	v4 =	vld [tilespmem:s26+$0x0];
	v7 =	vmul.f32 v7, v6  }
0x9d: {  	s16 =	simm.s32 $0x0;
	s0 =	simm.s32 $0x1B560;
	v6 =	vld [tilespmem:s14+$0xFFFFFFE0]  }
.LBB2_5:
0x9e: {  	v8 =	vld [tilespmem:s0+$0x10];
	[tilespmem:s14+$0x10] =	vst v7;
	s26 =	sadd.s32 $0x40, s26  }
0x9f: {  	s16 =	sadd.s32 $0x4, s16;
	v7 =	vld [tilespmem:s26+$0x10];
	v5 =	vmul.f32 v5, v1  }
0xa0: {  	p0 =	slt.u32 s16, $0xF4;
	v9 =	vld [tilespmem:s26+$0xFFFFFFE0]  }
.Ltmp1:
0xa1: {  	v1 =	vld [tilespmem:s0+$0xFFFFFFF0];
	[tilespmem:s14+$0xFFFFFFF0] =	vst v5;
	v4 =	vmul.f32 v4, v2;
	(pc) =	sbr.rel @p0 .LBB2_5-.Ltmp1, $4  }
0xa2: {  	v5 =	vld [tilespmem:s26+$0xFFFFFFF0];
	v10 =	vmul.f32 v3, v6  }
0xa3: {  	v2 =	vld [tilespmem:s0+$0x0];
	[tilespmem:s14+$0x0] =	vst v4  }
0xa4: {  	v4 =	vld [tilespmem:s26+$0x0];
	v7 =	vmul.f32 v7, v8;
	[tilespmem:s14+$0xFFFFFFE0] =	vst v10;
	s14 =	smov.u32 s0  }
0xa5: {  	s0 =	sadd.s32 $0x40, s0;
	v6 =	vld [tilespmem:s14+$0xFFFFFFE0];
	v3 =	vmov v9  }
0xa6: {  	_ =	sdelay $0x1  }
0xa7: {  	v1 =	vmul.f32 v5, v1  }
0xa8: {  	[tilespmem:s14+$0x10] =	vst v7;
	v2 =	vmul.f32 v4, v2  }
0xa9: {  	[tilespmem:s14+$0xFFFFFFF0] =	vst v1;
	v1 =	vmul.f32 v3, v6  }
0xaa: {  	[tilespmem:s14+$0x0] =	vst v2  }
0xab: {  	s0 =	simm.s32 $0x0;
	[tilespmem:s14+$0xFFFFFFE0] =	vst v1  }
.LBB2_7:
0xac: {  	s14 =	sshra.s32 s0, $0x2  }
0xad: {  	v1 =	vld [tilespmem:s14+$0x1C480]  }
0xae: {  	v2 =	vld [tilespmem:s14+$0x14480];
	_ =	sdelay $0x1  }
0xaf: {  	p0 =	sne.s32 s0, $0x40  }
.Ltmp2:
0xb0: {  	_ = 	snop;
	(pc) =	sbr.rel @p0 .LBB2_7-.Ltmp2, $3  }
0xb1: {  	_ = 	snop  }
0xb2: {  	v1 =	vmul.f32 v2, v1;
	_ =	sdelay $0x1  }
0xb3: {  	s0 =	sadd.s32 $0x40, s0;
	[tilespmem:s14+$0x1C480] =	vst v1  }
0xb4: {  	[spmem:s7] =	stream.indirect.scatter.add.f32 [tilespmem:s3], [sflag:$0x3], $0x1, s24, s2, $0xb8;
	[tilespmem:$0x1F500] =	vst v63  }
0xb5: {  	_ =	swait.ge [sflag:s15], $0xFA0  }
0xb6: {  	[sflag:s15] =	ssyncset.done $0x0  }
0xb7: {  	s14 =	simm.s32 $0x1C520;
	[sflag:s15] =	ssyncadd.s32 $0xFFFFF060  }
0xb8: {  	s26 =	simm.s32 $0x14520;
	v6 =	vld [tilespmem:s14+$0x10]  }
0xb9: {  	v7 =	vld [tilespmem:s26+$0x10]  }
0xba: {  	v3 =	vld [tilespmem:s26+$0xFFFFFFE0]  }
0xbb: {  	v1 =	vld [tilespmem:s14+$0xFFFFFFF0]  }
0xbc: {  	v5 =	vld [tilespmem:s26+$0xFFFFFFF0]  }
0xbd: {  	v2 =	vld [tilespmem:s14+$0x0]  }
0xbe: {  	v4 =	vld [tilespmem:s26+$0x0];
	v7 =	vmul.f32 v7, v6  }
0xbf: {  	s16 =	simm.s32 $0x0;
	s0 =	simm.s32 $0x1C560;
	v6 =	vld [tilespmem:s14+$0xFFFFFFE0]  }
.LBB2_9:
0xc0: {  	v8 =	vld [tilespmem:s0+$0x10];
	[tilespmem:s14+$0x10] =	vst v7;
	s26 =	sadd.s32 $0x40, s26  }
0xc1: {  	s16 =	sadd.s32 $0x4, s16;
	v7 =	vld [tilespmem:s26+$0x10];
	v5 =	vmul.f32 v5, v1  }
0xc2: {  	p0 =	slt.u32 s16, $0xF4;
	v9 =	vld [tilespmem:s26+$0xFFFFFFE0]  }
.Ltmp3:
0xc3: {  	v1 =	vld [tilespmem:s0+$0xFFFFFFF0];
	[tilespmem:s14+$0xFFFFFFF0] =	vst v5;
	v4 =	vmul.f32 v4, v2;
	(pc) =	sbr.rel @p0 .LBB2_9-.Ltmp3, $4  }
0xc4: {  	v5 =	vld [tilespmem:s26+$0xFFFFFFF0];
	v10 =	vmul.f32 v3, v6  }
0xc5: {  	v2 =	vld [tilespmem:s0+$0x0];
	[tilespmem:s14+$0x0] =	vst v4  }
0xc6: {  	v4 =	vld [tilespmem:s26+$0x0];
	v7 =	vmul.f32 v7, v8;
	[tilespmem:s14+$0xFFFFFFE0] =	vst v10;
	s14 =	smov.u32 s0  }
0xc7: {  	s0 =	sadd.s32 $0x40, s0;
	v6 =	vld [tilespmem:s14+$0xFFFFFFE0];
	v3 =	vmov v9  }
0xc8: {  	_ =	sdelay $0x1  }
0xc9: {  	v1 =	vmul.f32 v5, v1  }
0xca: {  	[tilespmem:s14+$0x10] =	vst v7;
	v2 =	vmul.f32 v4, v2  }
0xcb: {  	[tilespmem:s14+$0xFFFFFFF0] =	vst v1;
	v1 =	vmul.f32 v3, v6  }
0xcc: {  	[tilespmem:s14+$0x0] =	vst v2  }
0xcd: {  	s0 =	simm.s32 $0x0;
	[tilespmem:s14+$0xFFFFFFE0] =	vst v1  }
.LBB2_11:
0xce: {  	s14 =	sshra.s32 s0, $0x2  }
0xcf: {  	v1 =	vld [tilespmem:s14+$0x1D480]  }
0xd0: {  	v2 =	vld [tilespmem:s14+$0x15480];
	_ =	sdelay $0x1  }
0xd1: {  	p0 =	sne.s32 s0, $0x40  }
.Ltmp4:
0xd2: {  	_ = 	snop;
	(pc) =	sbr.rel @p0 .LBB2_11-.Ltmp4, $3  }
0xd3: {  	_ = 	snop  }
0xd4: {  	v1 =	vmul.f32 v2, v1;
	_ =	sdelay $0x1  }
0xd5: {  	s0 =	sadd.s32 $0x40, s0;
	[tilespmem:s14+$0x1D480] =	vst v1  }
0xd6: {  	[spmem:s9] =	stream.indirect.scatter.add.f32 [tilespmem:s5], [sflag:$0x3], $0x1, s24, s2, $0xb8;
	[tilespmem:$0x1F500] =	vst v63  }
0xd7: {  	_ =	swait.ge [sflag:s15], $0xFA0  }
0xd8: {  	[sflag:s15] =	ssyncset.done $0x0  }
0xd9: {  	s14 =	simm.s32 $0x1D520;
	[sflag:s15] =	ssyncadd.s32 $0xFFFFF060  }
0xda: {  	s26 =	simm.s32 $0x15520;
	v6 =	vld [tilespmem:s14+$0x10]  }
0xdb: {  	v7 =	vld [tilespmem:s26+$0x10]  }
0xdc: {  	v3 =	vld [tilespmem:s26+$0xFFFFFFE0]  }
0xdd: {  	v1 =	vld [tilespmem:s14+$0xFFFFFFF0]  }
0xde: {  	v5 =	vld [tilespmem:s26+$0xFFFFFFF0]  }
0xdf: {  	v2 =	vld [tilespmem:s14+$0x0]  }
0xe0: {  	v4 =	vld [tilespmem:s26+$0x0];
	v7 =	vmul.f32 v7, v6  }
0xe1: {  	s16 =	simm.s32 $0x0;
	s0 =	simm.s32 $0x1D560;
	v6 =	vld [tilespmem:s14+$0xFFFFFFE0]  }
.LBB2_13:
0xe2: {  	v8 =	vld [tilespmem:s0+$0x10];
	[tilespmem:s14+$0x10] =	vst v7;
	s26 =	sadd.s32 $0x40, s26  }
0xe3: {  	s16 =	sadd.s32 $0x4, s16;
	v7 =	vld [tilespmem:s26+$0x10];
	v5 =	vmul.f32 v5, v1  }
0xe4: {  	p0 =	slt.u32 s16, $0xF4;
	v9 =	vld [tilespmem:s26+$0xFFFFFFE0]  }
.Ltmp5:
0xe5: {  	v1 =	vld [tilespmem:s0+$0xFFFFFFF0];
	[tilespmem:s14+$0xFFFFFFF0] =	vst v5;
	v4 =	vmul.f32 v4, v2;
	(pc) =	sbr.rel @p0 .LBB2_13-.Ltmp5, $4  }
0xe6: {  	v5 =	vld [tilespmem:s26+$0xFFFFFFF0];
	v10 =	vmul.f32 v3, v6  }
0xe7: {  	v2 =	vld [tilespmem:s0+$0x0];
	[tilespmem:s14+$0x0] =	vst v4  }
0xe8: {  	v4 =	vld [tilespmem:s26+$0x0];
	v7 =	vmul.f32 v7, v8;
	[tilespmem:s14+$0xFFFFFFE0] =	vst v10;
	s14 =	smov.u32 s0  }
0xe9: {  	s0 =	sadd.s32 $0x40, s0;
	v6 =	vld [tilespmem:s14+$0xFFFFFFE0];
	v3 =	vmov v9  }
0xea: {  	_ =	sdelay $0x1  }
0xeb: {  	v1 =	vmul.f32 v5, v1  }
0xec: {  	[tilespmem:s14+$0x10] =	vst v7;
	v2 =	vmul.f32 v4, v2  }
0xed: {  	[tilespmem:s14+$0xFFFFFFF0] =	vst v1;
	v1 =	vmul.f32 v3, v6  }
0xee: {  	[tilespmem:s14+$0x0] =	vst v2  }
0xef: {  	s0 =	simm.s32 $0x0;
	[tilespmem:s14+$0xFFFFFFE0] =	vst v1  }
.LBB2_15:
0xf0: {  	s14 =	sshra.s32 s0, $0x2  }
0xf1: {  	v1 =	vld [tilespmem:s14+$0x1E480]  }
0xf2: {  	v2 =	vld [tilespmem:s14+$0x16480];
	_ =	sdelay $0x1  }
0xf3: {  	p0 =	sne.s32 s0, $0x40  }
.Ltmp6:
0xf4: {  	_ = 	snop;
	(pc) =	sbr.rel @p0 .LBB2_15-.Ltmp6, $3  }
0xf5: {  	_ = 	snop  }
0xf6: {  	v1 =	vmul.f32 v2, v1;
	_ =	sdelay $0x1  }
0xf7: {  	s0 =	sadd.s32 $0x40, s0;
	[tilespmem:s14+$0x1E480] =	vst v1  }
0xf8: {  	[spmem:s10] =	stream.indirect.scatter.add.f32 [tilespmem:s22], [sflag:$0x3], $0x1, s24, s2, $0xb8;
	[tilespmem:$0x1F500] =	vst v63  }
0xf9: {  	_ =	swait.ge [sflag:s15], $0xFA0  }
0xfa: {  	[sflag:s15] =	ssyncset.done $0x0  }
0xfb: {  	s14 =	simm.s32 $0x1E520;
	[sflag:s15] =	ssyncadd.s32 $0xFFFFF060  }
0xfc: {  	s26 =	simm.s32 $0x16520;
	v6 =	vld [tilespmem:s14+$0x10]  }
0xfd: {  	v7 =	vld [tilespmem:s26+$0x10]  }
0xfe: {  	v3 =	vld [tilespmem:s26+$0xFFFFFFE0]  }
0xff: {  	v1 =	vld [tilespmem:s14+$0xFFFFFFF0]  }
0x100: {  	v5 =	vld [tilespmem:s26+$0xFFFFFFF0]  }
0x101: {  	v2 =	vld [tilespmem:s14+$0x0]  }
0x102: {  	v4 =	vld [tilespmem:s26+$0x0];
	v7 =	vmul.f32 v7, v6  }
0x103: {  	s16 =	simm.s32 $0x0;
	s0 =	simm.s32 $0x1E560;
	v6 =	vld [tilespmem:s14+$0xFFFFFFE0]  }
.LBB2_17:
0x104: {  	v8 =	vld [tilespmem:s0+$0x10];
	[tilespmem:s14+$0x10] =	vst v7;
	s26 =	sadd.s32 $0x40, s26  }
0x105: {  	s16 =	sadd.s32 $0x4, s16;
	v7 =	vld [tilespmem:s26+$0x10];
	v5 =	vmul.f32 v5, v1  }
0x106: {  	p0 =	slt.u32 s16, $0xF4;
	v9 =	vld [tilespmem:s26+$0xFFFFFFE0]  }
.Ltmp7:
0x107: {  	v1 =	vld [tilespmem:s0+$0xFFFFFFF0];
	[tilespmem:s14+$0xFFFFFFF0] =	vst v5;
	v4 =	vmul.f32 v4, v2;
	(pc) =	sbr.rel @p0 .LBB2_17-.Ltmp7, $4  }
0x108: {  	v5 =	vld [tilespmem:s26+$0xFFFFFFF0];
	v10 =	vmul.f32 v3, v6  }
0x109: {  	v2 =	vld [tilespmem:s0+$0x0];
	[tilespmem:s14+$0x0] =	vst v4  }
0x10a: {  	v4 =	vld [tilespmem:s26+$0x0];
	v7 =	vmul.f32 v7, v8;
	[tilespmem:s14+$0xFFFFFFE0] =	vst v10;
	s14 =	smov.u32 s0  }
0x10b: {  	s0 =	sadd.s32 $0x40, s0;
	v6 =	vld [tilespmem:s14+$0xFFFFFFE0];
	v3 =	vmov v9  }
0x10c: {  	_ =	sdelay $0x1  }
0x10d: {  	v1 =	vmul.f32 v5, v1  }
0x10e: {  	[tilespmem:s14+$0x10] =	vst v7;
	v2 =	vmul.f32 v4, v2  }
0x10f: {  	[tilespmem:s14+$0xFFFFFFF0] =	vst v1;
	v1 =	vmul.f32 v3, v6  }
0x110: {  	[tilespmem:s14+$0x0] =	vst v2  }
0x111: {  	s0 =	simm.s32 $0x0;
	[tilespmem:s14+$0xFFFFFFE0] =	vst v1  }
.LBB2_19:
0x112: {  	s14 =	sshra.s32 s0, $0x2  }
0x113: {  	v1 =	vld [tilespmem:s14+$0x1F480]  }
0x114: {  	v2 =	vld [tilespmem:s14+$0x17480];
	_ =	sdelay $0x1  }
0x115: {  	p0 =	sne.s32 s0, $0x40  }
.Ltmp8:
0x116: {  	_ = 	snop;
	(pc) =	sbr.rel @p0 .LBB2_19-.Ltmp8, $3  }
0x117: {  	_ = 	snop  }
0x118: {  	v1 =	vmul.f32 v2, v1;
	_ =	sdelay $0x1  }
0x119: {  	s0 =	sadd.s32 $0x40, s0;
	[tilespmem:s14+$0x1F480] =	vst v1  }
0x11a: {  	[spmem:s6] =	stream.indirect.scatter.add.f32 [tilespmem:s17], [sflag:$0x3], $0x1, s24, s2, $0xb8;
	[tilespmem:$0x1F500] =	vst v63  }
0x11b: {  	_ =	swait.ge [sflag:s1], $0xFA0  }
0x11c: {  	[sflag:s1] =	ssyncset.done $0x0  }
0x11d: {  	[sflag:s1] =	ssyncadd.s32 $0xFFFFF060  }
0x11e: {  	_ =	swait.ge [sflag:s1], $0xFA0  }
0x11f: {  	[sflag:s1] =	ssyncset.done $0x0  }
0x120: {  	[sflag:s1] =	ssyncadd.s32 $0xFFFFF060  }
0x121: {  	_ =	swait.ge [sflag:s1], $0xFA0  }
0x122: {  	[sflag:s1] =	ssyncset.done $0x0  }
0x123: {  	[sflag:s1] =	ssyncadd.s32 $0xFFFFF060  }
0x124: {  	_ =	swait.ge [sflag:s1], $0xFA0  }
0x125: {  	[sflag:s1] =	ssyncset.done $0x0  }
0x126: {  	[sflag:s1] =	ssyncadd.s32 $0xFFFFF060  }
0x127: {  	_ =	swait.ge [sflag:s19], $0xFA0  }
0x128: {  	[sflag:s19] =	ssyncset.done $0x0  }
0x129: {  	[sflag:s19] =	ssyncadd.s32 $0xFFFFF060  }
0x12a: {  	_ =	swait.ge [sflag:s19], $0xFA0  }
0x12b: {  	[sflag:s19] =	ssyncset.done $0x0  }
0x12c: {  	[sflag:s19] =	ssyncadd.s32 $0xFFFFF060  }
0x12d: {  	_ =	swait.ge [sflag:s19], $0xFA0  }
0x12e: {  	[sflag:s19] =	ssyncset.done $0x0  }
0x12f: {  	[sflag:s19] =	ssyncadd.s32 $0xFFFFF060  }
0x130: {  	_ =	swait.ge [sflag:s19], $0xFA0  }
0x131: {  	[sflag:s19] =	ssyncset.done $0x0  }
0x132: {  	[sflag:s19] =	ssyncadd.s32 $0xFFFFF060  }
0x133: {  	_ =	swait.ge [sflag:s19], $0xFA0  }
0x134: {  	[sflag:s19] =	ssyncset.done $0x0  }
0x135: {  	[sflag:s19] =	ssyncadd.s32 $0xFFFFF060  }
0x136: {  	s0 =	sadd.s32 s30, s29;
	_ =	swait.ge [sflag:s19], $0xFA0  }
0x137: {  	s0 =	sshrl.u32 s0, $0x3;
	[sflag:s19] =	ssyncset.done $0x0  }
0x138: {  	s14 =	sadd.s32 s13, s0;
	[sflag:s19] =	ssyncadd.s32 $0xFFFFF060  }
0x139: {  	[tilespmem:s18], [sflag:$0x1] =	stream.linear.gather [hbm4b:s14+s11], $0xFA0, $0x38;
	[tilespmem:$0x1F500] =	vst v63  }
0x13a: {  	s16 =	sadd.s32 s12, s0  }
0x13b: {  	[tilespmem:s24], [sflag:$0x1] =	stream.linear.gather [hbm4b:s16+s11], $0xFA0, $0x38;
	[tilespmem:$0x1F500] =	vst v63  }
0x13c: {  	s26 =	simm.s32 $0x13500;
	s0 =	sadd.s32 s23, s0  }
0x13d: {  	[tilespmem:s26], [sflag:$0x1] =	stream.linear.gather [hbm4b:s0+s11], $0xFA0, $0x38;
	[tilespmem:$0x1F500] =	vst v63  }
0x13e: {  	s30 =	sadd.s32 $0x61A80, s0;
	s16 =	simm.s32 $0x14500  }
0x13f: {  	[tilespmem:s16], [sflag:$0x1] =	stream.linear.gather [hbm4b:s30+s11], $0xFA0, $0x38;
	[tilespmem:$0x1F500] =	vst v63  }
0x140: {  	s26 =	simm.s32 $0x15500;
	s16 =	sadd.s32 $0xC3500, s0  }
0x141: {  	[tilespmem:s26], [sflag:$0x1] =	stream.linear.gather [hbm4b:s16+s11], $0xFA0, $0x38;
	[tilespmem:$0x1F500] =	vst v63  }
0x142: {  	s0 =	sadd.s32 $0x124F80, s0;
	s30 =	simm.s32 $0x16500  }
0x143: {  	[tilespmem:s30], [sflag:$0x1] =	stream.linear.gather [hbm4b:s0+s11], $0xFA0, $0x38;
	[tilespmem:$0x1F500] =	vst v63  }
0x144: {  	s14 =	rddreg [dreg:$0x1]  }
0x145: {  	[tilespmem:s3], [sflag:$0x2] =	stream.indirect.gather [spmem:s14], $0x1, s20, s2, $0xb8;
	[tilespmem:$0x1F500] =	vst v63  }
0x146: {  	s16 =	rddreg [dreg:$0x2]  }
0x147: {  	[tilespmem:s5], [sflag:$0x2] =	stream.indirect.gather [spmem:s16], $0x1, s20, s2, $0xb8;
	[tilespmem:$0x1F500] =	vst v63  }
0x148: {  	s26 =	rddreg [dreg:$0x3]  }
0x149: {  	[tilespmem:s22], [sflag:$0x2] =	stream.indirect.gather [spmem:s26], $0x1, s20, s2, $0xb8;
	[tilespmem:$0x1F500] =	vst v63  }
0x14a: {  	s30 =	rddreg [dreg:$0x4]  }
0x14b: {  	[tilespmem:s17], [sflag:$0x2] =	stream.indirect.gather [spmem:s30], $0x1, s20, s2, $0xb8;
	[tilespmem:$0x1F500] =	vst v63  }
0x14c: {  	_ =	swait.ge [sflag:s15], $0xFA0  }
0x14d: {  	[sflag:s15] =	ssyncset.done $0x0  }
0x14e: {  	s14 =	simm.s32 $0x1B520;
	[sflag:s15] =	ssyncadd.s32 $0xFFFFF060  }
0x14f: {  	s26 =	simm.s32 $0x17520;
	v6 =	vld [tilespmem:s14+$0x10]  }
0x150: {  	v7 =	vld [tilespmem:s26+$0x10]  }
0x151: {  	v3 =	vld [tilespmem:s26+$0xFFFFFFE0]  }
0x152: {  	v1 =	vld [tilespmem:s14+$0xFFFFFFF0]  }
0x153: {  	v5 =	vld [tilespmem:s26+$0xFFFFFFF0]  }
0x154: {  	v2 =	vld [tilespmem:s14+$0x0]  }
0x155: {  	v4 =	vld [tilespmem:s26+$0x0];
	v7 =	vmul.f32 v7, v6  }
0x156: {  	s0 =	simm.s32 $0x1B560;
	s16 =	simm.s32 $0x0;
	v6 =	vld [tilespmem:s14+$0xFFFFFFE0]  }
.LBB2_21:
0x157: {  	v8 =	vld [tilespmem:s0+$0x10];
	[tilespmem:s14+$0x10] =	vst v7;
	s26 =	sadd.s32 $0x40, s26  }
0x158: {  	s16 =	sadd.s32 $0x4, s16;
	v7 =	vld [tilespmem:s26+$0x10];
	v5 =	vmul.f32 v5, v1  }
0x159: {  	p0 =	slt.u32 s16, $0xF4;
	v9 =	vld [tilespmem:s26+$0xFFFFFFE0]  }
.Ltmp9:
0x15a: {  	v1 =	vld [tilespmem:s0+$0xFFFFFFF0];
	[tilespmem:s14+$0xFFFFFFF0] =	vst v5;
	v4 =	vmul.f32 v4, v2;
	(pc) =	sbr.rel @p0 .LBB2_21-.Ltmp9, $4  }
0x15b: {  	v5 =	vld [tilespmem:s26+$0xFFFFFFF0];
	v10 =	vmul.f32 v3, v6  }
0x15c: {  	v2 =	vld [tilespmem:s0+$0x0];
	[tilespmem:s14+$0x0] =	vst v4  }
0x15d: {  	v4 =	vld [tilespmem:s26+$0x0];
	v7 =	vmul.f32 v7, v8;
	[tilespmem:s14+$0xFFFFFFE0] =	vst v10;
	s14 =	smov.u32 s0  }
0x15e: {  	s0 =	sadd.s32 $0x40, s0;
	v6 =	vld [tilespmem:s14+$0xFFFFFFE0];
	v3 =	vmov v9  }
0x15f: {  	_ =	sdelay $0x1  }
0x160: {  	v1 =	vmul.f32 v5, v1  }
0x161: {  	[tilespmem:s14+$0x10] =	vst v7;
	v2 =	vmul.f32 v4, v2  }
0x162: {  	[tilespmem:s14+$0xFFFFFFF0] =	vst v1;
	v1 =	vmul.f32 v3, v6  }
0x163: {  	[tilespmem:s14+$0x0] =	vst v2  }
0x164: {  	s0 =	simm.s32 $0x0;
	[tilespmem:s14+$0xFFFFFFE0] =	vst v1  }
.LBB2_23:
0x165: {  	s14 =	sshra.s32 s0, $0x2  }
0x166: {  	v1 =	vld [tilespmem:s14+$0x1C480]  }
0x167: {  	v2 =	vld [tilespmem:s14+$0x18480];
	_ =	sdelay $0x1  }
0x168: {  	p0 =	sne.s32 s0, $0x40  }
.Ltmp10:
0x169: {  	_ = 	snop;
	(pc) =	sbr.rel @p0 .LBB2_23-.Ltmp10, $3  }
0x16a: {  	_ = 	snop  }
0x16b: {  	v1 =	vmul.f32 v2, v1;
	_ =	sdelay $0x1  }
0x16c: {  	s0 =	sadd.s32 $0x40, s0;
	[tilespmem:s14+$0x1C480] =	vst v1  }
0x16d: {  	[spmem:s7] =	stream.indirect.scatter.add.f32 [tilespmem:s3], [sflag:$0x3], $0x1, s21, s2, $0xb8;
	[tilespmem:$0x1F500] =	vst v63  }
0x16e: {  	_ =	swait.ge [sflag:s15], $0xFA0  }
0x16f: {  	[sflag:s15] =	ssyncset.done $0x0  }
0x170: {  	s14 =	simm.s32 $0x1C520;
	[sflag:s15] =	ssyncadd.s32 $0xFFFFF060  }
0x171: {  	s26 =	simm.s32 $0x18520;
	v6 =	vld [tilespmem:s14+$0x10]  }
0x172: {  	v7 =	vld [tilespmem:s26+$0x10]  }
0x173: {  	v3 =	vld [tilespmem:s26+$0xFFFFFFE0]  }
0x174: {  	v1 =	vld [tilespmem:s14+$0xFFFFFFF0]  }
0x175: {  	v5 =	vld [tilespmem:s26+$0xFFFFFFF0]  }
0x176: {  	v2 =	vld [tilespmem:s14+$0x0]  }
0x177: {  	v4 =	vld [tilespmem:s26+$0x0];
	v7 =	vmul.f32 v7, v6  }
0x178: {  	s16 =	simm.s32 $0x0;
	s0 =	simm.s32 $0x1C560;
	v6 =	vld [tilespmem:s14+$0xFFFFFFE0]  }
.LBB2_25:
0x179: {  	v8 =	vld [tilespmem:s0+$0x10];
	[tilespmem:s14+$0x10] =	vst v7;
	s26 =	sadd.s32 $0x40, s26  }
0x17a: {  	s16 =	sadd.s32 $0x4, s16;
	v7 =	vld [tilespmem:s26+$0x10];
	v5 =	vmul.f32 v5, v1  }
0x17b: {  	p0 =	slt.u32 s16, $0xF4;
	v9 =	vld [tilespmem:s26+$0xFFFFFFE0]  }
.Ltmp11:
0x17c: {  	v1 =	vld [tilespmem:s0+$0xFFFFFFF0];
	[tilespmem:s14+$0xFFFFFFF0] =	vst v5;
	v4 =	vmul.f32 v4, v2;
	(pc) =	sbr.rel @p0 .LBB2_25-.Ltmp11, $4  }
0x17d: {  	v5 =	vld [tilespmem:s26+$0xFFFFFFF0];
	v10 =	vmul.f32 v3, v6  }
0x17e: {  	v2 =	vld [tilespmem:s0+$0x0];
	[tilespmem:s14+$0x0] =	vst v4  }
0x17f: {  	v4 =	vld [tilespmem:s26+$0x0];
	v7 =	vmul.f32 v7, v8;
	[tilespmem:s14+$0xFFFFFFE0] =	vst v10;
	s14 =	smov.u32 s0  }
0x180: {  	s0 =	sadd.s32 $0x40, s0;
	v6 =	vld [tilespmem:s14+$0xFFFFFFE0];
	v3 =	vmov v9  }
0x181: {  	_ =	sdelay $0x1  }
0x182: {  	v1 =	vmul.f32 v5, v1  }
0x183: {  	[tilespmem:s14+$0x10] =	vst v7;
	v2 =	vmul.f32 v4, v2  }
0x184: {  	[tilespmem:s14+$0xFFFFFFF0] =	vst v1;
	v1 =	vmul.f32 v3, v6  }
0x185: {  	[tilespmem:s14+$0x0] =	vst v2  }
0x186: {  	s0 =	simm.s32 $0x0;
	[tilespmem:s14+$0xFFFFFFE0] =	vst v1  }
.LBB2_27:
0x187: {  	s14 =	sshra.s32 s0, $0x2  }
0x188: {  	v1 =	vld [tilespmem:s14+$0x1D480]  }
0x189: {  	v2 =	vld [tilespmem:s14+$0x19480];
	_ =	sdelay $0x1  }
0x18a: {  	p0 =	sne.s32 s0, $0x40  }
.Ltmp12:
0x18b: {  	_ = 	snop;
	(pc) =	sbr.rel @p0 .LBB2_27-.Ltmp12, $3  }
0x18c: {  	_ = 	snop  }
0x18d: {  	v1 =	vmul.f32 v2, v1;
	_ =	sdelay $0x1  }
0x18e: {  	s0 =	sadd.s32 $0x40, s0;
	[tilespmem:s14+$0x1D480] =	vst v1  }
0x18f: {  	[spmem:s9] =	stream.indirect.scatter.add.f32 [tilespmem:s5], [sflag:$0x3], $0x1, s21, s2, $0xb8;
	[tilespmem:$0x1F500] =	vst v63  }
0x190: {  	_ =	swait.ge [sflag:s15], $0xFA0  }
0x191: {  	[sflag:s15] =	ssyncset.done $0x0  }
0x192: {  	s14 =	simm.s32 $0x1D520;
	[sflag:s15] =	ssyncadd.s32 $0xFFFFF060  }
0x193: {  	s26 =	simm.s32 $0x19520;
	v6 =	vld [tilespmem:s14+$0x10]  }
0x194: {  	v7 =	vld [tilespmem:s26+$0x10]  }
0x195: {  	v3 =	vld [tilespmem:s26+$0xFFFFFFE0]  }
0x196: {  	v1 =	vld [tilespmem:s14+$0xFFFFFFF0]  }
0x197: {  	v5 =	vld [tilespmem:s26+$0xFFFFFFF0]  }
0x198: {  	v2 =	vld [tilespmem:s14+$0x0]  }
0x199: {  	v4 =	vld [tilespmem:s26+$0x0];
	v7 =	vmul.f32 v7, v6  }
0x19a: {  	s16 =	simm.s32 $0x0;
	s0 =	simm.s32 $0x1D560;
	v6 =	vld [tilespmem:s14+$0xFFFFFFE0]  }
.LBB2_29:
0x19b: {  	v8 =	vld [tilespmem:s0+$0x10];
	[tilespmem:s14+$0x10] =	vst v7;
	s26 =	sadd.s32 $0x40, s26  }
0x19c: {  	s16 =	sadd.s32 $0x4, s16;
	v7 =	vld [tilespmem:s26+$0x10];
	v5 =	vmul.f32 v5, v1  }
0x19d: {  	p0 =	slt.u32 s16, $0xF4;
	v9 =	vld [tilespmem:s26+$0xFFFFFFE0]  }
.Ltmp13:
0x19e: {  	v1 =	vld [tilespmem:s0+$0xFFFFFFF0];
	[tilespmem:s14+$0xFFFFFFF0] =	vst v5;
	v4 =	vmul.f32 v4, v2;
	(pc) =	sbr.rel @p0 .LBB2_29-.Ltmp13, $4  }
0x19f: {  	v5 =	vld [tilespmem:s26+$0xFFFFFFF0];
	v10 =	vmul.f32 v3, v6  }
0x1a0: {  	v2 =	vld [tilespmem:s0+$0x0];
	[tilespmem:s14+$0x0] =	vst v4  }
0x1a1: {  	v4 =	vld [tilespmem:s26+$0x0];
	v7 =	vmul.f32 v7, v8;
	[tilespmem:s14+$0xFFFFFFE0] =	vst v10;
	s14 =	smov.u32 s0  }
0x1a2: {  	s0 =	sadd.s32 $0x40, s0;
	v6 =	vld [tilespmem:s14+$0xFFFFFFE0];
	v3 =	vmov v9  }
0x1a3: {  	_ =	sdelay $0x1  }
0x1a4: {  	v1 =	vmul.f32 v5, v1  }
0x1a5: {  	[tilespmem:s14+$0x10] =	vst v7;
	v2 =	vmul.f32 v4, v2  }
0x1a6: {  	[tilespmem:s14+$0xFFFFFFF0] =	vst v1;
	v1 =	vmul.f32 v3, v6  }
0x1a7: {  	[tilespmem:s14+$0x0] =	vst v2  }
0x1a8: {  	s0 =	simm.s32 $0x0;
	[tilespmem:s14+$0xFFFFFFE0] =	vst v1  }
.LBB2_31:
0x1a9: {  	s14 =	sshra.s32 s0, $0x2  }
0x1aa: {  	v1 =	vld [tilespmem:s14+$0x1E480]  }
0x1ab: {  	v2 =	vld [tilespmem:s14+$0x1A480];
	_ =	sdelay $0x1  }
0x1ac: {  	p0 =	sne.s32 s0, $0x40  }
.Ltmp14:
0x1ad: {  	_ = 	snop;
	(pc) =	sbr.rel @p0 .LBB2_31-.Ltmp14, $3  }
0x1ae: {  	_ = 	snop  }
0x1af: {  	v1 =	vmul.f32 v2, v1;
	_ =	sdelay $0x1  }
0x1b0: {  	s0 =	sadd.s32 $0x40, s0;
	[tilespmem:s14+$0x1E480] =	vst v1  }
0x1b1: {  	[spmem:s10] =	stream.indirect.scatter.add.f32 [tilespmem:s22], [sflag:$0x3], $0x1, s21, s2, $0xb8;
	[tilespmem:$0x1F500] =	vst v63  }
0x1b2: {  	_ =	swait.ge [sflag:s15], $0xFA0  }
0x1b3: {  	[sflag:s15] =	ssyncset.done $0x0  }
0x1b4: {  	s14 =	simm.s32 $0x1E520;
	[sflag:s15] =	ssyncadd.s32 $0xFFFFF060  }
0x1b5: {  	s26 =	simm.s32 $0x1A520;
	v6 =	vld [tilespmem:s14+$0x10]  }
0x1b6: {  	v7 =	vld [tilespmem:s26+$0x10]  }
0x1b7: {  	v3 =	vld [tilespmem:s26+$0xFFFFFFE0]  }
0x1b8: {  	v1 =	vld [tilespmem:s14+$0xFFFFFFF0]  }
0x1b9: {  	v5 =	vld [tilespmem:s26+$0xFFFFFFF0]  }
0x1ba: {  	v2 =	vld [tilespmem:s14+$0x0]  }
0x1bb: {  	v4 =	vld [tilespmem:s26+$0x0];
	v7 =	vmul.f32 v7, v6  }
0x1bc: {  	s16 =	simm.s32 $0x0;
	s0 =	simm.s32 $0x1E560;
	v6 =	vld [tilespmem:s14+$0xFFFFFFE0]  }
.LBB2_33:
0x1bd: {  	v8 =	vld [tilespmem:s0+$0x10];
	[tilespmem:s14+$0x10] =	vst v7;
	s26 =	sadd.s32 $0x40, s26  }
0x1be: {  	s16 =	sadd.s32 $0x4, s16;
	v7 =	vld [tilespmem:s26+$0x10];
	v5 =	vmul.f32 v5, v1  }
0x1bf: {  	p0 =	slt.u32 s16, $0xF4;
	v9 =	vld [tilespmem:s26+$0xFFFFFFE0]  }
.Ltmp15:
0x1c0: {  	v1 =	vld [tilespmem:s0+$0xFFFFFFF0];
	[tilespmem:s14+$0xFFFFFFF0] =	vst v5;
	v4 =	vmul.f32 v4, v2;
	(pc) =	sbr.rel @p0 .LBB2_33-.Ltmp15, $4  }
0x1c1: {  	v5 =	vld [tilespmem:s26+$0xFFFFFFF0];
	v10 =	vmul.f32 v3, v6  }
0x1c2: {  	v2 =	vld [tilespmem:s0+$0x0];
	[tilespmem:s14+$0x0] =	vst v4  }
0x1c3: {  	v4 =	vld [tilespmem:s26+$0x0];
	v7 =	vmul.f32 v7, v8;
	[tilespmem:s14+$0xFFFFFFE0] =	vst v10;
	s14 =	smov.u32 s0  }
0x1c4: {  	s0 =	sadd.s32 $0x40, s0;
	v6 =	vld [tilespmem:s14+$0xFFFFFFE0];
	v3 =	vmov v9  }
0x1c5: {  	_ =	sdelay $0x1  }
0x1c6: {  	v1 =	vmul.f32 v5, v1  }
0x1c7: {  	[tilespmem:s14+$0x10] =	vst v7;
	v2 =	vmul.f32 v4, v2  }
0x1c8: {  	[tilespmem:s14+$0xFFFFFFF0] =	vst v1;
	v1 =	vmul.f32 v3, v6  }
0x1c9: {  	[tilespmem:s14+$0x0] =	vst v2  }
0x1ca: {  	s0 =	simm.s32 $0x0;
	[tilespmem:s14+$0xFFFFFFE0] =	vst v1  }
.LBB2_35:
0x1cb: {  	s14 =	sshra.s32 s0, $0x2  }
0x1cc: {  	v1 =	vld [tilespmem:s14+$0x1F480]  }
0x1cd: {  	v2 =	vld [tilespmem:s14+$0x1B480];
	_ =	sdelay $0x1  }
0x1ce: {  	p0 =	sne.s32 s0, $0x40  }
.Ltmp16:
0x1cf: {  	_ = 	snop;
	(pc) =	sbr.rel @p0 .LBB2_35-.Ltmp16, $3  }
0x1d0: {  	_ = 	snop  }
0x1d1: {  	v1 =	vmul.f32 v2, v1;
	_ =	sdelay $0x1  }
0x1d2: {  	s0 =	sadd.s32 $0x40, s0;
	[tilespmem:s14+$0x1F480] =	vst v1  }
0x1d3: {  	[spmem:s6] =	stream.indirect.scatter.add.f32 [tilespmem:s17], [sflag:$0x3], $0x1, s21, s2, $0xb8;
	[tilespmem:$0x1F500] =	vst v63  }
0x1d4: {  	_ =	swait.ge [sflag:s1], $0xFA0  }
0x1d5: {  	[sflag:s1] =	ssyncset.done $0x0  }
0x1d6: {  	[sflag:s1] =	ssyncadd.s32 $0xFFFFF060  }
0x1d7: {  	_ =	swait.ge [sflag:s1], $0xFA0  }
0x1d8: {  	[sflag:s1] =	ssyncset.done $0x0  }
0x1d9: {  	s25 =	sadd.s32 $0x1, s25;
	[sflag:s1] =	ssyncadd.s32 $0xFFFFF060  }
0x1da: {  	p0 =	sne.s32 s25, $0xC;
	_ =	swait.ge [sflag:s1], $0xFA0  }
.Ltmp17:
0x1db: {  	[sflag:s1] =	ssyncset.done $0x0;
	(pc) =	sbr.rel @p0 .LBB2_4-.Ltmp17, $4  }
0x1dc: {  	[sflag:s1] =	ssyncadd.s32 $0xFFFFF060  }
0x1dd: {  	_ =	swait.ge [sflag:s1], $0xFA0  }
0x1de: {  	[sflag:s1] =	ssyncset.done $0x0  }
0x1df: {  	[sflag:s1] =	ssyncadd.s32 $0xFFFFF060  }
0x1e0: {  	_ =	swait.ge [sflag:s19], $0xFA0  }
0x1e1: {  	[sflag:s19] =	ssyncset.done $0x0  }
0x1e2: {  	[sflag:s19] =	ssyncadd.s32 $0xFFFFF060  }
0x1e3: {  	_ =	swait.ge [sflag:s19], $0xFA0  }
0x1e4: {  	[sflag:s19] =	ssyncset.done $0x0  }
0x1e5: {  	[sflag:s19] =	ssyncadd.s32 $0xFFFFF060  }
0x1e6: {  	_ =	swait.ge [sflag:s19], $0xFA0  }
0x1e7: {  	[sflag:s19] =	ssyncset.done $0x0  }
0x1e8: {  	[sflag:s19] =	ssyncadd.s32 $0xFFFFF060  }
0x1e9: {  	_ =	swait.ge [sflag:s19], $0xFA0  }
0x1ea: {  	[sflag:s19] =	ssyncset.done $0x0  }
0x1eb: {  	[sflag:s19] =	ssyncadd.s32 $0xFFFFF060  }
0x1ec: {  	_ =	swait.ge [sflag:s19], $0xFA0  }
0x1ed: {  	[sflag:s19] =	ssyncset.done $0x0  }
0x1ee: {  	[sflag:s19] =	ssyncadd.s32 $0xFFFFF060  }
0x1ef: {  	_ =	swait.ge [sflag:s19], $0xFA0  }
0x1f0: {  	[sflag:s19] =	ssyncset.done $0x0  }
0x1f1: {  	[sflag:s19] =	ssyncadd.s32 $0xFFFFF060  }
0x1f2: {  	s0 =	rddreg [dreg:$0x1]  }
0x1f3: {  	[tilespmem:s3], [sflag:$0x2] =	stream.indirect.gather [spmem:s0], $0x1, s18, s2, $0xb8;
	[tilespmem:$0x1F500] =	vst v63  }
0x1f4: {  	s25 =	rddreg [dreg:$0x2]  }
0x1f5: {  	[tilespmem:s5], [sflag:$0x2] =	stream.indirect.gather [spmem:s25], $0x1, s18, s2, $0xb8;
	[tilespmem:$0x1F500] =	vst v63  }
0x1f6: {  	s26 =	rddreg [dreg:$0x3]  }
0x1f7: {  	[tilespmem:s22], [sflag:$0x2] =	stream.indirect.gather [spmem:s26], $0x1, s18, s2, $0xb8;
	[tilespmem:$0x1F500] =	vst v63  }
0x1f8: {  	s30 =	rddreg [dreg:$0x4]  }
0x1f9: {  	[tilespmem:s17], [sflag:$0x2] =	stream.indirect.gather [spmem:s30], $0x1, s18, s2, $0xb8;
	[tilespmem:$0x1F500] =	vst v63  }
0x1fa: {  	_ =	swait.ge [sflag:s15], $0xFA0  }
0x1fb: {  	[sflag:s15] =	ssyncset.done $0x0  }
0x1fc: {  	s14 =	simm.s32 $0x1B520;
	[sflag:s15] =	ssyncadd.s32 $0xFFFFF060  }
0x1fd: {  	s25 =	simm.s32 $0x13520;
	v6 =	vld [tilespmem:s14+$0x10]  }
0x1fe: {  	v7 =	vld [tilespmem:s25+$0x10]  }
0x1ff: {  	v3 =	vld [tilespmem:s25+$0xFFFFFFE0]  }
0x200: {  	v1 =	vld [tilespmem:s14+$0xFFFFFFF0]  }
0x201: {  	v5 =	vld [tilespmem:s25+$0xFFFFFFF0]  }
0x202: {  	v2 =	vld [tilespmem:s14+$0x0]  }
0x203: {  	v4 =	vld [tilespmem:s25+$0x0];
	v7 =	vmul.f32 v7, v6  }
0x204: {  	s16 =	simm.s32 $0x0;
	s0 =	simm.s32 $0x1B560;
	v6 =	vld [tilespmem:s14+$0xFFFFFFE0]  }
.LBB2_38:
0x205: {  	v8 =	vld [tilespmem:s0+$0x10];
	[tilespmem:s14+$0x10] =	vst v7;
	s25 =	sadd.s32 $0x40, s25  }
0x206: {  	s16 =	sadd.s32 $0x4, s16;
	v7 =	vld [tilespmem:s25+$0x10];
	v5 =	vmul.f32 v5, v1  }
0x207: {  	p0 =	slt.u32 s16, $0xF4;
	v9 =	vld [tilespmem:s25+$0xFFFFFFE0]  }
.Ltmp18:
0x208: {  	v1 =	vld [tilespmem:s0+$0xFFFFFFF0];
	[tilespmem:s14+$0xFFFFFFF0] =	vst v5;
	v4 =	vmul.f32 v4, v2;
	(pc) =	sbr.rel @p0 .LBB2_38-.Ltmp18, $4  }
0x209: {  	v5 =	vld [tilespmem:s25+$0xFFFFFFF0];
	v10 =	vmul.f32 v3, v6  }
0x20a: {  	v2 =	vld [tilespmem:s0+$0x0];
	[tilespmem:s14+$0x0] =	vst v4  }
0x20b: {  	v4 =	vld [tilespmem:s25+$0x0];
	v7 =	vmul.f32 v7, v8;
	[tilespmem:s14+$0xFFFFFFE0] =	vst v10;
	s14 =	smov.u32 s0  }
0x20c: {  	s0 =	sadd.s32 $0x40, s0;
	v6 =	vld [tilespmem:s14+$0xFFFFFFE0];
	v3 =	vmov v9  }
0x20d: {  	_ =	sdelay $0x1  }
0x20e: {  	v1 =	vmul.f32 v5, v1  }
0x20f: {  	[tilespmem:s14+$0x10] =	vst v7;
	v2 =	vmul.f32 v4, v2  }
0x210: {  	[tilespmem:s14+$0xFFFFFFF0] =	vst v1;
	v1 =	vmul.f32 v3, v6  }
0x211: {  	[tilespmem:s14+$0x0] =	vst v2  }
0x212: {  	s0 =	simm.s32 $0x0;
	[tilespmem:s14+$0xFFFFFFE0] =	vst v1  }
.LBB2_40:
0x213: {  	s14 =	sshra.s32 s0, $0x2  }
0x214: {  	v1 =	vld [tilespmem:s14+$0x1C480]  }
0x215: {  	v2 =	vld [tilespmem:s14+$0x14480];
	_ =	sdelay $0x1  }
0x216: {  	p0 =	sne.s32 s0, $0x40  }
.Ltmp19:
0x217: {  	_ = 	snop;
	(pc) =	sbr.rel @p0 .LBB2_40-.Ltmp19, $3  }
0x218: {  	_ = 	snop  }
0x219: {  	v1 =	vmul.f32 v2, v1;
	_ =	sdelay $0x1  }
0x21a: {  	s0 =	sadd.s32 $0x40, s0;
	[tilespmem:s14+$0x1C480] =	vst v1  }
0x21b: {  	[spmem:s7] =	stream.indirect.scatter.add.f32 [tilespmem:s3], [sflag:$0x3], $0x1, s24, s2, $0xb8;
	[tilespmem:$0x1F500] =	vst v63  }
0x21c: {  	_ =	swait.ge [sflag:s15], $0xFA0  }
0x21d: {  	[sflag:s15] =	ssyncset.done $0x0  }
0x21e: {  	s14 =	simm.s32 $0x1C520;
	[sflag:s15] =	ssyncadd.s32 $0xFFFFF060  }
0x21f: {  	s25 =	simm.s32 $0x14520;
	v6 =	vld [tilespmem:s14+$0x10]  }
0x220: {  	v7 =	vld [tilespmem:s25+$0x10]  }
0x221: {  	v3 =	vld [tilespmem:s25+$0xFFFFFFE0]  }
0x222: {  	v1 =	vld [tilespmem:s14+$0xFFFFFFF0]  }
0x223: {  	v5 =	vld [tilespmem:s25+$0xFFFFFFF0]  }
0x224: {  	v2 =	vld [tilespmem:s14+$0x0]  }
0x225: {  	v4 =	vld [tilespmem:s25+$0x0];
	v7 =	vmul.f32 v7, v6  }
0x226: {  	s16 =	simm.s32 $0x0;
	s0 =	simm.s32 $0x1C560;
	v6 =	vld [tilespmem:s14+$0xFFFFFFE0]  }
.LBB2_42:
0x227: {  	v8 =	vld [tilespmem:s0+$0x10];
	[tilespmem:s14+$0x10] =	vst v7;
	s25 =	sadd.s32 $0x40, s25  }
0x228: {  	s16 =	sadd.s32 $0x4, s16;
	v7 =	vld [tilespmem:s25+$0x10];
	v5 =	vmul.f32 v5, v1  }
0x229: {  	p0 =	slt.u32 s16, $0xF4;
	v9 =	vld [tilespmem:s25+$0xFFFFFFE0]  }
.Ltmp20:
0x22a: {  	v1 =	vld [tilespmem:s0+$0xFFFFFFF0];
	[tilespmem:s14+$0xFFFFFFF0] =	vst v5;
	v4 =	vmul.f32 v4, v2;
	(pc) =	sbr.rel @p0 .LBB2_42-.Ltmp20, $4  }
0x22b: {  	v5 =	vld [tilespmem:s25+$0xFFFFFFF0];
	v10 =	vmul.f32 v3, v6  }
0x22c: {  	v2 =	vld [tilespmem:s0+$0x0];
	[tilespmem:s14+$0x0] =	vst v4  }
0x22d: {  	v4 =	vld [tilespmem:s25+$0x0];
	v7 =	vmul.f32 v7, v8;
	[tilespmem:s14+$0xFFFFFFE0] =	vst v10;
	s14 =	smov.u32 s0  }
0x22e: {  	s0 =	sadd.s32 $0x40, s0;
	v6 =	vld [tilespmem:s14+$0xFFFFFFE0];
	v3 =	vmov v9  }
0x22f: {  	_ =	sdelay $0x1  }
0x230: {  	v1 =	vmul.f32 v5, v1  }
0x231: {  	[tilespmem:s14+$0x10] =	vst v7;
	v2 =	vmul.f32 v4, v2  }
0x232: {  	[tilespmem:s14+$0xFFFFFFF0] =	vst v1;
	v1 =	vmul.f32 v3, v6  }
0x233: {  	[tilespmem:s14+$0x0] =	vst v2  }
0x234: {  	s0 =	simm.s32 $0x0;
	[tilespmem:s14+$0xFFFFFFE0] =	vst v1  }
.LBB2_44:
0x235: {  	s14 =	sshra.s32 s0, $0x2  }
0x236: {  	v1 =	vld [tilespmem:s14+$0x1D480]  }
0x237: {  	v2 =	vld [tilespmem:s14+$0x15480];
	_ =	sdelay $0x1  }
0x238: {  	p0 =	sne.s32 s0, $0x40  }
.Ltmp21:
0x239: {  	_ = 	snop;
	(pc) =	sbr.rel @p0 .LBB2_44-.Ltmp21, $3  }
0x23a: {  	_ = 	snop  }
0x23b: {  	v1 =	vmul.f32 v2, v1;
	_ =	sdelay $0x1  }
0x23c: {  	s0 =	sadd.s32 $0x40, s0;
	[tilespmem:s14+$0x1D480] =	vst v1  }
0x23d: {  	[spmem:s9] =	stream.indirect.scatter.add.f32 [tilespmem:s5], [sflag:$0x3], $0x1, s24, s2, $0xb8;
	[tilespmem:$0x1F500] =	vst v63  }
0x23e: {  	_ =	swait.ge [sflag:s15], $0xFA0  }
0x23f: {  	[sflag:s15] =	ssyncset.done $0x0  }
0x240: {  	s14 =	simm.s32 $0x1D520;
	[sflag:s15] =	ssyncadd.s32 $0xFFFFF060  }
0x241: {  	s25 =	simm.s32 $0x15520;
	v6 =	vld [tilespmem:s14+$0x10]  }
0x242: {  	v7 =	vld [tilespmem:s25+$0x10]  }
0x243: {  	v3 =	vld [tilespmem:s25+$0xFFFFFFE0]  }
0x244: {  	v1 =	vld [tilespmem:s14+$0xFFFFFFF0]  }
0x245: {  	v5 =	vld [tilespmem:s25+$0xFFFFFFF0]  }
0x246: {  	v2 =	vld [tilespmem:s14+$0x0]  }
0x247: {  	v4 =	vld [tilespmem:s25+$0x0];
	v7 =	vmul.f32 v7, v6  }
0x248: {  	s16 =	simm.s32 $0x0;
	s0 =	simm.s32 $0x1D560;
	v6 =	vld [tilespmem:s14+$0xFFFFFFE0]  }
.LBB2_46:
0x249: {  	v8 =	vld [tilespmem:s0+$0x10];
	[tilespmem:s14+$0x10] =	vst v7;
	s25 =	sadd.s32 $0x40, s25  }
0x24a: {  	s16 =	sadd.s32 $0x4, s16;
	v7 =	vld [tilespmem:s25+$0x10];
	v5 =	vmul.f32 v5, v1  }
0x24b: {  	p0 =	slt.u32 s16, $0xF4;
	v9 =	vld [tilespmem:s25+$0xFFFFFFE0]  }
.Ltmp22:
0x24c: {  	v1 =	vld [tilespmem:s0+$0xFFFFFFF0];
	[tilespmem:s14+$0xFFFFFFF0] =	vst v5;
	v4 =	vmul.f32 v4, v2;
	(pc) =	sbr.rel @p0 .LBB2_46-.Ltmp22, $4  }
0x24d: {  	v5 =	vld [tilespmem:s25+$0xFFFFFFF0];
	v10 =	vmul.f32 v3, v6  }
0x24e: {  	v2 =	vld [tilespmem:s0+$0x0];
	[tilespmem:s14+$0x0] =	vst v4  }
0x24f: {  	v4 =	vld [tilespmem:s25+$0x0];
	v7 =	vmul.f32 v7, v8;
	[tilespmem:s14+$0xFFFFFFE0] =	vst v10;
	s14 =	smov.u32 s0  }
0x250: {  	s0 =	sadd.s32 $0x40, s0;
	v6 =	vld [tilespmem:s14+$0xFFFFFFE0];
	v3 =	vmov v9  }
0x251: {  	_ =	sdelay $0x1  }
0x252: {  	v1 =	vmul.f32 v5, v1  }
0x253: {  	[tilespmem:s14+$0x10] =	vst v7;
	v2 =	vmul.f32 v4, v2  }
0x254: {  	[tilespmem:s14+$0xFFFFFFF0] =	vst v1;
	v1 =	vmul.f32 v3, v6  }
0x255: {  	[tilespmem:s14+$0x0] =	vst v2  }
0x256: {  	s0 =	simm.s32 $0x0;
	[tilespmem:s14+$0xFFFFFFE0] =	vst v1  }
.LBB2_48:
0x257: {  	s14 =	sshra.s32 s0, $0x2  }
0x258: {  	v1 =	vld [tilespmem:s14+$0x1E480]  }
0x259: {  	v2 =	vld [tilespmem:s14+$0x16480];
	_ =	sdelay $0x1  }
0x25a: {  	p0 =	sne.s32 s0, $0x40  }
.Ltmp23:
0x25b: {  	_ = 	snop;
	(pc) =	sbr.rel @p0 .LBB2_48-.Ltmp23, $3  }
0x25c: {  	_ = 	snop  }
0x25d: {  	v1 =	vmul.f32 v2, v1;
	_ =	sdelay $0x1  }
0x25e: {  	s0 =	sadd.s32 $0x40, s0;
	[tilespmem:s14+$0x1E480] =	vst v1  }
0x25f: {  	[spmem:s10] =	stream.indirect.scatter.add.f32 [tilespmem:s22], [sflag:$0x3], $0x1, s24, s2, $0xb8;
	[tilespmem:$0x1F500] =	vst v63  }
0x260: {  	_ =	swait.ge [sflag:s15], $0xFA0  }
0x261: {  	[sflag:s15] =	ssyncset.done $0x0  }
0x262: {  	s14 =	simm.s32 $0x1E520;
	[sflag:s15] =	ssyncadd.s32 $0xFFFFF060  }
0x263: {  	s25 =	simm.s32 $0x16520;
	v6 =	vld [tilespmem:s14+$0x10]  }
0x264: {  	v7 =	vld [tilespmem:s25+$0x10]  }
0x265: {  	v3 =	vld [tilespmem:s25+$0xFFFFFFE0]  }
0x266: {  	v1 =	vld [tilespmem:s14+$0xFFFFFFF0]  }
0x267: {  	v5 =	vld [tilespmem:s25+$0xFFFFFFF0]  }
0x268: {  	v2 =	vld [tilespmem:s14+$0x0]  }
0x269: {  	v4 =	vld [tilespmem:s25+$0x0];
	v7 =	vmul.f32 v7, v6  }
0x26a: {  	s16 =	simm.s32 $0x0;
	s0 =	simm.s32 $0x1E560;
	v6 =	vld [tilespmem:s14+$0xFFFFFFE0]  }
.LBB2_50:
0x26b: {  	v8 =	vld [tilespmem:s0+$0x10];
	[tilespmem:s14+$0x10] =	vst v7;
	s25 =	sadd.s32 $0x40, s25  }
0x26c: {  	s16 =	sadd.s32 $0x4, s16;
	v7 =	vld [tilespmem:s25+$0x10];
	v5 =	vmul.f32 v5, v1  }
0x26d: {  	p0 =	slt.u32 s16, $0xF4;
	v9 =	vld [tilespmem:s25+$0xFFFFFFE0]  }
.Ltmp24:
0x26e: {  	v1 =	vld [tilespmem:s0+$0xFFFFFFF0];
	[tilespmem:s14+$0xFFFFFFF0] =	vst v5;
	v4 =	vmul.f32 v4, v2;
	(pc) =	sbr.rel @p0 .LBB2_50-.Ltmp24, $4  }
0x26f: {  	v5 =	vld [tilespmem:s25+$0xFFFFFFF0];
	v10 =	vmul.f32 v3, v6  }
0x270: {  	v2 =	vld [tilespmem:s0+$0x0];
	[tilespmem:s14+$0x0] =	vst v4  }
0x271: {  	v4 =	vld [tilespmem:s25+$0x0];
	v7 =	vmul.f32 v7, v8;
	[tilespmem:s14+$0xFFFFFFE0] =	vst v10;
	s14 =	smov.u32 s0  }
0x272: {  	s0 =	sadd.s32 $0x40, s0;
	v6 =	vld [tilespmem:s14+$0xFFFFFFE0];
	v3 =	vmov v9  }
0x273: {  	_ =	sdelay $0x1  }
0x274: {  	v1 =	vmul.f32 v5, v1  }
0x275: {  	[tilespmem:s14+$0x10] =	vst v7;
	v2 =	vmul.f32 v4, v2  }
0x276: {  	[tilespmem:s14+$0xFFFFFFF0] =	vst v1;
	v1 =	vmul.f32 v3, v6  }
0x277: {  	[tilespmem:s14+$0x0] =	vst v2  }
0x278: {  	s0 =	simm.s32 $0x0;
	[tilespmem:s14+$0xFFFFFFE0] =	vst v1  }
.LBB2_52:
0x279: {  	s14 =	sshra.s32 s0, $0x2  }
0x27a: {  	v1 =	vld [tilespmem:s14+$0x1F480]  }
0x27b: {  	v2 =	vld [tilespmem:s14+$0x17480];
	_ =	sdelay $0x1  }
0x27c: {  	p0 =	sne.s32 s0, $0x40  }
.Ltmp25:
0x27d: {  	_ = 	snop;
	(pc) =	sbr.rel @p0 .LBB2_52-.Ltmp25, $3  }
0x27e: {  	_ = 	snop  }
0x27f: {  	v1 =	vmul.f32 v2, v1;
	_ =	sdelay $0x1  }
0x280: {  	s0 =	sadd.s32 $0x40, s0;
	[tilespmem:s14+$0x1F480] =	vst v1  }
0x281: {  	[spmem:s6] =	stream.indirect.scatter.add.f32 [tilespmem:s17], [sflag:$0x3], $0x1, s24, s2, $0xb8;
	[tilespmem:$0x1F500] =	vst v63  }
0x282: {  	_ =	swait.ge [sflag:s1], $0xFA0  }
0x283: {  	[sflag:s1] =	ssyncset.done $0x0  }
0x284: {  	[sflag:s1] =	ssyncadd.s32 $0xFFFFF060  }
0x285: {  	_ =	swait.ge [sflag:s1], $0xFA0  }
0x286: {  	[sflag:s1] =	ssyncset.done $0x0  }
0x287: {  	[sflag:s1] =	ssyncadd.s32 $0xFFFFF060  }
0x288: {  	_ =	swait.ge [sflag:s1], $0xFA0  }
0x289: {  	[sflag:s1] =	ssyncset.done $0x0  }
0x28a: {  	[sflag:s1] =	ssyncadd.s32 $0xFFFFF060  }
0x28b: {  	_ =	swait.ge [sflag:s1], $0xFA0  }
0x28c: {  	[sflag:s1] =	ssyncset.done $0x0  }
0x28d: {  	[sflag:s1] =	ssyncadd.s32 $0xFFFFF060  }
0x28e: {  	s0 =	stileid.u32;
	[bflag:$0x0] =	sbarrier.arrive $0xFFFF  }
0x28f: {  	s26 =	simm.s32 $0x4;
	s0 =	sshll.u32 s0, $0x6;
	s16 =	rddreg [dreg:$0x10]  }
0x290: {  	s0 =	sor.u32 $0x1C04, s0;
	s25 =	rddreg [dreg:$0x17];
	s14 =	sshrl.u32 s16, $0x3  }
0x291: {  	[hbm:s25], [sflag:s0] =	dma.local [spmem:s14], $0x310  }
0x292: {  	_ =	swait.ge [sflag:s26], $0x310  }
0x293: {  	[sflag:s26] =	ssyncset.done $0x0;
	s25 =	rddreg [dreg:$0x11]  }
0x294: {  	s30 =	rddreg [dreg:$0x18];
	[sflag:s26] =	ssyncadd.s32 $0xFFFFFCF0;
	s14 =	sshrl.u32 s25, $0x3  }
0x295: {  	[hbm:s30], [sflag:s0] =	dma.local [spmem:s14], $0x310  }
0x296: {  	_ =	swait.ge [sflag:s26], $0x310  }
0x297: {  	[sflag:s26] =	ssyncset.done $0x0;
	s30 =	rddreg [dreg:$0x12]  }
0x298: {  	[sflag:s26] =	ssyncadd.s32 $0xFFFFFCF0;
	s14 =	sshrl.u32 s30, $0x3;
	s30 =	rddreg [dreg:$0x19]  }
0x299: {  	[hbm:s30], [sflag:s0] =	dma.local [spmem:s14], $0x310  }
0x29a: {  	_ =	swait.ge [sflag:s26], $0x310  }
0x29b: {  	[sflag:s26] =	ssyncset.done $0x0;
	s30 =	rddreg [dreg:$0x13]  }
0x29c: {  	[sflag:s26] =	ssyncadd.s32 $0xFFFFFCF0;
	s14 =	sshrl.u32 s30, $0x3;
	s26 =	rddreg [dreg:$0x1a]  }
0x29d: {  	[hbm:s26], [sflag:s0] =	dma.local [spmem:s14], $0x310  }
0x29e: {  	s14 =	simm.s32 $0x4  }
0x29f: {  	_ =	swait.ge [sflag:s14], $0x310  }
0x2a0: {  	s0 =	sld [smem:$0x7FB];
	_ =	sdelay $0x2  }
0x2a1: {  	s30 =	rddreg [dreg:$0x1b];
	s26 =	sadd.s32 $0x1, s0  }
0x2a2: {  	p0 =	sne.s32 s26, s30  }
.Ltmp26:
0x2a3: {  	_ = 	snop;
	(pc) =	sbr.rel @p0 .LBB2_1-.Ltmp26, $3  }
0x2a4: {  	_ =	sdelay $0x1  }
0x2a5: {  	[sflag:s14] =	ssyncset.done $0x0  }
0x2a6: {  	[sflag:s14] =	ssyncadd.s32 $0xFFFFFCF0  }
0x2a7: {  	_ =	sfence.sel $0x180000  }
0x2a8: {  	[bflag:$0x0] =	sbarrier.arrive $0xFFFF  }
0x2a9: {  	_ =	strace $0x90000047  }
0x2aa: {  	s0 =	stileid.u32;
	[bflag:$0x2] =	sbarrier.arrive $0xFFFF  }
0x2ab: {  	p0 =	sne.s32 s0, $0x0;
	s0 =	rddreg [dreg:$0x9]  }
0x2ac: {  	s0 =	sadd.s32 @!p0 $0x100000, s0  }
0x2ad: {  	[sflag:s0] =	ssyncadd.tile.s32 @!p0 $0x1;
	_ =	shalt  }
.Lfunc_end2:
_tile_overlayer_lowered:
.L_overlay_start_2:
0x2ae: {  	(tag) =	ssettag $0x2  }
0x2af: {  	s0 =	rddreg [dreg:$0x0];
	s2 =	stileid.u32  }
0x2b0: {  	s1 =	rddreg [dreg:$0x1];
	p0 =	sne.s32 s2, $0x0  }
0x2b1: {  	s3 =	rddreg [dreg:$0x2];
	[bflag:$0x3] =	sbarrier.arrive $0xFFFF;
	s2 =	simm.s32 @!p0 $0x1C04  }
0x2b2: {  	[timem:s3], [sflag:s2] =	dma.local @!p0 [hbm:s0], s1  }
0x2b3: {  	s0 =	simm.s32 @!p0 $0x4  }
0x2b4: {  	_ =	swait.ge @!p0 [sflag:s0], s1  }
0x2b5: {  	s1 =	ssub.s32 @!p0 $0x0, s1;
	[sflag:s0] =	ssyncset.done @!p0 $0x0  }
0x2b6: {  	[sflag:s0] =	ssyncadd.s32 @!p0 s1  }
0x2b7: {  	[bflag:$0x3] =	sbarrier.arrive $0xFFFF  }
0x2b8: {  	_ =	shalt  }

// kernel: kernel.8.cloned.1.call-start
scs
__scs_entry_jumppad:
0x0: {  	(pc) =	sbr.rel $0x88, $3  }
0x1: {  	(tag) =	ssettag $0x0;
	lr =	simm.s32 $0x1  }
0x2: {  	[smem:$0x3F9C] =	sst lr;
	_ =	strace $0xD0000000  }
0x3: {  	_ = 	snop  }
0x4: {  	_ = 	snop  }
0x5: {  	_ = 	snop  }
0x6: {  	_ = 	snop  }
0x7: {  	_ = 	snop  }
__scs_overlays_trampoline_lowered:
0x8: {  	[smem:$0x3FAB] =	sst s0  }
0x9: {  	[smem:$0x3FAC] =	sst s1  }
0xa: {  	[smem:$0x3FAD] =	sst s2  }
0xb: {  	[smem:$0x3FAE] =	sst s3  }
0xc: {  	[smem:$0x3FAF] =	sst s4  }
0xd: {  	[smem:$0x3FB0] =	sst s5  }
0xe: {  	[smem:$0x3FB1] =	sst s6  }
0xf: {  	[smem:$0x3FB2] =	sst s7  }
0x10: {  	[smem:$0x3FB3] =	sst s8  }
0x11: {  	[smem:$0x3FB4] =	sst s9;
	s0 =	simm.s32 @!p0 $0x0  }
0x12: {  	s1 =	sld [smem:$0x3F9A];
	s0 =	simm.s32 @p0 $0x1  }
0x13: {  	[smem:$0x3FB5] =	sst s0;
	s0 =	simm.s32 @!p1 $0x0  }
0x14: {  	s2 =	sld [smem:$0x3F99];
	s0 =	simm.s32 @p1 $0x1  }
0x15: {  	[smem:$0x3FB6] =	sst s0;
	s0 =	simm.s32 @!p2 $0x0  }
0x16: {  	s3 =	sld [smem:$0x3FDB];
	s0 =	simm.s32 @p2 $0x1  }
0x17: {  	s4 =	simm.s32 $0x1BF5;
	[smem:$0x3FB8] =	sst s0  }
0x18: {  	s0 =	sld [smem:$0x3F9B];
	_ =	swait.ge [sflag:s4], $0x0  }
0x19: {  	s7 =	sld [smem:$0x3F9C]  }
0x1a: {  	s8 =	sadd.s32 $0xFFFFE003, lr  }
0x1b: {  	s9 =	sadd.s32 $0xFFFFFEF7, lr;
	s5 =	simm.s32 $0xFFFFFFFF;
	p2 =	slt.u32 s8, $0xFFFFF086  }
0x1c: {  	p1 =	slt.u32 s9, $0xF7A;
	s5 =	simm.s32 @!p2 $0x0  }
0x1d: {  	s5 =	simm.s32 @p1 $0x1;
	p0 =	seq.s32 s7, s2  }
0x1e: {  	s7 =	smul.u32 @!p0 $0xF7A, s2;
	p2 =	seq.s32 @!p0 s5, $0x0  }
0x1f: {  	s9 =	smul.u32 $0xF7A, s1;
	s8 =	simm.s32 @!p0 $0x1BF5;
	p2 =	por !p2, p0  }
0x20: {  	[sflag:s8] =	ssyncset.s32 @!p0 $0xFFFFF086;
	s6 =	sadd.s32 @!p0 s3, s7;
	s7 =	simm.s32 @!p0 $0x108  }
0x21: {  	s3 =	sadd.s32 s3, s9;
	s6 =	sadd.s32 @!p0 $0x88, s6;
	s7 =	simm.s32 @p2 $0x1082  }
0x22: {  	[simem:s7], [sflag:s8] =	dma.local @!p0 [hbm:s6], $0xF7A  }
0x23: {  	s9 =	sor.u32 $0xD0000000, s2;
	s6 =	simm.s32 $0x108;
	_ =	swait.ge @!p0 [sflag:s8], $0x0  }
0x24: {  	s3 =	sadd.s32 $0x88, s3;
	s6 =	simm.s32 @!p1 $0x1082;
	[sflag:s4] =	ssyncset.s32 $0xFFFFF086  }
0x25: {  	[simem:s6], [sflag:s4] =	dma.local [hbm:s3], $0xF7A  }
0x26: {  	[smem:$0x3F9C] =	sst s1;
	(tag) =	ssettag s2;
	_ =	strace s9  }
0x27: {  	s1 =	sld [smem:$0x3FAC]  }
0x28: {  	s2 =	sld [smem:$0x3FAD]  }
0x29: {  	s4 =	sld [smem:$0x3FAF]  }
0x2a: {  	p0 =	seq.s32 s5, $0x0;
	s5 =	sld [smem:$0x3FB0]  }
0x2b: {  	s6 =	sld [smem:$0x3FB1]  }
0x2c: {  	s7 =	sld [smem:$0x3FB2]  }
0x2d: {  	s3 =	simm.s32 $0x108;
	s8 =	sld [smem:$0x3FB3]  }
0x2e: {  	s3 =	simm.s32 @!p0 $0x1082;
	s9 =	sld [smem:$0x3FB4]  }
0x2f: {  	lr =	sadd.s32 s0, s3;
	s0 =	sld [smem:$0x3FAB]  }
0x30: {  	s3 =	sld [smem:$0x3FAE]  }
0x31: {  	[smem:$0x3FB7] =	sst s10  }
0x32: {  	s10 =	sld [smem:$0x3FB5];
	_ =	sdelay $0x3  }
0x33: {  	p0 =	seq.s32 s10, $0x1;
	s10 =	sld [smem:$0x3FB7];
	_ =	sdelay $0x3  }
0x34: {  	[smem:$0x3FB7] =	sst s10  }
0x35: {  	s10 =	sld [smem:$0x3FB6];
	_ =	sdelay $0x3  }
0x36: {  	p1 =	seq.s32 s10, $0x1;
	s10 =	sld [smem:$0x3FB7];
	_ =	sdelay $0x3  }
0x37: {  	[smem:$0x3FB7] =	sst s10  }
0x38: {  	s10 =	sld [smem:$0x3FB8]  }
0x39: {  	_ = 	snop;
	(pc) =	sbr.ind lr, $3  }
0x3a: {  	_ = 	snop  }
0x3b: {  	_ = 	snop  }
0x3c: {  	p2 =	seq.s32 s10, $0x1;
	s10 =	sld [smem:$0x3FB7]  }
0x3d: {  	_ =	shalt  }
0x3e: {  	_ =	shalt  }
0x3f: {  	_ =	shalt  }
0x40: {  	_ =	shalt  }
0x41: {  	_ =	shalt  }
0x42: {  	_ =	shalt  }
0x43: {  	_ =	shalt  }
0x44: {  	_ =	shalt  }
0x45: {  	_ =	shalt  }
0x46: {  	_ =	shalt  }
0x47: {  	_ =	shalt  }
0x48: {  	_ =	shalt  }
0x49: {  	_ =	shalt  }
0x4a: {  	_ =	shalt  }
0x4b: {  	_ =	shalt  }
0x4c: {  	_ =	shalt  }
0x4d: {  	_ =	shalt  }
0x4e: {  	_ =	shalt  }
0x4f: {  	_ =	shalt  }
0x50: {  	_ =	shalt  }
0x51: {  	_ =	shalt  }
0x52: {  	_ =	shalt  }
0x53: {  	_ =	shalt  }
0x54: {  	_ =	shalt  }
0x55: {  	_ =	shalt  }
0x56: {  	_ =	shalt  }
0x57: {  	_ =	shalt  }
0x58: {  	_ =	shalt  }
0x59: {  	_ =	shalt  }
0x5a: {  	_ =	shalt  }
0x5b: {  	_ =	shalt  }
0x5c: {  	_ =	shalt  }
0x5d: {  	_ =	shalt  }
0x5e: {  	_ =	shalt  }
0x5f: {  	_ =	shalt  }
0x60: {  	_ =	shalt  }
0x61: {  	_ =	shalt  }
0x62: {  	_ =	shalt  }
0x63: {  	_ =	shalt  }
0x64: {  	_ =	shalt  }
0x65: {  	_ =	shalt  }
0x66: {  	_ =	shalt  }
0x67: {  	_ =	shalt  }
0x68: {  	_ =	shalt  }
0x69: {  	_ =	shalt  }
0x6a: {  	_ =	shalt  }
0x6b: {  	_ =	shalt  }
0x6c: {  	_ =	shalt  }
0x6d: {  	_ =	shalt  }
0x6e: {  	_ =	shalt  }
0x6f: {  	_ =	shalt  }
0x70: {  	_ =	shalt  }
0x71: {  	_ =	shalt  }
0x72: {  	_ =	shalt  }
0x73: {  	_ =	shalt  }
0x74: {  	_ =	shalt  }
0x75: {  	_ =	shalt  }
0x76: {  	_ =	shalt  }
0x77: {  	_ =	shalt  }
0x78: {  	_ =	shalt  }
0x79: {  	_ =	shalt  }
0x7a: {  	_ =	shalt  }
0x7b: {  	_ =	shalt  }
0x7c: {  	_ =	shalt  }
0x7d: {  	_ =	shalt  }
0x7e: {  	_ =	shalt  }
0x7f: {  	_ =	shalt  }
0x80: {  	_ =	shalt  }
0x81: {  	_ =	shalt  }
0x82: {  	_ =	shalt  }
0x83: {  	_ =	shalt  }
0x84: {  	_ =	shalt  }
0x85: {  	_ =	shalt  }
0x86: {  	_ =	shalt  }
0x87: {  	_ =	shalt  }
.Lfunc_end0:
.L_simem_size_0:
called_computation.1_lowered:
.L_overlay_start_0:
0x88: {  	s2 =	sld [smem:$0x3FD9]  }
0x89: {  	s3 =	sld [smem:$0x3FFE];
	_ =	sdelay $0x1  }
0x8a: {  	s1 =	srdreg.scid  }
0x8b: {  	s0 =	sand.u32 $0x1, s1  }
0x8c: {  	s16 =	sshll.u32 s0, $0xA;
	s2 =	sadd.s32 s3, s2  }
0x8d: {  	s2 =	sadd.s32 s2, s16  }
0x8e: {  	[smem:$0x3FC3] =	sst s2  }
0x8f: {  	_ = 	snop  }
0x90: {  	(tm) =	ssettm $0x1  }
0x91: {  	s17 =	sld [smem:$0x3FFB];
	_ =	sdelay $0x3  }
0x92: {  	_ =	strace s17  }
0x93: {  	s2 =	sld [smem:$0x3FFC];
	_ =	sdelay $0x3  }
0x94: {  	_ =	strace s2  }
0x95: {  	s2 =	sld [smem:$0x3FFD];
	_ =	sdelay $0x3  }
0x96: {  	_ =	strace s2  }
0x97: {  	_ =	strace $0x8FFFFFFF  }
0x98: {  	s18 =	sld [smem:$0x3FDB];
	_ =	sdelay $0x1  }
0x99: {  	s19 =	simm.s32 $_scs_section_size  }
0x9a: {  	s4 =	simm.s32 $_size__tile_overlayer_lowered;
	s5 =	simm.s32 $_tile_overlayer_lowered  }
0x9b: {  	s22 =	simm.s32 $0x1BFF;
	s21 =	sshll.u32 s5, $0x1;
	s2 =	sadd.s32 s19, s18  }
0x9c: {  	s6 =	simm.s32 $0x0;
	s20 =	sshll.u32 s4, $0x1;
	s4 =	sadd.s32 s21, s2  }
0x9d: {  	[timem:s6], [sflag:s22] =	dma.local [hbm:s4], s20  }
0x9e: {  	_ =	swait.ge [sflag:s22], s20  }
0x9f: {  	s3 =	ssub.s32 $0x0, s20;
	[sflag:s22] =	ssyncset.done $0x0  }
0xa0: {  	[sflag:s22] =	ssyncadd.s32 s3;
	_ =	sdelay $0x1  }
0xa1: {  	s23 =	simm.s32 $0x1B8B  }
0xa2: {  	_ =	swait.ge [sflag:s23], $0x1  }
0xa3: {  	[sflag:s23] =	ssyncset.done $0x0  }
0xa4: {  	s25 =	simm.s32 $0x1B8E;
	s24 =	sld [smem:$0x3FFE];
	[sflag:s23] =	ssyncadd.s32 $0xFFFFFFFF  }
0xa5: {  	s26 =	simm.s32 $execute0_lowered;
	[smem:$0x3FD2] =	sst s25  }
0xa6: {  	s4 =	sshll.u32 s26, $0x1;
	_ =	strace $0x80000049;
	[dreg:$0x1] =	wrdreg $0xFFFFFFFF  }
0xa7: {  	s28 =	simm.s32 $_size_execute0_lowered;
	s2 =	sadd.s32 s2, s4;
	[dreg:$0x0] =	wrdreg $0x0  }
0xa8: {  	s4 =	sshll.u32 s28, $0x1;
	[dreg:$0x2] =	wrdreg s2  }
0xa9: {  	[dreg:$0x3] =	wrdreg s4  }
0xaa: {  	[dreg:$0x4] =	wrdreg $0xC0  }
0xab: {  	_ =	task [dreg:s6], $0x5FFFF  }
0xac: {  	[dreg:$0x1] =	wrdreg $0xFFFFFFFF  }
0xad: {  	[dreg:$0x0] =	wrdreg $0x60  }
0xae: {  	[dreg:$0x2] =	wrdreg s24  }
0xaf: {  	[dreg:$0x3] =	wrdreg $0x0  }
0xb0: {  	[dreg:$0x4] =	wrdreg $0x18800  }
0xb1: {  	[dreg:$0x5] =	wrdreg $0x31000  }
0xb2: {  	[dreg:$0x6] =	wrdreg $0x49800  }
0xb3: {  	[dreg:$0x7] =	wrdreg $0x62000  }
0xb4: {  	[dreg:$0x8] =	wrdreg $0x7A800  }
0xb5: {  	[dreg:$0x9] =	wrdreg $0x93000  }
0xb6: {  	[dreg:$0xa] =	wrdreg $0xAB800  }
0xb7: {  	[dreg:$0xb] =	wrdreg $0x9  }
0xb8: {  	_ =	task.clear_ibuf [dreg:s6], $0xCFFFF;
	_ =	strace $0x90000049  }
0xb9: {  	s29 =	simm.s32 $0x9;
	_ =	strace $0x8000004B  }
0xba: {  	_ =	swait.ge [sflag:s29], $0x1  }
0xbb: {  	[sflag:s29] =	ssyncadd.s32 $0xFFFFFFFF  }
0xbc: {  	_ =	strace $0x9000004B  }
0xbd: {  	_ =	sfence  }
0xbe: {  	s30 =	sld [smem:$0x0];
	_ =	sdelay $0x2  }
0xbf: {  	s31 =	sshll.u32 s1, $0xD;
	s1 =	sshrl.u32 s1, $0x2  }
0xc0: {  	s3 =	sand.u32 $0x4000, s31;
	s1 =	sadd.s32 s1, s30  }
0xc1: {  	s0 =	sor.u32 s3, s0;
	s1 =	sshll.u32 s1, $0x11  }
0xc2: {  	s0 =	sor.u32 s1, s0  }
0xc3: {  	s0 =	sadd.s32 $0x8F2B, s0  }
0xc4: {  	[sflag:s0] =	ssyncadd.remote.s32 $0x1  }
0xc5: {  	_ =	sfence.sel $0xFFFF  }
0xc6: {  	[dreg:$0x0] =	wrdreg $0xFFFFFFFF;
	(pc) =	sbr.abs _section_cstart, $3  }
0xc7: {  	[dreg:$0x1] =	wrdreg $0xFFFFFFFF  }
0xc8: {  	_ =	task.clear_ibuf [dreg:s6], $0x2FFFF;
	_ =	strace $0x9FFFFFFF  }
0xc9: {  	(tm) =	ssettm $0x7FFFFFFF  }
tec
execute0_lowered:
.L_overlay_start_1:
0x0: {  	(tag) =	ssettag $0x1  }
0x1: {  	s28 =	rddreg [dreg:$0x0]  }
0x2: {  	s7 =	rddreg [dreg:$0x1]  }
0x3: {  	s20 =	rddreg [dreg:$0x2]  }
0x4: {  	s21 =	rddreg [dreg:$0x3]  }
0x5: {  	s23 =	rddreg [dreg:$0x4]  }
0x6: {  	s24 =	rddreg [dreg:$0x5]  }
0x7: {  	s19 =	stileid.u32;
	s25 =	rddreg [dreg:$0x6]  }
0x8: {  	s0 =	srdreg.scid;
	s26 =	rddreg [dreg:$0x7]  }
0x9: {  	s9 =	simm.s32 $0x0;
	s1 =	smul.u32 $0x1880, s19;
	s0 =	sand.u32 $0x1, s0  }
0xa: {  	[smem:$0x7FF] =	sst s9;
	s2 =	smul.u32 $0x62000, s0;
	s4 =	ssub.s32 $0x2, s0  }
0xb: {  	s3 =	sadd.s32 $0xE8400, s28;
	s5 =	sadd.s32 $0x100C00, s28;
	s6 =	sshrl.u32 s4, $0x1  }
0xc: {  	s10 =	sadd.s32 s1, s2;
	s4 =	ssub.s32 s4, s6;
	s15 =	sadd.s32 $0x18800, s2  }
0xd: {  	s12 =	sadd.s32 $0x31000, s2;
	s16 =	sadd.s32 $0x49800, s2;
	s2 =	sshrl.u32 s2, $0x3  }
0xe: {  	s6 =	sshrl.u32 s10, $0x3;
	s11 =	sadd.s32 s1, s15;
	s13 =	sadd.s32 s1, s12  }
0xf: {  	s18 =	sadd.s32 s1, s16;
	s2 =	sadd.s32 s5, s2;
	s10 =	sshrl.u32 s15, $0x3  }
0x10: {  	s12 =	sshrl.u32 s12, $0x3;
	s8 =	sadd.s32 s5, s6;
	[dreg:$0xd] =	wrdreg s2  }
0x11: {  	s11 =	sshrl.u32 s11, $0x3;
	s2 =	sadd.s32 s5, s10;
	[dreg:$0xa] =	wrdreg s8  }
0x12: {  	s18 =	sshrl.u32 s18, $0x3;
	s17 =	sadd.s32 s5, s11;
	[dreg:$0xe] =	wrdreg s2  }
0x13: {  	s15 =	sadd.s32 s5, s12;
	s14 =	sadd.s32 s5, s18;
	[dreg:$0xb] =	wrdreg s17  }
0x14: {  	s8 =	sadd.s32 s3, s18;
	s17 =	sshrl.u32 s13, $0x3;
	[dreg:$0xf] =	wrdreg s14  }
0x15: {  	s13 =	sshrl.u32 s16, $0x3;
	[dreg:$0x13] =	wrdreg s8;
	s22 =	sadd.s32 s5, s17  }
0x16: {  	s16 =	sadd.s32 s5, s13;
	s5 =	sadd.s32 s3, s11;
	[dreg:$0xc] =	wrdreg s22  }
0x17: {  	s22 =	sadd.s32 s3, s6;
	[dreg:$0x11] =	wrdreg s5  }
0x18: {  	s10 =	sshrl.u32 s1, $0x3;
	s6 =	sadd.s32 s3, s17;
	[dreg:$0x10] =	wrdreg s22  }
0x19: {  	s2 =	sadd.s32 s10, s28;
	[dreg:$0x12] =	wrdreg s6  }
0x1a: {  	s11 =	sadd.s32 $0xCFC00, s2;
	s22 =	rddreg [dreg:$0x8]  }
0x1b: {  	s12 =	sadd.s32 $0xDC000, s2;
	_ =	strace $0x8000004A;
	[dreg:$0x14] =	wrdreg s11  }
0x1c: {  	s0 =	sshll.u32 s0, $0x4;
	s13 =	sadd.s32 $0xD2D00, s2;
	[dreg:$0x15] =	wrdreg s12  }
0x1d: {  	s0 =	sor.u32 s19, s0;
	s14 =	sadd.s32 $0xDF100, s2;
	[dreg:$0x16] =	wrdreg s13  }
0x1e: {  	s0 =	smul.u32 $0x186A0, s0;
	s17 =	sadd.s32 $0xD5E00, s2;
	[dreg:$0x17] =	wrdreg s14  }
0x1f: {  	s31 =	simm.s32 $0x11500;
	s18 =	sadd.s32 $0xE2200, s2;
	[dreg:$0x18] =	wrdreg s17  }
0x20: {  	s29 =	sadd.s32 $0xFA0, s0;
	s5 =	sadd.s32 $0xD8F00, s2;
	[dreg:$0x19] =	wrdreg s18  }
0x21: {  	s30 =	sadd.s32 $0x1F40, s0;
	s2 =	sadd.s32 $0xE5300, s2;
	[dreg:$0x1a] =	wrdreg s5  }
0x22: {  	s10 =	sadd.s32 s1, s23;
	s6 =	sadd.s32 s1, s7;
	[dreg:$0x1b] =	wrdreg s2  }
0x23: {  	s23 =	sadd.s32 $0x61C00, s28;
	s7 =	sadd.s32 s1, s20;
	[dreg:$0x1c] =	wrdreg s6  }
0x24: {  	s8 =	sadd.s32 s1, s21;
	s3 =	simm.s32 $0xFA0;
	[dreg:$0x1d] =	wrdreg s7  }
0x25: {  	s20 =	smax.u32 s4, $0x1;
	s4 =	simm.s32 $0x1B500;
	[dreg:$0x1e] =	wrdreg s8  }
0x26: {  	[dreg:$0x1f] =	wrdreg s10;
	s8 =	smov.u32 s24;
	s7 =	sadd.s32 s1, s24  }
0x27: {  	s13 =	smov.u32 s25;
	s11 =	sadd.s32 s1, s26;
	[smem:$0x7F7] =	sst s20  }
0x28: {  	s17 =	sadd.s32 s1, s25;
	s1 =	sadd.s32 s1, s22;
	[smem:$0x7F3] =	sst s11  }
0x29: {  	s14 =	smov.u32 s26;
	s24 =	sadd.s32 $0x557600, s28;
	[smem:$0x7F4] =	sst s1  }
0x2a: {  	s12 =	sshrl.u32 s0, $0x3;
	s6 =	simm.s32 $0xC400;
	[smem:$0x7FC] =	sst s7  }
0x2b: {  	s20 =	simm.s32 $0x12500;
	s18 =	sadd.s32 s23, s12;
	[smem:$0x7FD] =	sst s17  }
0x2c: {  	s5 =	simm.s32 $0x1C500;
	s19 =	sadd.s32 s28, s12;
	[smem:$0x7F5] =	sst s18  }
0x2d: {  	s2 =	simm.s32 $0x0;
	s1 =	sadd.s32 s24, s12;
	[smem:$0x7F6] =	sst s19  }
0x2e: {  	s12 =	simm.s32 $0x4;
	s21 =	sadd.s32 $0x61A80, s1;
	[smem:$0x7FA] =	sst s1  }
0x2f: {  	s11 =	simm.s32 $0x2;
	s25 =	sadd.s32 $0xC3500, s1;
	[smem:$0x7F8] =	sst s21  }
0x30: {  	s26 =	sadd.s32 $0x124F80, s1;
	s18 =	simm.s32 $0x1;
	[smem:$0x7F9] =	sst s25  }
0x31: {  	s19 =	simm.s32 $0x10500;
	s1 =	simm.s32 $0x3;
	[smem:$0x7FB] =	sst s26  }
0x32: {  	v0 =	vimm.f32 $0.0e+00;
	s26 =	simm.s32 $0xF500;
	s21 =	simm.s32 $0x1D500;
	s25 =	simm.s32 $0x1E500  }
.LBB2_1:
0x33: {  	[smem:$0x7F2] =	sst s2  }
0x34: {  	s0 =	rddreg [dreg:$0x14]  }
0x35: {  	[tilespmem:s6], [sflag:$0x4] =	stream.linear.gather [hbm4b:s0+s9], $0x1880, $0x38;
	[tilespmem:$0x1F500] =	vst v63  }
0x36: {  	_ =	swait.ge [sflag:s12], $0x1880  }
0x37: {  	[sflag:s12] =	ssyncset.done $0x0  }
0x38: {  	s10 =	simm.s32 $0xDC80;
	s2 =	rddreg [dreg:$0x15];
	[sflag:s12] =	ssyncadd.s32 $0xFFFFE780  }
0x39: {  	[tilespmem:s10], [sflag:$0x4] =	stream.linear.gather [hbm4b:s2+s9], $0x1880, $0x38;
	[tilespmem:$0x1F500] =	vst v63  }
0x3a: {  	_ =	swait.ge [sflag:s12], $0x1880  }
0x3b: {  	[sflag:s12] =	ssyncset.done $0x0  }
0x3c: {  	s2 =	simm.s32 $0x0;
	[sflag:s12] =	ssyncadd.s32 $0xFFFFE780  }
0x3d: {  	s10 =	simm.s32 $0x40;
	v1 =	vld [tilespmem:s2+$0xDC80]  }
.LBB2_2:
0x3e: {  	p0 =	sne.s32 s10, $0x61C0;
	v2 =	vld [tilespmem:s2+$0xC400];
	_ =	sdelay $0x4  }
0x3f: {  	v1 =	vadd.f32 v1, v2;
	_ =	sdelay $0x1  }
0x40: {  	v2 =	vmax.f32 v1, $1.000000000e+00  }
0x41: {  	(erf) = vrcp.f32 v2;
	_ =	sdelay $0x7  }
.Ltmp0:
0x42: {  	(pc) =	sbr.rel @p0 .LBB2_2-.Ltmp0, $4  }
0x43: {  	v2 =	vpop (erf)  }
0x44: {  	v2 =	vmul.f32 v2, v1  }
0x45: {  	s0 =	sshra.s32 s10, $0x2  }
0x46: {  	s10 =	sadd.s32 $0x40, s10;
	v1 =	vld [tilespmem:s0+$0xDC80];
	[tilespmem:s2+$0xC400] =	vst v2;
	s2 =	smov.u32 s0  }
0x47: {  	v2 =	vld [tilespmem:s2+$0xC400];
	_ =	sdelay $0x4  }
0x48: {  	v1 =	vadd.f32 v1, v2;
	_ =	sdelay $0x1  }
0x49: {  	v2 =	vmax.f32 v1, $1.000000000e+00  }
0x4a: {  	(erf) = vrcp.f32 v2;
	_ =	sdelay $0x8  }
0x4b: {  	v2 =	vpop (erf)  }
0x4c: {  	v1 =	vmul.f32 v2, v1;
	_ =	sdelay $0x1  }
0x4d: {  	s0 =	simm.s32 $0x0;
	s10 =	rddreg [dreg:$0xa];
	[tilespmem:s2+$0xC400] =	vst v1  }
0x4e: {  	[hbm4b:s10+s0] =	stream.linear.scatter [tilespmem:s6], [sflag:$0x4], $0x1880, $0x38;
	[tilespmem:$0x1F500] =	vst v63  }
0x4f: {  	_ =	swait.ge [sflag:s12], $0x1880  }
0x50: {  	[sflag:s12] =	ssyncset.done $0x0  }
0x51: {  	s10 =	rddreg [dreg:$0x1c];
	[sflag:s12] =	ssyncadd.s32 $0xFFFFE780  }
0x52: {  	[spmem:s10] =	stream.linear.scatter [tilespmem:s6], [sflag:$0x4], $0x1880, $0x38;
	[tilespmem:$0x1F500] =	vst v63  }
0x53: {  	_ =	swait.ge [sflag:s12], $0x1880  }
0x54: {  	[sflag:s12] =	ssyncset.done $0x0  }
0x55: {  	s10 =	rddreg [dreg:$0x16];
	[sflag:s12] =	ssyncadd.s32 $0xFFFFE780  }
0x56: {  	[tilespmem:s6], [sflag:$0x4] =	stream.linear.gather [hbm4b:s10+s0], $0x1880, $0x38;
	[tilespmem:$0x1F500] =	vst v63  }
0x57: {  	_ =	swait.ge [sflag:s12], $0x1880  }
0x58: {  	[sflag:s12] =	ssyncset.done $0x0  }
0x59: {  	s10 =	simm.s32 $0xDC80;
	s2 =	rddreg [dreg:$0x17];
	[sflag:s12] =	ssyncadd.s32 $0xFFFFE780  }
0x5a: {  	[tilespmem:s10], [sflag:$0x4] =	stream.linear.gather [hbm4b:s2+s0], $0x1880, $0x38;
	[tilespmem:$0x1F500] =	vst v63  }
0x5b: {  	_ =	swait.ge [sflag:s12], $0x1880  }
0x5c: {  	[sflag:s12] =	ssyncset.done $0x0  }
0x5d: {  	s2 =	simm.s32 $0x0;
	[sflag:s12] =	ssyncadd.s32 $0xFFFFE780  }
0x5e: {  	s10 =	simm.s32 $0x40;
	v1 =	vld [tilespmem:s2+$0xDC80]  }
.LBB2_4:
0x5f: {  	p0 =	sne.s32 s10, $0x61C0;
	v2 =	vld [tilespmem:s2+$0xC400];
	_ =	sdelay $0x4  }
0x60: {  	v1 =	vadd.f32 v1, v2;
	_ =	sdelay $0x1  }
0x61: {  	v2 =	vmax.f32 v1, $1.000000000e+00  }
0x62: {  	(erf) = vrcp.f32 v2;
	_ =	sdelay $0x7  }
.Ltmp1:
0x63: {  	(pc) =	sbr.rel @p0 .LBB2_4-.Ltmp1, $4  }
0x64: {  	v2 =	vpop (erf)  }
0x65: {  	v2 =	vmul.f32 v2, v1  }
0x66: {  	s0 =	sshra.s32 s10, $0x2  }
0x67: {  	s10 =	sadd.s32 $0x40, s10;
	v1 =	vld [tilespmem:s0+$0xDC80];
	[tilespmem:s2+$0xC400] =	vst v2;
	s2 =	smov.u32 s0  }
0x68: {  	v2 =	vld [tilespmem:s2+$0xC400];
	_ =	sdelay $0x4  }
0x69: {  	v1 =	vadd.f32 v1, v2;
	_ =	sdelay $0x1  }
0x6a: {  	v2 =	vmax.f32 v1, $1.000000000e+00  }
0x6b: {  	(erf) = vrcp.f32 v2;
	_ =	sdelay $0x8  }
0x6c: {  	v2 =	vpop (erf)  }
0x6d: {  	v1 =	vmul.f32 v2, v1;
	_ =	sdelay $0x1  }
0x6e: {  	s0 =	simm.s32 $0x0;
	s10 =	rddreg [dreg:$0xb];
	[tilespmem:s2+$0xC400] =	vst v1  }
0x6f: {  	[hbm4b:s10+s0] =	stream.linear.scatter [tilespmem:s6], [sflag:$0x4], $0x1880, $0x38;
	[tilespmem:$0x1F500] =	vst v63  }
0x70: {  	_ =	swait.ge [sflag:s12], $0x1880  }
0x71: {  	[sflag:s12] =	ssyncset.done $0x0  }
0x72: {  	s10 =	rddreg [dreg:$0x1d];
	[sflag:s12] =	ssyncadd.s32 $0xFFFFE780  }
0x73: {  	[spmem:s10] =	stream.linear.scatter [tilespmem:s6], [sflag:$0x4], $0x1880, $0x38;
	[tilespmem:$0x1F500] =	vst v63  }
0x74: {  	_ =	swait.ge [sflag:s12], $0x1880  }
0x75: {  	[sflag:s12] =	ssyncset.done $0x0  }
0x76: {  	s10 =	rddreg [dreg:$0x18];
	[sflag:s12] =	ssyncadd.s32 $0xFFFFE780  }
0x77: {  	[tilespmem:s6], [sflag:$0x4] =	stream.linear.gather [hbm4b:s10+s0], $0x1880, $0x38;
	[tilespmem:$0x1F500] =	vst v63  }
0x78: {  	_ =	swait.ge [sflag:s12], $0x1880  }
0x79: {  	[sflag:s12] =	ssyncset.done $0x0  }
0x7a: {  	s10 =	simm.s32 $0xDC80;
	s2 =	rddreg [dreg:$0x19];
	[sflag:s12] =	ssyncadd.s32 $0xFFFFE780  }
0x7b: {  	[tilespmem:s10], [sflag:$0x4] =	stream.linear.gather [hbm4b:s2+s0], $0x1880, $0x38;
	[tilespmem:$0x1F500] =	vst v63  }
0x7c: {  	_ =	swait.ge [sflag:s12], $0x1880  }
0x7d: {  	[sflag:s12] =	ssyncset.done $0x0  }
0x7e: {  	s2 =	simm.s32 $0x0;
	[sflag:s12] =	ssyncadd.s32 $0xFFFFE780  }
0x7f: {  	s10 =	simm.s32 $0x40;
	v1 =	vld [tilespmem:s2+$0xDC80]  }
.LBB2_6:
0x80: {  	p0 =	sne.s32 s10, $0x61C0;
	v2 =	vld [tilespmem:s2+$0xC400];
	_ =	sdelay $0x4  }
0x81: {  	v1 =	vadd.f32 v1, v2;
	_ =	sdelay $0x1  }
0x82: {  	v2 =	vmax.f32 v1, $1.000000000e+00  }
0x83: {  	(erf) = vrcp.f32 v2;
	_ =	sdelay $0x7  }
.Ltmp2:
0x84: {  	(pc) =	sbr.rel @p0 .LBB2_6-.Ltmp2, $4  }
0x85: {  	v2 =	vpop (erf)  }
0x86: {  	v2 =	vmul.f32 v2, v1  }
0x87: {  	s0 =	sshra.s32 s10, $0x2  }
0x88: {  	s10 =	sadd.s32 $0x40, s10;
	v1 =	vld [tilespmem:s0+$0xDC80];
	[tilespmem:s2+$0xC400] =	vst v2;
	s2 =	smov.u32 s0  }
0x89: {  	v2 =	vld [tilespmem:s2+$0xC400];
	_ =	sdelay $0x4  }
0x8a: {  	v1 =	vadd.f32 v1, v2;
	_ =	sdelay $0x1  }
0x8b: {  	v2 =	vmax.f32 v1, $1.000000000e+00  }
0x8c: {  	(erf) = vrcp.f32 v2;
	_ =	sdelay $0x8  }
0x8d: {  	v2 =	vpop (erf)  }
0x8e: {  	v1 =	vmul.f32 v2, v1;
	_ =	sdelay $0x1  }
0x8f: {  	s0 =	simm.s32 $0x0;
	s10 =	rddreg [dreg:$0xc];
	[tilespmem:s2+$0xC400] =	vst v1  }
0x90: {  	[hbm4b:s10+s0] =	stream.linear.scatter [tilespmem:s6], [sflag:$0x4], $0x1880, $0x38;
	[tilespmem:$0x1F500] =	vst v63  }
0x91: {  	_ =	swait.ge [sflag:s12], $0x1880  }
0x92: {  	[sflag:s12] =	ssyncset.done $0x0  }
0x93: {  	s10 =	rddreg [dreg:$0x1e];
	[sflag:s12] =	ssyncadd.s32 $0xFFFFE780  }
0x94: {  	[spmem:s10] =	stream.linear.scatter [tilespmem:s6], [sflag:$0x4], $0x1880, $0x38;
	[tilespmem:$0x1F500] =	vst v63  }
0x95: {  	_ =	swait.ge [sflag:s12], $0x1880  }
0x96: {  	[sflag:s12] =	ssyncset.done $0x0  }
0x97: {  	s10 =	rddreg [dreg:$0x1a];
	[sflag:s12] =	ssyncadd.s32 $0xFFFFE780  }
0x98: {  	[tilespmem:s6], [sflag:$0x4] =	stream.linear.gather [hbm4b:s10+s0], $0x1880, $0x38;
	[tilespmem:$0x1F500] =	vst v63  }
0x99: {  	_ =	swait.ge [sflag:s12], $0x1880  }
0x9a: {  	[sflag:s12] =	ssyncset.done $0x0  }
0x9b: {  	s10 =	simm.s32 $0xDC80;
	s2 =	rddreg [dreg:$0x1b];
	[sflag:s12] =	ssyncadd.s32 $0xFFFFE780  }
0x9c: {  	[tilespmem:s10], [sflag:$0x4] =	stream.linear.gather [hbm4b:s2+s0], $0x1880, $0x38;
	[tilespmem:$0x1F500] =	vst v63  }
0x9d: {  	_ =	swait.ge [sflag:s12], $0x1880  }
0x9e: {  	[sflag:s12] =	ssyncset.done $0x0  }
0x9f: {  	s2 =	simm.s32 $0x0;
	[sflag:s12] =	ssyncadd.s32 $0xFFFFE780  }
0xa0: {  	s10 =	simm.s32 $0x40;
	v1 =	vld [tilespmem:s2+$0xDC80]  }
.LBB2_8:
0xa1: {  	p0 =	sne.s32 s10, $0x61C0;
	v2 =	vld [tilespmem:s2+$0xC400];
	_ =	sdelay $0x4  }
0xa2: {  	v1 =	vadd.f32 v1, v2;
	_ =	sdelay $0x1  }
0xa3: {  	v2 =	vmax.f32 v1, $1.000000000e+00  }
0xa4: {  	(erf) = vrcp.f32 v2;
	_ =	sdelay $0x7  }
.Ltmp3:
0xa5: {  	(pc) =	sbr.rel @p0 .LBB2_8-.Ltmp3, $4  }
0xa6: {  	v2 =	vpop (erf)  }
0xa7: {  	v2 =	vmul.f32 v2, v1  }
0xa8: {  	s0 =	sshra.s32 s10, $0x2  }
0xa9: {  	s10 =	sadd.s32 $0x40, s10;
	v1 =	vld [tilespmem:s0+$0xDC80];
	[tilespmem:s2+$0xC400] =	vst v2;
	s2 =	smov.u32 s0  }
0xaa: {  	v2 =	vld [tilespmem:s2+$0xC400];
	_ =	sdelay $0x4  }
0xab: {  	v1 =	vadd.f32 v1, v2;
	_ =	sdelay $0x1  }
0xac: {  	v2 =	vmax.f32 v1, $1.000000000e+00  }
0xad: {  	(erf) = vrcp.f32 v2;
	_ =	sdelay $0x8  }
0xae: {  	v2 =	vpop (erf)  }
0xaf: {  	v1 =	vmul.f32 v2, v1;
	_ =	sdelay $0x1  }
0xb0: {  	s0 =	simm.s32 $0x0;
	s10 =	rddreg [dreg:$0xf];
	[tilespmem:s2+$0xC400] =	vst v1  }
0xb1: {  	[hbm4b:s10+s0] =	stream.linear.scatter [tilespmem:s6], [sflag:$0x4], $0x1880, $0x38;
	[tilespmem:$0x1F500] =	vst v63  }
0xb2: {  	_ =	swait.ge [sflag:s12], $0x1880  }
0xb3: {  	[sflag:s12] =	ssyncset.done $0x0  }
0xb4: {  	s10 =	rddreg [dreg:$0x1f];
	[sflag:s12] =	ssyncadd.s32 $0xFFFFE780  }
0xb5: {  	[spmem:s10] =	stream.linear.scatter [tilespmem:s6], [sflag:$0x4], $0x1880, $0x38;
	[tilespmem:$0x1F500] =	vst v63  }
0xb6: {  	_ =	swait.ge [sflag:s12], $0x1880  }
0xb7: {  	[sflag:s12] =	ssyncset.done $0x0  }
0xb8: {  	s2 =	simm.s32 $0x0;
	s0 =	simm.s32 $0x40;
	[sflag:s12] =	ssyncadd.s32 $0xFFFFE780  }
.LBB2_10:
0xb9: {  	p0 =	sne.s32 s0, $0x61C0;
	[tilespmem:s2+$0xDC80] =	vst v0;
	s2 =	smov.u32 s0;
	s0 =	sadd.s32 $0x40, s0  }
.Ltmp4:
0xba: {  	(pc) =	sbr.rel @p0 .LBB2_10-.Ltmp4, $2  }
0xbb: {  	_ =	sdelay $0x2  }
0xbc: {  	s2 =	sshra.s32 s2, $0x2  }
0xbd: {  	[tilespmem:s2+$0xDC80] =	vst v0;
	s10 =	simm.s32 $0xDC80  }
0xbe: {  	[spmem:s7] =	stream.linear.scatter [tilespmem:s10], [sflag:$0x4], $0x1880, $0x38;
	[tilespmem:$0x1F500] =	vst v63  }
0xbf: {  	_ =	swait.ge [sflag:s12], $0x1880  }
0xc0: {  	[sflag:s12] =	ssyncset.done $0x0  }
0xc1: {  	[sflag:s12] =	ssyncadd.s32 $0xFFFFE780  }
0xc2: {  	[spmem:s17] =	stream.linear.scatter [tilespmem:s10], [sflag:$0x4], $0x1880, $0x38;
	[tilespmem:$0x1F500] =	vst v63  }
0xc3: {  	_ =	swait.ge [sflag:s12], $0x1880  }
0xc4: {  	s0 =	sld [smem:$0x7F3]  }
0xc5: {  	[sflag:s12] =	ssyncset.done $0x0  }
0xc6: {  	[sflag:s12] =	ssyncadd.s32 $0xFFFFE780  }
0xc7: {  	[spmem:s0] =	stream.linear.scatter [tilespmem:s10], [sflag:$0x4], $0x1880, $0x38;
	[tilespmem:$0x1F500] =	vst v63  }
0xc8: {  	_ =	swait.ge [sflag:s12], $0x1880  }
0xc9: {  	s6 =	sld [smem:$0x7F4]  }
0xca: {  	[sflag:s12] =	ssyncset.done $0x0  }
0xcb: {  	[sflag:s12] =	ssyncadd.s32 $0xFFFFE780  }
0xcc: {  	[spmem:s6] =	stream.linear.scatter [tilespmem:s10], [sflag:$0x4], $0x1880, $0x38;
	[tilespmem:$0x1F500] =	vst v63  }
0xcd: {  	_ =	swait.ge [sflag:s12], $0x1880  }
0xce: {  	[sflag:s12] =	ssyncset.done $0x0  }
0xcf: {  	[sflag:s12] =	ssyncadd.s32 $0xFFFFE780  }
0xd0: {  	[bflag:$0x0] =	sbarrier.arrive $0xFFFF  }
0xd1: {  	s7 =	sld [smem:$0x7F5];
	_ =	sdelay $0x1  }
0xd2: {  	s17 =	simm.s32 $0x0;
	s10 =	sld [smem:$0x7F6]  }
0xd3: {  	[tilespmem:s26], [sflag:$0x1] =	stream.linear.gather [hbm4b:s7+s17], $0xFA0, $0x38;
	[tilespmem:$0x1F500] =	vst v63  }
0xd4: {  	s2 =	sld [smem:$0x7FA]  }
0xd5: {  	[tilespmem:s31], [sflag:$0x1] =	stream.linear.gather [hbm4b:s10+s17], $0xFA0, $0x38;
	[tilespmem:$0x1F500] =	vst v63  }
0xd6: {  	s6 =	simm.s32 $0x13500;
	s7 =	sld [smem:$0x7F8]  }
0xd7: {  	[tilespmem:s6], [sflag:$0x1] =	stream.linear.gather [hbm4b:s2+s17], $0xFA0, $0x38;
	[tilespmem:$0x1F500] =	vst v63  }
0xd8: {  	s10 =	simm.s32 $0x14500;
	s2 =	sld [smem:$0x7F9]  }
0xd9: {  	[tilespmem:s10], [sflag:$0x1] =	stream.linear.gather [hbm4b:s7+s17], $0xFA0, $0x38;
	[tilespmem:$0x1F500] =	vst v63  }
0xda: {  	s6 =	simm.s32 $0x15500;
	s7 =	sld [smem:$0x7FB]  }
0xdb: {  	[tilespmem:s6], [sflag:$0x1] =	stream.linear.gather [hbm4b:s2+s17], $0xFA0, $0x38;
	[tilespmem:$0x1F500] =	vst v63  }
0xdc: {  	s10 =	simm.s32 $0x16500  }
0xdd: {  	[tilespmem:s10], [sflag:$0x1] =	stream.linear.gather [hbm4b:s7+s17], $0xFA0, $0x38;
	[tilespmem:$0x1F500] =	vst v63  }
.LBB2_12:
0xde: {  	_ =	swait.ge [sflag:s18], $0xFA0  }
0xdf: {  	[sflag:s18] =	ssyncset.done $0x0  }
0xe0: {  	[sflag:s18] =	ssyncadd.s32 $0xFFFFF060  }
0xe1: {  	_ =	swait.ge [sflag:s18], $0xFA0  }
0xe2: {  	[sflag:s18] =	ssyncset.done $0x0  }
0xe3: {  	[sflag:s18] =	ssyncadd.s32 $0xFFFFF060  }
0xe4: {  	_ =	swait.ge [sflag:s18], $0xFA0  }
0xe5: {  	[sflag:s18] =	ssyncset.done $0x0  }
0xe6: {  	[sflag:s18] =	ssyncadd.s32 $0xFFFFF060  }
0xe7: {  	_ =	swait.ge [sflag:s18], $0xFA0  }
0xe8: {  	[sflag:s18] =	ssyncset.done $0x0  }
0xe9: {  	[sflag:s18] =	ssyncadd.s32 $0xFFFFF060  }
0xea: {  	_ =	swait.ge [sflag:s18], $0xFA0  }
0xeb: {  	s2 =	smul.u32 $0x1F40, s17;
	[sflag:s18] =	ssyncset.done $0x0  }
0xec: {  	[sflag:s18] =	ssyncadd.s32 $0xFFFFF060  }
0xed: {  	s0 =	sadd.s32 s2, s29;
	_ =	swait.ge [sflag:s18], $0xFA0  }
0xee: {  	s0 =	sshrl.u32 s0, $0x3;
	[sflag:s18] =	ssyncset.done $0x0  }
0xef: {  	s6 =	sadd.s32 s23, s0;
	[sflag:s18] =	ssyncadd.s32 $0xFFFFF060  }
0xf0: {  	[tilespmem:s19], [sflag:$0x1] =	stream.linear.gather [hbm4b:s6+s9], $0xFA0, $0x38;
	[tilespmem:$0x1F500] =	vst v63  }
0xf1: {  	s10 =	sadd.s32 s28, s0  }
0xf2: {  	[tilespmem:s20], [sflag:$0x1] =	stream.linear.gather [hbm4b:s10+s9], $0xFA0, $0x38;
	[tilespmem:$0x1F500] =	vst v63  }
0xf3: {  	s0 =	sadd.s32 s24, s0;
	s10 =	simm.s32 $0x17500  }
0xf4: {  	[tilespmem:s10], [sflag:$0x1] =	stream.linear.gather [hbm4b:s0+s9], $0xFA0, $0x38;
	[tilespmem:$0x1F500] =	vst v63  }
0xf5: {  	s6 =	sadd.s32 $0x61A80, s0;
	s10 =	simm.s32 $0x18500  }
0xf6: {  	[tilespmem:s10], [sflag:$0x1] =	stream.linear.gather [hbm4b:s6+s9], $0xFA0, $0x38;
	[tilespmem:$0x1F500] =	vst v63  }
0xf7: {  	s6 =	sadd.s32 $0xC3500, s0;
	s10 =	simm.s32 $0x19500  }
0xf8: {  	[tilespmem:s10], [sflag:$0x1] =	stream.linear.gather [hbm4b:s6+s9], $0xFA0, $0x38;
	[tilespmem:$0x1F500] =	vst v63  }
0xf9: {  	s0 =	sadd.s32 $0x124F80, s0;
	s10 =	simm.s32 $0x1A500  }
0xfa: {  	[tilespmem:s10], [sflag:$0x1] =	stream.linear.gather [hbm4b:s0+s9], $0xFA0, $0x38;
	[tilespmem:$0x1F500] =	vst v63  }
0xfb: {  	s6 =	rddreg [dreg:$0xd]  }
0xfc: {  	[tilespmem:s4], [sflag:$0x2] =	stream.indirect.gather [hbm4b:s6+s3], $0x1, s26, s3, $0xb8;
	[tilespmem:$0x1F500] =	vst v63  }
0xfd: {  	s10 =	rddreg [dreg:$0xe]  }
0xfe: {  	[tilespmem:s5], [sflag:$0x2] =	stream.indirect.gather [hbm4b:s10+s3], $0x1, s26, s3, $0xb8;
	[tilespmem:$0x1F500] =	vst v63  }
0xff: {  	_ = 	snop  }
0x100: {  	[tilespmem:s21], [sflag:$0x2] =	stream.indirect.gather [hbm4b:s15+s3], $0x1, s26, s3, $0xb8;
	[tilespmem:$0x1F500] =	vst v63  }
0x101: {  	_ = 	snop  }
0x102: {  	[tilespmem:s25], [sflag:$0x2] =	stream.indirect.gather [hbm4b:s16+s3], $0x1, s26, s3, $0xb8;
	[tilespmem:$0x1F500] =	vst v63  }
0x103: {  	_ =	swait.ge [sflag:s11], $0xFA0  }
0x104: {  	[sflag:s11] =	ssyncset.done $0x0  }
0x105: {  	s10 =	simm.s32 $0x1B520;
	[sflag:s11] =	ssyncadd.s32 $0xFFFFF060  }
0x106: {  	s7 =	smov.u32 s28;
	s28 =	simm.s32 $0x13520;
	v6 =	vld [tilespmem:s10+$0x10]  }
0x107: {  	v7 =	vld [tilespmem:s28+$0x10]  }
0x108: {  	v3 =	vld [tilespmem:s28+$0xFFFFFFE0]  }
0x109: {  	v1 =	vld [tilespmem:s10+$0xFFFFFFF0]  }
0x10a: {  	v5 =	vld [tilespmem:s28+$0xFFFFFFF0]  }
0x10b: {  	v2 =	vld [tilespmem:s10+$0x0]  }
0x10c: {  	v4 =	vld [tilespmem:s28+$0x0];
	v7 =	vmul.f32 v7, v6  }
0x10d: {  	s0 =	simm.s32 $0x0;
	s6 =	simm.s32 $0x1B560;
	v6 =	vld [tilespmem:s10+$0xFFFFFFE0]  }
.LBB2_13:
0x10e: {  	v8 =	vld [tilespmem:s6+$0x10];
	[tilespmem:s10+$0x10] =	vst v7;
	s28 =	sadd.s32 $0x40, s28  }
0x10f: {  	s0 =	sadd.s32 $0x4, s0;
	v7 =	vld [tilespmem:s28+$0x10];
	v5 =	vmul.f32 v5, v1  }
0x110: {  	p0 =	slt.u32 s0, $0xF4;
	v9 =	vld [tilespmem:s28+$0xFFFFFFE0]  }
.Ltmp5:
0x111: {  	v1 =	vld [tilespmem:s6+$0xFFFFFFF0];
	[tilespmem:s10+$0xFFFFFFF0] =	vst v5;
	v4 =	vmul.f32 v4, v2;
	(pc) =	sbr.rel @p0 .LBB2_13-.Ltmp5, $4  }
0x112: {  	v5 =	vld [tilespmem:s28+$0xFFFFFFF0];
	v10 =	vmul.f32 v3, v6  }
0x113: {  	v2 =	vld [tilespmem:s6+$0x0];
	[tilespmem:s10+$0x0] =	vst v4  }
0x114: {  	v4 =	vld [tilespmem:s28+$0x0];
	v7 =	vmul.f32 v7, v8;
	[tilespmem:s10+$0xFFFFFFE0] =	vst v10;
	s10 =	smov.u32 s6  }
0x115: {  	s6 =	sadd.s32 $0x40, s6;
	v6 =	vld [tilespmem:s10+$0xFFFFFFE0];
	v3 =	vmov v9  }
0x116: {  	_ =	sdelay $0x1  }
0x117: {  	v1 =	vmul.f32 v5, v1  }
0x118: {  	[tilespmem:s10+$0x10] =	vst v7;
	v2 =	vmul.f32 v4, v2  }
0x119: {  	[tilespmem:s10+$0xFFFFFFF0] =	vst v1;
	v1 =	vmul.f32 v3, v6  }
0x11a: {  	[tilespmem:s10+$0x0] =	vst v2  }
0x11b: {  	s0 =	simm.s32 $0x0;
	[tilespmem:s10+$0xFFFFFFE0] =	vst v1  }
.LBB2_15:
0x11c: {  	s6 =	sshra.s32 s0, $0x2  }
0x11d: {  	v1 =	vld [tilespmem:s6+$0x1C480]  }
0x11e: {  	v2 =	vld [tilespmem:s6+$0x14480];
	_ =	sdelay $0x1  }
0x11f: {  	p0 =	sne.s32 s0, $0x40  }
.Ltmp6:
0x120: {  	_ = 	snop;
	(pc) =	sbr.rel @p0 .LBB2_15-.Ltmp6, $3  }
0x121: {  	_ = 	snop  }
0x122: {  	v1 =	vmul.f32 v2, v1;
	_ =	sdelay $0x1  }
0x123: {  	s0 =	sadd.s32 $0x40, s0;
	[tilespmem:s6+$0x1C480] =	vst v1  }
0x124: {  	[spmem:s8] =	stream.indirect.scatter.add.f32 [tilespmem:s4], [sflag:$0x3], $0x1, s31, s3, $0xb8;
	[tilespmem:$0x1F500] =	vst v63  }
0x125: {  	_ =	swait.ge [sflag:s11], $0xFA0  }
0x126: {  	[sflag:s11] =	ssyncset.done $0x0  }
0x127: {  	s10 =	simm.s32 $0x1C520;
	[sflag:s11] =	ssyncadd.s32 $0xFFFFF060  }
0x128: {  	s28 =	simm.s32 $0x14520;
	v6 =	vld [tilespmem:s10+$0x10]  }
0x129: {  	v7 =	vld [tilespmem:s28+$0x10]  }
0x12a: {  	v3 =	vld [tilespmem:s28+$0xFFFFFFE0]  }
0x12b: {  	v1 =	vld [tilespmem:s10+$0xFFFFFFF0]  }
0x12c: {  	v5 =	vld [tilespmem:s28+$0xFFFFFFF0]  }
0x12d: {  	v2 =	vld [tilespmem:s10+$0x0]  }
0x12e: {  	v4 =	vld [tilespmem:s28+$0x0];
	v7 =	vmul.f32 v7, v6  }
0x12f: {  	s0 =	simm.s32 $0x0;
	s6 =	simm.s32 $0x1C560;
	v6 =	vld [tilespmem:s10+$0xFFFFFFE0]  }
.LBB2_17:
0x130: {  	v8 =	vld [tilespmem:s6+$0x10];
	[tilespmem:s10+$0x10] =	vst v7;
	s28 =	sadd.s32 $0x40, s28  }
0x131: {  	s0 =	sadd.s32 $0x4, s0;
	v7 =	vld [tilespmem:s28+$0x10];
	v5 =	vmul.f32 v5, v1  }
0x132: {  	p0 =	slt.u32 s0, $0xF4;
	v9 =	vld [tilespmem:s28+$0xFFFFFFE0]  }
.Ltmp7:
0x133: {  	v1 =	vld [tilespmem:s6+$0xFFFFFFF0];
	[tilespmem:s10+$0xFFFFFFF0] =	vst v5;
	v4 =	vmul.f32 v4, v2;
	(pc) =	sbr.rel @p0 .LBB2_17-.Ltmp7, $4  }
0x134: {  	v5 =	vld [tilespmem:s28+$0xFFFFFFF0];
	v10 =	vmul.f32 v3, v6  }
0x135: {  	v2 =	vld [tilespmem:s6+$0x0];
	[tilespmem:s10+$0x0] =	vst v4  }
0x136: {  	v4 =	vld [tilespmem:s28+$0x0];
	v7 =	vmul.f32 v7, v8;
	[tilespmem:s10+$0xFFFFFFE0] =	vst v10;
	s10 =	smov.u32 s6  }
0x137: {  	s6 =	sadd.s32 $0x40, s6;
	v6 =	vld [tilespmem:s10+$0xFFFFFFE0];
	v3 =	vmov v9  }
0x138: {  	_ =	sdelay $0x1  }
0x139: {  	v1 =	vmul.f32 v5, v1  }
0x13a: {  	[tilespmem:s10+$0x10] =	vst v7;
	v2 =	vmul.f32 v4, v2  }
0x13b: {  	[tilespmem:s10+$0xFFFFFFF0] =	vst v1;
	v1 =	vmul.f32 v3, v6  }
0x13c: {  	[tilespmem:s10+$0x0] =	vst v2  }
0x13d: {  	s0 =	simm.s32 $0x0;
	[tilespmem:s10+$0xFFFFFFE0] =	vst v1  }
.LBB2_19:
0x13e: {  	s6 =	sshra.s32 s0, $0x2  }
0x13f: {  	v1 =	vld [tilespmem:s6+$0x1D480]  }
0x140: {  	v2 =	vld [tilespmem:s6+$0x15480];
	_ =	sdelay $0x1  }
0x141: {  	p0 =	sne.s32 s0, $0x40  }
.Ltmp8:
0x142: {  	_ = 	snop;
	(pc) =	sbr.rel @p0 .LBB2_19-.Ltmp8, $3  }
0x143: {  	_ = 	snop  }
0x144: {  	v1 =	vmul.f32 v2, v1;
	_ =	sdelay $0x1  }
0x145: {  	s0 =	sadd.s32 $0x40, s0;
	[tilespmem:s6+$0x1D480] =	vst v1  }
0x146: {  	[spmem:s13] =	stream.indirect.scatter.add.f32 [tilespmem:s5], [sflag:$0x3], $0x1, s31, s3, $0xb8;
	[tilespmem:$0x1F500] =	vst v63  }
0x147: {  	_ =	swait.ge [sflag:s11], $0xFA0  }
0x148: {  	[sflag:s11] =	ssyncset.done $0x0  }
0x149: {  	s10 =	simm.s32 $0x1D520;
	[sflag:s11] =	ssyncadd.s32 $0xFFFFF060  }
0x14a: {  	s28 =	simm.s32 $0x15520;
	v6 =	vld [tilespmem:s10+$0x10]  }
0x14b: {  	v7 =	vld [tilespmem:s28+$0x10]  }
0x14c: {  	v3 =	vld [tilespmem:s28+$0xFFFFFFE0]  }
0x14d: {  	v1 =	vld [tilespmem:s10+$0xFFFFFFF0]  }
0x14e: {  	v5 =	vld [tilespmem:s28+$0xFFFFFFF0]  }
0x14f: {  	v2 =	vld [tilespmem:s10+$0x0]  }
0x150: {  	v4 =	vld [tilespmem:s28+$0x0];
	v7 =	vmul.f32 v7, v6  }
0x151: {  	s0 =	simm.s32 $0x0;
	s6 =	simm.s32 $0x1D560;
	v6 =	vld [tilespmem:s10+$0xFFFFFFE0]  }
.LBB2_21:
0x152: {  	v8 =	vld [tilespmem:s6+$0x10];
	[tilespmem:s10+$0x10] =	vst v7;
	s28 =	sadd.s32 $0x40, s28  }
0x153: {  	s0 =	sadd.s32 $0x4, s0;
	v7 =	vld [tilespmem:s28+$0x10];
	v5 =	vmul.f32 v5, v1  }
0x154: {  	p0 =	slt.u32 s0, $0xF4;
	v9 =	vld [tilespmem:s28+$0xFFFFFFE0]  }
.Ltmp9:
0x155: {  	v1 =	vld [tilespmem:s6+$0xFFFFFFF0];
	[tilespmem:s10+$0xFFFFFFF0] =	vst v5;
	v4 =	vmul.f32 v4, v2;
	(pc) =	sbr.rel @p0 .LBB2_21-.Ltmp9, $4  }
0x156: {  	v5 =	vld [tilespmem:s28+$0xFFFFFFF0];
	v10 =	vmul.f32 v3, v6  }
0x157: {  	v2 =	vld [tilespmem:s6+$0x0];
	[tilespmem:s10+$0x0] =	vst v4  }
0x158: {  	v4 =	vld [tilespmem:s28+$0x0];
	v7 =	vmul.f32 v7, v8;
	[tilespmem:s10+$0xFFFFFFE0] =	vst v10;
	s10 =	smov.u32 s6  }
0x159: {  	s6 =	sadd.s32 $0x40, s6;
	v6 =	vld [tilespmem:s10+$0xFFFFFFE0];
	v3 =	vmov v9  }
0x15a: {  	_ =	sdelay $0x1  }
0x15b: {  	v1 =	vmul.f32 v5, v1  }
0x15c: {  	[tilespmem:s10+$0x10] =	vst v7;
	v2 =	vmul.f32 v4, v2  }
0x15d: {  	[tilespmem:s10+$0xFFFFFFF0] =	vst v1;
	v1 =	vmul.f32 v3, v6  }
0x15e: {  	[tilespmem:s10+$0x0] =	vst v2  }
0x15f: {  	s0 =	simm.s32 $0x0;
	[tilespmem:s10+$0xFFFFFFE0] =	vst v1  }
.LBB2_23:
0x160: {  	s6 =	sshra.s32 s0, $0x2  }
0x161: {  	v1 =	vld [tilespmem:s6+$0x1E480]  }
0x162: {  	v2 =	vld [tilespmem:s6+$0x16480];
	_ =	sdelay $0x1  }
0x163: {  	p0 =	sne.s32 s0, $0x40  }
.Ltmp10:
0x164: {  	_ = 	snop;
	(pc) =	sbr.rel @p0 .LBB2_23-.Ltmp10, $3  }
0x165: {  	_ = 	snop  }
0x166: {  	v1 =	vmul.f32 v2, v1;
	_ =	sdelay $0x1  }
0x167: {  	s0 =	sadd.s32 $0x40, s0;
	[tilespmem:s6+$0x1E480] =	vst v1  }
0x168: {  	[spmem:s14] =	stream.indirect.scatter.add.f32 [tilespmem:s21], [sflag:$0x3], $0x1, s31, s3, $0xb8;
	[tilespmem:$0x1F500] =	vst v63  }
0x169: {  	_ =	swait.ge [sflag:s11], $0xFA0  }
0x16a: {  	[sflag:s11] =	ssyncset.done $0x0  }
0x16b: {  	s10 =	simm.s32 $0x1E520;
	[sflag:s11] =	ssyncadd.s32 $0xFFFFF060  }
0x16c: {  	s28 =	simm.s32 $0x16520;
	v6 =	vld [tilespmem:s10+$0x10]  }
0x16d: {  	v7 =	vld [tilespmem:s28+$0x10]  }
0x16e: {  	v3 =	vld [tilespmem:s28+$0xFFFFFFE0]  }
0x16f: {  	v1 =	vld [tilespmem:s10+$0xFFFFFFF0]  }
0x170: {  	v5 =	vld [tilespmem:s28+$0xFFFFFFF0]  }
0x171: {  	v2 =	vld [tilespmem:s10+$0x0]  }
0x172: {  	v4 =	vld [tilespmem:s28+$0x0];
	v7 =	vmul.f32 v7, v6  }
0x173: {  	s0 =	simm.s32 $0x0;
	s6 =	simm.s32 $0x1E560;
	v6 =	vld [tilespmem:s10+$0xFFFFFFE0]  }
.LBB2_25:
0x174: {  	v8 =	vld [tilespmem:s6+$0x10];
	[tilespmem:s10+$0x10] =	vst v7;
	s28 =	sadd.s32 $0x40, s28  }
0x175: {  	s0 =	sadd.s32 $0x4, s0;
	v7 =	vld [tilespmem:s28+$0x10];
	v5 =	vmul.f32 v5, v1  }
0x176: {  	p0 =	slt.u32 s0, $0xF4;
	v9 =	vld [tilespmem:s28+$0xFFFFFFE0]  }
.Ltmp11:
0x177: {  	v1 =	vld [tilespmem:s6+$0xFFFFFFF0];
	[tilespmem:s10+$0xFFFFFFF0] =	vst v5;
	v4 =	vmul.f32 v4, v2;
	(pc) =	sbr.rel @p0 .LBB2_25-.Ltmp11, $4  }
0x178: {  	v5 =	vld [tilespmem:s28+$0xFFFFFFF0];
	v10 =	vmul.f32 v3, v6  }
0x179: {  	v2 =	vld [tilespmem:s6+$0x0];
	[tilespmem:s10+$0x0] =	vst v4  }
0x17a: {  	v4 =	vld [tilespmem:s28+$0x0];
	v7 =	vmul.f32 v7, v8;
	[tilespmem:s10+$0xFFFFFFE0] =	vst v10;
	s10 =	smov.u32 s6  }
0x17b: {  	s6 =	sadd.s32 $0x40, s6;
	v6 =	vld [tilespmem:s10+$0xFFFFFFE0];
	v3 =	vmov v9  }
0x17c: {  	_ =	sdelay $0x1  }
0x17d: {  	v1 =	vmul.f32 v5, v1  }
0x17e: {  	[tilespmem:s10+$0x10] =	vst v7;
	v2 =	vmul.f32 v4, v2  }
0x17f: {  	[tilespmem:s10+$0xFFFFFFF0] =	vst v1;
	v1 =	vmul.f32 v3, v6  }
0x180: {  	[tilespmem:s10+$0x0] =	vst v2  }
0x181: {  	s0 =	simm.s32 $0x0;
	[tilespmem:s10+$0xFFFFFFE0] =	vst v1  }
.LBB2_27:
0x182: {  	s6 =	sshra.s32 s0, $0x2  }
0x183: {  	v1 =	vld [tilespmem:s6+$0x1F480]  }
0x184: {  	v2 =	vld [tilespmem:s6+$0x17480];
	_ =	sdelay $0x1  }
0x185: {  	p0 =	sne.s32 s0, $0x40  }
.Ltmp12:
0x186: {  	_ = 	snop;
	(pc) =	sbr.rel @p0 .LBB2_27-.Ltmp12, $3  }
0x187: {  	_ = 	snop  }
0x188: {  	v1 =	vmul.f32 v2, v1;
	_ =	sdelay $0x1  }
0x189: {  	s0 =	sadd.s32 $0x40, s0;
	[tilespmem:s6+$0x1F480] =	vst v1  }
0x18a: {  	[spmem:s22] =	stream.indirect.scatter.add.f32 [tilespmem:s25], [sflag:$0x3], $0x1, s31, s3, $0xb8;
	[tilespmem:$0x1F500] =	vst v63  }
0x18b: {  	_ =	swait.ge [sflag:s1], $0xFA0  }
0x18c: {  	[sflag:s1] =	ssyncset.done $0x0  }
0x18d: {  	[sflag:s1] =	ssyncadd.s32 $0xFFFFF060  }
0x18e: {  	_ =	swait.ge [sflag:s1], $0xFA0  }
0x18f: {  	[sflag:s1] =	ssyncset.done $0x0  }
0x190: {  	[sflag:s1] =	ssyncadd.s32 $0xFFFFF060  }
0x191: {  	_ =	swait.ge [sflag:s1], $0xFA0  }
0x192: {  	[sflag:s1] =	ssyncset.done $0x0  }
0x193: {  	[sflag:s1] =	ssyncadd.s32 $0xFFFFF060  }
0x194: {  	_ =	swait.ge [sflag:s1], $0xFA0  }
0x195: {  	[sflag:s1] =	ssyncset.done $0x0  }
0x196: {  	[sflag:s1] =	ssyncadd.s32 $0xFFFFF060  }
0x197: {  	_ =	swait.ge [sflag:s18], $0xFA0  }
0x198: {  	[sflag:s18] =	ssyncset.done $0x0  }
0x199: {  	[sflag:s18] =	ssyncadd.s32 $0xFFFFF060  }
0x19a: {  	_ =	swait.ge [sflag:s18], $0xFA0  }
0x19b: {  	[sflag:s18] =	ssyncset.done $0x0  }
0x19c: {  	[sflag:s18] =	ssyncadd.s32 $0xFFFFF060  }
0x19d: {  	_ =	swait.ge [sflag:s18], $0xFA0  }
0x19e: {  	[sflag:s18] =	ssyncset.done $0x0  }
0x19f: {  	[sflag:s18] =	ssyncadd.s32 $0xFFFFF060  }
0x1a0: {  	_ =	swait.ge [sflag:s18], $0xFA0  }
0x1a1: {  	[sflag:s18] =	ssyncset.done $0x0  }
0x1a2: {  	[sflag:s18] =	ssyncadd.s32 $0xFFFFF060  }
0x1a3: {  	_ =	swait.ge [sflag:s18], $0xFA0  }
0x1a4: {  	[sflag:s18] =	ssyncset.done $0x0  }
0x1a5: {  	[sflag:s18] =	ssyncadd.s32 $0xFFFFF060  }
0x1a6: {  	s0 =	sadd.s32 s2, s30;
	_ =	swait.ge [sflag:s18], $0xFA0  }
0x1a7: {  	s0 =	sshrl.u32 s0, $0x3;
	[sflag:s18] =	ssyncset.done $0x0  }
0x1a8: {  	s10 =	sadd.s32 s23, s0;
	[sflag:s18] =	ssyncadd.s32 $0xFFFFF060  }
0x1a9: {  	[tilespmem:s26], [sflag:$0x1] =	stream.linear.gather [hbm4b:s10+s9], $0xFA0, $0x38;
	[tilespmem:$0x1F500] =	vst v63  }
0x1aa: {  	s6 =	sadd.s32 s7, s0  }
0x1ab: {  	[tilespmem:s31], [sflag:$0x1] =	stream.linear.gather [hbm4b:s6+s9], $0xFA0, $0x38;
	[tilespmem:$0x1F500] =	vst v63  }
0x1ac: {  	s28 =	smov.u32 s7;
	s0 =	sadd.s32 s24, s0;
	s7 =	simm.s32 $0x13500  }
0x1ad: {  	[tilespmem:s7], [sflag:$0x1] =	stream.linear.gather [hbm4b:s0+s9], $0xFA0, $0x38;
	[tilespmem:$0x1F500] =	vst v63  }
0x1ae: {  	s10 =	sadd.s32 $0x61A80, s0;
	s6 =	simm.s32 $0x14500  }
0x1af: {  	[tilespmem:s6], [sflag:$0x1] =	stream.linear.gather [hbm4b:s10+s9], $0xFA0, $0x38;
	[tilespmem:$0x1F500] =	vst v63  }
0x1b0: {  	s7 =	simm.s32 $0x15500;
	s6 =	sadd.s32 $0xC3500, s0  }
0x1b1: {  	[tilespmem:s7], [sflag:$0x1] =	stream.linear.gather [hbm4b:s6+s9], $0xFA0, $0x38;
	[tilespmem:$0x1F500] =	vst v63  }
0x1b2: {  	s0 =	sadd.s32 $0x124F80, s0;
	s10 =	simm.s32 $0x16500  }
0x1b3: {  	[tilespmem:s10], [sflag:$0x1] =	stream.linear.gather [hbm4b:s0+s9], $0xFA0, $0x38;
	[tilespmem:$0x1F500] =	vst v63  }
0x1b4: {  	s2 =	rddreg [dreg:$0x1]  }
0x1b5: {  	[tilespmem:s4], [sflag:$0x2] =	stream.indirect.gather [spmem:s2], $0x1, s19, s3, $0xb8;
	[tilespmem:$0x1F500] =	vst v63  }
0x1b6: {  	s6 =	rddreg [dreg:$0x2]  }
0x1b7: {  	[tilespmem:s5], [sflag:$0x2] =	stream.indirect.gather [spmem:s6], $0x1, s19, s3, $0xb8;
	[tilespmem:$0x1F500] =	vst v63  }
0x1b8: {  	s7 =	rddreg [dreg:$0x3]  }
0x1b9: {  	[tilespmem:s21], [sflag:$0x2] =	stream.indirect.gather [spmem:s7], $0x1, s19, s3, $0xb8;
	[tilespmem:$0x1F500] =	vst v63  }
0x1ba: {  	s10 =	rddreg [dreg:$0x4]  }
0x1bb: {  	[tilespmem:s25], [sflag:$0x2] =	stream.indirect.gather [spmem:s10], $0x1, s19, s3, $0xb8;
	[tilespmem:$0x1F500] =	vst v63  }
0x1bc: {  	_ =	swait.ge [sflag:s11], $0xFA0  }
0x1bd: {  	[sflag:s11] =	ssyncset.done $0x0  }
0x1be: {  	s2 =	simm.s32 $0x1B520;
	[sflag:s11] =	ssyncadd.s32 $0xFFFFF060  }
0x1bf: {  	s10 =	simm.s32 $0x17520;
	v6 =	vld [tilespmem:s2+$0x10]  }
0x1c0: {  	v7 =	vld [tilespmem:s10+$0x10]  }
0x1c1: {  	v3 =	vld [tilespmem:s10+$0xFFFFFFE0]  }
0x1c2: {  	v1 =	vld [tilespmem:s2+$0xFFFFFFF0]  }
0x1c3: {  	v5 =	vld [tilespmem:s10+$0xFFFFFFF0]  }
0x1c4: {  	v2 =	vld [tilespmem:s2+$0x0]  }
0x1c5: {  	v4 =	vld [tilespmem:s10+$0x0];
	v7 =	vmul.f32 v7, v6  }
0x1c6: {  	s0 =	simm.s32 $0x0;
	s6 =	simm.s32 $0x1B560;
	v6 =	vld [tilespmem:s2+$0xFFFFFFE0]  }
.LBB2_29:
0x1c7: {  	v8 =	vld [tilespmem:s6+$0x10];
	[tilespmem:s2+$0x10] =	vst v7;
	s10 =	sadd.s32 $0x40, s10  }
0x1c8: {  	s0 =	sadd.s32 $0x4, s0;
	v7 =	vld [tilespmem:s10+$0x10];
	v5 =	vmul.f32 v5, v1  }
0x1c9: {  	p0 =	slt.u32 s0, $0xF4;
	v9 =	vld [tilespmem:s10+$0xFFFFFFE0]  }
.Ltmp13:
0x1ca: {  	v1 =	vld [tilespmem:s6+$0xFFFFFFF0];
	[tilespmem:s2+$0xFFFFFFF0] =	vst v5;
	v4 =	vmul.f32 v4, v2;
	(pc) =	sbr.rel @p0 .LBB2_29-.Ltmp13, $4  }
0x1cb: {  	v5 =	vld [tilespmem:s10+$0xFFFFFFF0];
	v10 =	vmul.f32 v3, v6  }
0x1cc: {  	v2 =	vld [tilespmem:s6+$0x0];
	[tilespmem:s2+$0x0] =	vst v4  }
0x1cd: {  	v4 =	vld [tilespmem:s10+$0x0];
	v7 =	vmul.f32 v7, v8;
	[tilespmem:s2+$0xFFFFFFE0] =	vst v10;
	s2 =	smov.u32 s6  }
0x1ce: {  	s6 =	sadd.s32 $0x40, s6;
	v6 =	vld [tilespmem:s2+$0xFFFFFFE0];
	v3 =	vmov v9  }
0x1cf: {  	_ =	sdelay $0x1  }
0x1d0: {  	v1 =	vmul.f32 v5, v1  }
0x1d1: {  	[tilespmem:s2+$0x10] =	vst v7;
	v2 =	vmul.f32 v4, v2  }
0x1d2: {  	[tilespmem:s2+$0xFFFFFFF0] =	vst v1;
	v1 =	vmul.f32 v3, v6  }
0x1d3: {  	[tilespmem:s2+$0x0] =	vst v2  }
0x1d4: {  	s0 =	simm.s32 $0x0;
	[tilespmem:s2+$0xFFFFFFE0] =	vst v1  }
.LBB2_31:
0x1d5: {  	s2 =	sshra.s32 s0, $0x2  }
0x1d6: {  	v1 =	vld [tilespmem:s2+$0x1C480]  }
0x1d7: {  	v2 =	vld [tilespmem:s2+$0x18480];
	_ =	sdelay $0x1  }
0x1d8: {  	p0 =	sne.s32 s0, $0x40  }
.Ltmp14:
0x1d9: {  	_ = 	snop;
	(pc) =	sbr.rel @p0 .LBB2_31-.Ltmp14, $3  }
0x1da: {  	_ = 	snop  }
0x1db: {  	v1 =	vmul.f32 v2, v1;
	_ =	sdelay $0x1  }
0x1dc: {  	s0 =	sadd.s32 $0x40, s0;
	[tilespmem:s2+$0x1C480] =	vst v1  }
0x1dd: {  	[spmem:s8] =	stream.indirect.scatter.add.f32 [tilespmem:s4], [sflag:$0x3], $0x1, s20, s3, $0xb8;
	[tilespmem:$0x1F500] =	vst v63  }
0x1de: {  	_ =	swait.ge [sflag:s11], $0xFA0  }
0x1df: {  	[sflag:s11] =	ssyncset.done $0x0  }
0x1e0: {  	s2 =	simm.s32 $0x1C520;
	[sflag:s11] =	ssyncadd.s32 $0xFFFFF060  }
0x1e1: {  	s10 =	simm.s32 $0x18520;
	v6 =	vld [tilespmem:s2+$0x10]  }
0x1e2: {  	v7 =	vld [tilespmem:s10+$0x10]  }
0x1e3: {  	v3 =	vld [tilespmem:s10+$0xFFFFFFE0]  }
0x1e4: {  	v1 =	vld [tilespmem:s2+$0xFFFFFFF0]  }
0x1e5: {  	v5 =	vld [tilespmem:s10+$0xFFFFFFF0]  }
0x1e6: {  	v2 =	vld [tilespmem:s2+$0x0]  }
0x1e7: {  	v4 =	vld [tilespmem:s10+$0x0];
	v7 =	vmul.f32 v7, v6  }
0x1e8: {  	s0 =	simm.s32 $0x0;
	s6 =	simm.s32 $0x1C560;
	v6 =	vld [tilespmem:s2+$0xFFFFFFE0]  }
.LBB2_33:
0x1e9: {  	v8 =	vld [tilespmem:s6+$0x10];
	[tilespmem:s2+$0x10] =	vst v7;
	s10 =	sadd.s32 $0x40, s10  }
0x1ea: {  	s0 =	sadd.s32 $0x4, s0;
	v7 =	vld [tilespmem:s10+$0x10];
	v5 =	vmul.f32 v5, v1  }
0x1eb: {  	p0 =	slt.u32 s0, $0xF4;
	v9 =	vld [tilespmem:s10+$0xFFFFFFE0]  }
.Ltmp15:
0x1ec: {  	v1 =	vld [tilespmem:s6+$0xFFFFFFF0];
	[tilespmem:s2+$0xFFFFFFF0] =	vst v5;
	v4 =	vmul.f32 v4, v2;
	(pc) =	sbr.rel @p0 .LBB2_33-.Ltmp15, $4  }
0x1ed: {  	v5 =	vld [tilespmem:s10+$0xFFFFFFF0];
	v10 =	vmul.f32 v3, v6  }
0x1ee: {  	v2 =	vld [tilespmem:s6+$0x0];
	[tilespmem:s2+$0x0] =	vst v4  }
0x1ef: {  	v4 =	vld [tilespmem:s10+$0x0];
	v7 =	vmul.f32 v7, v8;
	[tilespmem:s2+$0xFFFFFFE0] =	vst v10;
	s2 =	smov.u32 s6  }
0x1f0: {  	s6 =	sadd.s32 $0x40, s6;
	v6 =	vld [tilespmem:s2+$0xFFFFFFE0];
	v3 =	vmov v9  }
0x1f1: {  	_ =	sdelay $0x1  }
0x1f2: {  	v1 =	vmul.f32 v5, v1  }
0x1f3: {  	[tilespmem:s2+$0x10] =	vst v7;
	v2 =	vmul.f32 v4, v2  }
0x1f4: {  	[tilespmem:s2+$0xFFFFFFF0] =	vst v1;
	v1 =	vmul.f32 v3, v6  }
0x1f5: {  	[tilespmem:s2+$0x0] =	vst v2  }
0x1f6: {  	s0 =	simm.s32 $0x0;
	[tilespmem:s2+$0xFFFFFFE0] =	vst v1  }
.LBB2_35:
0x1f7: {  	s2 =	sshra.s32 s0, $0x2  }
0x1f8: {  	v1 =	vld [tilespmem:s2+$0x1D480]  }
0x1f9: {  	v2 =	vld [tilespmem:s2+$0x19480];
	_ =	sdelay $0x1  }
0x1fa: {  	p0 =	sne.s32 s0, $0x40  }
.Ltmp16:
0x1fb: {  	_ = 	snop;
	(pc) =	sbr.rel @p0 .LBB2_35-.Ltmp16, $3  }
0x1fc: {  	_ = 	snop  }
0x1fd: {  	v1 =	vmul.f32 v2, v1;
	_ =	sdelay $0x1  }
0x1fe: {  	s0 =	sadd.s32 $0x40, s0;
	[tilespmem:s2+$0x1D480] =	vst v1  }
0x1ff: {  	[spmem:s13] =	stream.indirect.scatter.add.f32 [tilespmem:s5], [sflag:$0x3], $0x1, s20, s3, $0xb8;
	[tilespmem:$0x1F500] =	vst v63  }
0x200: {  	_ =	swait.ge [sflag:s11], $0xFA0  }
0x201: {  	[sflag:s11] =	ssyncset.done $0x0  }
0x202: {  	s2 =	simm.s32 $0x1D520;
	[sflag:s11] =	ssyncadd.s32 $0xFFFFF060  }
0x203: {  	s10 =	simm.s32 $0x19520;
	v6 =	vld [tilespmem:s2+$0x10]  }
0x204: {  	v7 =	vld [tilespmem:s10+$0x10]  }
0x205: {  	v3 =	vld [tilespmem:s10+$0xFFFFFFE0]  }
0x206: {  	v1 =	vld [tilespmem:s2+$0xFFFFFFF0]  }
0x207: {  	v5 =	vld [tilespmem:s10+$0xFFFFFFF0]  }
0x208: {  	v2 =	vld [tilespmem:s2+$0x0]  }
0x209: {  	v4 =	vld [tilespmem:s10+$0x0];
	v7 =	vmul.f32 v7, v6  }
0x20a: {  	s0 =	simm.s32 $0x0;
	s6 =	simm.s32 $0x1D560;
	v6 =	vld [tilespmem:s2+$0xFFFFFFE0]  }
.LBB2_37:
0x20b: {  	v8 =	vld [tilespmem:s6+$0x10];
	[tilespmem:s2+$0x10] =	vst v7;
	s10 =	sadd.s32 $0x40, s10  }
0x20c: {  	s0 =	sadd.s32 $0x4, s0;
	v7 =	vld [tilespmem:s10+$0x10];
	v5 =	vmul.f32 v5, v1  }
0x20d: {  	p0 =	slt.u32 s0, $0xF4;
	v9 =	vld [tilespmem:s10+$0xFFFFFFE0]  }
.Ltmp17:
0x20e: {  	v1 =	vld [tilespmem:s6+$0xFFFFFFF0];
	[tilespmem:s2+$0xFFFFFFF0] =	vst v5;
	v4 =	vmul.f32 v4, v2;
	(pc) =	sbr.rel @p0 .LBB2_37-.Ltmp17, $4  }
0x20f: {  	v5 =	vld [tilespmem:s10+$0xFFFFFFF0];
	v10 =	vmul.f32 v3, v6  }
0x210: {  	v2 =	vld [tilespmem:s6+$0x0];
	[tilespmem:s2+$0x0] =	vst v4  }
0x211: {  	v4 =	vld [tilespmem:s10+$0x0];
	v7 =	vmul.f32 v7, v8;
	[tilespmem:s2+$0xFFFFFFE0] =	vst v10;
	s2 =	smov.u32 s6  }
0x212: {  	s6 =	sadd.s32 $0x40, s6;
	v6 =	vld [tilespmem:s2+$0xFFFFFFE0];
	v3 =	vmov v9  }
0x213: {  	_ =	sdelay $0x1  }
0x214: {  	v1 =	vmul.f32 v5, v1  }
0x215: {  	[tilespmem:s2+$0x10] =	vst v7;
	v2 =	vmul.f32 v4, v2  }
0x216: {  	[tilespmem:s2+$0xFFFFFFF0] =	vst v1;
	v1 =	vmul.f32 v3, v6  }
0x217: {  	[tilespmem:s2+$0x0] =	vst v2  }
0x218: {  	s0 =	simm.s32 $0x0;
	[tilespmem:s2+$0xFFFFFFE0] =	vst v1  }
.LBB2_39:
0x219: {  	s2 =	sshra.s32 s0, $0x2  }
0x21a: {  	v1 =	vld [tilespmem:s2+$0x1E480]  }
0x21b: {  	v2 =	vld [tilespmem:s2+$0x1A480];
	_ =	sdelay $0x1  }
0x21c: {  	p0 =	sne.s32 s0, $0x40  }
.Ltmp18:
0x21d: {  	_ = 	snop;
	(pc) =	sbr.rel @p0 .LBB2_39-.Ltmp18, $3  }
0x21e: {  	_ = 	snop  }
0x21f: {  	v1 =	vmul.f32 v2, v1;
	_ =	sdelay $0x1  }
0x220: {  	s0 =	sadd.s32 $0x40, s0;
	[tilespmem:s2+$0x1E480] =	vst v1  }
0x221: {  	[spmem:s14] =	stream.indirect.scatter.add.f32 [tilespmem:s21], [sflag:$0x3], $0x1, s20, s3, $0xb8;
	[tilespmem:$0x1F500] =	vst v63  }
0x222: {  	_ =	swait.ge [sflag:s11], $0xFA0  }
0x223: {  	[sflag:s11] =	ssyncset.done $0x0  }
0x224: {  	s2 =	simm.s32 $0x1E520;
	[sflag:s11] =	ssyncadd.s32 $0xFFFFF060  }
0x225: {  	s10 =	simm.s32 $0x1A520;
	v6 =	vld [tilespmem:s2+$0x10]  }
0x226: {  	v7 =	vld [tilespmem:s10+$0x10]  }
0x227: {  	v3 =	vld [tilespmem:s10+$0xFFFFFFE0]  }
0x228: {  	v1 =	vld [tilespmem:s2+$0xFFFFFFF0]  }
0x229: {  	v5 =	vld [tilespmem:s10+$0xFFFFFFF0]  }
0x22a: {  	v2 =	vld [tilespmem:s2+$0x0]  }
0x22b: {  	v4 =	vld [tilespmem:s10+$0x0];
	v7 =	vmul.f32 v7, v6  }
0x22c: {  	s0 =	simm.s32 $0x0;
	s6 =	simm.s32 $0x1E560;
	v6 =	vld [tilespmem:s2+$0xFFFFFFE0]  }
.LBB2_41:
0x22d: {  	v8 =	vld [tilespmem:s6+$0x10];
	[tilespmem:s2+$0x10] =	vst v7;
	s10 =	sadd.s32 $0x40, s10  }
0x22e: {  	s0 =	sadd.s32 $0x4, s0;
	v7 =	vld [tilespmem:s10+$0x10];
	v5 =	vmul.f32 v5, v1  }
0x22f: {  	p0 =	slt.u32 s0, $0xF4;
	v9 =	vld [tilespmem:s10+$0xFFFFFFE0]  }
.Ltmp19:
0x230: {  	v1 =	vld [tilespmem:s6+$0xFFFFFFF0];
	[tilespmem:s2+$0xFFFFFFF0] =	vst v5;
	v4 =	vmul.f32 v4, v2;
	(pc) =	sbr.rel @p0 .LBB2_41-.Ltmp19, $4  }
0x231: {  	v5 =	vld [tilespmem:s10+$0xFFFFFFF0];
	v10 =	vmul.f32 v3, v6  }
0x232: {  	v2 =	vld [tilespmem:s6+$0x0];
	[tilespmem:s2+$0x0] =	vst v4  }
0x233: {  	v4 =	vld [tilespmem:s10+$0x0];
	v7 =	vmul.f32 v7, v8;
	[tilespmem:s2+$0xFFFFFFE0] =	vst v10;
	s2 =	smov.u32 s6  }
0x234: {  	s6 =	sadd.s32 $0x40, s6;
	v6 =	vld [tilespmem:s2+$0xFFFFFFE0];
	v3 =	vmov v9  }
0x235: {  	_ =	sdelay $0x1  }
0x236: {  	v1 =	vmul.f32 v5, v1  }
0x237: {  	[tilespmem:s2+$0x10] =	vst v7;
	v2 =	vmul.f32 v4, v2  }
0x238: {  	[tilespmem:s2+$0xFFFFFFF0] =	vst v1;
	v1 =	vmul.f32 v3, v6  }
0x239: {  	[tilespmem:s2+$0x0] =	vst v2  }
0x23a: {  	s0 =	simm.s32 $0x0;
	[tilespmem:s2+$0xFFFFFFE0] =	vst v1  }
.LBB2_43:
0x23b: {  	s2 =	sshra.s32 s0, $0x2  }
0x23c: {  	v1 =	vld [tilespmem:s2+$0x1F480]  }
0x23d: {  	v2 =	vld [tilespmem:s2+$0x1B480];
	_ =	sdelay $0x1  }
0x23e: {  	p0 =	sne.s32 s0, $0x40  }
.Ltmp20:
0x23f: {  	_ = 	snop;
	(pc) =	sbr.rel @p0 .LBB2_43-.Ltmp20, $3  }
0x240: {  	_ = 	snop  }
0x241: {  	v1 =	vmul.f32 v2, v1;
	_ =	sdelay $0x1  }
0x242: {  	s0 =	sadd.s32 $0x40, s0;
	[tilespmem:s2+$0x1F480] =	vst v1  }
0x243: {  	[spmem:s22] =	stream.indirect.scatter.add.f32 [tilespmem:s25], [sflag:$0x3], $0x1, s20, s3, $0xb8;
	[tilespmem:$0x1F500] =	vst v63  }
0x244: {  	_ =	swait.ge [sflag:s1], $0xFA0  }
0x245: {  	[sflag:s1] =	ssyncset.done $0x0  }
0x246: {  	[sflag:s1] =	ssyncadd.s32 $0xFFFFF060  }
0x247: {  	_ =	swait.ge [sflag:s1], $0xFA0  }
0x248: {  	[sflag:s1] =	ssyncset.done $0x0  }
0x249: {  	s17 =	sadd.s32 $0x1, s17;
	[sflag:s1] =	ssyncadd.s32 $0xFFFFF060  }
0x24a: {  	p0 =	sne.s32 s17, $0xC;
	_ =	swait.ge [sflag:s1], $0xFA0  }
.Ltmp21:
0x24b: {  	[sflag:s1] =	ssyncset.done $0x0;
	(pc) =	sbr.rel @p0 .LBB2_12-.Ltmp21, $4  }
0x24c: {  	[sflag:s1] =	ssyncadd.s32 $0xFFFFF060  }
0x24d: {  	_ =	swait.ge [sflag:s1], $0xFA0  }
0x24e: {  	[sflag:s1] =	ssyncset.done $0x0  }
0x24f: {  	[sflag:s1] =	ssyncadd.s32 $0xFFFFF060  }
0x250: {  	_ =	swait.ge [sflag:s18], $0xFA0  }
0x251: {  	[sflag:s18] =	ssyncset.done $0x0  }
0x252: {  	[sflag:s18] =	ssyncadd.s32 $0xFFFFF060  }
0x253: {  	_ =	swait.ge [sflag:s18], $0xFA0  }
0x254: {  	[sflag:s18] =	ssyncset.done $0x0  }
0x255: {  	[sflag:s18] =	ssyncadd.s32 $0xFFFFF060  }
0x256: {  	_ =	swait.ge [sflag:s18], $0xFA0  }
0x257: {  	[sflag:s18] =	ssyncset.done $0x0  }
0x258: {  	[sflag:s18] =	ssyncadd.s32 $0xFFFFF060  }
0x259: {  	_ =	swait.ge [sflag:s18], $0xFA0  }
0x25a: {  	[sflag:s18] =	ssyncset.done $0x0  }
0x25b: {  	[sflag:s18] =	ssyncadd.s32 $0xFFFFF060  }
0x25c: {  	_ =	swait.ge [sflag:s18], $0xFA0  }
0x25d: {  	[sflag:s18] =	ssyncset.done $0x0  }
0x25e: {  	[sflag:s18] =	ssyncadd.s32 $0xFFFFF060  }
0x25f: {  	_ =	swait.ge [sflag:s18], $0xFA0  }
0x260: {  	[sflag:s18] =	ssyncset.done $0x0  }
0x261: {  	[sflag:s18] =	ssyncadd.s32 $0xFFFFF060  }
0x262: {  	s0 =	rddreg [dreg:$0x1]  }
0x263: {  	[tilespmem:s4], [sflag:$0x2] =	stream.indirect.gather [spmem:s0], $0x1, s26, s3, $0xb8;
	[tilespmem:$0x1F500] =	vst v63  }
0x264: {  	s7 =	rddreg [dreg:$0x2]  }
0x265: {  	[tilespmem:s5], [sflag:$0x2] =	stream.indirect.gather [spmem:s7], $0x1, s26, s3, $0xb8;
	[tilespmem:$0x1F500] =	vst v63  }
0x266: {  	s10 =	rddreg [dreg:$0x3]  }
0x267: {  	[tilespmem:s21], [sflag:$0x2] =	stream.indirect.gather [spmem:s10], $0x1, s26, s3, $0xb8;
	[tilespmem:$0x1F500] =	vst v63  }
0x268: {  	s17 =	rddreg [dreg:$0x4]  }
0x269: {  	[tilespmem:s25], [sflag:$0x2] =	stream.indirect.gather [spmem:s17], $0x1, s26, s3, $0xb8;
	[tilespmem:$0x1F500] =	vst v63  }
0x26a: {  	_ =	swait.ge [sflag:s11], $0xFA0  }
0x26b: {  	[sflag:s11] =	ssyncset.done $0x0  }
0x26c: {  	s2 =	simm.s32 $0x1B520;
	[sflag:s11] =	ssyncadd.s32 $0xFFFFF060  }
0x26d: {  	s10 =	simm.s32 $0x13520;
	v6 =	vld [tilespmem:s2+$0x10]  }
0x26e: {  	v7 =	vld [tilespmem:s10+$0x10]  }
0x26f: {  	v3 =	vld [tilespmem:s10+$0xFFFFFFE0]  }
0x270: {  	v1 =	vld [tilespmem:s2+$0xFFFFFFF0]  }
0x271: {  	v5 =	vld [tilespmem:s10+$0xFFFFFFF0]  }
0x272: {  	v2 =	vld [tilespmem:s2+$0x0]  }
0x273: {  	v4 =	vld [tilespmem:s10+$0x0];
	v7 =	vmul.f32 v7, v6  }
0x274: {  	s6 =	simm.s32 $0x1B560;
	s0 =	simm.s32 $0x0;
	v6 =	vld [tilespmem:s2+$0xFFFFFFE0]  }
.LBB2_46:
0x275: {  	v8 =	vld [tilespmem:s6+$0x10];
	[tilespmem:s2+$0x10] =	vst v7;
	s10 =	sadd.s32 $0x40, s10  }
0x276: {  	s0 =	sadd.s32 $0x4, s0;
	v7 =	vld [tilespmem:s10+$0x10];
	v5 =	vmul.f32 v5, v1  }
0x277: {  	p0 =	slt.u32 s0, $0xF4;
	v9 =	vld [tilespmem:s10+$0xFFFFFFE0]  }
.Ltmp22:
0x278: {  	v1 =	vld [tilespmem:s6+$0xFFFFFFF0];
	[tilespmem:s2+$0xFFFFFFF0] =	vst v5;
	v4 =	vmul.f32 v4, v2;
	(pc) =	sbr.rel @p0 .LBB2_46-.Ltmp22, $4  }
0x279: {  	v5 =	vld [tilespmem:s10+$0xFFFFFFF0];
	v10 =	vmul.f32 v3, v6  }
0x27a: {  	v2 =	vld [tilespmem:s6+$0x0];
	[tilespmem:s2+$0x0] =	vst v4  }
0x27b: {  	v4 =	vld [tilespmem:s10+$0x0];
	v7 =	vmul.f32 v7, v8;
	[tilespmem:s2+$0xFFFFFFE0] =	vst v10;
	s2 =	smov.u32 s6  }
0x27c: {  	s6 =	sadd.s32 $0x40, s6;
	v6 =	vld [tilespmem:s2+$0xFFFFFFE0];
	v3 =	vmov v9  }
0x27d: {  	_ =	sdelay $0x1  }
0x27e: {  	v1 =	vmul.f32 v5, v1  }
0x27f: {  	[tilespmem:s2+$0x10] =	vst v7;
	v2 =	vmul.f32 v4, v2  }
0x280: {  	[tilespmem:s2+$0xFFFFFFF0] =	vst v1;
	v1 =	vmul.f32 v3, v6  }
0x281: {  	[tilespmem:s2+$0x0] =	vst v2  }
0x282: {  	[tilespmem:s2+$0xFFFFFFE0] =	vst v1  }
0x283: {  	s7 =	sld [smem:$0x7FC]  }
0x284: {  	s0 =	simm.s32 $0x0;
	s17 =	sld [smem:$0x7FD]  }
.LBB2_48:
0x285: {  	s2 =	sshra.s32 s0, $0x2  }
0x286: {  	v1 =	vld [tilespmem:s2+$0x1C480]  }
0x287: {  	v2 =	vld [tilespmem:s2+$0x14480];
	_ =	sdelay $0x1  }
0x288: {  	p0 =	sne.s32 s0, $0x40  }
.Ltmp23:
0x289: {  	_ = 	snop;
	(pc) =	sbr.rel @p0 .LBB2_48-.Ltmp23, $3  }
0x28a: {  	_ = 	snop  }
0x28b: {  	v1 =	vmul.f32 v2, v1;
	_ =	sdelay $0x1  }
0x28c: {  	s0 =	sadd.s32 $0x40, s0;
	[tilespmem:s2+$0x1C480] =	vst v1  }
0x28d: {  	[spmem:s8] =	stream.indirect.scatter.add.f32 [tilespmem:s4], [sflag:$0x3], $0x1, s31, s3, $0xb8;
	[tilespmem:$0x1F500] =	vst v63  }
0x28e: {  	_ =	swait.ge [sflag:s11], $0xFA0  }
0x28f: {  	[sflag:s11] =	ssyncset.done $0x0  }
0x290: {  	s2 =	simm.s32 $0x1C520;
	[sflag:s11] =	ssyncadd.s32 $0xFFFFF060  }
0x291: {  	s10 =	simm.s32 $0x14520;
	v6 =	vld [tilespmem:s2+$0x10]  }
0x292: {  	v7 =	vld [tilespmem:s10+$0x10]  }
0x293: {  	v3 =	vld [tilespmem:s10+$0xFFFFFFE0]  }
0x294: {  	v1 =	vld [tilespmem:s2+$0xFFFFFFF0]  }
0x295: {  	v5 =	vld [tilespmem:s10+$0xFFFFFFF0]  }
0x296: {  	v2 =	vld [tilespmem:s2+$0x0]  }
0x297: {  	v4 =	vld [tilespmem:s10+$0x0];
	v7 =	vmul.f32 v7, v6  }
0x298: {  	s0 =	simm.s32 $0x0;
	s6 =	simm.s32 $0x1C560;
	v6 =	vld [tilespmem:s2+$0xFFFFFFE0]  }
.LBB2_50:
0x299: {  	v8 =	vld [tilespmem:s6+$0x10];
	[tilespmem:s2+$0x10] =	vst v7;
	s10 =	sadd.s32 $0x40, s10  }
0x29a: {  	s0 =	sadd.s32 $0x4, s0;
	v7 =	vld [tilespmem:s10+$0x10];
	v5 =	vmul.f32 v5, v1  }
0x29b: {  	p0 =	slt.u32 s0, $0xF4;
	v9 =	vld [tilespmem:s10+$0xFFFFFFE0]  }
.Ltmp24:
0x29c: {  	v1 =	vld [tilespmem:s6+$0xFFFFFFF0];
	[tilespmem:s2+$0xFFFFFFF0] =	vst v5;
	v4 =	vmul.f32 v4, v2;
	(pc) =	sbr.rel @p0 .LBB2_50-.Ltmp24, $4  }
0x29d: {  	v5 =	vld [tilespmem:s10+$0xFFFFFFF0];
	v10 =	vmul.f32 v3, v6  }
0x29e: {  	v2 =	vld [tilespmem:s6+$0x0];
	[tilespmem:s2+$0x0] =	vst v4  }
0x29f: {  	v4 =	vld [tilespmem:s10+$0x0];
	v7 =	vmul.f32 v7, v8;
	[tilespmem:s2+$0xFFFFFFE0] =	vst v10;
	s2 =	smov.u32 s6  }
0x2a0: {  	s6 =	sadd.s32 $0x40, s6;
	v6 =	vld [tilespmem:s2+$0xFFFFFFE0];
	v3 =	vmov v9  }
0x2a1: {  	_ =	sdelay $0x1  }
0x2a2: {  	v1 =	vmul.f32 v5, v1  }
0x2a3: {  	[tilespmem:s2+$0x10] =	vst v7;
	v2 =	vmul.f32 v4, v2  }
0x2a4: {  	[tilespmem:s2+$0xFFFFFFF0] =	vst v1;
	v1 =	vmul.f32 v3, v6  }
0x2a5: {  	[tilespmem:s2+$0x0] =	vst v2  }
0x2a6: {  	s0 =	simm.s32 $0x0;
	[tilespmem:s2+$0xFFFFFFE0] =	vst v1  }
.LBB2_52:
0x2a7: {  	s2 =	sshra.s32 s0, $0x2  }
0x2a8: {  	v1 =	vld [tilespmem:s2+$0x1D480]  }
0x2a9: {  	v2 =	vld [tilespmem:s2+$0x15480];
	_ =	sdelay $0x1  }
0x2aa: {  	p0 =	sne.s32 s0, $0x40  }
.Ltmp25:
0x2ab: {  	_ = 	snop;
	(pc) =	sbr.rel @p0 .LBB2_52-.Ltmp25, $3  }
0x2ac: {  	_ = 	snop  }
0x2ad: {  	v1 =	vmul.f32 v2, v1;
	_ =	sdelay $0x1  }
0x2ae: {  	s0 =	sadd.s32 $0x40, s0;
	[tilespmem:s2+$0x1D480] =	vst v1  }
0x2af: {  	[spmem:s13] =	stream.indirect.scatter.add.f32 [tilespmem:s5], [sflag:$0x3], $0x1, s31, s3, $0xb8;
	[tilespmem:$0x1F500] =	vst v63  }
0x2b0: {  	_ =	swait.ge [sflag:s11], $0xFA0  }
0x2b1: {  	[sflag:s11] =	ssyncset.done $0x0  }
0x2b2: {  	s2 =	simm.s32 $0x1D520;
	[sflag:s11] =	ssyncadd.s32 $0xFFFFF060  }
0x2b3: {  	s10 =	simm.s32 $0x15520;
	v6 =	vld [tilespmem:s2+$0x10]  }
0x2b4: {  	v7 =	vld [tilespmem:s10+$0x10]  }
0x2b5: {  	v3 =	vld [tilespmem:s10+$0xFFFFFFE0]  }
0x2b6: {  	v1 =	vld [tilespmem:s2+$0xFFFFFFF0]  }
0x2b7: {  	v5 =	vld [tilespmem:s10+$0xFFFFFFF0]  }
0x2b8: {  	v2 =	vld [tilespmem:s2+$0x0]  }
0x2b9: {  	v4 =	vld [tilespmem:s10+$0x0];
	v7 =	vmul.f32 v7, v6  }
0x2ba: {  	s0 =	simm.s32 $0x0;
	s6 =	simm.s32 $0x1D560;
	v6 =	vld [tilespmem:s2+$0xFFFFFFE0]  }
.LBB2_54:
0x2bb: {  	v8 =	vld [tilespmem:s6+$0x10];
	[tilespmem:s2+$0x10] =	vst v7;
	s10 =	sadd.s32 $0x40, s10  }
0x2bc: {  	s0 =	sadd.s32 $0x4, s0;
	v7 =	vld [tilespmem:s10+$0x10];
	v5 =	vmul.f32 v5, v1  }
0x2bd: {  	p0 =	slt.u32 s0, $0xF4;
	v9 =	vld [tilespmem:s10+$0xFFFFFFE0]  }
.Ltmp26:
0x2be: {  	v1 =	vld [tilespmem:s6+$0xFFFFFFF0];
	[tilespmem:s2+$0xFFFFFFF0] =	vst v5;
	v4 =	vmul.f32 v4, v2;
	(pc) =	sbr.rel @p0 .LBB2_54-.Ltmp26, $4  }
0x2bf: {  	v5 =	vld [tilespmem:s10+$0xFFFFFFF0];
	v10 =	vmul.f32 v3, v6  }
0x2c0: {  	v2 =	vld [tilespmem:s6+$0x0];
	[tilespmem:s2+$0x0] =	vst v4  }
0x2c1: {  	v4 =	vld [tilespmem:s10+$0x0];
	v7 =	vmul.f32 v7, v8;
	[tilespmem:s2+$0xFFFFFFE0] =	vst v10;
	s2 =	smov.u32 s6  }
0x2c2: {  	s6 =	sadd.s32 $0x40, s6;
	v6 =	vld [tilespmem:s2+$0xFFFFFFE0];
	v3 =	vmov v9  }
0x2c3: {  	_ =	sdelay $0x1  }
0x2c4: {  	v1 =	vmul.f32 v5, v1  }
0x2c5: {  	[tilespmem:s2+$0x10] =	vst v7;
	v2 =	vmul.f32 v4, v2  }
0x2c6: {  	[tilespmem:s2+$0xFFFFFFF0] =	vst v1;
	v1 =	vmul.f32 v3, v6  }
0x2c7: {  	[tilespmem:s2+$0x0] =	vst v2  }
0x2c8: {  	s0 =	simm.s32 $0x0;
	[tilespmem:s2+$0xFFFFFFE0] =	vst v1  }
.LBB2_56:
0x2c9: {  	s2 =	sshra.s32 s0, $0x2  }
0x2ca: {  	v1 =	vld [tilespmem:s2+$0x1E480]  }
0x2cb: {  	v2 =	vld [tilespmem:s2+$0x16480];
	_ =	sdelay $0x1  }
0x2cc: {  	p0 =	sne.s32 s0, $0x40  }
.Ltmp27:
0x2cd: {  	_ = 	snop;
	(pc) =	sbr.rel @p0 .LBB2_56-.Ltmp27, $3  }
0x2ce: {  	_ = 	snop  }
0x2cf: {  	v1 =	vmul.f32 v2, v1;
	_ =	sdelay $0x1  }
0x2d0: {  	s0 =	sadd.s32 $0x40, s0;
	[tilespmem:s2+$0x1E480] =	vst v1  }
0x2d1: {  	[spmem:s14] =	stream.indirect.scatter.add.f32 [tilespmem:s21], [sflag:$0x3], $0x1, s31, s3, $0xb8;
	[tilespmem:$0x1F500] =	vst v63  }
0x2d2: {  	_ =	swait.ge [sflag:s11], $0xFA0  }
0x2d3: {  	[sflag:s11] =	ssyncset.done $0x0  }
0x2d4: {  	s2 =	simm.s32 $0x1E520;
	[sflag:s11] =	ssyncadd.s32 $0xFFFFF060  }
0x2d5: {  	s10 =	simm.s32 $0x16520;
	v6 =	vld [tilespmem:s2+$0x10]  }
0x2d6: {  	v7 =	vld [tilespmem:s10+$0x10]  }
0x2d7: {  	v3 =	vld [tilespmem:s10+$0xFFFFFFE0]  }
0x2d8: {  	v1 =	vld [tilespmem:s2+$0xFFFFFFF0]  }
0x2d9: {  	v5 =	vld [tilespmem:s10+$0xFFFFFFF0]  }
0x2da: {  	v2 =	vld [tilespmem:s2+$0x0]  }
0x2db: {  	v4 =	vld [tilespmem:s10+$0x0];
	v7 =	vmul.f32 v7, v6  }
0x2dc: {  	s0 =	simm.s32 $0x0;
	s6 =	simm.s32 $0x1E560;
	v6 =	vld [tilespmem:s2+$0xFFFFFFE0]  }
.LBB2_58:
0x2dd: {  	v8 =	vld [tilespmem:s6+$0x10];
	[tilespmem:s2+$0x10] =	vst v7;
	s10 =	sadd.s32 $0x40, s10  }
0x2de: {  	s0 =	sadd.s32 $0x4, s0;
	v7 =	vld [tilespmem:s10+$0x10];
	v5 =	vmul.f32 v5, v1  }
0x2df: {  	p0 =	slt.u32 s0, $0xF4;
	v9 =	vld [tilespmem:s10+$0xFFFFFFE0]  }
.Ltmp28:
0x2e0: {  	v1 =	vld [tilespmem:s6+$0xFFFFFFF0];
	[tilespmem:s2+$0xFFFFFFF0] =	vst v5;
	v4 =	vmul.f32 v4, v2;
	(pc) =	sbr.rel @p0 .LBB2_58-.Ltmp28, $4  }
0x2e1: {  	v5 =	vld [tilespmem:s10+$0xFFFFFFF0];
	v10 =	vmul.f32 v3, v6  }
0x2e2: {  	v2 =	vld [tilespmem:s6+$0x0];
	[tilespmem:s2+$0x0] =	vst v4  }
0x2e3: {  	v4 =	vld [tilespmem:s10+$0x0];
	v7 =	vmul.f32 v7, v8;
	[tilespmem:s2+$0xFFFFFFE0] =	vst v10;
	s2 =	smov.u32 s6  }
0x2e4: {  	s6 =	sadd.s32 $0x40, s6;
	v6 =	vld [tilespmem:s2+$0xFFFFFFE0];
	v3 =	vmov v9  }
0x2e5: {  	_ =	sdelay $0x1  }
0x2e6: {  	v1 =	vmul.f32 v5, v1  }
0x2e7: {  	[tilespmem:s2+$0x10] =	vst v7;
	v2 =	vmul.f32 v4, v2  }
0x2e8: {  	[tilespmem:s2+$0xFFFFFFF0] =	vst v1;
	v1 =	vmul.f32 v3, v6  }
0x2e9: {  	[tilespmem:s2+$0x0] =	vst v2  }
0x2ea: {  	s0 =	simm.s32 $0x0;
	[tilespmem:s2+$0xFFFFFFE0] =	vst v1  }
.LBB2_60:
0x2eb: {  	s2 =	sshra.s32 s0, $0x2  }
0x2ec: {  	v1 =	vld [tilespmem:s2+$0x1F480]  }
0x2ed: {  	v2 =	vld [tilespmem:s2+$0x17480];
	_ =	sdelay $0x1  }
0x2ee: {  	p0 =	sne.s32 s0, $0x40  }
.Ltmp29:
0x2ef: {  	_ = 	snop;
	(pc) =	sbr.rel @p0 .LBB2_60-.Ltmp29, $3  }
0x2f0: {  	_ = 	snop  }
0x2f1: {  	v1 =	vmul.f32 v2, v1;
	_ =	sdelay $0x1  }
0x2f2: {  	s0 =	sadd.s32 $0x40, s0;
	[tilespmem:s2+$0x1F480] =	vst v1  }
0x2f3: {  	[spmem:s22] =	stream.indirect.scatter.add.f32 [tilespmem:s25], [sflag:$0x3], $0x1, s31, s3, $0xb8;
	[tilespmem:$0x1F500] =	vst v63  }
0x2f4: {  	_ =	swait.ge [sflag:s1], $0xFA0  }
0x2f5: {  	[sflag:s1] =	ssyncset.done $0x0  }
0x2f6: {  	[sflag:s1] =	ssyncadd.s32 $0xFFFFF060  }
0x2f7: {  	_ =	swait.ge [sflag:s1], $0xFA0  }
0x2f8: {  	[sflag:s1] =	ssyncset.done $0x0  }
0x2f9: {  	[sflag:s1] =	ssyncadd.s32 $0xFFFFF060  }
0x2fa: {  	_ =	swait.ge [sflag:s1], $0xFA0  }
0x2fb: {  	[sflag:s1] =	ssyncset.done $0x0  }
0x2fc: {  	[sflag:s1] =	ssyncadd.s32 $0xFFFFF060  }
0x2fd: {  	_ =	swait.ge [sflag:s1], $0xFA0  }
0x2fe: {  	[sflag:s1] =	ssyncset.done $0x0  }
0x2ff: {  	s0 =	stileid.u32;
	[sflag:s1] =	ssyncadd.s32 $0xFFFFF060  }
0x300: {  	s0 =	sshll.u32 s0, $0x6;
	[bflag:$0x0] =	sbarrier.arrive $0xFFFF  }
0x301: {  	s2 =	sshrl.u32 s7, $0x3;
	s0 =	sor.u32 $0x1C04, s0;
	s6 =	rddreg [dreg:$0x10]  }
0x302: {  	[hbm:s6], [sflag:s0] =	dma.local [spmem:s2], $0x310  }
0x303: {  	_ =	swait.ge [sflag:s12], $0x310  }
0x304: {  	[sflag:s12] =	ssyncset.done $0x0  }
0x305: {  	s6 =	sshrl.u32 s17, $0x3;
	s10 =	rddreg [dreg:$0x11];
	[sflag:s12] =	ssyncadd.s32 $0xFFFFFCF0  }
0x306: {  	[hbm:s10], [sflag:s0] =	dma.local [spmem:s6], $0x310  }
0x307: {  	_ =	swait.ge [sflag:s12], $0x310  }
0x308: {  	s6 =	sld [smem:$0x7F3];
	_ =	sdelay $0x1  }
0x309: {  	[sflag:s12] =	ssyncset.done $0x0  }
0x30a: {  	s10 =	rddreg [dreg:$0x12];
	[sflag:s12] =	ssyncadd.s32 $0xFFFFFCF0;
	s2 =	sshrl.u32 s6, $0x3  }
0x30b: {  	[hbm:s10], [sflag:s0] =	dma.local [spmem:s2], $0x310  }
0x30c: {  	_ =	swait.ge [sflag:s12], $0x310  }
0x30d: {  	s6 =	sld [smem:$0x7F4];
	_ =	sdelay $0x1  }
0x30e: {  	[sflag:s12] =	ssyncset.done $0x0  }
0x30f: {  	s10 =	rddreg [dreg:$0x13];
	[sflag:s12] =	ssyncadd.s32 $0xFFFFFCF0;
	s2 =	sshrl.u32 s6, $0x3  }
0x310: {  	[hbm:s10], [sflag:s0] =	dma.local [spmem:s2], $0x310  }
0x311: {  	_ =	swait.ge [sflag:s12], $0x310  }
0x312: {  	s6 =	sld [smem:$0x7F2]  }
0x313: {  	s10 =	sld [smem:$0x7F7];
	_ =	sdelay $0x1  }
0x314: {  	s2 =	sadd.s32 $0x1, s6  }
0x315: {  	p0 =	sne.s32 s2, s10  }
.Ltmp30:
0x316: {  	_ = 	snop;
	(pc) =	sbr.rel @p0 .LBB2_1-.Ltmp30, $3  }
0x317: {  	_ =	sdelay $0x1  }
0x318: {  	[sflag:s12] =	ssyncset.done $0x0  }
0x319: {  	[sflag:s12] =	ssyncadd.s32 $0xFFFFFCF0;
	s6 =	simm.s32 $0xC400  }
0x31a: {  	_ =	sfence.sel $0x180000  }
0x31b: {  	[bflag:$0x0] =	sbarrier.arrive $0xFFFF  }
0x31c: {  	_ =	strace $0x9000004A  }
0x31d: {  	s0 =	stileid.u32;
	[bflag:$0x2] =	sbarrier.arrive $0xFFFF  }
0x31e: {  	p0 =	sne.s32 s0, $0x0;
	s0 =	rddreg [dreg:$0x9]  }
0x31f: {  	s0 =	sadd.s32 @!p0 $0x100000, s0  }
0x320: {  	[sflag:s0] =	ssyncadd.tile.s32 @!p0 $0x1;
	_ =	shalt  }
.Lfunc_end2:
_tile_overlayer_lowered:
.L_overlay_start_2:
0x321: {  	(tag) =	ssettag $0x2  }
0x322: {  	s0 =	rddreg [dreg:$0x0];
	s2 =	stileid.u32  }
0x323: {  	s1 =	rddreg [dreg:$0x1];
	p0 =	sne.s32 s2, $0x0  }
0x324: {  	s3 =	rddreg [dreg:$0x2];
	[bflag:$0x3] =	sbarrier.arrive $0xFFFF;
	s2 =	simm.s32 @!p0 $0x1C04  }
0x325: {  	[timem:s3], [sflag:s2] =	dma.local @!p0 [hbm:s0], s1  }
0x326: {  	s0 =	simm.s32 @!p0 $0x4  }
0x327: {  	_ =	swait.ge @!p0 [sflag:s0], s1  }
0x328: {  	s1 =	ssub.s32 @!p0 $0x0, s1;
	[sflag:s0] =	ssyncset.done @!p0 $0x0  }
0x329: {  	[sflag:s0] =	ssyncadd.s32 @!p0 s1  }
0x32a: {  	[bflag:$0x3] =	sbarrier.arrive $0xFFFF  }
0x32b: {  	_ =	shalt  }

</sc_bundles>
